<compile_context>
chip_gen: v7x
topology: tpu7x:2x2x1
jax: 0.10.2.dev20260603
libtpu: 0.0.44.dev20260713+nightly
codegen_flags: <defaults>
</compile_context>

<pallas_src>
import functools

import jax
import jax.numpy as jnp
from jax import lax
from jax.experimental import pallas as pl
from jax.experimental.pallas import tpu as pltpu
from jax.experimental.pallas import tpu_sc as plsc

B = 16384
DU = 64
DG = 32
NC = 2
NS = 16
NW = NC * NS
BPW = B // NW
CHK = 128
NCHK = BPW // CHK


def _sc_gather_body(uidx_hbm, iidx_hbm, ut_hbm, it_hbm,
                    uo_hbm, io_hbm,
                    uidx_v, iidx_v, ub0, ub1, ib0, ib1, gsem, osem):
    wid = lax.axis_index("s") * NC + lax.axis_index("c")
    base = wid * BPW
    pltpu.sync_copy(uidx_hbm.at[pl.ds(base, BPW)], uidx_v)
    pltpu.sync_copy(iidx_hbm.at[pl.ds(base, BPW)], iidx_v)

    ubufs = (ub0, ub1)
    ibufs = (ib0, ib1)
    pending = [None, None]

    for c in range(NCHK):
        slot = c % 2
        ubuf, ibuf = ubufs[slot], ibufs[slot]
        if pending[slot] is not None:
            for wb in pending[slot]:
                wb.wait()
            pending[slot] = None

        def enqueue(b, _):
            uv = uidx_v[pl.ds(c * CHK + b * 16, 16)]
            iv = iidx_v[pl.ds(c * CHK + b * 16, 16)]
            for k in range(16):
                pltpu.make_async_copy(
                    ut_hbm.at[pl.ds(uv[k], 1)],
                    ubuf.at[pl.ds(b * 16 + k, 1)], gsem).start()
                pltpu.make_async_copy(
                    it_hbm.at[pl.ds(iv[k], 1)],
                    ibuf.at[pl.ds(b * 16 + k, 1)], gsem).start()
            return _

        lax.fori_loop(0, CHK // 16, enqueue, 0)

        def drain(j, _):
            pltpu.make_async_copy(
                ut_hbm.at[pl.ds(0, 1)], ubuf.at[pl.ds(0, 1)], gsem).wait()
            pltpu.make_async_copy(
                it_hbm.at[pl.ds(0, 1)], ibuf.at[pl.ds(0, 1)], gsem).wait()
            return _

        lax.fori_loop(0, CHK, drain, 0)

        obase = base + c * CHK
        uwb = pltpu.make_async_copy(ubuf, uo_hbm.at[pl.ds(obase, CHK)], osem)
        iwb = pltpu.make_async_copy(ibuf, io_hbm.at[pl.ds(obase, CHK)], osem)
        uwb.start()
        iwb.start()
        pending[slot] = (uwb, iwb)

    for p in pending:
        if p is not None:
            for wb in p:
                wb.wait()


@functools.cache
def _sc_gather():
    mesh = plsc.VectorSubcoreMesh(core_axis_name="c", subcore_axis_name="s",
                                  num_cores=NC, num_subcores=NS)
    return pl.kernel(
        _sc_gather_body,
        out_type=(
            jax.ShapeDtypeStruct((B, DU), jnp.float32),
            jax.ShapeDtypeStruct((B, DU), jnp.float32),
        ),
        mesh=mesh,
        scratch_types=[
            pltpu.VMEM((BPW,), jnp.int32),
            pltpu.VMEM((BPW,), jnp.int32),
            pltpu.VMEM((CHK, DU), jnp.float32),
            pltpu.VMEM((CHK, DU), jnp.float32),
            pltpu.VMEM((CHK, DU), jnp.float32),
            pltpu.VMEM((CHK, DU), jnp.float32),
            pltpu.SemaphoreType.DMA,
            pltpu.SemaphoreType.DMA,
        ],
        compiler_params=pltpu.CompilerParams(use_tc_tiling_on_sc=True),
    )


BLK = 1024


def _mlp_body(u_ref, i_ref, gidx_ref, w1u_ref, w1i_ref, gt_ref, w1g_ref,
              b1_ref, w2_ref, b2_ref, w3_ref, b3_ref, w4_ref, b4_ref, o_ref):
    g_eff = gt_ref[...] @ w1g_ref[...] + b1_ref[...]
    gsel = jnp.where(gidx_ref[...] == 0, g_eff[0:1, :], g_eff[1:2, :])
    h = u_ref[...] @ w1u_ref[...] + i_ref[...] @ w1i_ref[...] + gsel
    h = jnp.maximum(h, 0.0)
    h = jnp.maximum(h @ w2_ref[...] + b2_ref[...], 0.0)
    h = jnp.maximum(h @ w3_ref[...] + b3_ref[...], 0.0)
    o_ref[...] = jnp.sum(h * w4_ref[...], axis=1) + b4_ref[0, 0]


def _mlp(u, i, gidx, w1u, w1i, gt, w1g, b1, w2, b2, w3, b3, w4row, b4):
    grid = (B // BLK,)
    full = lambda shape: pl.BlockSpec(shape, lambda n: (0, 0))
    return pl.pallas_call(
        _mlp_body,
        grid=grid,
        in_specs=[
            pl.BlockSpec((BLK, DU), lambda n: (n, 0)),
            pl.BlockSpec((BLK, DU), lambda n: (n, 0)),
            pl.BlockSpec((BLK, 1), lambda n: (n, 0)),
            full((DU, 128)),
            full((DU, 128)),
            full((2, DG)),
            full((DG, 128)),
            full((1, 128)),
            full((128, 64)),
            full((1, 64)),
            full((64, 32)),
            full((1, 32)),
            full((1, 32)),
            full((1, 1)),
        ],
        out_specs=pl.BlockSpec((BLK,), lambda n: (n,)),
        out_shape=jax.ShapeDtypeStruct((B,), jnp.float32),
    )(u, i, gidx, w1u, w1i, gt, w1g, b1, w2, b2, w3, b3, w4row, b4)


def kernel(user_idx, item_idx, gender_idx, user_table, item_table,
           gender_table, W1, b1, W2, b2, W3, b3, W4, b4):
    uidx = user_idx.astype(jnp.int32)
    iidx = item_idx.astype(jnp.int32)
    gidx = gender_idx.astype(jnp.int32).reshape(B, 1)
    u, i = _sc_gather()(uidx, iidx, user_table, item_table)
    out = _mlp(
        u, i, gidx,
        W1[:DU], W1[DU:2 * DU], gender_table, W1[2 * DU:], b1.reshape(1, 128),
        W2, b2.reshape(1, 64), W3, b3.reshape(1, 32),
        W4.reshape(1, DG), b4.reshape(1, 1),
    )
    return out

# --- scband reference (transcript-rebuilt; emitter-appended) ---
"""Pipeline reference for scband-neural-collaborative-filtering-21964462752202 (READ-ONLY COPY).

The authoritative reference and input builder live on the scoring server;
editing this copy changes nothing except your own understanding.
"""

import jax, jax.numpy as jnp
import numpy as np

NUM_USERS = 1000000
NUM_ITEMS = 100000
NUM_GENDERS = 2
EMBED_DIM = 64
BATCH = 16384


def setup_inputs(seed: int = 0) -> dict:
    key = jax.random.key(seed)
    ks = jax.random.split(key, 16)
    user_idx = jax.random.randint(ks[0], (BATCH,), 0, NUM_USERS, dtype=jnp.int64 if jax.config.jax_enable_x64 else jnp.int32)
    item_idx = jax.random.randint(ks[1], (BATCH,), 0, NUM_ITEMS, dtype=jnp.int64 if jax.config.jax_enable_x64 else jnp.int32)
    gender_idx = jax.random.randint(ks[2], (BATCH,), 0, NUM_GENDERS, dtype=jnp.int64 if jax.config.jax_enable_x64 else jnp.int32)
    user_table = jax.random.normal(ks[3], (NUM_USERS, EMBED_DIM), dtype=jnp.float32) * 0.02
    item_table = jax.random.normal(ks[4], (NUM_ITEMS, EMBED_DIM), dtype=jnp.float32) * 0.02
    gender_table = jax.random.normal(ks[5], (NUM_GENDERS, EMBED_DIM // 2), dtype=jnp.float32) * 0.02
    d_in = EMBED_DIM * 2 + EMBED_DIM // 2  # 160
    W1 = jax.random.normal(ks[6], (d_in, 128), dtype=jnp.float32) * 0.05
    b1 = jnp.zeros((128,), dtype=jnp.float32)
    W2 = jax.random.normal(ks[7], (128, 64), dtype=jnp.float32) * 0.05
    b2 = jnp.zeros((64,), dtype=jnp.float32)
    W3 = jax.random.normal(ks[8], (64, 32), dtype=jnp.float32) * 0.05
    b3 = jnp.zeros((32,), dtype=jnp.float32)
    W4 = jax.random.normal(ks[9], (32, 1), dtype=jnp.float32) * 0.05
    b4 = jnp.zeros((1,), dtype=jnp.float32)
    return {
        "user_idx": user_idx, "item_idx": item_idx, "gender_idx": gender_idx,
        "user_table": user_table, "item_table": item_table, "gender_table": gender_table,
        "W1": W1, "b1": b1, "W2": W2, "b2": b2, "W3": W3, "b3": b3, "W4": W4, "b4": b4,
    }


def reference(user_idx, item_idx, gender_idx, user_table, item_table, gender_table,
              W1, b1, W2, b2, W3, b3, W4, b4):
    user_embed = jnp.take(user_table, user_idx, axis=0)
    item_embed = jnp.take(item_table, item_idx, axis=0)
    gender_embed = jnp.take(gender_table, gender_idx, axis=0)
    x = jnp.concatenate([user_embed, item_embed, gender_embed], axis=1)
    h = jax.nn.relu(x @ W1 + b1)
    h = jax.nn.relu(h @ W2 + b2)
    h = jax.nn.relu(h @ W3 + b3)
    out = h @ W4 + b4
    return jnp.squeeze(out, axis=-1)

if __name__ == "__main__":
    import jax
    _d = setup_inputs()
    print(jax.jit(kernel)(*tuple(_d.values())))

</pallas_src>

<mosaic_0001>
#map = affine_map<(d0, d1) -> (0)>
#map1 = affine_map<(d0, d1) -> (0, 0)>
module attributes {stable_mosaic.version = 14 : i64} {
  func.func @_sc_gather_body(%arg0: i32, %arg1: i32, %arg2: memref<16384xi32, #tpu.memory_space<hbm>>, %arg3: memref<16384xi32, #tpu.memory_space<hbm>>, %arg4: memref<1000000x64xf32, #tpu.memory_space<hbm>>, %arg5: memref<100000x64xf32, #tpu.memory_space<hbm>>, %arg6: memref<16384x64xf32, #tpu.memory_space<hbm>>, %arg7: memref<16384x64xf32, #tpu.memory_space<hbm>>, %arg8: memref<512xi32, #tpu.memory_space<vmem>>, %arg9: memref<512xi32, #tpu.memory_space<vmem>>, %arg10: memref<128x64xf32, #tpu.memory_space<vmem>>, %arg11: memref<128x64xf32, #tpu.memory_space<vmem>>, %arg12: memref<128x64xf32, #tpu.memory_space<vmem>>, %arg13: memref<128x64xf32, #tpu.memory_space<vmem>>, %arg14: memref<!tpu.dma_semaphore, #tpu.memory_space<semaphore_mem>>, %arg15: memref<!tpu.dma_semaphore, #tpu.memory_space<semaphore_mem>>) attributes {dimension_semantics = [#tpu.dimension_semantics<core_parallel>, #tpu.dimension_semantics<subcore_parallel>], iteration_bounds = array<i64: 2, 16>, scalar_prefetch = 0 : i64, scratch_operands = 8 : i64, tpu.core_type = #tpu.core_type<sc_vector_subcore>, window_params = [{transform_indices = #map}, {transform_indices = #map}, {transform_indices = #map1}, {transform_indices = #map1}, {transform_indices = #map1}, {transform_indices = #map1}]} {
    %mul3A = arith.constant 2 : i32
    %mul3A_0 = arith.muli %arg1, %mul3A : i32
    %add3A = arith.addi %mul3A_0, %arg0 : i32
    %mul3A_1 = arith.constant 512 : i32
    %mul3A_2 = arith.muli %add3A, %mul3A_1 : i32
    "tpu.region"() ({
      %run_scoped3A = tpu.sem_alloc : memref<!tpu.dma_semaphore, #tpu.memory_space<semaphore_mem>>
      %dma_start3A_120 = tpu.memref_slice %arg2[%mul3A_2] : memref<16384xi32, #tpu.memory_space<hbm>> -> memref<512xi32, #tpu.memory_space<hbm>>
      %dma_start3A_121 = tpu.memref_slice %arg2[%mul3A_2] : memref<16384xi32, #tpu.memory_space<hbm>> -> memref<512xi32, #tpu.memory_space<hbm>>
      tpu.enqueue_dma source(%dma_start3A_121 : memref<512xi32, #tpu.memory_space<hbm>>) target(%arg8 : memref<512xi32, #tpu.memory_space<vmem>>) target_semaphore(%run_scoped3A : memref<!tpu.dma_semaphore, #tpu.memory_space<semaphore_mem>>)
      %dma_wait3A_122 = tpu.memref_slice %arg2[%mul3A_2] : memref<16384xi32, #tpu.memory_space<hbm>> -> memref<512xi32, #tpu.memory_space<hbm>>
      %dma_wait3A_123 = tpu.memref_slice %arg2[%mul3A_2] : memref<16384xi32, #tpu.memory_space<hbm>> -> memref<512xi32, #tpu.memory_space<hbm>>
      tpu.wait_dma2 semaphore(%run_scoped3A : memref<!tpu.dma_semaphore, #tpu.memory_space<semaphore_mem>>) src(%dma_wait3A_123 : memref<512xi32, #tpu.memory_space<hbm>>) dst(%arg8 : memref<512xi32, #tpu.memory_space<vmem>>)
      tpu.yield
    }) : () -> ()
    "tpu.region"() ({
      %run_scoped3A = tpu.sem_alloc : memref<!tpu.dma_semaphore, #tpu.memory_space<semaphore_mem>>
      %dma_start3A_120 = tpu.memref_slice %arg3[%mul3A_2] : memref<16384xi32, #tpu.memory_space<hbm>> -> memref<512xi32, #tpu.memory_space<hbm>>
      %dma_start3A_121 = tpu.memref_slice %arg3[%mul3A_2] : memref<16384xi32, #tpu.memory_space<hbm>> -> memref<512xi32, #tpu.memory_space<hbm>>
      tpu.enqueue_dma source(%dma_start3A_121 : memref<512xi32, #tpu.memory_space<hbm>>) target(%arg9 : memref<512xi32, #tpu.memory_space<vmem>>) target_semaphore(%run_scoped3A : memref<!tpu.dma_semaphore, #tpu.memory_space<semaphore_mem>>)
      %dma_wait3A_122 = tpu.memref_slice %arg3[%mul3A_2] : memref<16384xi32, #tpu.memory_space<hbm>> -> memref<512xi32, #tpu.memory_space<hbm>>
      %dma_wait3A_123 = tpu.memref_slice %arg3[%mul3A_2] : memref<16384xi32, #tpu.memory_space<hbm>> -> memref<512xi32, #tpu.memory_space<hbm>>
      tpu.wait_dma2 semaphore(%run_scoped3A : memref<!tpu.dma_semaphore, #tpu.memory_space<semaphore_mem>>) src(%dma_wait3A_123 : memref<512xi32, #tpu.memory_space<hbm>>) dst(%arg9 : memref<512xi32, #tpu.memory_space<vmem>>)
      tpu.yield
    }) : () -> ()
    %scan3A = arith.constant 0 : i32
    %scan3A_3 = arith.constant 0 : i32
    %scan3A_4 = arith.constant 8 : i32
    %scan3A_5 = arith.addi %scan3A_3, %scan3A_4 : i32
    %scan3A_6 = arith.constant 1 : i32
    scf.for %scan3A_120 = %scan3A_3 to %scan3A_5 step %scan3A_6  : i32 {
      %mul3A_121 = arith.constant 16 : i32
      %mul3A_122 = arith.muli %scan3A_120, %mul3A_121 : i32
      %add3A_123 = arith.constant 0 : i32
      %add3A_124 = arith.addi %add3A_123, %mul3A_122 : i32
      %get3A = arith.index_cast %add3A_124 : i32 to index
      %get3A_125 = tpu.vector_load %arg8[%get3A] {strides = array<i32>} : memref<512xi32, #tpu.memory_space<vmem>>, vector<16xi32>,
      %get3A_126 = vector.shape_cast %get3A_125 : vector<16xi32> to vector<16xi32>
      %mul3A_127 = arith.constant 16 : i32
      %mul3A_128 = arith.muli %scan3A_120, %mul3A_127 : i32
      %add3A_129 = arith.constant 0 : i32
      %add3A_130 = arith.addi %add3A_129, %mul3A_128 : i32
      %get3A_131 = arith.index_cast %add3A_130 : i32 to index
      %get3A_132 = tpu.vector_load %arg9[%get3A_131] {strides = array<i32>} : memref<512xi32, #tpu.memory_space<vmem>>, vector<16xi32>,
      %get3A_133 = vector.shape_cast %get3A_132 : vector<16xi32> to vector<16xi32>
      %slice3A = vector.extract_strided_slice %get3A_126 {offsets = [0], sizes = [1], strides = [1]} : vector<16xi32> to vector<1xi32>
      %squeeze3A = vector.extract %slice3A[0] : i32 from vector<1xi32>
      %mul3A_134 = arith.constant 16 : i32
      %mul3A_135 = arith.muli %scan3A_120, %mul3A_134 : i32
      %add3A_136 = arith.constant 0 : i32
      %add3A_137 = arith.addi %mul3A_135, %add3A_136 : i32
      %dma_start3A_138 = arith.constant 0 : i32
      %dma_start3A_139 = tpu.memref_slice %arg10[%add3A_137, %dma_start3A_138] : memref<128x64xf32, #tpu.memory_space<vmem>> -> memref<1x64xf32, #tpu.memory_space<vmem>>
      %dma_start3A_140 = arith.constant 0 : i32
      %dma_start3A_141 = tpu.memref_slice %arg4[%squeeze3A, %dma_start3A_140] : memref<1000000x64xf32, #tpu.memory_space<hbm>> -> memref<1x64xf32, #tpu.memory_space<hbm>>
      %dma_start3A_142 = arith.constant 0 : i32
      %dma_start3A_143 = tpu.memref_slice %arg10[%add3A_137, %dma_start3A_142] : memref<128x64xf32, #tpu.memory_space<vmem>> -> memref<1x64xf32, #tpu.memory_space<vmem>>
      %dma_start3A_144 = arith.constant 0 : i32
      %dma_start3A_145 = tpu.memref_slice %arg4[%squeeze3A, %dma_start3A_144] : memref<1000000x64xf32, #tpu.memory_space<hbm>> -> memref<1x64xf32, #tpu.memory_space<hbm>>
      tpu.enqueue_dma source(%dma_start3A_145 : memref<1x64xf32, #tpu.memory_space<hbm>>) target(%dma_start3A_143 : memref<1x64xf32, #tpu.memory_space<vmem>>) target_semaphore(%arg14 : memref<!tpu.dma_semaphore, #tpu.memory_space<semaphore_mem>>)
      %slice3A_146 = vector.extract_strided_slice %get3A_133 {offsets = [0], sizes = [1], strides = [1]} : vector<16xi32> to vector<1xi32>
      %squeeze3A_147 = vector.extract %slice3A_146[0] : i32 from vector<1xi32>
      %mul3A_148 = arith.constant 16 : i32
      %mul3A_149 = arith.muli %scan3A_120, %mul3A_148 : i32
      %add3A_150 = arith.constant 0 : i32
      %add3A_151 = arith.addi %mul3A_149, %add3A_150 : i32
      %dma_start3A_152 = arith.constant 0 : i32
      %dma_start3A_153 = tpu.memref_slice %arg12[%add3A_151, %dma_start3A_152] : memref<128x64xf32, #tpu.memory_space<vmem>> -> memref<1x64xf32, #tpu.memory_space<vmem>>
      %dma_start3A_154 = arith.constant 0 : i32
      %dma_start3A_155 = tpu.memref_slice %arg5[%squeeze3A_147, %dma_start3A_154] : memref<100000x64xf32, #tpu.memory_space<hbm>> -> memref<1x64xf32, #tpu.memory_space<hbm>>
      %dma_start3A_156 = arith.constant 0 : i32
      %dma_start3A_157 = tpu.memref_slice %arg12[%add3A_151, %dma_start3A_156] : memref<128x64xf32, #tpu.memory_space<vmem>> -> memref<1x64xf32, #tpu.memory_space<vmem>>
      %dma_start3A_158 = arith.constant 0 : i32
      %dma_start3A_159 = tpu.memref_slice %arg5[%squeeze3A_147, %dma_start3A_158] : memref<100000x64xf32, #tpu.memory_space<hbm>> -> memref<1x64xf32, #tpu.memory_space<hbm>>
      tpu.enqueue_dma source(%dma_start3A_159 : memref<1x64xf32, #tpu.memory_space<hbm>>) target(%dma_start3A_157 : memref<1x64xf32, #tpu.memory_space<vmem>>) target_semaphore(%arg14 : memref<!tpu.dma_semaphore, #tpu.memory_space<semaphore_mem>>)
      %slice3A_160 = vector.extract_strided_slice %get3A_126 {offsets = [1], sizes = [1], strides = [1]} : vector<16xi32> to vector<1xi32>
      %squeeze3A_161 = vector.extract %slice3A_160[0] : i32 from vector<1xi32>
      %mul3A_162 = arith.constant 16 : i32
      %mul3A_163 = arith.muli %scan3A_120, %mul3A_162 : i32
      %add3A_164 = arith.constant 1 : i32
      %add3A_165 = arith.addi %mul3A_163, %add3A_164 : i32
      %dma_start3A_166 = arith.constant 0 : i32
      %dma_start3A_167 = tpu.memref_slice %arg10[%add3A_165, %dma_start3A_166] : memref<128x64xf32, #tpu.memory_space<vmem>> -> memref<1x64xf32, #tpu.memory_space<vmem>>
      %dma_start3A_168 = arith.constant 0 : i32
      %dma_start3A_169 = tpu.memref_slice %arg4[%squeeze3A_161, %dma_start3A_168] : memref<1000000x64xf32, #tpu.memory_space<hbm>> -> memref<1x64xf32, #tpu.memory_space<hbm>>
      %dma_start3A_170 = arith.constant 0 : i32
      %dma_start3A_171 = tpu.memref_slice %arg10[%add3A_165, %dma_start3A_170] : memref<128x64xf32, #tpu.memory_space<vmem>> -> memref<1x64xf32, #tpu.memory_space<vmem>>
      %dma_start3A_172 = arith.constant 0 : i32
      %dma_start3A_173 = tpu.memref_slice %arg4[%squeeze3A_161, %dma_start3A_172] : memref<1000000x64xf32, #tpu.memory_space<hbm>> -> memref<1x64xf32, #tpu.memory_space<hbm>>
      tpu.enqueue_dma source(%dma_start3A_173 : memref<1x64xf32, #tpu.memory_space<hbm>>) target(%dma_start3A_171 : memref<1x64xf32, #tpu.memory_space<vmem>>) target_semaphore(%arg14 : memref<!tpu.dma_semaphore, #tpu.memory_space<semaphore_mem>>)
      %slice3A_174 = vector.extract_strided_slice %get3A_133 {offsets = [1], sizes = [1], strides = [1]} : vector<16xi32> to vector<1xi32>
      %squeeze3A_175 = vector.extract %slice3A_174[0] : i32 from vector<1xi32>
      %mul3A_176 = arith.constant 16 : i32
      %mul3A_177 = arith.muli %scan3A_120, %mul3A_176 : i32
      %add3A_178 = arith.constant 1 : i32
      %add3A_179 = arith.addi %mul3A_177, %add3A_178 : i32
      %dma_start3A_180 = arith.constant 0 : i32
      %dma_start3A_181 = tpu.memref_slice %arg12[%add3A_179, %dma_start3A_180] : memref<128x64xf32, #tpu.memory_space<vmem>> -> memref<1x64xf32, #tpu.memory_space<vmem>>
      %dma_start3A_182 = arith.constant 0 : i32
      %dma_start3A_183 = tpu.memref_slice %arg5[%squeeze3A_175, %dma_start3A_182] : memref<100000x64xf32, #tpu.memory_space<hbm>> -> memref<1x64xf32, #tpu.memory_space<hbm>>
      %dma_start3A_184 = arith.constant 0 : i32
      %dma_start3A_185 = tpu.memref_slice %arg12[%add3A_179, %dma_start3A_184] : memref<128x64xf32, #tpu.memory_space<vmem>> -> memref<1x64xf32, #tpu.memory_space<vmem>>
      %dma_start3A_186 = arith.constant 0 : i32
      %dma_start3A_187 = tpu.memref_slice %arg5[%squeeze3A_175, %dma_start3A_186] : memref<100000x64xf32, #tpu.memory_space<hbm>> -> memref<1x64xf32, #tpu.memory_space<hbm>>
      tpu.enqueue_dma source(%dma_start3A_187 : memref<1x64xf32, #tpu.memory_space<hbm>>) target(%dma_start3A_185 : memref<1x64xf32, #tpu.memory_space<vmem>>) target_semaphore(%arg14 : memref<!tpu.dma_semaphore, #tpu.memory_space<semaphore_mem>>)
      %slice3A_188 = vector.extract_strided_slice %get3A_126 {offsets = [2], sizes = [1], strides = [1]} : vector<16xi32> to vector<1xi32>
      %squeeze3A_189 = vector.extract %slice3A_188[0] : i32 from vector<1xi32>
      %mul3A_190 = arith.constant 16 : i32
      %mul3A_191 = arith.muli %scan3A_120, %mul3A_190 : i32
      %add3A_192 = arith.constant 2 : i32
      %add3A_193 = arith.addi %mul3A_191, %add3A_192 : i32
      %dma_start3A_194 = arith.constant 0 : i32
      %dma_start3A_195 = tpu.memref_slice %arg10[%add3A_193, %dma_start3A_194] : memref<128x64xf32, #tpu.memory_space<vmem>> -> memref<1x64xf32, #tpu.memory_space<vmem>>
      %dma_start3A_196 = arith.constant 0 : i32
      %dma_start3A_197 = tpu.memref_slice %arg4[%squeeze3A_189, %dma_start3A_196] : memref<1000000x64xf32, #tpu.memory_space<hbm>> -> memref<1x64xf32, #tpu.memory_space<hbm>>
      %dma_start3A_198 = arith.constant 0 : i32
      %dma_start3A_199 = tpu.memref_slice %arg10[%add3A_193, %dma_start3A_198] : memref<128x64xf32, #tpu.memory_space<vmem>> -> memref<1x64xf32, #tpu.memory_space<vmem>>
      %dma_start3A_200 = arith.constant 0 : i32
      %dma_start3A_201 = tpu.memref_slice %arg4[%squeeze3A_189, %dma_start3A_200] : memref<1000000x64xf32, #tpu.memory_space<hbm>> -> memref<1x64xf32, #tpu.memory_space<hbm>>
      tpu.enqueue_dma source(%dma_start3A_201 : memref<1x64xf32, #tpu.memory_space<hbm>>) target(%dma_start3A_199 : memref<1x64xf32, #tpu.memory_space<vmem>>) target_semaphore(%arg14 : memref<!tpu.dma_semaphore, #tpu.memory_space<semaphore_mem>>)
      %slice3A_202 = vector.extract_strided_slice %get3A_133 {offsets = [2], sizes = [1], strides = [1]} : vector<16xi32> to vector<1xi32>
      %squeeze3A_203 = vector.extract %slice3A_202[0] : i32 from vector<1xi32>
      %mul3A_204 = arith.constant 16 : i32
      %mul3A_205 = arith.muli %scan3A_120, %mul3A_204 : i32
      %add3A_206 = arith.constant 2 : i32
      %add3A_207 = arith.addi %mul3A_205, %add3A_206 : i32
      %dma_start3A_208 = arith.constant 0 : i32
      %dma_start3A_209 = tpu.memref_slice %arg12[%add3A_207, %dma_start3A_208] : memref<128x64xf32, #tpu.memory_space<vmem>> -> memref<1x64xf32, #tpu.memory_space<vmem>>
      %dma_start3A_210 = arith.constant 0 : i32
      %dma_start3A_211 = tpu.memref_slice %arg5[%squeeze3A_203, %dma_start3A_210] : memref<100000x64xf32, #tpu.memory_space<hbm>> -> memref<1x64xf32, #tpu.memory_space<hbm>>
      %dma_start3A_212 = arith.constant 0 : i32
      %dma_start3A_213 = tpu.memref_slice %arg12[%add3A_207, %dma_start3A_212] : memref<128x64xf32, #tpu.memory_space<vmem>> -> memref<1x64xf32, #tpu.memory_space<vmem>>
      %dma_start3A_214 = arith.constant 0 : i32
      %dma_start3A_215 = tpu.memref_slice %arg5[%squeeze3A_203, %dma_start3A_214] : memref<100000x64xf32, #tpu.memory_space<hbm>> -> memref<1x64xf32, #tpu.memory_space<hbm>>
      tpu.enqueue_dma source(%dma_start3A_215 : memref<1x64xf32, #tpu.memory_space<hbm>>) target(%dma_start3A_213 : memref<1x64xf32, #tpu.memory_space<vmem>>) target_semaphore(%arg14 : memref<!tpu.dma_semaphore, #tpu.memory_space<semaphore_mem>>)
      %slice3A_216 = vector.extract_strided_slice %get3A_126 {offsets = [3], sizes = [1], strides = [1]} : vector<16xi32> to vector<1xi32>
      %squeeze3A_217 = vector.extract %slice3A_216[0] : i32 from vector<1xi32>
      %mul3A_218 = arith.constant 16 : i32
      %mul3A_219 = arith.muli %scan3A_120, %mul3A_218 : i32
      %add3A_220 = arith.constant 3 : i32
      %add3A_221 = arith.addi %mul3A_219, %add3A_220 : i32
      %dma_start3A_222 = arith.constant 0 : i32
      %dma_start3A_223 = tpu.memref_slice %arg10[%add3A_221, %dma_start3A_222] : memref<128x64xf32, #tpu.memory_space<vmem>> -> memref<1x64xf32, #tpu.memory_space<vmem>>
      %dma_start3A_224 = arith.constant 0 : i32
      %dma_start3A_225 = tpu.memref_slice %arg4[%squeeze3A_217, %dma_start3A_224] : memref<1000000x64xf32, #tpu.memory_space<hbm>> -> memref<1x64xf32, #tpu.memory_space<hbm>>
      %dma_start3A_226 = arith.constant 0 : i32
      %dma_start3A_227 = tpu.memref_slice %arg10[%add3A_221, %dma_start3A_226] : memref<128x64xf32, #tpu.memory_space<vmem>> -> memref<1x64xf32, #tpu.memory_space<vmem>>
      %dma_start3A_228 = arith.constant 0 : i32
      %dma_start3A_229 = tpu.memref_slice %arg4[%squeeze3A_217, %dma_start3A_228] : memref<1000000x64xf32, #tpu.memory_space<hbm>> -> memref<1x64xf32, #tpu.memory_space<hbm>>
      tpu.enqueue_dma source(%dma_start3A_229 : memref<1x64xf32, #tpu.memory_space<hbm>>) target(%dma_start3A_227 : memref<1x64xf32, #tpu.memory_space<vmem>>) target_semaphore(%arg14 : memref<!tpu.dma_semaphore, #tpu.memory_space<semaphore_mem>>)
      %slice3A_230 = vector.extract_strided_slice %get3A_133 {offsets = [3], sizes = [1], strides = [1]} : vector<16xi32> to vector<1xi32>
      %squeeze3A_231 = vector.extract %slice3A_230[0] : i32 from vector<1xi32>
      %mul3A_232 = arith.constant 16 : i32
      %mul3A_233 = arith.muli %scan3A_120, %mul3A_232 : i32
      %add3A_234 = arith.constant 3 : i32
      %add3A_235 = arith.addi %mul3A_233, %add3A_234 : i32
      %dma_start3A_236 = arith.constant 0 : i32
      %dma_start3A_237 = tpu.memref_slice %arg12[%add3A_235, %dma_start3A_236] : memref<128x64xf32, #tpu.memory_space<vmem>> -> memref<1x64xf32, #tpu.memory_space<vmem>>
      %dma_start3A_238 = arith.constant 0 : i32
      %dma_start3A_239 = tpu.memref_slice %arg5[%squeeze3A_231, %dma_start3A_238] : memref<100000x64xf32, #tpu.memory_space<hbm>> -> memref<1x64xf32, #tpu.memory_space<hbm>>
      %dma_start3A_240 = arith.constant 0 : i32
      %dma_start3A_241 = tpu.memref_slice %arg12[%add3A_235, %dma_start3A_240] : memref<128x64xf32, #tpu.memory_space<vmem>> -> memref<1x64xf32, #tpu.memory_space<vmem>>
      %dma_start3A_242 = arith.constant 0 : i32
      %dma_start3A_243 = tpu.memref_slice %arg5[%squeeze3A_231, %dma_start3A_242] : memref<100000x64xf32, #tpu.memory_space<hbm>> -> memref<1x64xf32, #tpu.memory_space<hbm>>
      tpu.enqueue_dma source(%dma_start3A_243 : memref<1x64xf32, #tpu.memory_space<hbm>>) target(%dma_start3A_241 : memref<1x64xf32, #tpu.memory_space<vmem>>) target_semaphore(%arg14 : memref<!tpu.dma_semaphore, #tpu.memory_space<semaphore_mem>>)
      %slice3A_244 = vector.extract_strided_slice %get3A_126 {offsets = [4], sizes = [1], strides = [1]} : vector<16xi32> to vector<1xi32>
      %squeeze3A_245 = vector.extract %slice3A_244[0] : i32 from vector<1xi32>
      %mul3A_246 = arith.constant 16 : i32
      %mul3A_247 = arith.muli %scan3A_120, %mul3A_246 : i32
      %add3A_248 = arith.constant 4 : i32
      %add3A_249 = arith.addi %mul3A_247, %add3A_248 : i32
      %dma_start3A_250 = arith.constant 0 : i32
      %dma_start3A_251 = tpu.memref_slice %arg10[%add3A_249, %dma_start3A_250] : memref<128x64xf32, #tpu.memory_space<vmem>> -> memref<1x64xf32, #tpu.memory_space<vmem>>
      %dma_start3A_252 = arith.constant 0 : i32
      %dma_start3A_253 = tpu.memref_slice %arg4[%squeeze3A_245, %dma_start3A_252] : memref<1000000x64xf32, #tpu.memory_space<hbm>> -> memref<1x64xf32, #tpu.memory_space<hbm>>
      %dma_start3A_254 = arith.constant 0 : i32
      %dma_start3A_255 = tpu.memref_slice %arg10[%add3A_249, %dma_start3A_254] : memref<128x64xf32, #tpu.memory_space<vmem>> -> memref<1x64xf32, #tpu.memory_space<vmem>>
      %dma_start3A_256 = arith.constant 0 : i32
      %dma_start3A_257 = tpu.memref_slice %arg4[%squeeze3A_245, %dma_start3A_256] : memref<1000000x64xf32, #tpu.memory_space<hbm>> -> memref<1x64xf32, #tpu.memory_space<hbm>>
      tpu.enqueue_dma source(%dma_start3A_257 : memref<1x64xf32, #tpu.memory_space<hbm>>) target(%dma_start3A_255 : memref<1x64xf32, #tpu.memory_space<vmem>>) target_semaphore(%arg14 : memref<!tpu.dma_semaphore, #tpu.memory_space<semaphore_mem>>)
      %slice3A_258 = vector.extract_strided_slice %get3A_133 {offsets = [4], sizes = [1], strides = [1]} : vector<16xi32> to vector<1xi32>
      %squeeze3A_259 = vector.extract %slice3A_258[0] : i32 from vector<1xi32>
      %mul3A_260 = arith.constant 16 : i32
      %mul3A_261 = arith.muli %scan3A_120, %mul3A_260 : i32
      %add3A_262 = arith.constant 4 : i32
      %add3A_263 = arith.addi %mul3A_261, %add3A_262 : i32
      %dma_start3A_264 = arith.constant 0 : i32
      %dma_start3A_265 = tpu.memref_slice %arg12[%add3A_263, %dma_start3A_264] : memref<128x64xf32, #tpu.memory_space<vmem>> -> memref<1x64xf32, #tpu.memory_space<vmem>>
      %dma_start3A_266 = arith.constant 0 : i32
      %dma_start3A_267 = tpu.memref_slice %arg5[%squeeze3A_259, %dma_start3A_266] : memref<100000x64xf32, #tpu.memory_space<hbm>> -> memref<1x64xf32, #tpu.memory_space<hbm>>
      %dma_start3A_268 = arith.constant 0 : i32
      %dma_start3A_269 = tpu.memref_slice %arg12[%add3A_263, %dma_start3A_268] : memref<128x64xf32, #tpu.memory_space<vmem>> -> memref<1x64xf32, #tpu.memory_space<vmem>>
      %dma_start3A_270 = arith.constant 0 : i32
      %dma_start3A_271 = tpu.memref_slice %arg5[%squeeze3A_259, %dma_start3A_270] : memref<100000x64xf32, #tpu.memory_space<hbm>> -> memref<1x64xf32, #tpu.memory_space<hbm>>
      tpu.enqueue_dma source(%dma_start3A_271 : memref<1x64xf32, #tpu.memory_space<hbm>>) target(%dma_start3A_269 : memref<1x64xf32, #tpu.memory_space<vmem>>) target_semaphore(%arg14 : memref<!tpu.dma_semaphore, #tpu.memory_space<semaphore_mem>>)
      %slice3A_272 = vector.extract_strided_slice %get3A_126 {offsets = [5], sizes = [1], strides = [1]} : vector<16xi32> to vector<1xi32>
      %squeeze3A_273 = vector.extract %slice3A_272[0] : i32 from vector<1xi32>
      %mul3A_274 = arith.constant 16 : i32
      %mul3A_275 = arith.muli %scan3A_120, %mul3A_274 : i32
      %add3A_276 = arith.constant 5 : i32
      %add3A_277 = arith.addi %mul3A_275, %add3A_276 : i32
      %dma_start3A_278 = arith.constant 0 : i32
      %dma_start3A_279 = tpu.memref_slice %arg10[%add3A_277, %dma_start3A_278] : memref<128x64xf32, #tpu.memory_space<vmem>> -> memref<1x64xf32, #tpu.memory_space<vmem>>
      %dma_start3A_280 = arith.constant 0 : i32
      %dma_start3A_281 = tpu.memref_slice %arg4[%squeeze3A_273, %dma_start3A_280] : memref<1000000x64xf32, #tpu.memory_space<hbm>> -> memref<1x64xf32, #tpu.memory_space<hbm>>
      %dma_start3A_282 = arith.constant 0 : i32
      %dma_start3A_283 = tpu.memref_slice %arg10[%add3A_277, %dma_start3A_282] : memref<128x64xf32, #tpu.memory_space<vmem>> -> memref<1x64xf32, #tpu.memory_space<vmem>>
      %dma_start3A_284 = arith.constant 0 : i32
      %dma_start3A_285 = tpu.memref_slice %arg4[%squeeze3A_273, %dma_start3A_284] : memref<1000000x64xf32, #tpu.memory_space<hbm>> -> memref<1x64xf32, #tpu.memory_space<hbm>>
      tpu.enqueue_dma source(%dma_start3A_285 : memref<1x64xf32, #tpu.memory_space<hbm>>) target(%dma_start3A_283 : memref<1x64xf32, #tpu.memory_space<vmem>>) target_semaphore(%arg14 : memref<!tpu.dma_semaphore, #tpu.memory_space<semaphore_mem>>)
      %slice3A_286 = vector.extract_strided_slice %get3A_133 {offsets = [5], sizes = [1], strides = [1]} : vector<16xi32> to vector<1xi32>
      %squeeze3A_287 = vector.extract %slice3A_286[0] : i32 from vector<1xi32>
      %mul3A_288 = arith.constant 16 : i32
      %mul3A_289 = arith.muli %scan3A_120, %mul3A_288 : i32
      %add3A_290 = arith.constant 5 : i32
      %add3A_291 = arith.addi %mul3A_289, %add3A_290 : i32
      %dma_start3A_292 = arith.constant 0 : i32
      %dma_start3A_293 = tpu.memref_slice %arg12[%add3A_291, %dma_start3A_292] : memref<128x64xf32, #tpu.memory_space<vmem>> -> memref<1x64xf32, #tpu.memory_space<vmem>>
      %dma_start3A_294 = arith.constant 0 : i32
      %dma_start3A_295 = tpu.memref_slice %arg5[%squeeze3A_287, %dma_start3A_294] : memref<100000x64xf32, #tpu.memory_space<hbm>> -> memref<1x64xf32, #tpu.memory_space<hbm>>
      %dma_start3A_296 = arith.constant 0 : i32
      %dma_start3A_297 = tpu.memref_slice %arg12[%add3A_291, %dma_start3A_296] : memref<128x64xf32, #tpu.memory_space<vmem>> -> memref<1x64xf32, #tpu.memory_space<vmem>>
      %dma_start3A_298 = arith.constant 0 : i32
      %dma_start3A_299 = tpu.memref_slice %arg5[%squeeze3A_287, %dma_start3A_298] : memref<100000x64xf32, #tpu.memory_space<hbm>> -> memref<1x64xf32, #tpu.memory_space<hbm>>
      tpu.enqueue_dma source(%dma_start3A_299 : memref<1x64xf32, #tpu.memory_space<hbm>>) target(%dma_start3A_297 : memref<1x64xf32, #tpu.memory_space<vmem>>) target_semaphore(%arg14 : memref<!tpu.dma_semaphore, #tpu.memory_space<semaphore_mem>>)
      %slice3A_300 = vector.extract_strided_slice %get3A_126 {offsets = [6], sizes = [1], strides = [1]} : vector<16xi32> to vector<1xi32>
      %squeeze3A_301 = vector.extract %slice3A_300[0] : i32 from vector<1xi32>
      %mul3A_302 = arith.constant 16 : i32
      %mul3A_303 = arith.muli %scan3A_120, %mul3A_302 : i32
      %add3A_304 = arith.constant 6 : i32
      %add3A_305 = arith.addi %mul3A_303, %add3A_304 : i32
      %dma_start3A_306 = arith.constant 0 : i32
      %dma_start3A_307 = tpu.memref_slice %arg10[%add3A_305, %dma_start3A_306] : memref<128x64xf32, #tpu.memory_space<vmem>> -> memref<1x64xf32, #tpu.memory_space<vmem>>
      %dma_start3A_308 = arith.constant 0 : i32
      %dma_start3A_309 = tpu.memref_slice %arg4[%squeeze3A_301, %dma_start3A_308] : memref<1000000x64xf32, #tpu.memory_space<hbm>> -> memref<1x64xf32, #tpu.memory_space<hbm>>
      %dma_start3A_310 = arith.constant 0 : i32
      %dma_start3A_311 = tpu.memref_slice %arg10[%add3A_305, %dma_start3A_310] : memref<128x64xf32, #tpu.memory_space<vmem>> -> memref<1x64xf32, #tpu.memory_space<vmem>>
      %dma_start3A_312 = arith.constant 0 : i32
      %dma_start3A_313 = tpu.memref_slice %arg4[%squeeze3A_301, %dma_start3A_312] : memref<1000000x64xf32, #tpu.memory_space<hbm>> -> memref<1x64xf32, #tpu.memory_space<hbm>>
      tpu.enqueue_dma source(%dma_start3A_313 : memref<1x64xf32, #tpu.memory_space<hbm>>) target(%dma_start3A_311 : memref<1x64xf32, #tpu.memory_space<vmem>>) target_semaphore(%arg14 : memref<!tpu.dma_semaphore, #tpu.memory_space<semaphore_mem>>)
      %slice3A_314 = vector.extract_strided_slice %get3A_133 {offsets = [6], sizes = [1], strides = [1]} : vector<16xi32> to vector<1xi32>
      %squeeze3A_315 = vector.extract %slice3A_314[0] : i32 from vector<1xi32>
      %mul3A_316 = arith.constant 16 : i32
      %mul3A_317 = arith.muli %scan3A_120, %mul3A_316 : i32
      %add3A_318 = arith.constant 6 : i32
      %add3A_319 = arith.addi %mul3A_317, %add3A_318 : i32
      %dma_start3A_320 = arith.constant 0 : i32
      %dma_start3A_321 = tpu.memref_slice %arg12[%add3A_319, %dma_start3A_320] : memref<128x64xf32, #tpu.memory_space<vmem>> -> memref<1x64xf32, #tpu.memory_space<vmem>>
      %dma_start3A_322 = arith.constant 0 : i32
      %dma_start3A_323 = tpu.memref_slice %arg5[%squeeze3A_315, %dma_start3A_322] : memref<100000x64xf32, #tpu.memory_space<hbm>> -> memref<1x64xf32, #tpu.memory_space<hbm>>
      %dma_start3A_324 = arith.constant 0 : i32
      %dma_start3A_325 = tpu.memref_slice %arg12[%add3A_319, %dma_start3A_324] : memref<128x64xf32, #tpu.memory_space<vmem>> -> memref<1x64xf32, #tpu.memory_space<vmem>>
      %dma_start3A_326 = arith.constant 0 : i32
      %dma_start3A_327 = tpu.memref_slice %arg5[%squeeze3A_315, %dma_start3A_326] : memref<100000x64xf32, #tpu.memory_space<hbm>> -> memref<1x64xf32, #tpu.memory_space<hbm>>
      tpu.enqueue_dma source(%dma_start3A_327 : memref<1x64xf32, #tpu.memory_space<hbm>>) target(%dma_start3A_325 : memref<1x64xf32, #tpu.memory_space<vmem>>) target_semaphore(%arg14 : memref<!tpu.dma_semaphore, #tpu.memory_space<semaphore_mem>>)
      %slice3A_328 = vector.extract_strided_slice %get3A_126 {offsets = [7], sizes = [1], strides = [1]} : vector<16xi32> to vector<1xi32>
      %squeeze3A_329 = vector.extract %slice3A_328[0] : i32 from vector<1xi32>
      %mul3A_330 = arith.constant 16 : i32
      %mul3A_331 = arith.muli %scan3A_120, %mul3A_330 : i32
      %add3A_332 = arith.constant 7 : i32
      %add3A_333 = arith.addi %mul3A_331, %add3A_332 : i32
      %dma_start3A_334 = arith.constant 0 : i32
      %dma_start3A_335 = tpu.memref_slice %arg10[%add3A_333, %dma_start3A_334] : memref<128x64xf32, #tpu.memory_space<vmem>> -> memref<1x64xf32, #tpu.memory_space<vmem>>
      %dma_start3A_336 = arith.constant 0 : i32
      %dma_start3A_337 = tpu.memref_slice %arg4[%squeeze3A_329, %dma_start3A_336] : memref<1000000x64xf32, #tpu.memory_space<hbm>> -> memref<1x64xf32, #tpu.memory_space<hbm>>
      %dma_start3A_338 = arith.constant 0 : i32
      %dma_start3A_339 = tpu.memref_slice %arg10[%add3A_333, %dma_start3A_338] : memref<128x64xf32, #tpu.memory_space<vmem>> -> memref<1x64xf32, #tpu.memory_space<vmem>>
      %dma_start3A_340 = arith.constant 0 : i32
      %dma_start3A_341 = tpu.memref_slice %arg4[%squeeze3A_329, %dma_start3A_340] : memref<1000000x64xf32, #tpu.memory_space<hbm>> -> memref<1x64xf32, #tpu.memory_space<hbm>>
      tpu.enqueue_dma source(%dma_start3A_341 : memref<1x64xf32, #tpu.memory_space<hbm>>) target(%dma_start3A_339 : memref<1x64xf32, #tpu.memory_space<vmem>>) target_semaphore(%arg14 : memref<!tpu.dma_semaphore, #tpu.memory_space<semaphore_mem>>)
      %slice3A_342 = vector.extract_strided_slice %get3A_133 {offsets = [7], sizes = [1], strides = [1]} : vector<16xi32> to vector<1xi32>
      %squeeze3A_343 = vector.extract %slice3A_342[0] : i32 from vector<1xi32>
      %mul3A_344 = arith.constant 16 : i32
      %mul3A_345 = arith.muli %scan3A_120, %mul3A_344 : i32
      %add3A_346 = arith.constant 7 : i32
      %add3A_347 = arith.addi %mul3A_345, %add3A_346 : i32
      %dma_start3A_348 = arith.constant 0 : i32
      %dma_start3A_349 = tpu.memref_slice %arg12[%add3A_347, %dma_start3A_348] : memref<128x64xf32, #tpu.memory_space<vmem>> -> memref<1x64xf32, #tpu.memory_space<vmem>>
      %dma_start3A_350 = arith.constant 0 : i32
      %dma_start3A_351 = tpu.memref_slice %arg5[%squeeze3A_343, %dma_start3A_350] : memref<100000x64xf32, #tpu.memory_space<hbm>> -> memref<1x64xf32, #tpu.memory_space<hbm>>
      %dma_start3A_352 = arith.constant 0 : i32
      %dma_start3A_353 = tpu.memref_slice %arg12[%add3A_347, %dma_start3A_352] : memref<128x64xf32, #tpu.memory_space<vmem>> -> memref<1x64xf32, #tpu.memory_space<vmem>>
      %dma_start3A_354 = arith.constant 0 : i32
      %dma_start3A_355 = tpu.memref_slice %arg5[%squeeze3A_343, %dma_start3A_354] : memref<100000x64xf32, #tpu.memory_space<hbm>> -> memref<1x64xf32, #tpu.memory_space<hbm>>
      tpu.enqueue_dma source(%dma_start3A_355 : memref<1x64xf32, #tpu.memory_space<hbm>>) target(%dma_start3A_353 : memref<1x64xf32, #tpu.memory_space<vmem>>) target_semaphore(%arg14 : memref<!tpu.dma_semaphore, #tpu.memory_space<semaphore_mem>>)
      %slice3A_356 = vector.extract_strided_slice %get3A_126 {offsets = [8], sizes = [1], strides = [1]} : vector<16xi32> to vector<1xi32>
      %squeeze3A_357 = vector.extract %slice3A_356[0] : i32 from vector<1xi32>
      %mul3A_358 = arith.constant 16 : i32
      %mul3A_359 = arith.muli %scan3A_120, %mul3A_358 : i32
      %add3A_360 = arith.constant 8 : i32
      %add3A_361 = arith.addi %mul3A_359, %add3A_360 : i32
      %dma_start3A_362 = arith.constant 0 : i32
      %dma_start3A_363 = tpu.memref_slice %arg10[%add3A_361, %dma_start3A_362] : memref<128x64xf32, #tpu.memory_space<vmem>> -> memref<1x64xf32, #tpu.memory_space<vmem>>
      %dma_start3A_364 = arith.constant 0 : i32
      %dma_start3A_365 = tpu.memref_slice %arg4[%squeeze3A_357, %dma_start3A_364] : memref<1000000x64xf32, #tpu.memory_space<hbm>> -> memref<1x64xf32, #tpu.memory_space<hbm>>
      %dma_start3A_366 = arith.constant 0 : i32
      %dma_start3A_367 = tpu.memref_slice %arg10[%add3A_361, %dma_start3A_366] : memref<128x64xf32, #tpu.memory_space<vmem>> -> memref<1x64xf32, #tpu.memory_space<vmem>>
      %dma_start3A_368 = arith.constant 0 : i32
      %dma_start3A_369 = tpu.memref_slice %arg4[%squeeze3A_357, %dma_start3A_368] : memref<1000000x64xf32, #tpu.memory_space<hbm>> -> memref<1x64xf32, #tpu.memory_space<hbm>>
      tpu.enqueue_dma source(%dma_start3A_369 : memref<1x64xf32, #tpu.memory_space<hbm>>) target(%dma_start3A_367 : memref<1x64xf32, #tpu.memory_space<vmem>>) target_semaphore(%arg14 : memref<!tpu.dma_semaphore, #tpu.memory_space<semaphore_mem>>)
      %slice3A_370 = vector.extract_strided_slice %get3A_133 {offsets = [8], sizes = [1], strides = [1]} : vector<16xi32> to vector<1xi32>
      %squeeze3A_371 = vector.extract %slice3A_370[0] : i32 from vector<1xi32>
      %mul3A_372 = arith.constant 16 : i32
      %mul3A_373 = arith.muli %scan3A_120, %mul3A_372 : i32
      %add3A_374 = arith.constant 8 : i32
      %add3A_375 = arith.addi %mul3A_373, %add3A_374 : i32
      %dma_start3A_376 = arith.constant 0 : i32
      %dma_start3A_377 = tpu.memref_slice %arg12[%add3A_375, %dma_start3A_376] : memref<128x64xf32, #tpu.memory_space<vmem>> -> memref<1x64xf32, #tpu.memory_space<vmem>>
      %dma_start3A_378 = arith.constant 0 : i32
      %dma_start3A_379 = tpu.memref_slice %arg5[%squeeze3A_371, %dma_start3A_378] : memref<100000x64xf32, #tpu.memory_space<hbm>> -> memref<1x64xf32, #tpu.memory_space<hbm>>
      %dma_start3A_380 = arith.constant 0 : i32
      %dma_start3A_381 = tpu.memref_slice %arg12[%add3A_375, %dma_start3A_380] : memref<128x64xf32, #tpu.memory_space<vmem>> -> memref<1x64xf32, #tpu.memory_space<vmem>>
      %dma_start3A_382 = arith.constant 0 : i32
      %dma_start3A_383 = tpu.memref_slice %arg5[%squeeze3A_371, %dma_start3A_382] : memref<100000x64xf32, #tpu.memory_space<hbm>> -> memref<1x64xf32, #tpu.memory_space<hbm>>
      tpu.enqueue_dma source(%dma_start3A_383 : memref<1x64xf32, #tpu.memory_space<hbm>>) target(%dma_start3A_381 : memref<1x64xf32, #tpu.memory_space<vmem>>) target_semaphore(%arg14 : memref<!tpu.dma_semaphore, #tpu.memory_space<semaphore_mem>>)
      %slice3A_384 = vector.extract_strided_slice %get3A_126 {offsets = [9], sizes = [1], strides = [1]} : vector<16xi32> to vector<1xi32>
      %squeeze3A_385 = vector.extract %slice3A_384[0] : i32 from vector<1xi32>
      %mul3A_386 = arith.constant 16 : i32
      %mul3A_387 = arith.muli %scan3A_120, %mul3A_386 : i32
      %add3A_388 = arith.constant 9 : i32
      %add3A_389 = arith.addi %mul3A_387, %add3A_388 : i32
      %dma_start3A_390 = arith.constant 0 : i32
      %dma_start3A_391 = tpu.memref_slice %arg10[%add3A_389, %dma_start3A_390] : memref<128x64xf32, #tpu.memory_space<vmem>> -> memref<1x64xf32, #tpu.memory_space<vmem>>
      %dma_start3A_392 = arith.constant 0 : i32
      %dma_start3A_393 = tpu.memref_slice %arg4[%squeeze3A_385, %dma_start3A_392] : memref<1000000x64xf32, #tpu.memory_space<hbm>> -> memref<1x64xf32, #tpu.memory_space<hbm>>
      %dma_start3A_394 = arith.constant 0 : i32
      %dma_start3A_395 = tpu.memref_slice %arg10[%add3A_389, %dma_start3A_394] : memref<128x64xf32, #tpu.memory_space<vmem>> -> memref<1x64xf32, #tpu.memory_space<vmem>>
      %dma_start3A_396 = arith.constant 0 : i32
      %dma_start3A_397 = tpu.memref_slice %arg4[%squeeze3A_385, %dma_start3A_396] : memref<1000000x64xf32, #tpu.memory_space<hbm>> -> memref<1x64xf32, #tpu.memory_space<hbm>>
      tpu.enqueue_dma source(%dma_start3A_397 : memref<1x64xf32, #tpu.memory_space<hbm>>) target(%dma_start3A_395 : memref<1x64xf32, #tpu.memory_space<vmem>>) target_semaphore(%arg14 : memref<!tpu.dma_semaphore, #tpu.memory_space<semaphore_mem>>)
      %slice3A_398 = vector.extract_strided_slice %get3A_133 {offsets = [9], sizes = [1], strides = [1]} : vector<16xi32> to vector<1xi32>
      %squeeze3A_399 = vector.extract %slice3A_398[0] : i32 from vector<1xi32>
      %mul3A_400 = arith.constant 16 : i32
      %mul3A_401 = arith.muli %scan3A_120, %mul3A_400 : i32
      %add3A_402 = arith.constant 9 : i32
      %add3A_403 = arith.addi %mul3A_401, %add3A_402 : i32
      %dma_start3A_404 = arith.constant 0 : i32
      %dma_start3A_405 = tpu.memref_slice %arg12[%add3A_403, %dma_start3A_404] : memref<128x64xf32, #tpu.memory_space<vmem>> -> memref<1x64xf32, #tpu.memory_space<vmem>>
      %dma_start3A_406 = arith.constant 0 : i32
      %dma_start3A_407 = tpu.memref_slice %arg5[%squeeze3A_399, %dma_start3A_406] : memref<100000x64xf32, #tpu.memory_space<hbm>> -> memref<1x64xf32, #tpu.memory_space<hbm>>
      %dma_start3A_408 = arith.constant 0 : i32
      %dma_start3A_409 = tpu.memref_slice %arg12[%add3A_403, %dma_start3A_408] : memref<128x64xf32, #tpu.memory_space<vmem>> -> memref<1x64xf32, #tpu.memory_space<vmem>>
      %dma_start3A_410 = arith.constant 0 : i32
      %dma_start3A_411 = tpu.memref_slice %arg5[%squeeze3A_399, %dma_start3A_410] : memref<100000x64xf32, #tpu.memory_space<hbm>> -> memref<1x64xf32, #tpu.memory_space<hbm>>
      tpu.enqueue_dma source(%dma_start3A_411 : memref<1x64xf32, #tpu.memory_space<hbm>>) target(%dma_start3A_409 : memref<1x64xf32, #tpu.memory_space<vmem>>) target_semaphore(%arg14 : memref<!tpu.dma_semaphore, #tpu.memory_space<semaphore_mem>>)
      %slice3A_412 = vector.extract_strided_slice %get3A_126 {offsets = [10], sizes = [1], strides = [1]} : vector<16xi32> to vector<1xi32>
      %squeeze3A_413 = vector.extract %slice3A_412[0] : i32 from vector<1xi32>
      %mul3A_414 = arith.constant 16 : i32
      %mul3A_415 = arith.muli %scan3A_120, %mul3A_414 : i32
      %add3A_416 = arith.constant 10 : i32
      %add3A_417 = arith.addi %mul3A_415, %add3A_416 : i32
      %dma_start3A_418 = arith.constant 0 : i32
      %dma_start3A_419 = tpu.memref_slice %arg10[%add3A_417, %dma_start3A_418] : memref<128x64xf32, #tpu.memory_space<vmem>> -> memref<1x64xf32, #tpu.memory_space<vmem>>
      %dma_start3A_420 = arith.constant 0 : i32
      %dma_start3A_421 = tpu.memref_slice %arg4[%squeeze3A_413, %dma_start3A_420] : memref<1000000x64xf32, #tpu.memory_space<hbm>> -> memref<1x64xf32, #tpu.memory_space<hbm>>
      %dma_start3A_422 = arith.constant 0 : i32
      %dma_start3A_423 = tpu.memref_slice %arg10[%add3A_417, %dma_start3A_422] : memref<128x64xf32, #tpu.memory_space<vmem>> -> memref<1x64xf32, #tpu.memory_space<vmem>>
      %dma_start3A_424 = arith.constant 0 : i32
      %dma_start3A_425 = tpu.memref_slice %arg4[%squeeze3A_413, %dma_start3A_424] : memref<1000000x64xf32, #tpu.memory_space<hbm>> -> memref<1x64xf32, #tpu.memory_space<hbm>>
      tpu.enqueue_dma source(%dma_start3A_425 : memref<1x64xf32, #tpu.memory_space<hbm>>) target(%dma_start3A_423 : memref<1x64xf32, #tpu.memory_space<vmem>>) target_semaphore(%arg14 : memref<!tpu.dma_semaphore, #tpu.memory_space<semaphore_mem>>)
      %slice3A_426 = vector.extract_strided_slice %get3A_133 {offsets = [10], sizes = [1], strides = [1]} : vector<16xi32> to vector<1xi32>
      %squeeze3A_427 = vector.extract %slice3A_426[0] : i32 from vector<1xi32>
      %mul3A_428 = arith.constant 16 : i32
      %mul3A_429 = arith.muli %scan3A_120, %mul3A_428 : i32
      %add3A_430 = arith.constant 10 : i32
      %add3A_431 = arith.addi %mul3A_429, %add3A_430 : i32
      %dma_start3A_432 = arith.constant 0 : i32
      %dma_start3A_433 = tpu.memref_slice %arg12[%add3A_431, %dma_start3A_432] : memref<128x64xf32, #tpu.memory_space<vmem>> -> memref<1x64xf32, #tpu.memory_space<vmem>>
      %dma_start3A_434 = arith.constant 0 : i32
      %dma_start3A_435 = tpu.memref_slice %arg5[%squeeze3A_427, %dma_start3A_434] : memref<100000x64xf32, #tpu.memory_space<hbm>> -> memref<1x64xf32, #tpu.memory_space<hbm>>
      %dma_start3A_436 = arith.constant 0 : i32
      %dma_start3A_437 = tpu.memref_slice %arg12[%add3A_431, %dma_start3A_436] : memref<128x64xf32, #tpu.memory_space<vmem>> -> memref<1x64xf32, #tpu.memory_space<vmem>>
      %dma_start3A_438 = arith.constant 0 : i32
      %dma_start3A_439 = tpu.memref_slice %arg5[%squeeze3A_427, %dma_start3A_438] : memref<100000x64xf32, #tpu.memory_space<hbm>> -> memref<1x64xf32, #tpu.memory_space<hbm>>
      tpu.enqueue_dma source(%dma_start3A_439 : memref<1x64xf32, #tpu.memory_space<hbm>>) target(%dma_start3A_437 : memref<1x64xf32, #tpu.memory_space<vmem>>) target_semaphore(%arg14 : memref<!tpu.dma_semaphore, #tpu.memory_space<semaphore_mem>>)
      %slice3A_440 = vector.extract_strided_slice %get3A_126 {offsets = [11], sizes = [1], strides = [1]} : vector<16xi32> to vector<1xi32>
      %squeeze3A_441 = vector.extract %slice3A_440[0] : i32 from vector<1xi32>
      %mul3A_442 = arith.constant 16 : i32
      %mul3A_443 = arith.muli %scan3A_120, %mul3A_442 : i32
      %add3A_444 = arith.constant 11 : i32
      %add3A_445 = arith.addi %mul3A_443, %add3A_444 : i32
      %dma_start3A_446 = arith.constant 0 : i32
      %dma_start3A_447 = tpu.memref_slice %arg10[%add3A_445, %dma_start3A_446] : memref<128x64xf32, #tpu.memory_space<vmem>> -> memref<1x64xf32, #tpu.memory_space<vmem>>
      %dma_start3A_448 = arith.constant 0 : i32
      %dma_start3A_449 = tpu.memref_slice %arg4[%squeeze3A_441, %dma_start3A_448] : memref<1000000x64xf32, #tpu.memory_space<hbm>> -> memref<1x64xf32, #tpu.memory_space<hbm>>
      %dma_start3A_450 = arith.constant 0 : i32
      %dma_start3A_451 = tpu.memref_slice %arg10[%add3A_445, %dma_start3A_450] : memref<128x64xf32, #tpu.memory_space<vmem>> -> memref<1x64xf32, #tpu.memory_space<vmem>>
      %dma_start3A_452 = arith.constant 0 : i32
      %dma_start3A_453 = tpu.memref_slice %arg4[%squeeze3A_441, %dma_start3A_452] : memref<1000000x64xf32, #tpu.memory_space<hbm>> -> memref<1x64xf32, #tpu.memory_space<hbm>>
      tpu.enqueue_dma source(%dma_start3A_453 : memref<1x64xf32, #tpu.memory_space<hbm>>) target(%dma_start3A_451 : memref<1x64xf32, #tpu.memory_space<vmem>>) target_semaphore(%arg14 : memref<!tpu.dma_semaphore, #tpu.memory_space<semaphore_mem>>)
      %slice3A_454 = vector.extract_strided_slice %get3A_133 {offsets = [11], sizes = [1], strides = [1]} : vector<16xi32> to vector<1xi32>
      %squeeze3A_455 = vector.extract %slice3A_454[0] : i32 from vector<1xi32>
      %mul3A_456 = arith.constant 16 : i32
      %mul3A_457 = arith.muli %scan3A_120, %mul3A_456 : i32
      %add3A_458 = arith.constant 11 : i32
      %add3A_459 = arith.addi %mul3A_457, %add3A_458 : i32
      %dma_start3A_460 = arith.constant 0 : i32
      %dma_start3A_461 = tpu.memref_slice %arg12[%add3A_459, %dma_start3A_460] : memref<128x64xf32, #tpu.memory_space<vmem>> -> memref<1x64xf32, #tpu.memory_space<vmem>>
      %dma_start3A_462 = arith.constant 0 : i32
      %dma_start3A_463 = tpu.memref_slice %arg5[%squeeze3A_455, %dma_start3A_462] : memref<100000x64xf32, #tpu.memory_space<hbm>> -> memref<1x64xf32, #tpu.memory_space<hbm>>
      %dma_start3A_464 = arith.constant 0 : i32
      %dma_start3A_465 = tpu.memref_slice %arg12[%add3A_459, %dma_start3A_464] : memref<128x64xf32, #tpu.memory_space<vmem>> -> memref<1x64xf32, #tpu.memory_space<vmem>>
      %dma_start3A_466 = arith.constant 0 : i32
      %dma_start3A_467 = tpu.memref_slice %arg5[%squeeze3A_455, %dma_start3A_466] : memref<100000x64xf32, #tpu.memory_space<hbm>> -> memref<1x64xf32, #tpu.memory_space<hbm>>
      tpu.enqueue_dma source(%dma_start3A_467 : memref<1x64xf32, #tpu.memory_space<hbm>>) target(%dma_start3A_465 : memref<1x64xf32, #tpu.memory_space<vmem>>) target_semaphore(%arg14 : memref<!tpu.dma_semaphore, #tpu.memory_space<semaphore_mem>>)
      %slice3A_468 = vector.extract_strided_slice %get3A_126 {offsets = [12], sizes = [1], strides = [1]} : vector<16xi32> to vector<1xi32>
      %squeeze3A_469 = vector.extract %slice3A_468[0] : i32 from vector<1xi32>
      %mul3A_470 = arith.constant 16 : i32
      %mul3A_471 = arith.muli %scan3A_120, %mul3A_470 : i32
      %add3A_472 = arith.constant 12 : i32
      %add3A_473 = arith.addi %mul3A_471, %add3A_472 : i32
      %dma_start3A_474 = arith.constant 0 : i32
      %dma_start3A_475 = tpu.memref_slice %arg10[%add3A_473, %dma_start3A_474] : memref<128x64xf32, #tpu.memory_space<vmem>> -> memref<1x64xf32, #tpu.memory_space<vmem>>
      %dma_start3A_476 = arith.constant 0 : i32
      %dma_start3A_477 = tpu.memref_slice %arg4[%squeeze3A_469, %dma_start3A_476] : memref<1000000x64xf32, #tpu.memory_space<hbm>> -> memref<1x64xf32, #tpu.memory_space<hbm>>
      %dma_start3A_478 = arith.constant 0 : i32
      %dma_start3A_479 = tpu.memref_slice %arg10[%add3A_473, %dma_start3A_478] : memref<128x64xf32, #tpu.memory_space<vmem>> -> memref<1x64xf32, #tpu.memory_space<vmem>>
      %dma_start3A_480 = arith.constant 0 : i32
      %dma_start3A_481 = tpu.memref_slice %arg4[%squeeze3A_469, %dma_start3A_480] : memref<1000000x64xf32, #tpu.memory_space<hbm>> -> memref<1x64xf32, #tpu.memory_space<hbm>>
      tpu.enqueue_dma source(%dma_start3A_481 : memref<1x64xf32, #tpu.memory_space<hbm>>) target(%dma_start3A_479 : memref<1x64xf32, #tpu.memory_space<vmem>>) target_semaphore(%arg14 : memref<!tpu.dma_semaphore, #tpu.memory_space<semaphore_mem>>)
      %slice3A_482 = vector.extract_strided_slice %get3A_133 {offsets = [12], sizes = [1], strides = [1]} : vector<16xi32> to vector<1xi32>
      %squeeze3A_483 = vector.extract %slice3A_482[0] : i32 from vector<1xi32>
      %mul3A_484 = arith.constant 16 : i32
      %mul3A_485 = arith.muli %scan3A_120, %mul3A_484 : i32
      %add3A_486 = arith.constant 12 : i32
      %add3A_487 = arith.addi %mul3A_485, %add3A_486 : i32
      %dma_start3A_488 = arith.constant 0 : i32
      %dma_start3A_489 = tpu.memref_slice %arg12[%add3A_487, %dma_start3A_488] : memref<128x64xf32, #tpu.memory_space<vmem>> -> memref<1x64xf32, #tpu.memory_space<vmem>>
      %dma_start3A_490 = arith.constant 0 : i32
      %dma_start3A_491 = tpu.memref_slice %arg5[%squeeze3A_483, %dma_start3A_490] : memref<100000x64xf32, #tpu.memory_space<hbm>> -> memref<1x64xf32, #tpu.memory_space<hbm>>
      %dma_start3A_492 = arith.constant 0 : i32
      %dma_start3A_493 = tpu.memref_slice %arg12[%add3A_487, %dma_start3A_492] : memref<128x64xf32, #tpu.memory_space<vmem>> -> memref<1x64xf32, #tpu.memory_space<vmem>>
      %dma_start3A_494 = arith.constant 0 : i32
      %dma_start3A_495 = tpu.memref_slice %arg5[%squeeze3A_483, %dma_start3A_494] : memref<100000x64xf32, #tpu.memory_space<hbm>> -> memref<1x64xf32, #tpu.memory_space<hbm>>
      tpu.enqueue_dma source(%dma_start3A_495 : memref<1x64xf32, #tpu.memory_space<hbm>>) target(%dma_start3A_493 : memref<1x64xf32, #tpu.memory_space<vmem>>) target_semaphore(%arg14 : memref<!tpu.dma_semaphore, #tpu.memory_space<semaphore_mem>>)
      %slice3A_496 = vector.extract_strided_slice %get3A_126 {offsets = [13], sizes = [1], strides = [1]} : vector<16xi32> to vector<1xi32>
      %squeeze3A_497 = vector.extract %slice3A_496[0] : i32 from vector<1xi32>
      %mul3A_498 = arith.constant 16 : i32
      %mul3A_499 = arith.muli %scan3A_120, %mul3A_498 : i32
      %add3A_500 = arith.constant 13 : i32
      %add3A_501 = arith.addi %mul3A_499, %add3A_500 : i32
      %dma_start3A_502 = arith.constant 0 : i32
      %dma_start3A_503 = tpu.memref_slice %arg10[%add3A_501, %dma_start3A_502] : memref<128x64xf32, #tpu.memory_space<vmem>> -> memref<1x64xf32, #tpu.memory_space<vmem>>
      %dma_start3A_504 = arith.constant 0 : i32
      %dma_start3A_505 = tpu.memref_slice %arg4[%squeeze3A_497, %dma_start3A_504] : memref<1000000x64xf32, #tpu.memory_space<hbm>> -> memref<1x64xf32, #tpu.memory_space<hbm>>
      %dma_start3A_506 = arith.constant 0 : i32
      %dma_start3A_507 = tpu.memref_slice %arg10[%add3A_501, %dma_start3A_506] : memref<128x64xf32, #tpu.memory_space<vmem>> -> memref<1x64xf32, #tpu.memory_space<vmem>>
      %dma_start3A_508 = arith.constant 0 : i32
      %dma_start3A_509 = tpu.memref_slice %arg4[%squeeze3A_497, %dma_start3A_508] : memref<1000000x64xf32, #tpu.memory_space<hbm>> -> memref<1x64xf32, #tpu.memory_space<hbm>>
      tpu.enqueue_dma source(%dma_start3A_509 : memref<1x64xf32, #tpu.memory_space<hbm>>) target(%dma_start3A_507 : memref<1x64xf32, #tpu.memory_space<vmem>>) target_semaphore(%arg14 : memref<!tpu.dma_semaphore, #tpu.memory_space<semaphore_mem>>)
      %slice3A_510 = vector.extract_strided_slice %get3A_133 {offsets = [13], sizes = [1], strides = [1]} : vector<16xi32> to vector<1xi32>
      %squeeze3A_511 = vector.extract %slice3A_510[0] : i32 from vector<1xi32>
      %mul3A_512 = arith.constant 16 : i32
      %mul3A_513 = arith.muli %scan3A_120, %mul3A_512 : i32
      %add3A_514 = arith.constant 13 : i32
      %add3A_515 = arith.addi %mul3A_513, %add3A_514 : i32
      %dma_start3A_516 = arith.constant 0 : i32
      %dma_start3A_517 = tpu.memref_slice %arg12[%add3A_515, %dma_start3A_516] : memref<128x64xf32, #tpu.memory_space<vmem>> -> memref<1x64xf32, #tpu.memory_space<vmem>>
      %dma_start3A_518 = arith.constant 0 : i32
      %dma_start3A_519 = tpu.memref_slice %arg5[%squeeze3A_511, %dma_start3A_518] : memref<100000x64xf32, #tpu.memory_space<hbm>> -> memref<1x64xf32, #tpu.memory_space<hbm>>
      %dma_start3A_520 = arith.constant 0 : i32
      %dma_start3A_521 = tpu.memref_slice %arg12[%add3A_515, %dma_start3A_520] : memref<128x64xf32, #tpu.memory_space<vmem>> -> memref<1x64xf32, #tpu.memory_space<vmem>>
      %dma_start3A_522 = arith.constant 0 : i32
      %dma_start3A_523 = tpu.memref_slice %arg5[%squeeze3A_511, %dma_start3A_522] : memref<100000x64xf32, #tpu.memory_space<hbm>> -> memref<1x64xf32, #tpu.memory_space<hbm>>
      tpu.enqueue_dma source(%dma_start3A_523 : memref<1x64xf32, #tpu.memory_space<hbm>>) target(%dma_start3A_521 : memref<1x64xf32, #tpu.memory_space<vmem>>) target_semaphore(%arg14 : memref<!tpu.dma_semaphore, #tpu.memory_space<semaphore_mem>>)
      %slice3A_524 = vector.extract_strided_slice %get3A_126 {offsets = [14], sizes = [1], strides = [1]} : vector<16xi32> to vector<1xi32>
      %squeeze3A_525 = vector.extract %slice3A_524[0] : i32 from vector<1xi32>
      %mul3A_526 = arith.constant 16 : i32
      %mul3A_527 = arith.muli %scan3A_120, %mul3A_526 : i32
      %add3A_528 = arith.constant 14 : i32
      %add3A_529 = arith.addi %mul3A_527, %add3A_528 : i32
      %dma_start3A_530 = arith.constant 0 : i32
      %dma_start3A_531 = tpu.memref_slice %arg10[%add3A_529, %dma_start3A_530] : memref<128x64xf32, #tpu.memory_space<vmem>> -> memref<1x64xf32, #tpu.memory_space<vmem>>
      %dma_start3A_532 = arith.constant 0 : i32
      %dma_start3A_533 = tpu.memref_slice %arg4[%squeeze3A_525, %dma_start3A_532] : memref<1000000x64xf32, #tpu.memory_space<hbm>> -> memref<1x64xf32, #tpu.memory_space<hbm>>
      %dma_start3A_534 = arith.constant 0 : i32
      %dma_start3A_535 = tpu.memref_slice %arg10[%add3A_529, %dma_start3A_534] : memref<128x64xf32, #tpu.memory_space<vmem>> -> memref<1x64xf32, #tpu.memory_space<vmem>>
      %dma_start3A_536 = arith.constant 0 : i32
      %dma_start3A_537 = tpu.memref_slice %arg4[%squeeze3A_525, %dma_start3A_536] : memref<1000000x64xf32, #tpu.memory_space<hbm>> -> memref<1x64xf32, #tpu.memory_space<hbm>>
      tpu.enqueue_dma source(%dma_start3A_537 : memref<1x64xf32, #tpu.memory_space<hbm>>) target(%dma_start3A_535 : memref<1x64xf32, #tpu.memory_space<vmem>>) target_semaphore(%arg14 : memref<!tpu.dma_semaphore, #tpu.memory_space<semaphore_mem>>)
      %slice3A_538 = vector.extract_strided_slice %get3A_133 {offsets = [14], sizes = [1], strides = [1]} : vector<16xi32> to vector<1xi32>
      %squeeze3A_539 = vector.extract %slice3A_538[0] : i32 from vector<1xi32>
      %mul3A_540 = arith.constant 16 : i32
      %mul3A_541 = arith.muli %scan3A_120, %mul3A_540 : i32
      %add3A_542 = arith.constant 14 : i32
      %add3A_543 = arith.addi %mul3A_541, %add3A_542 : i32
      %dma_start3A_544 = arith.constant 0 : i32
      %dma_start3A_545 = tpu.memref_slice %arg12[%add3A_543, %dma_start3A_544] : memref<128x64xf32, #tpu.memory_space<vmem>> -> memref<1x64xf32, #tpu.memory_space<vmem>>
      %dma_start3A_546 = arith.constant 0 : i32
      %dma_start3A_547 = tpu.memref_slice %arg5[%squeeze3A_539, %dma_start3A_546] : memref<100000x64xf32, #tpu.memory_space<hbm>> -> memref<1x64xf32, #tpu.memory_space<hbm>>
      %dma_start3A_548 = arith.constant 0 : i32
      %dma_start3A_549 = tpu.memref_slice %arg12[%add3A_543, %dma_start3A_548] : memref<128x64xf32, #tpu.memory_space<vmem>> -> memref<1x64xf32, #tpu.memory_space<vmem>>
      %dma_start3A_550 = arith.constant 0 : i32
      %dma_start3A_551 = tpu.memref_slice %arg5[%squeeze3A_539, %dma_start3A_550] : memref<100000x64xf32, #tpu.memory_space<hbm>> -> memref<1x64xf32, #tpu.memory_space<hbm>>
      tpu.enqueue_dma source(%dma_start3A_551 : memref<1x64xf32, #tpu.memory_space<hbm>>) target(%dma_start3A_549 : memref<1x64xf32, #tpu.memory_space<vmem>>) target_semaphore(%arg14 : memref<!tpu.dma_semaphore, #tpu.memory_space<semaphore_mem>>)
      %slice3A_552 = vector.extract_strided_slice %get3A_126 {offsets = [15], sizes = [1], strides = [1]} : vector<16xi32> to vector<1xi32>
      %squeeze3A_553 = vector.extract %slice3A_552[0] : i32 from vector<1xi32>
      %mul3A_554 = arith.constant 16 : i32
      %mul3A_555 = arith.muli %scan3A_120, %mul3A_554 : i32
      %add3A_556 = arith.constant 15 : i32
      %add3A_557 = arith.addi %mul3A_555, %add3A_556 : i32
      %dma_start3A_558 = arith.constant 0 : i32
      %dma_start3A_559 = tpu.memref_slice %arg10[%add3A_557, %dma_start3A_558] : memref<128x64xf32, #tpu.memory_space<vmem>> -> memref<1x64xf32, #tpu.memory_space<vmem>>
      %dma_start3A_560 = arith.constant 0 : i32
      %dma_start3A_561 = tpu.memref_slice %arg4[%squeeze3A_553, %dma_start3A_560] : memref<1000000x64xf32, #tpu.memory_space<hbm>> -> memref<1x64xf32, #tpu.memory_space<hbm>>
      %dma_start3A_562 = arith.constant 0 : i32
      %dma_start3A_563 = tpu.memref_slice %arg10[%add3A_557, %dma_start3A_562] : memref<128x64xf32, #tpu.memory_space<vmem>> -> memref<1x64xf32, #tpu.memory_space<vmem>>
      %dma_start3A_564 = arith.constant 0 : i32
      %dma_start3A_565 = tpu.memref_slice %arg4[%squeeze3A_553, %dma_start3A_564] : memref<1000000x64xf32, #tpu.memory_space<hbm>> -> memref<1x64xf32, #tpu.memory_space<hbm>>
      tpu.enqueue_dma source(%dma_start3A_565 : memref<1x64xf32, #tpu.memory_space<hbm>>) target(%dma_start3A_563 : memref<1x64xf32, #tpu.memory_space<vmem>>) target_semaphore(%arg14 : memref<!tpu.dma_semaphore, #tpu.memory_space<semaphore_mem>>)
      %slice3A_566 = vector.extract_strided_slice %get3A_133 {offsets = [15], sizes = [1], strides = [1]} : vector<16xi32> to vector<1xi32>
      %squeeze3A_567 = vector.extract %slice3A_566[0] : i32 from vector<1xi32>
      %mul3A_568 = arith.constant 16 : i32
      %mul3A_569 = arith.muli %scan3A_120, %mul3A_568 : i32
      %add3A_570 = arith.constant 15 : i32
      %add3A_571 = arith.addi %mul3A_569, %add3A_570 : i32
      %dma_start3A_572 = arith.constant 0 : i32
      %dma_start3A_573 = tpu.memref_slice %arg12[%add3A_571, %dma_start3A_572] : memref<128x64xf32, #tpu.memory_space<vmem>> -> memref<1x64xf32, #tpu.memory_space<vmem>>
      %dma_start3A_574 = arith.constant 0 : i32
      %dma_start3A_575 = tpu.memref_slice %arg5[%squeeze3A_567, %dma_start3A_574] : memref<100000x64xf32, #tpu.memory_space<hbm>> -> memref<1x64xf32, #tpu.memory_space<hbm>>
      %dma_start3A_576 = arith.constant 0 : i32
      %dma_start3A_577 = tpu.memref_slice %arg12[%add3A_571, %dma_start3A_576] : memref<128x64xf32, #tpu.memory_space<vmem>> -> memref<1x64xf32, #tpu.memory_space<vmem>>
      %dma_start3A_578 = arith.constant 0 : i32
      %dma_start3A_579 = tpu.memref_slice %arg5[%squeeze3A_567, %dma_start3A_578] : memref<100000x64xf32, #tpu.memory_space<hbm>> -> memref<1x64xf32, #tpu.memory_space<hbm>>
      tpu.enqueue_dma source(%dma_start3A_579 : memref<1x64xf32, #tpu.memory_space<hbm>>) target(%dma_start3A_577 : memref<1x64xf32, #tpu.memory_space<vmem>>) target_semaphore(%arg14 : memref<!tpu.dma_semaphore, #tpu.memory_space<semaphore_mem>>)
    }
    %scan3A_7 = arith.constant 8 : i32
    %scan3A_8 = arith.constant 0 : i32
    %scan3A_9 = arith.constant 0 : i32
    %scan3A_10 = arith.constant 128 : i32
    %scan3A_11 = arith.addi %scan3A_9, %scan3A_10 : i32
    %scan3A_12 = arith.constant 1 : i32
    scf.for %scan3A_120 = %scan3A_9 to %scan3A_11 step %scan3A_12  : i32 {
      %dma_wait3A_121 = arith.constant 0 : i32
      %dma_wait3A_122 = arith.constant 0 : i32
      %dma_wait3A_123 = tpu.memref_slice %arg10[%dma_wait3A_121, %dma_wait3A_122] : memref<128x64xf32, #tpu.memory_space<vmem>> -> memref<1x64xf32, #tpu.memory_space<vmem>>
      %dma_wait3A_124 = arith.constant 0 : i32
      %dma_wait3A_125 = arith.constant 0 : i32
      %dma_wait3A_126 = tpu.memref_slice %arg4[%dma_wait3A_124, %dma_wait3A_125] : memref<1000000x64xf32, #tpu.memory_space<hbm>> -> memref<1x64xf32, #tpu.memory_space<hbm>>
      %dma_wait3A_127 = arith.constant 0 : i32
      %dma_wait3A_128 = arith.constant 0 : i32
      %dma_wait3A_129 = tpu.memref_slice %arg10[%dma_wait3A_127, %dma_wait3A_128] : memref<128x64xf32, #tpu.memory_space<vmem>> -> memref<1x64xf32, #tpu.memory_space<vmem>>
      %dma_wait3A_130 = arith.constant 0 : i32
      %dma_wait3A_131 = arith.constant 0 : i32
      %dma_wait3A_132 = tpu.memref_slice %arg4[%dma_wait3A_130, %dma_wait3A_131] : memref<1000000x64xf32, #tpu.memory_space<hbm>> -> memref<1x64xf32, #tpu.memory_space<hbm>>
      tpu.wait_dma2 semaphore(%arg14 : memref<!tpu.dma_semaphore, #tpu.memory_space<semaphore_mem>>) src(%dma_wait3A_132 : memref<1x64xf32, #tpu.memory_space<hbm>>) dst(%dma_wait3A_129 : memref<1x64xf32, #tpu.memory_space<vmem>>)
      %dma_wait3A_133 = arith.constant 0 : i32
      %dma_wait3A_134 = arith.constant 0 : i32
      %dma_wait3A_135 = tpu.memref_slice %arg12[%dma_wait3A_133, %dma_wait3A_134] : memref<128x64xf32, #tpu.memory_space<vmem>> -> memref<1x64xf32, #tpu.memory_space<vmem>>
      %dma_wait3A_136 = arith.constant 0 : i32
      %dma_wait3A_137 = arith.constant 0 : i32
      %dma_wait3A_138 = tpu.memref_slice %arg5[%dma_wait3A_136, %dma_wait3A_137] : memref<100000x64xf32, #tpu.memory_space<hbm>> -> memref<1x64xf32, #tpu.memory_space<hbm>>
      %dma_wait3A_139 = arith.constant 0 : i32
      %dma_wait3A_140 = arith.constant 0 : i32
      %dma_wait3A_141 = tpu.memref_slice %arg12[%dma_wait3A_139, %dma_wait3A_140] : memref<128x64xf32, #tpu.memory_space<vmem>> -> memref<1x64xf32, #tpu.memory_space<vmem>>
      %dma_wait3A_142 = arith.constant 0 : i32
      %dma_wait3A_143 = arith.constant 0 : i32
      %dma_wait3A_144 = tpu.memref_slice %arg5[%dma_wait3A_142, %dma_wait3A_143] : memref<100000x64xf32, #tpu.memory_space<hbm>> -> memref<1x64xf32, #tpu.memory_space<hbm>>
      tpu.wait_dma2 semaphore(%arg14 : memref<!tpu.dma_semaphore, #tpu.memory_space<semaphore_mem>>) src(%dma_wait3A_144 : memref<1x64xf32, #tpu.memory_space<hbm>>) dst(%dma_wait3A_141 : memref<1x64xf32, #tpu.memory_space<vmem>>)
    }
    %scan3A_13 = arith.constant 128 : i32
    %add3A_14 = arith.constant 0 : i32
    %add3A_15 = arith.addi %mul3A_2, %add3A_14 : i32
    %dma_start3A = arith.constant 0 : i32
    %dma_start3A_16 = tpu.memref_slice %arg6[%add3A_15, %dma_start3A] : memref<16384x64xf32, #tpu.memory_space<hbm>> -> memref<128x64xf32, #tpu.memory_space<hbm>>
    %dma_start3A_17 = arith.constant 0 : i32
    %dma_start3A_18 = tpu.memref_slice %arg6[%add3A_15, %dma_start3A_17] : memref<16384x64xf32, #tpu.memory_space<hbm>> -> memref<128x64xf32, #tpu.memory_space<hbm>>
    tpu.enqueue_dma source(%arg10 : memref<128x64xf32, #tpu.memory_space<vmem>>) target(%dma_start3A_18 : memref<128x64xf32, #tpu.memory_space<hbm>>) target_semaphore(%arg15 : memref<!tpu.dma_semaphore, #tpu.memory_space<semaphore_mem>>)
    %dma_start3A_19 = arith.constant 0 : i32
    %dma_start3A_20 = tpu.memref_slice %arg7[%add3A_15, %dma_start3A_19] : memref<16384x64xf32, #tpu.memory_space<hbm>> -> memref<128x64xf32, #tpu.memory_space<hbm>>
    %dma_start3A_21 = arith.constant 0 : i32
    %dma_start3A_22 = tpu.memref_slice %arg7[%add3A_15, %dma_start3A_21] : memref<16384x64xf32, #tpu.memory_space<hbm>> -> memref<128x64xf32, #tpu.memory_space<hbm>>
    tpu.enqueue_dma source(%arg12 : memref<128x64xf32, #tpu.memory_space<vmem>>) target(%dma_start3A_22 : memref<128x64xf32, #tpu.memory_space<hbm>>) target_semaphore(%arg15 : memref<!tpu.dma_semaphore, #tpu.memory_space<semaphore_mem>>)
    %scan3A_23 = arith.constant 0 : i32
    %scan3A_24 = arith.constant 0 : i32
    %scan3A_25 = arith.constant 8 : i32
    %scan3A_26 = arith.addi %scan3A_24, %scan3A_25 : i32
    %scan3A_27 = arith.constant 1 : i32
    scf.for %scan3A_120 = %scan3A_24 to %scan3A_26 step %scan3A_27  : i32 {
      %mul3A_121 = arith.constant 16 : i32
      %mul3A_122 = arith.muli %scan3A_120, %mul3A_121 : i32
      %add3A_123 = arith.constant 128 : i32
      %add3A_124 = arith.addi %add3A_123, %mul3A_122 : i32
      %get3A = arith.index_cast %add3A_124 : i32 to index
      %get3A_125 = tpu.vector_load %arg8[%get3A] {strides = array<i32>} : memref<512xi32, #tpu.memory_space<vmem>>, vector<16xi32>,
      %get3A_126 = vector.shape_cast %get3A_125 : vector<16xi32> to vector<16xi32>
      %mul3A_127 = arith.constant 16 : i32
      %mul3A_128 = arith.muli %scan3A_120, %mul3A_127 : i32
      %add3A_129 = arith.constant 128 : i32
      %add3A_130 = arith.addi %add3A_129, %mul3A_128 : i32
      %get3A_131 = arith.index_cast %add3A_130 : i32 to index
      %get3A_132 = tpu.vector_load %arg9[%get3A_131] {strides = array<i32>} : memref<512xi32, #tpu.memory_space<vmem>>, vector<16xi32>,
      %get3A_133 = vector.shape_cast %get3A_132 : vector<16xi32> to vector<16xi32>
      %slice3A = vector.extract_strided_slice %get3A_126 {offsets = [0], sizes = [1], strides = [1]} : vector<16xi32> to vector<1xi32>
      %squeeze3A = vector.extract %slice3A[0] : i32 from vector<1xi32>
      %mul3A_134 = arith.constant 16 : i32
      %mul3A_135 = arith.muli %scan3A_120, %mul3A_134 : i32
      %add3A_136 = arith.constant 0 : i32
      %add3A_137 = arith.addi %mul3A_135, %add3A_136 : i32
      %dma_start3A_138 = arith.constant 0 : i32
      %dma_start3A_139 = tpu.memref_slice %arg11[%add3A_137, %dma_start3A_138] : memref<128x64xf32, #tpu.memory_space<vmem>> -> memref<1x64xf32, #tpu.memory_space<vmem>>
      %dma_start3A_140 = arith.constant 0 : i32
      %dma_start3A_141 = tpu.memref_slice %arg4[%squeeze3A, %dma_start3A_140] : memref<1000000x64xf32, #tpu.memory_space<hbm>> -> memref<1x64xf32, #tpu.memory_space<hbm>>
      %dma_start3A_142 = arith.constant 0 : i32
      %dma_start3A_143 = tpu.memref_slice %arg11[%add3A_137, %dma_start3A_142] : memref<128x64xf32, #tpu.memory_space<vmem>> -> memref<1x64xf32, #tpu.memory_space<vmem>>
      %dma_start3A_144 = arith.constant 0 : i32
      %dma_start3A_145 = tpu.memref_slice %arg4[%squeeze3A, %dma_start3A_144] : memref<1000000x64xf32, #tpu.memory_space<hbm>> -> memref<1x64xf32, #tpu.memory_space<hbm>>
      tpu.enqueue_dma source(%dma_start3A_145 : memref<1x64xf32, #tpu.memory_space<hbm>>) target(%dma_start3A_143 : memref<1x64xf32, #tpu.memory_space<vmem>>) target_semaphore(%arg14 : memref<!tpu.dma_semaphore, #tpu.memory_space<semaphore_mem>>)
      %slice3A_146 = vector.extract_strided_slice %get3A_133 {offsets = [0], sizes = [1], strides = [1]} : vector<16xi32> to vector<1xi32>
      %squeeze3A_147 = vector.extract %slice3A_146[0] : i32 from vector<1xi32>
      %mul3A_148 = arith.constant 16 : i32
      %mul3A_149 = arith.muli %scan3A_120, %mul3A_148 : i32
      %add3A_150 = arith.constant 0 : i32
      %add3A_151 = arith.addi %mul3A_149, %add3A_150 : i32
      %dma_start3A_152 = arith.constant 0 : i32
      %dma_start3A_153 = tpu.memref_slice %arg13[%add3A_151, %dma_start3A_152] : memref<128x64xf32, #tpu.memory_space<vmem>> -> memref<1x64xf32, #tpu.memory_space<vmem>>
      %dma_start3A_154 = arith.constant 0 : i32
      %dma_start3A_155 = tpu.memref_slice %arg5[%squeeze3A_147, %dma_start3A_154] : memref<100000x64xf32, #tpu.memory_space<hbm>> -> memref<1x64xf32, #tpu.memory_space<hbm>>
      %dma_start3A_156 = arith.constant 0 : i32
      %dma_start3A_157 = tpu.memref_slice %arg13[%add3A_151, %dma_start3A_156] : memref<128x64xf32, #tpu.memory_space<vmem>> -> memref<1x64xf32, #tpu.memory_space<vmem>>
      %dma_start3A_158 = arith.constant 0 : i32
      %dma_start3A_159 = tpu.memref_slice %arg5[%squeeze3A_147, %dma_start3A_158] : memref<100000x64xf32, #tpu.memory_space<hbm>> -> memref<1x64xf32, #tpu.memory_space<hbm>>
      tpu.enqueue_dma source(%dma_start3A_159 : memref<1x64xf32, #tpu.memory_space<hbm>>) target(%dma_start3A_157 : memref<1x64xf32, #tpu.memory_space<vmem>>) target_semaphore(%arg14 : memref<!tpu.dma_semaphore, #tpu.memory_space<semaphore_mem>>)
      %slice3A_160 = vector.extract_strided_slice %get3A_126 {offsets = [1], sizes = [1], strides = [1]} : vector<16xi32> to vector<1xi32>
      %squeeze3A_161 = vector.extract %slice3A_160[0] : i32 from vector<1xi32>
      %mul3A_162 = arith.constant 16 : i32
      %mul3A_163 = arith.muli %scan3A_120, %mul3A_162 : i32
      %add3A_164 = arith.constant 1 : i32
      %add3A_165 = arith.addi %mul3A_163, %add3A_164 : i32
      %dma_start3A_166 = arith.constant 0 : i32
      %dma_start3A_167 = tpu.memref_slice %arg11[%add3A_165, %dma_start3A_166] : memref<128x64xf32, #tpu.memory_space<vmem>> -> memref<1x64xf32, #tpu.memory_space<vmem>>
      %dma_start3A_168 = arith.constant 0 : i32
      %dma_start3A_169 = tpu.memref_slice %arg4[%squeeze3A_161, %dma_start3A_168] : memref<1000000x64xf32, #tpu.memory_space<hbm>> -> memref<1x64xf32, #tpu.memory_space<hbm>>
      %dma_start3A_170 = arith.constant 0 : i32
      %dma_start3A_171 = tpu.memref_slice %arg11[%add3A_165, %dma_start3A_170] : memref<128x64xf32, #tpu.memory_space<vmem>> -> memref<1x64xf32, #tpu.memory_space<vmem>>
      %dma_start3A_172 = arith.constant 0 : i32
      %dma_start3A_173 = tpu.memref_slice %arg4[%squeeze3A_161, %dma_start3A_172] : memref<1000000x64xf32, #tpu.memory_space<hbm>> -> memref<1x64xf32, #tpu.memory_space<hbm>>
      tpu.enqueue_dma source(%dma_start3A_173 : memref<1x64xf32, #tpu.memory_space<hbm>>) target(%dma_start3A_171 : memref<1x64xf32, #tpu.memory_space<vmem>>) target_semaphore(%arg14 : memref<!tpu.dma_semaphore, #tpu.memory_space<semaphore_mem>>)
      %slice3A_174 = vector.extract_strided_slice %get3A_133 {offsets = [1], sizes = [1], strides = [1]} : vector<16xi32> to vector<1xi32>
      %squeeze3A_175 = vector.extract %slice3A_174[0] : i32 from vector<1xi32>
      %mul3A_176 = arith.constant 16 : i32
      %mul3A_177 = arith.muli %scan3A_120, %mul3A_176 : i32
      %add3A_178 = arith.constant 1 : i32
      %add3A_179 = arith.addi %mul3A_177, %add3A_178 : i32
      %dma_start3A_180 = arith.constant 0 : i32
      %dma_start3A_181 = tpu.memref_slice %arg13[%add3A_179, %dma_start3A_180] : memref<128x64xf32, #tpu.memory_space<vmem>> -> memref<1x64xf32, #tpu.memory_space<vmem>>
      %dma_start3A_182 = arith.constant 0 : i32
      %dma_start3A_183 = tpu.memref_slice %arg5[%squeeze3A_175, %dma_start3A_182] : memref<100000x64xf32, #tpu.memory_space<hbm>> -> memref<1x64xf32, #tpu.memory_space<hbm>>
      %dma_start3A_184 = arith.constant 0 : i32
      %dma_start3A_185 = tpu.memref_slice %arg13[%add3A_179, %dma_start3A_184] : memref<128x64xf32, #tpu.memory_space<vmem>> -> memref<1x64xf32, #tpu.memory_space<vmem>>
      %dma_start3A_186 = arith.constant 0 : i32
      %dma_start3A_187 = tpu.memref_slice %arg5[%squeeze3A_175, %dma_start3A_186] : memref<100000x64xf32, #tpu.memory_space<hbm>> -> memref<1x64xf32, #tpu.memory_space<hbm>>
      tpu.enqueue_dma source(%dma_start3A_187 : memref<1x64xf32, #tpu.memory_space<hbm>>) target(%dma_start3A_185 : memref<1x64xf32, #tpu.memory_space<vmem>>) target_semaphore(%arg14 : memref<!tpu.dma_semaphore, #tpu.memory_space<semaphore_mem>>)
      %slice3A_188 = vector.extract_strided_slice %get3A_126 {offsets = [2], sizes = [1], strides = [1]} : vector<16xi32> to vector<1xi32>
      %squeeze3A_189 = vector.extract %slice3A_188[0] : i32 from vector<1xi32>
      %mul3A_190 = arith.constant 16 : i32
      %mul3A_191 = arith.muli %scan3A_120, %mul3A_190 : i32
      %add3A_192 = arith.constant 2 : i32
      %add3A_193 = arith.addi %mul3A_191, %add3A_192 : i32
      %dma_start3A_194 = arith.constant 0 : i32
      %dma_start3A_195 = tpu.memref_slice %arg11[%add3A_193, %dma_start3A_194] : memref<128x64xf32, #tpu.memory_space<vmem>> -> memref<1x64xf32, #tpu.memory_space<vmem>>
      %dma_start3A_196 = arith.constant 0 : i32
      %dma_start3A_197 = tpu.memref_slice %arg4[%squeeze3A_189, %dma_start3A_196] : memref<1000000x64xf32, #tpu.memory_space<hbm>> -> memref<1x64xf32, #tpu.memory_space<hbm>>
      %dma_start3A_198 = arith.constant 0 : i32
      %dma_start3A_199 = tpu.memref_slice %arg11[%add3A_193, %dma_start3A_198] : memref<128x64xf32, #tpu.memory_space<vmem>> -> memref<1x64xf32, #tpu.memory_space<vmem>>
      %dma_start3A_200 = arith.constant 0 : i32
      %dma_start3A_201 = tpu.memref_slice %arg4[%squeeze3A_189, %dma_start3A_200] : memref<1000000x64xf32, #tpu.memory_space<hbm>> -> memref<1x64xf32, #tpu.memory_space<hbm>>
      tpu.enqueue_dma source(%dma_start3A_201 : memref<1x64xf32, #tpu.memory_space<hbm>>) target(%dma_start3A_199 : memref<1x64xf32, #tpu.memory_space<vmem>>) target_semaphore(%arg14 : memref<!tpu.dma_semaphore, #tpu.memory_space<semaphore_mem>>)
      %slice3A_202 = vector.extract_strided_slice %get3A_133 {offsets = [2], sizes = [1], strides = [1]} : vector<16xi32> to vector<1xi32>
      %squeeze3A_203 = vector.extract %slice3A_202[0] : i32 from vector<1xi32>
      %mul3A_204 = arith.constant 16 : i32
      %mul3A_205 = arith.muli %scan3A_120, %mul3A_204 : i32
      %add3A_206 = arith.constant 2 : i32
      %add3A_207 = arith.addi %mul3A_205, %add3A_206 : i32
      %dma_start3A_208 = arith.constant 0 : i32
      %dma_start3A_209 = tpu.memref_slice %arg13[%add3A_207, %dma_start3A_208] : memref<128x64xf32, #tpu.memory_space<vmem>> -> memref<1x64xf32, #tpu.memory_space<vmem>>
      %dma_start3A_210 = arith.constant 0 : i32
      %dma_start3A_211 = tpu.memref_slice %arg5[%squeeze3A_203, %dma_start3A_210] : memref<100000x64xf32, #tpu.memory_space<hbm>> -> memref<1x64xf32, #tpu.memory_space<hbm>>
      %dma_start3A_212 = arith.constant 0 : i32
      %dma_start3A_213 = tpu.memref_slice %arg13[%add3A_207, %dma_start3A_212] : memref<128x64xf32, #tpu.memory_space<vmem>> -> memref<1x64xf32, #tpu.memory_space<vmem>>
      %dma_start3A_214 = arith.constant 0 : i32
      %dma_start3A_215 = tpu.memref_slice %arg5[%squeeze3A_203, %dma_start3A_214] : memref<100000x64xf32, #tpu.memory_space<hbm>> -> memref<1x64xf32, #tpu.memory_space<hbm>>
      tpu.enqueue_dma source(%dma_start3A_215 : memref<1x64xf32, #tpu.memory_space<hbm>>) target(%dma_start3A_213 : memref<1x64xf32, #tpu.memory_space<vmem>>) target_semaphore(%arg14 : memref<!tpu.dma_semaphore, #tpu.memory_space<semaphore_mem>>)
      %slice3A_216 = vector.extract_strided_slice %get3A_126 {offsets = [3], sizes = [1], strides = [1]} : vector<16xi32> to vector<1xi32>
      %squeeze3A_217 = vector.extract %slice3A_216[0] : i32 from vector<1xi32>
      %mul3A_218 = arith.constant 16 : i32
      %mul3A_219 = arith.muli %scan3A_120, %mul3A_218 : i32
      %add3A_220 = arith.constant 3 : i32
      %add3A_221 = arith.addi %mul3A_219, %add3A_220 : i32
      %dma_start3A_222 = arith.constant 0 : i32
      %dma_start3A_223 = tpu.memref_slice %arg11[%add3A_221, %dma_start3A_222] : memref<128x64xf32, #tpu.memory_space<vmem>> -> memref<1x64xf32, #tpu.memory_space<vmem>>
      %dma_start3A_224 = arith.constant 0 : i32
      %dma_start3A_225 = tpu.memref_slice %arg4[%squeeze3A_217, %dma_start3A_224] : memref<1000000x64xf32, #tpu.memory_space<hbm>> -> memref<1x64xf32, #tpu.memory_space<hbm>>
      %dma_start3A_226 = arith.constant 0 : i32
      %dma_start3A_227 = tpu.memref_slice %arg11[%add3A_221, %dma_start3A_226] : memref<128x64xf32, #tpu.memory_space<vmem>> -> memref<1x64xf32, #tpu.memory_space<vmem>>
      %dma_start3A_228 = arith.constant 0 : i32
      %dma_start3A_229 = tpu.memref_slice %arg4[%squeeze3A_217, %dma_start3A_228] : memref<1000000x64xf32, #tpu.memory_space<hbm>> -> memref<1x64xf32, #tpu.memory_space<hbm>>
      tpu.enqueue_dma source(%dma_start3A_229 : memref<1x64xf32, #tpu.memory_space<hbm>>) target(%dma_start3A_227 : memref<1x64xf32, #tpu.memory_space<vmem>>) target_semaphore(%arg14 : memref<!tpu.dma_semaphore, #tpu.memory_space<semaphore_mem>>)
      %slice3A_230 = vector.extract_strided_slice %get3A_133 {offsets = [3], sizes = [1], strides = [1]} : vector<16xi32> to vector<1xi32>
      %squeeze3A_231 = vector.extract %slice3A_230[0] : i32 from vector<1xi32>
      %mul3A_232 = arith.constant 16 : i32
      %mul3A_233 = arith.muli %scan3A_120, %mul3A_232 : i32
      %add3A_234 = arith.constant 3 : i32
      %add3A_235 = arith.addi %mul3A_233, %add3A_234 : i32
      %dma_start3A_236 = arith.constant 0 : i32
      %dma_start3A_237 = tpu.memref_slice %arg13[%add3A_235, %dma_start3A_236] : memref<128x64xf32, #tpu.memory_space<vmem>> -> memref<1x64xf32, #tpu.memory_space<vmem>>
      %dma_start3A_238 = arith.constant 0 : i32
      %dma_start3A_239 = tpu.memref_slice %arg5[%squeeze3A_231, %dma_start3A_238] : memref<100000x64xf32, #tpu.memory_space<hbm>> -> memref<1x64xf32, #tpu.memory_space<hbm>>
      %dma_start3A_240 = arith.constant 0 : i32
      %dma_start3A_241 = tpu.memref_slice %arg13[%add3A_235, %dma_start3A_240] : memref<128x64xf32, #tpu.memory_space<vmem>> -> memref<1x64xf32, #tpu.memory_space<vmem>>
      %dma_start3A_242 = arith.constant 0 : i32
      %dma_start3A_243 = tpu.memref_slice %arg5[%squeeze3A_231, %dma_start3A_242] : memref<100000x64xf32, #tpu.memory_space<hbm>> -> memref<1x64xf32, #tpu.memory_space<hbm>>
      tpu.enqueue_dma source(%dma_start3A_243 : memref<1x64xf32, #tpu.memory_space<hbm>>) target(%dma_start3A_241 : memref<1x64xf32, #tpu.memory_space<vmem>>) target_semaphore(%arg14 : memref<!tpu.dma_semaphore, #tpu.memory_space<semaphore_mem>>)
      %slice3A_244 = vector.extract_strided_slice %get3A_126 {offsets = [4], sizes = [1], strides = [1]} : vector<16xi32> to vector<1xi32>
      %squeeze3A_245 = vector.extract %slice3A_244[0] : i32 from vector<1xi32>
      %mul3A_246 = arith.constant 16 : i32
      %mul3A_247 = arith.muli %scan3A_120, %mul3A_246 : i32
      %add3A_248 = arith.constant 4 : i32
      %add3A_249 = arith.addi %mul3A_247, %add3A_248 : i32
      %dma_start3A_250 = arith.constant 0 : i32
      %dma_start3A_251 = tpu.memref_slice %arg11[%add3A_249, %dma_start3A_250] : memref<128x64xf32, #tpu.memory_space<vmem>> -> memref<1x64xf32, #tpu.memory_space<vmem>>
      %dma_start3A_252 = arith.constant 0 : i32
      %dma_start3A_253 = tpu.memref_slice %arg4[%squeeze3A_245, %dma_start3A_252] : memref<1000000x64xf32, #tpu.memory_space<hbm>> -> memref<1x64xf32, #tpu.memory_space<hbm>>
      %dma_start3A_254 = arith.constant 0 : i32
      %dma_start3A_255 = tpu.memref_slice %arg11[%add3A_249, %dma_start3A_254] : memref<128x64xf32, #tpu.memory_space<vmem>> -> memref<1x64xf32, #tpu.memory_space<vmem>>
      %dma_start3A_256 = arith.constant 0 : i32
      %dma_start3A_257 = tpu.memref_slice %arg4[%squeeze3A_245, %dma_start3A_256] : memref<1000000x64xf32, #tpu.memory_space<hbm>> -> memref<1x64xf32, #tpu.memory_space<hbm>>
      tpu.enqueue_dma source(%dma_start3A_257 : memref<1x64xf32, #tpu.memory_space<hbm>>) target(%dma_start3A_255 : memref<1x64xf32, #tpu.memory_space<vmem>>) target_semaphore(%arg14 : memref<!tpu.dma_semaphore, #tpu.memory_space<semaphore_mem>>)
      %slice3A_258 = vector.extract_strided_slice %get3A_133 {offsets = [4], sizes = [1], strides = [1]} : vector<16xi32> to vector<1xi32>
      %squeeze3A_259 = vector.extract %slice3A_258[0] : i32 from vector<1xi32>
      %mul3A_260 = arith.constant 16 : i32
      %mul3A_261 = arith.muli %scan3A_120, %mul3A_260 : i32
      %add3A_262 = arith.constant 4 : i32
      %add3A_263 = arith.addi %mul3A_261, %add3A_262 : i32
      %dma_start3A_264 = arith.constant 0 : i32
      %dma_start3A_265 = tpu.memref_slice %arg13[%add3A_263, %dma_start3A_264] : memref<128x64xf32, #tpu.memory_space<vmem>> -> memref<1x64xf32, #tpu.memory_space<vmem>>
      %dma_start3A_266 = arith.constant 0 : i32
      %dma_start3A_267 = tpu.memref_slice %arg5[%squeeze3A_259, %dma_start3A_266] : memref<100000x64xf32, #tpu.memory_space<hbm>> -> memref<1x64xf32, #tpu.memory_space<hbm>>
      %dma_start3A_268 = arith.constant 0 : i32
      %dma_start3A_269 = tpu.memref_slice %arg13[%add3A_263, %dma_start3A_268] : memref<128x64xf32, #tpu.memory_space<vmem>> -> memref<1x64xf32, #tpu.memory_space<vmem>>
      %dma_start3A_270 = arith.constant 0 : i32
      %dma_start3A_271 = tpu.memref_slice %arg5[%squeeze3A_259, %dma_start3A_270] : memref<100000x64xf32, #tpu.memory_space<hbm>> -> memref<1x64xf32, #tpu.memory_space<hbm>>
      tpu.enqueue_dma source(%dma_start3A_271 : memref<1x64xf32, #tpu.memory_space<hbm>>) target(%dma_start3A_269 : memref<1x64xf32, #tpu.memory_space<vmem>>) target_semaphore(%arg14 : memref<!tpu.dma_semaphore, #tpu.memory_space<semaphore_mem>>)
      %slice3A_272 = vector.extract_strided_slice %get3A_126 {offsets = [5], sizes = [1], strides = [1]} : vector<16xi32> to vector<1xi32>
      %squeeze3A_273 = vector.extract %slice3A_272[0] : i32 from vector<1xi32>
      %mul3A_274 = arith.constant 16 : i32
      %mul3A_275 = arith.muli %scan3A_120, %mul3A_274 : i32
      %add3A_276 = arith.constant 5 : i32
      %add3A_277 = arith.addi %mul3A_275, %add3A_276 : i32
      %dma_start3A_278 = arith.constant 0 : i32
      %dma_start3A_279 = tpu.memref_slice %arg11[%add3A_277, %dma_start3A_278] : memref<128x64xf32, #tpu.memory_space<vmem>> -> memref<1x64xf32, #tpu.memory_space<vmem>>
      %dma_start3A_280 = arith.constant 0 : i32
      %dma_start3A_281 = tpu.memref_slice %arg4[%squeeze3A_273, %dma_start3A_280] : memref<1000000x64xf32, #tpu.memory_space<hbm>> -> memref<1x64xf32, #tpu.memory_space<hbm>>
      %dma_start3A_282 = arith.constant 0 : i32
      %dma_start3A_283 = tpu.memref_slice %arg11[%add3A_277, %dma_start3A_282] : memref<128x64xf32, #tpu.memory_space<vmem>> -> memref<1x64xf32, #tpu.memory_space<vmem>>
      %dma_start3A_284 = arith.constant 0 : i32
      %dma_start3A_285 = tpu.memref_slice %arg4[%squeeze3A_273, %dma_start3A_284] : memref<1000000x64xf32, #tpu.memory_space<hbm>> -> memref<1x64xf32, #tpu.memory_space<hbm>>
      tpu.enqueue_dma source(%dma_start3A_285 : memref<1x64xf32, #tpu.memory_space<hbm>>) target(%dma_start3A_283 : memref<1x64xf32, #tpu.memory_space<vmem>>) target_semaphore(%arg14 : memref<!tpu.dma_semaphore, #tpu.memory_space<semaphore_mem>>)
      %slice3A_286 = vector.extract_strided_slice %get3A_133 {offsets = [5], sizes = [1], strides = [1]} : vector<16xi32> to vector<1xi32>
      %squeeze3A_287 = vector.extract %slice3A_286[0] : i32 from vector<1xi32>
      %mul3A_288 = arith.constant 16 : i32
      %mul3A_289 = arith.muli %scan3A_120, %mul3A_288 : i32
      %add3A_290 = arith.constant 5 : i32
      %add3A_291 = arith.addi %mul3A_289, %add3A_290 : i32
      %dma_start3A_292 = arith.constant 0 : i32
      %dma_start3A_293 = tpu.memref_slice %arg13[%add3A_291, %dma_start3A_292] : memref<128x64xf32, #tpu.memory_space<vmem>> -> memref<1x64xf32, #tpu.memory_space<vmem>>
      %dma_start3A_294 = arith.constant 0 : i32
      %dma_start3A_295 = tpu.memref_slice %arg5[%squeeze3A_287, %dma_start3A_294] : memref<100000x64xf32, #tpu.memory_space<hbm>> -> memref<1x64xf32, #tpu.memory_space<hbm>>
      %dma_start3A_296 = arith.constant 0 : i32
      %dma_start3A_297 = tpu.memref_slice %arg13[%add3A_291, %dma_start3A_296] : memref<128x64xf32, #tpu.memory_space<vmem>> -> memref<1x64xf32, #tpu.memory_space<vmem>>
      %dma_start3A_298 = arith.constant 0 : i32
      %dma_start3A_299 = tpu.memref_slice %arg5[%squeeze3A_287, %dma_start3A_298] : memref<100000x64xf32, #tpu.memory_space<hbm>> -> memref<1x64xf32, #tpu.memory_space<hbm>>
      tpu.enqueue_dma source(%dma_start3A_299 : memref<1x64xf32, #tpu.memory_space<hbm>>) target(%dma_start3A_297 : memref<1x64xf32, #tpu.memory_space<vmem>>) target_semaphore(%arg14 : memref<!tpu.dma_semaphore, #tpu.memory_space<semaphore_mem>>)
      %slice3A_300 = vector.extract_strided_slice %get3A_126 {offsets = [6], sizes = [1], strides = [1]} : vector<16xi32> to vector<1xi32>
      %squeeze3A_301 = vector.extract %slice3A_300[0] : i32 from vector<1xi32>
      %mul3A_302 = arith.constant 16 : i32
      %mul3A_303 = arith.muli %scan3A_120, %mul3A_302 : i32
      %add3A_304 = arith.constant 6 : i32
      %add3A_305 = arith.addi %mul3A_303, %add3A_304 : i32
      %dma_start3A_306 = arith.constant 0 : i32
      %dma_start3A_307 = tpu.memref_slice %arg11[%add3A_305, %dma_start3A_306] : memref<128x64xf32, #tpu.memory_space<vmem>> -> memref<1x64xf32, #tpu.memory_space<vmem>>
      %dma_start3A_308 = arith.constant 0 : i32
      %dma_start3A_309 = tpu.memref_slice %arg4[%squeeze3A_301, %dma_start3A_308] : memref<1000000x64xf32, #tpu.memory_space<hbm>> -> memref<1x64xf32, #tpu.memory_space<hbm>>
      %dma_start3A_310 = arith.constant 0 : i32
      %dma_start3A_311 = tpu.memref_slice %arg11[%add3A_305, %dma_start3A_310] : memref<128x64xf32, #tpu.memory_space<vmem>> -> memref<1x64xf32, #tpu.memory_space<vmem>>
      %dma_start3A_312 = arith.constant 0 : i32
      %dma_start3A_313 = tpu.memref_slice %arg4[%squeeze3A_301, %dma_start3A_312] : memref<1000000x64xf32, #tpu.memory_space<hbm>> -> memref<1x64xf32, #tpu.memory_space<hbm>>
      tpu.enqueue_dma source(%dma_start3A_313 : memref<1x64xf32, #tpu.memory_space<hbm>>) target(%dma_start3A_311 : memref<1x64xf32, #tpu.memory_space<vmem>>) target_semaphore(%arg14 : memref<!tpu.dma_semaphore, #tpu.memory_space<semaphore_mem>>)
      %slice3A_314 = vector.extract_strided_slice %get3A_133 {offsets = [6], sizes = [1], strides = [1]} : vector<16xi32> to vector<1xi32>
      %squeeze3A_315 = vector.extract %slice3A_314[0] : i32 from vector<1xi32>
      %mul3A_316 = arith.constant 16 : i32
      %mul3A_317 = arith.muli %scan3A_120, %mul3A_316 : i32
      %add3A_318 = arith.constant 6 : i32
      %add3A_319 = arith.addi %mul3A_317, %add3A_318 : i32
      %dma_start3A_320 = arith.constant 0 : i32
      %dma_start3A_321 = tpu.memref_slice %arg13[%add3A_319, %dma_start3A_320] : memref<128x64xf32, #tpu.memory_space<vmem>> -> memref<1x64xf32, #tpu.memory_space<vmem>>
      %dma_start3A_322 = arith.constant 0 : i32
      %dma_start3A_323 = tpu.memref_slice %arg5[%squeeze3A_315, %dma_start3A_322] : memref<100000x64xf32, #tpu.memory_space<hbm>> -> memref<1x64xf32, #tpu.memory_space<hbm>>
      %dma_start3A_324 = arith.constant 0 : i32
      %dma_start3A_325 = tpu.memref_slice %arg13[%add3A_319, %dma_start3A_324] : memref<128x64xf32, #tpu.memory_space<vmem>> -> memref<1x64xf32, #tpu.memory_space<vmem>>
      %dma_start3A_326 = arith.constant 0 : i32
      %dma_start3A_327 = tpu.memref_slice %arg5[%squeeze3A_315, %dma_start3A_326] : memref<100000x64xf32, #tpu.memory_space<hbm>> -> memref<1x64xf32, #tpu.memory_space<hbm>>
      tpu.enqueue_dma source(%dma_start3A_327 : memref<1x64xf32, #tpu.memory_space<hbm>>) target(%dma_start3A_325 : memref<1x64xf32, #tpu.memory_space<vmem>>) target_semaphore(%arg14 : memref<!tpu.dma_semaphore, #tpu.memory_space<semaphore_mem>>)
      %slice3A_328 = vector.extract_strided_slice %get3A_126 {offsets = [7], sizes = [1], strides = [1]} : vector<16xi32> to vector<1xi32>
      %squeeze3A_329 = vector.extract %slice3A_328[0] : i32 from vector<1xi32>
      %mul3A_330 = arith.constant 16 : i32
      %mul3A_331 = arith.muli %scan3A_120, %mul3A_330 : i32
      %add3A_332 = arith.constant 7 : i32
      %add3A_333 = arith.addi %mul3A_331, %add3A_332 : i32
      %dma_start3A_334 = arith.constant 0 : i32
      %dma_start3A_335 = tpu.memref_slice %arg11[%add3A_333, %dma_start3A_334] : memref<128x64xf32, #tpu.memory_space<vmem>> -> memref<1x64xf32, #tpu.memory_space<vmem>>
      %dma_start3A_336 = arith.constant 0 : i32
      %dma_start3A_337 = tpu.memref_slice %arg4[%squeeze3A_329, %dma_start3A_336] : memref<1000000x64xf32, #tpu.memory_space<hbm>> -> memref<1x64xf32, #tpu.memory_space<hbm>>
      %dma_start3A_338 = arith.constant 0 : i32
      %dma_start3A_339 = tpu.memref_slice %arg11[%add3A_333, %dma_start3A_338] : memref<128x64xf32, #tpu.memory_space<vmem>> -> memref<1x64xf32, #tpu.memory_space<vmem>>
      %dma_start3A_340 = arith.constant 0 : i32
      %dma_start3A_341 = tpu.memref_slice %arg4[%squeeze3A_329, %dma_start3A_340] : memref<1000000x64xf32, #tpu.memory_space<hbm>> -> memref<1x64xf32, #tpu.memory_space<hbm>>
      tpu.enqueue_dma source(%dma_start3A_341 : memref<1x64xf32, #tpu.memory_space<hbm>>) target(%dma_start3A_339 : memref<1x64xf32, #tpu.memory_space<vmem>>) target_semaphore(%arg14 : memref<!tpu.dma_semaphore, #tpu.memory_space<semaphore_mem>>)
      %slice3A_342 = vector.extract_strided_slice %get3A_133 {offsets = [7], sizes = [1], strides = [1]} : vector<16xi32> to vector<1xi32>
      %squeeze3A_343 = vector.extract %slice3A_342[0] : i32 from vector<1xi32>
      %mul3A_344 = arith.constant 16 : i32
      %mul3A_345 = arith.muli %scan3A_120, %mul3A_344 : i32
      %add3A_346 = arith.constant 7 : i32
      %add3A_347 = arith.addi %mul3A_345, %add3A_346 : i32
      %dma_start3A_348 = arith.constant 0 : i32
      %dma_start3A_349 = tpu.memref_slice %arg13[%add3A_347, %dma_start3A_348] : memref<128x64xf32, #tpu.memory_space<vmem>> -> memref<1x64xf32, #tpu.memory_space<vmem>>
      %dma_start3A_350 = arith.constant 0 : i32
      %dma_start3A_351 = tpu.memref_slice %arg5[%squeeze3A_343, %dma_start3A_350] : memref<100000x64xf32, #tpu.memory_space<hbm>> -> memref<1x64xf32, #tpu.memory_space<hbm>>
      %dma_start3A_352 = arith.constant 0 : i32
      %dma_start3A_353 = tpu.memref_slice %arg13[%add3A_347, %dma_start3A_352] : memref<128x64xf32, #tpu.memory_space<vmem>> -> memref<1x64xf32, #tpu.memory_space<vmem>>
      %dma_start3A_354 = arith.constant 0 : i32
      %dma_start3A_355 = tpu.memref_slice %arg5[%squeeze3A_343, %dma_start3A_354] : memref<100000x64xf32, #tpu.memory_space<hbm>> -> memref<1x64xf32, #tpu.memory_space<hbm>>
      tpu.enqueue_dma source(%dma_start3A_355 : memref<1x64xf32, #tpu.memory_space<hbm>>) target(%dma_start3A_353 : memref<1x64xf32, #tpu.memory_space<vmem>>) target_semaphore(%arg14 : memref<!tpu.dma_semaphore, #tpu.memory_space<semaphore_mem>>)
      %slice3A_356 = vector.extract_strided_slice %get3A_126 {offsets = [8], sizes = [1], strides = [1]} : vector<16xi32> to vector<1xi32>
      %squeeze3A_357 = vector.extract %slice3A_356[0] : i32 from vector<1xi32>
      %mul3A_358 = arith.constant 16 : i32
      %mul3A_359 = arith.muli %scan3A_120, %mul3A_358 : i32
      %add3A_360 = arith.constant 8 : i32
      %add3A_361 = arith.addi %mul3A_359, %add3A_360 : i32
      %dma_start3A_362 = arith.constant 0 : i32
      %dma_start3A_363 = tpu.memref_slice %arg11[%add3A_361, %dma_start3A_362] : memref<128x64xf32, #tpu.memory_space<vmem>> -> memref<1x64xf32, #tpu.memory_space<vmem>>
      %dma_start3A_364 = arith.constant 0 : i32
      %dma_start3A_365 = tpu.memref_slice %arg4[%squeeze3A_357, %dma_start3A_364] : memref<1000000x64xf32, #tpu.memory_space<hbm>> -> memref<1x64xf32, #tpu.memory_space<hbm>>
      %dma_start3A_366 = arith.constant 0 : i32
      %dma_start3A_367 = tpu.memref_slice %arg11[%add3A_361, %dma_start3A_366] : memref<128x64xf32, #tpu.memory_space<vmem>> -> memref<1x64xf32, #tpu.memory_space<vmem>>
      %dma_start3A_368 = arith.constant 0 : i32
      %dma_start3A_369 = tpu.memref_slice %arg4[%squeeze3A_357, %dma_start3A_368] : memref<1000000x64xf32, #tpu.memory_space<hbm>> -> memref<1x64xf32, #tpu.memory_space<hbm>>
      tpu.enqueue_dma source(%dma_start3A_369 : memref<1x64xf32, #tpu.memory_space<hbm>>) target(%dma_start3A_367 : memref<1x64xf32, #tpu.memory_space<vmem>>) target_semaphore(%arg14 : memref<!tpu.dma_semaphore, #tpu.memory_space<semaphore_mem>>)
      %slice3A_370 = vector.extract_strided_slice %get3A_133 {offsets = [8], sizes = [1], strides = [1]} : vector<16xi32> to vector<1xi32>
      %squeeze3A_371 = vector.extract %slice3A_370[0] : i32 from vector<1xi32>
      %mul3A_372 = arith.constant 16 : i32
      %mul3A_373 = arith.muli %scan3A_120, %mul3A_372 : i32
      %add3A_374 = arith.constant 8 : i32
      %add3A_375 = arith.addi %mul3A_373, %add3A_374 : i32
      %dma_start3A_376 = arith.constant 0 : i32
      %dma_start3A_377 = tpu.memref_slice %arg13[%add3A_375, %dma_start3A_376] : memref<128x64xf32, #tpu.memory_space<vmem>> -> memref<1x64xf32, #tpu.memory_space<vmem>>
      %dma_start3A_378 = arith.constant 0 : i32
      %dma_start3A_379 = tpu.memref_slice %arg5[%squeeze3A_371, %dma_start3A_378] : memref<100000x64xf32, #tpu.memory_space<hbm>> -> memref<1x64xf32, #tpu.memory_space<hbm>>
      %dma_start3A_380 = arith.constant 0 : i32
      %dma_start3A_381 = tpu.memref_slice %arg13[%add3A_375, %dma_start3A_380] : memref<128x64xf32, #tpu.memory_space<vmem>> -> memref<1x64xf32, #tpu.memory_space<vmem>>
      %dma_start3A_382 = arith.constant 0 : i32
      %dma_start3A_383 = tpu.memref_slice %arg5[%squeeze3A_371, %dma_start3A_382] : memref<100000x64xf32, #tpu.memory_space<hbm>> -> memref<1x64xf32, #tpu.memory_space<hbm>>
      tpu.enqueue_dma source(%dma_start3A_383 : memref<1x64xf32, #tpu.memory_space<hbm>>) target(%dma_start3A_381 : memref<1x64xf32, #tpu.memory_space<vmem>>) target_semaphore(%arg14 : memref<!tpu.dma_semaphore, #tpu.memory_space<semaphore_mem>>)
      %slice3A_384 = vector.extract_strided_slice %get3A_126 {offsets = [9], sizes = [1], strides = [1]} : vector<16xi32> to vector<1xi32>
      %squeeze3A_385 = vector.extract %slice3A_384[0] : i32 from vector<1xi32>
      %mul3A_386 = arith.constant 16 : i32
      %mul3A_387 = arith.muli %scan3A_120, %mul3A_386 : i32
      %add3A_388 = arith.constant 9 : i32
      %add3A_389 = arith.addi %mul3A_387, %add3A_388 : i32
      %dma_start3A_390 = arith.constant 0 : i32
      %dma_start3A_391 = tpu.memref_slice %arg11[%add3A_389, %dma_start3A_390] : memref<128x64xf32, #tpu.memory_space<vmem>> -> memref<1x64xf32, #tpu.memory_space<vmem>>
      %dma_start3A_392 = arith.constant 0 : i32
      %dma_start3A_393 = tpu.memref_slice %arg4[%squeeze3A_385, %dma_start3A_392] : memref<1000000x64xf32, #tpu.memory_space<hbm>> -> memref<1x64xf32, #tpu.memory_space<hbm>>
      %dma_start3A_394 = arith.constant 0 : i32
      %dma_start3A_395 = tpu.memref_slice %arg11[%add3A_389, %dma_start3A_394] : memref<128x64xf32, #tpu.memory_space<vmem>> -> memref<1x64xf32, #tpu.memory_space<vmem>>
      %dma_start3A_396 = arith.constant 0 : i32
      %dma_start3A_397 = tpu.memref_slice %arg4[%squeeze3A_385, %dma_start3A_396] : memref<1000000x64xf32, #tpu.memory_space<hbm>> -> memref<1x64xf32, #tpu.memory_space<hbm>>
      tpu.enqueue_dma source(%dma_start3A_397 : memref<1x64xf32, #tpu.memory_space<hbm>>) target(%dma_start3A_395 : memref<1x64xf32, #tpu.memory_space<vmem>>) target_semaphore(%arg14 : memref<!tpu.dma_semaphore, #tpu.memory_space<semaphore_mem>>)
      %slice3A_398 = vector.extract_strided_slice %get3A_133 {offsets = [9], sizes = [1], strides = [1]} : vector<16xi32> to vector<1xi32>
      %squeeze3A_399 = vector.extract %slice3A_398[0] : i32 from vector<1xi32>
      %mul3A_400 = arith.constant 16 : i32
      %mul3A_401 = arith.muli %scan3A_120, %mul3A_400 : i32
      %add3A_402 = arith.constant 9 : i32
      %add3A_403 = arith.addi %mul3A_401, %add3A_402 : i32
      %dma_start3A_404 = arith.constant 0 : i32
      %dma_start3A_405 = tpu.memref_slice %arg13[%add3A_403, %dma_start3A_404] : memref<128x64xf32, #tpu.memory_space<vmem>> -> memref<1x64xf32, #tpu.memory_space<vmem>>
      %dma_start3A_406 = arith.constant 0 : i32
      %dma_start3A_407 = tpu.memref_slice %arg5[%squeeze3A_399, %dma_start3A_406] : memref<100000x64xf32, #tpu.memory_space<hbm>> -> memref<1x64xf32, #tpu.memory_space<hbm>>
      %dma_start3A_408 = arith.constant 0 : i32
      %dma_start3A_409 = tpu.memref_slice %arg13[%add3A_403, %dma_start3A_408] : memref<128x64xf32, #tpu.memory_space<vmem>> -> memref<1x64xf32, #tpu.memory_space<vmem>>
      %dma_start3A_410 = arith.constant 0 : i32
      %dma_start3A_411 = tpu.memref_slice %arg5[%squeeze3A_399, %dma_start3A_410] : memref<100000x64xf32, #tpu.memory_space<hbm>> -> memref<1x64xf32, #tpu.memory_space<hbm>>
      tpu.enqueue_dma source(%dma_start3A_411 : memref<1x64xf32, #tpu.memory_space<hbm>>) target(%dma_start3A_409 : memref<1x64xf32, #tpu.memory_space<vmem>>) target_semaphore(%arg14 : memref<!tpu.dma_semaphore, #tpu.memory_space<semaphore_mem>>)
      %slice3A_412 = vector.extract_strided_slice %get3A_126 {offsets = [10], sizes = [1], strides = [1]} : vector<16xi32> to vector<1xi32>
      %squeeze3A_413 = vector.extract %slice3A_412[0] : i32 from vector<1xi32>
      %mul3A_414 = arith.constant 16 : i32
      %mul3A_415 = arith.muli %scan3A_120, %mul3A_414 : i32
      %add3A_416 = arith.constant 10 : i32
      %add3A_417 = arith.addi %mul3A_415, %add3A_416 : i32
      %dma_start3A_418 = arith.constant 0 : i32
      %dma_start3A_419 = tpu.memref_slice %arg11[%add3A_417, %dma_start3A_418] : memref<128x64xf32, #tpu.memory_space<vmem>> -> memref<1x64xf32, #tpu.memory_space<vmem>>
      %dma_start3A_420 = arith.constant 0 : i32
      %dma_start3A_421 = tpu.memref_slice %arg4[%squeeze3A_413, %dma_start3A_420] : memref<1000000x64xf32, #tpu.memory_space<hbm>> -> memref<1x64xf32, #tpu.memory_space<hbm>>
      %dma_start3A_422 = arith.constant 0 : i32
      %dma_start3A_423 = tpu.memref_slice %arg11[%add3A_417, %dma_start3A_422] : memref<128x64xf32, #tpu.memory_space<vmem>> -> memref<1x64xf32, #tpu.memory_space<vmem>>
      %dma_start3A_424 = arith.constant 0 : i32
      %dma_start3A_425 = tpu.memref_slice %arg4[%squeeze3A_413, %dma_start3A_424] : memref<1000000x64xf32, #tpu.memory_space<hbm>> -> memref<1x64xf32, #tpu.memory_space<hbm>>
      tpu.enqueue_dma source(%dma_start3A_425 : memref<1x64xf32, #tpu.memory_space<hbm>>) target(%dma_start3A_423 : memref<1x64xf32, #tpu.memory_space<vmem>>) target_semaphore(%arg14 : memref<!tpu.dma_semaphore, #tpu.memory_space<semaphore_mem>>)
      %slice3A_426 = vector.extract_strided_slice %get3A_133 {offsets = [10], sizes = [1], strides = [1]} : vector<16xi32> to vector<1xi32>
      %squeeze3A_427 = vector.extract %slice3A_426[0] : i32 from vector<1xi32>
      %mul3A_428 = arith.constant 16 : i32
      %mul3A_429 = arith.muli %scan3A_120, %mul3A_428 : i32
      %add3A_430 = arith.constant 10 : i32
      %add3A_431 = arith.addi %mul3A_429, %add3A_430 : i32
      %dma_start3A_432 = arith.constant 0 : i32
      %dma_start3A_433 = tpu.memref_slice %arg13[%add3A_431, %dma_start3A_432] : memref<128x64xf32, #tpu.memory_space<vmem>> -> memref<1x64xf32, #tpu.memory_space<vmem>>
      %dma_start3A_434 = arith.constant 0 : i32
      %dma_start3A_435 = tpu.memref_slice %arg5[%squeeze3A_427, %dma_start3A_434] : memref<100000x64xf32, #tpu.memory_space<hbm>> -> memref<1x64xf32, #tpu.memory_space<hbm>>
      %dma_start3A_436 = arith.constant 0 : i32
      %dma_start3A_437 = tpu.memref_slice %arg13[%add3A_431, %dma_start3A_436] : memref<128x64xf32, #tpu.memory_space<vmem>> -> memref<1x64xf32, #tpu.memory_space<vmem>>
      %dma_start3A_438 = arith.constant 0 : i32
      %dma_start3A_439 = tpu.memref_slice %arg5[%squeeze3A_427, %dma_start3A_438] : memref<100000x64xf32, #tpu.memory_space<hbm>> -> memref<1x64xf32, #tpu.memory_space<hbm>>
      tpu.enqueue_dma source(%dma_start3A_439 : memref<1x64xf32, #tpu.memory_space<hbm>>) target(%dma_start3A_437 : memref<1x64xf32, #tpu.memory_space<vmem>>) target_semaphore(%arg14 : memref<!tpu.dma_semaphore, #tpu.memory_space<semaphore_mem>>)
      %slice3A_440 = vector.extract_strided_slice %get3A_126 {offsets = [11], sizes = [1], strides = [1]} : vector<16xi32> to vector<1xi32>
      %squeeze3A_441 = vector.extract %slice3A_440[0] : i32 from vector<1xi32>
      %mul3A_442 = arith.constant 16 : i32
      %mul3A_443 = arith.muli %scan3A_120, %mul3A_442 : i32
      %add3A_444 = arith.constant 11 : i32
      %add3A_445 = arith.addi %mul3A_443, %add3A_444 : i32
      %dma_start3A_446 = arith.constant 0 : i32
      %dma_start3A_447 = tpu.memref_slice %arg11[%add3A_445, %dma_start3A_446] : memref<128x64xf32, #tpu.memory_space<vmem>> -> memref<1x64xf32, #tpu.memory_space<vmem>>
      %dma_start3A_448 = arith.constant 0 : i32
      %dma_start3A_449 = tpu.memref_slice %arg4[%squeeze3A_441, %dma_start3A_448] : memref<1000000x64xf32, #tpu.memory_space<hbm>> -> memref<1x64xf32, #tpu.memory_space<hbm>>
      %dma_start3A_450 = arith.constant 0 : i32
      %dma_start3A_451 = tpu.memref_slice %arg11[%add3A_445, %dma_start3A_450] : memref<128x64xf32, #tpu.memory_space<vmem>> -> memref<1x64xf32, #tpu.memory_space<vmem>>
      %dma_start3A_452 = arith.constant 0 : i32
      %dma_start3A_453 = tpu.memref_slice %arg4[%squeeze3A_441, %dma_start3A_452] : memref<1000000x64xf32, #tpu.memory_space<hbm>> -> memref<1x64xf32, #tpu.memory_space<hbm>>
      tpu.enqueue_dma source(%dma_start3A_453 : memref<1x64xf32, #tpu.memory_space<hbm>>) target(%dma_start3A_451 : memref<1x64xf32, #tpu.memory_space<vmem>>) target_semaphore(%arg14 : memref<!tpu.dma_semaphore, #tpu.memory_space<semaphore_mem>>)
      %slice3A_454 = vector.extract_strided_slice %get3A_133 {offsets = [11], sizes = [1], strides = [1]} : vector<16xi32> to vector<1xi32>
      %squeeze3A_455 = vector.extract %slice3A_454[0] : i32 from vector<1xi32>
      %mul3A_456 = arith.constant 16 : i32
      %mul3A_457 = arith.muli %scan3A_120, %mul3A_456 : i32
      %add3A_458 = arith.constant 11 : i32
      %add3A_459 = arith.addi %mul3A_457, %add3A_458 : i32
      %dma_start3A_460 = arith.constant 0 : i32
      %dma_start3A_461 = tpu.memref_slice %arg13[%add3A_459, %dma_start3A_460] : memref<128x64xf32, #tpu.memory_space<vmem>> -> memref<1x64xf32, #tpu.memory_space<vmem>>
      %dma_start3A_462 = arith.constant 0 : i32
      %dma_start3A_463 = tpu.memref_slice %arg5[%squeeze3A_455, %dma_start3A_462] : memref<100000x64xf32, #tpu.memory_space<hbm>> -> memref<1x64xf32, #tpu.memory_space<hbm>>
      %dma_start3A_464 = arith.constant 0 : i32
      %dma_start3A_465 = tpu.memref_slice %arg13[%add3A_459, %dma_start3A_464] : memref<128x64xf32, #tpu.memory_space<vmem>> -> memref<1x64xf32, #tpu.memory_space<vmem>>
      %dma_start3A_466 = arith.constant 0 : i32
      %dma_start3A_467 = tpu.memref_slice %arg5[%squeeze3A_455, %dma_start3A_466] : memref<100000x64xf32, #tpu.memory_space<hbm>> -> memref<1x64xf32, #tpu.memory_space<hbm>>
      tpu.enqueue_dma source(%dma_start3A_467 : memref<1x64xf32, #tpu.memory_space<hbm>>) target(%dma_start3A_465 : memref<1x64xf32, #tpu.memory_space<vmem>>) target_semaphore(%arg14 : memref<!tpu.dma_semaphore, #tpu.memory_space<semaphore_mem>>)
      %slice3A_468 = vector.extract_strided_slice %get3A_126 {offsets = [12], sizes = [1], strides = [1]} : vector<16xi32> to vector<1xi32>
      %squeeze3A_469 = vector.extract %slice3A_468[0] : i32 from vector<1xi32>
      %mul3A_470 = arith.constant 16 : i32
      %mul3A_471 = arith.muli %scan3A_120, %mul3A_470 : i32
      %add3A_472 = arith.constant 12 : i32
      %add3A_473 = arith.addi %mul3A_471, %add3A_472 : i32
      %dma_start3A_474 = arith.constant 0 : i32
      %dma_start3A_475 = tpu.memref_slice %arg11[%add3A_473, %dma_start3A_474] : memref<128x64xf32, #tpu.memory_space<vmem>> -> memref<1x64xf32, #tpu.memory_space<vmem>>
      %dma_start3A_476 = arith.constant 0 : i32
      %dma_start3A_477 = tpu.memref_slice %arg4[%squeeze3A_469, %dma_start3A_476] : memref<1000000x64xf32, #tpu.memory_space<hbm>> -> memref<1x64xf32, #tpu.memory_space<hbm>>
      %dma_start3A_478 = arith.constant 0 : i32
      %dma_start3A_479 = tpu.memref_slice %arg11[%add3A_473, %dma_start3A_478] : memref<128x64xf32, #tpu.memory_space<vmem>> -> memref<1x64xf32, #tpu.memory_space<vmem>>
      %dma_start3A_480 = arith.constant 0 : i32
      %dma_start3A_481 = tpu.memref_slice %arg4[%squeeze3A_469, %dma_start3A_480] : memref<1000000x64xf32, #tpu.memory_space<hbm>> -> memref<1x64xf32, #tpu.memory_space<hbm>>
      tpu.enqueue_dma source(%dma_start3A_481 : memref<1x64xf32, #tpu.memory_space<hbm>>) target(%dma_start3A_479 : memref<1x64xf32, #tpu.memory_space<vmem>>) target_semaphore(%arg14 : memref<!tpu.dma_semaphore, #tpu.memory_space<semaphore_mem>>)
      %slice3A_482 = vector.extract_strided_slice %get3A_133 {offsets = [12], sizes = [1], strides = [1]} : vector<16xi32> to vector<1xi32>
      %squeeze3A_483 = vector.extract %slice3A_482[0] : i32 from vector<1xi32>
      %mul3A_484 = arith.constant 16 : i32
      %mul3A_485 = arith.muli %scan3A_120, %mul3A_484 : i32
      %add3A_486 = arith.constant 12 : i32
      %add3A_487 = arith.addi %mul3A_485, %add3A_486 : i32
      %dma_start3A_488 = arith.constant 0 : i32
      %dma_start3A_489 = tpu.memref_slice %arg13[%add3A_487, %dma_start3A_488] : memref<128x64xf32, #tpu.memory_space<vmem>> -> memref<1x64xf32, #tpu.memory_space<vmem>>
      %dma_start3A_490 = arith.constant 0 : i32
      %dma_start3A_491 = tpu.memref_slice %arg5[%squeeze3A_483, %dma_start3A_490] : memref<100000x64xf32, #tpu.memory_space<hbm>> -> memref<1x64xf32, #tpu.memory_space<hbm>>
      %dma_start3A_492 = arith.constant 0 : i32
      %dma_start3A_493 = tpu.memref_slice %arg13[%add3A_487, %dma_start3A_492] : memref<128x64xf32, #tpu.memory_space<vmem>> -> memref<1x64xf32, #tpu.memory_space<vmem>>
      %dma_start3A_494 = arith.constant 0 : i32
      %dma_start3A_495 = tpu.memref_slice %arg5[%squeeze3A_483, %dma_start3A_494] : memref<100000x64xf32, #tpu.memory_space<hbm>> -> memref<1x64xf32, #tpu.memory_space<hbm>>
      tpu.enqueue_dma source(%dma_start3A_495 : memref<1x64xf32, #tpu.memory_space<hbm>>) target(%dma_start3A_493 : memref<1x64xf32, #tpu.memory_space<vmem>>) target_semaphore(%arg14 : memref<!tpu.dma_semaphore, #tpu.memory_space<semaphore_mem>>)
      %slice3A_496 = vector.extract_strided_slice %get3A_126 {offsets = [13], sizes = [1], strides = [1]} : vector<16xi32> to vector<1xi32>
      %squeeze3A_497 = vector.extract %slice3A_496[0] : i32 from vector<1xi32>
      %mul3A_498 = arith.constant 16 : i32
      %mul3A_499 = arith.muli %scan3A_120, %mul3A_498 : i32
      %add3A_500 = arith.constant 13 : i32
      %add3A_501 = arith.addi %mul3A_499, %add3A_500 : i32
      %dma_start3A_502 = arith.constant 0 : i32
      %dma_start3A_503 = tpu.memref_slice %arg11[%add3A_501, %dma_start3A_502] : memref<128x64xf32, #tpu.memory_space<vmem>> -> memref<1x64xf32, #tpu.memory_space<vmem>>
      %dma_start3A_504 = arith.constant 0 : i32
      %dma_start3A_505 = tpu.memref_slice %arg4[%squeeze3A_497, %dma_start3A_504] : memref<1000000x64xf32, #tpu.memory_space<hbm>> -> memref<1x64xf32, #tpu.memory_space<hbm>>
      %dma_start3A_506 = arith.constant 0 : i32
      %dma_start3A_507 = tpu.memref_slice %arg11[%add3A_501, %dma_start3A_506] : memref<128x64xf32, #tpu.memory_space<vmem>> -> memref<1x64xf32, #tpu.memory_space<vmem>>
      %dma_start3A_508 = arith.constant 0 : i32
      %dma_start3A_509 = tpu.memref_slice %arg4[%squeeze3A_497, %dma_start3A_508] : memref<1000000x64xf32, #tpu.memory_space<hbm>> -> memref<1x64xf32, #tpu.memory_space<hbm>>
      tpu.enqueue_dma source(%dma_start3A_509 : memref<1x64xf32, #tpu.memory_space<hbm>>) target(%dma_start3A_507 : memref<1x64xf32, #tpu.memory_space<vmem>>) target_semaphore(%arg14 : memref<!tpu.dma_semaphore, #tpu.memory_space<semaphore_mem>>)
      %slice3A_510 = vector.extract_strided_slice %get3A_133 {offsets = [13], sizes = [1], strides = [1]} : vector<16xi32> to vector<1xi32>
      %squeeze3A_511 = vector.extract %slice3A_510[0] : i32 from vector<1xi32>
      %mul3A_512 = arith.constant 16 : i32
      %mul3A_513 = arith.muli %scan3A_120, %mul3A_512 : i32
      %add3A_514 = arith.constant 13 : i32
      %add3A_515 = arith.addi %mul3A_513, %add3A_514 : i32
      %dma_start3A_516 = arith.constant 0 : i32
      %dma_start3A_517 = tpu.memref_slice %arg13[%add3A_515, %dma_start3A_516] : memref<128x64xf32, #tpu.memory_space<vmem>> -> memref<1x64xf32, #tpu.memory_space<vmem>>
      %dma_start3A_518 = arith.constant 0 : i32
      %dma_start3A_519 = tpu.memref_slice %arg5[%squeeze3A_511, %dma_start3A_518] : memref<100000x64xf32, #tpu.memory_space<hbm>> -> memref<1x64xf32, #tpu.memory_space<hbm>>
      %dma_start3A_520 = arith.constant 0 : i32
      %dma_start3A_521 = tpu.memref_slice %arg13[%add3A_515, %dma_start3A_520] : memref<128x64xf32, #tpu.memory_space<vmem>> -> memref<1x64xf32, #tpu.memory_space<vmem>>
      %dma_start3A_522 = arith.constant 0 : i32
      %dma_start3A_523 = tpu.memref_slice %arg5[%squeeze3A_511, %dma_start3A_522] : memref<100000x64xf32, #tpu.memory_space<hbm>> -> memref<1x64xf32, #tpu.memory_space<hbm>>
      tpu.enqueue_dma source(%dma_start3A_523 : memref<1x64xf32, #tpu.memory_space<hbm>>) target(%dma_start3A_521 : memref<1x64xf32, #tpu.memory_space<vmem>>) target_semaphore(%arg14 : memref<!tpu.dma_semaphore, #tpu.memory_space<semaphore_mem>>)
      %slice3A_524 = vector.extract_strided_slice %get3A_126 {offsets = [14], sizes = [1], strides = [1]} : vector<16xi32> to vector<1xi32>
      %squeeze3A_525 = vector.extract %slice3A_524[0] : i32 from vector<1xi32>
      %mul3A_526 = arith.constant 16 : i32
      %mul3A_527 = arith.muli %scan3A_120, %mul3A_526 : i32
      %add3A_528 = arith.constant 14 : i32
      %add3A_529 = arith.addi %mul3A_527, %add3A_528 : i32
      %dma_start3A_530 = arith.constant 0 : i32
      %dma_start3A_531 = tpu.memref_slice %arg11[%add3A_529, %dma_start3A_530] : memref<128x64xf32, #tpu.memory_space<vmem>> -> memref<1x64xf32, #tpu.memory_space<vmem>>
      %dma_start3A_532 = arith.constant 0 : i32
      %dma_start3A_533 = tpu.memref_slice %arg4[%squeeze3A_525, %dma_start3A_532] : memref<1000000x64xf32, #tpu.memory_space<hbm>> -> memref<1x64xf32, #tpu.memory_space<hbm>>
      %dma_start3A_534 = arith.constant 0 : i32
      %dma_start3A_535 = tpu.memref_slice %arg11[%add3A_529, %dma_start3A_534] : memref<128x64xf32, #tpu.memory_space<vmem>> -> memref<1x64xf32, #tpu.memory_space<vmem>>
      %dma_start3A_536 = arith.constant 0 : i32
      %dma_start3A_537 = tpu.memref_slice %arg4[%squeeze3A_525, %dma_start3A_536] : memref<1000000x64xf32, #tpu.memory_space<hbm>> -> memref<1x64xf32, #tpu.memory_space<hbm>>
      tpu.enqueue_dma source(%dma_start3A_537 : memref<1x64xf32, #tpu.memory_space<hbm>>) target(%dma_start3A_535 : memref<1x64xf32, #tpu.memory_space<vmem>>) target_semaphore(%arg14 : memref<!tpu.dma_semaphore, #tpu.memory_space<semaphore_mem>>)
      %slice3A_538 = vector.extract_strided_slice %get3A_133 {offsets = [14], sizes = [1], strides = [1]} : vector<16xi32> to vector<1xi32>
      %squeeze3A_539 = vector.extract %slice3A_538[0] : i32 from vector<1xi32>
      %mul3A_540 = arith.constant 16 : i32
      %mul3A_541 = arith.muli %scan3A_120, %mul3A_540 : i32
      %add3A_542 = arith.constant 14 : i32
      %add3A_543 = arith.addi %mul3A_541, %add3A_542 : i32
      %dma_start3A_544 = arith.constant 0 : i32
      %dma_start3A_545 = tpu.memref_slice %arg13[%add3A_543, %dma_start3A_544] : memref<128x64xf32, #tpu.memory_space<vmem>> -> memref<1x64xf32, #tpu.memory_space<vmem>>
      %dma_start3A_546 = arith.constant 0 : i32
      %dma_start3A_547 = tpu.memref_slice %arg5[%squeeze3A_539, %dma_start3A_546] : memref<100000x64xf32, #tpu.memory_space<hbm>> -> memref<1x64xf32, #tpu.memory_space<hbm>>
      %dma_start3A_548 = arith.constant 0 : i32
      %dma_start3A_549 = tpu.memref_slice %arg13[%add3A_543, %dma_start3A_548] : memref<128x64xf32, #tpu.memory_space<vmem>> -> memref<1x64xf32, #tpu.memory_space<vmem>>
      %dma_start3A_550 = arith.constant 0 : i32
      %dma_start3A_551 = tpu.memref_slice %arg5[%squeeze3A_539, %dma_start3A_550] : memref<100000x64xf32, #tpu.memory_space<hbm>> -> memref<1x64xf32, #tpu.memory_space<hbm>>
      tpu.enqueue_dma source(%dma_start3A_551 : memref<1x64xf32, #tpu.memory_space<hbm>>) target(%dma_start3A_549 : memref<1x64xf32, #tpu.memory_space<vmem>>) target_semaphore(%arg14 : memref<!tpu.dma_semaphore, #tpu.memory_space<semaphore_mem>>)
      %slice3A_552 = vector.extract_strided_slice %get3A_126 {offsets = [15], sizes = [1], strides = [1]} : vector<16xi32> to vector<1xi32>
      %squeeze3A_553 = vector.extract %slice3A_552[0] : i32 from vector<1xi32>
      %mul3A_554 = arith.constant 16 : i32
      %mul3A_555 = arith.muli %scan3A_120, %mul3A_554 : i32
      %add3A_556 = arith.constant 15 : i32
      %add3A_557 = arith.addi %mul3A_555, %add3A_556 : i32
      %dma_start3A_558 = arith.constant 0 : i32
      %dma_start3A_559 = tpu.memref_slice %arg11[%add3A_557, %dma_start3A_558] : memref<128x64xf32, #tpu.memory_space<vmem>> -> memref<1x64xf32, #tpu.memory_space<vmem>>
      %dma_start3A_560 = arith.constant 0 : i32
      %dma_start3A_561 = tpu.memref_slice %arg4[%squeeze3A_553, %dma_start3A_560] : memref<1000000x64xf32, #tpu.memory_space<hbm>> -> memref<1x64xf32, #tpu.memory_space<hbm>>
      %dma_start3A_562 = arith.constant 0 : i32
      %dma_start3A_563 = tpu.memref_slice %arg11[%add3A_557, %dma_start3A_562] : memref<128x64xf32, #tpu.memory_space<vmem>> -> memref<1x64xf32, #tpu.memory_space<vmem>>
      %dma_start3A_564 = arith.constant 0 : i32
      %dma_start3A_565 = tpu.memref_slice %arg4[%squeeze3A_553, %dma_start3A_564] : memref<1000000x64xf32, #tpu.memory_space<hbm>> -> memref<1x64xf32, #tpu.memory_space<hbm>>
      tpu.enqueue_dma source(%dma_start3A_565 : memref<1x64xf32, #tpu.memory_space<hbm>>) target(%dma_start3A_563 : memref<1x64xf32, #tpu.memory_space<vmem>>) target_semaphore(%arg14 : memref<!tpu.dma_semaphore, #tpu.memory_space<semaphore_mem>>)
      %slice3A_566 = vector.extract_strided_slice %get3A_133 {offsets = [15], sizes = [1], strides = [1]} : vector<16xi32> to vector<1xi32>
      %squeeze3A_567 = vector.extract %slice3A_566[0] : i32 from vector<1xi32>
      %mul3A_568 = arith.constant 16 : i32
      %mul3A_569 = arith.muli %scan3A_120, %mul3A_568 : i32
      %add3A_570 = arith.constant 15 : i32
      %add3A_571 = arith.addi %mul3A_569, %add3A_570 : i32
      %dma_start3A_572 = arith.constant 0 : i32
      %dma_start3A_573 = tpu.memref_slice %arg13[%add3A_571, %dma_start3A_572] : memref<128x64xf32, #tpu.memory_space<vmem>> -> memref<1x64xf32, #tpu.memory_space<vmem>>
      %dma_start3A_574 = arith.constant 0 : i32
      %dma_start3A_575 = tpu.memref_slice %arg5[%squeeze3A_567, %dma_start3A_574] : memref<100000x64xf32, #tpu.memory_space<hbm>> -> memref<1x64xf32, #tpu.memory_space<hbm>>
      %dma_start3A_576 = arith.constant 0 : i32
      %dma_start3A_577 = tpu.memref_slice %arg13[%add3A_571, %dma_start3A_576] : memref<128x64xf32, #tpu.memory_space<vmem>> -> memref<1x64xf32, #tpu.memory_space<vmem>>
      %dma_start3A_578 = arith.constant 0 : i32
      %dma_start3A_579 = tpu.memref_slice %arg5[%squeeze3A_567, %dma_start3A_578] : memref<100000x64xf32, #tpu.memory_space<hbm>> -> memref<1x64xf32, #tpu.memory_space<hbm>>
      tpu.enqueue_dma source(%dma_start3A_579 : memref<1x64xf32, #tpu.memory_space<hbm>>) target(%dma_start3A_577 : memref<1x64xf32, #tpu.memory_space<vmem>>) target_semaphore(%arg14 : memref<!tpu.dma_semaphore, #tpu.memory_space<semaphore_mem>>)
    }
    %scan3A_28 = arith.constant 8 : i32
    %scan3A_29 = arith.constant 0 : i32
    %scan3A_30 = arith.constant 0 : i32
    %scan3A_31 = arith.constant 128 : i32
    %scan3A_32 = arith.addi %scan3A_30, %scan3A_31 : i32
    %scan3A_33 = arith.constant 1 : i32
    scf.for %scan3A_120 = %scan3A_30 to %scan3A_32 step %scan3A_33  : i32 {
      %dma_wait3A_121 = arith.constant 0 : i32
      %dma_wait3A_122 = arith.constant 0 : i32
      %dma_wait3A_123 = tpu.memref_slice %arg11[%dma_wait3A_121, %dma_wait3A_122] : memref<128x64xf32, #tpu.memory_space<vmem>> -> memref<1x64xf32, #tpu.memory_space<vmem>>
      %dma_wait3A_124 = arith.constant 0 : i32
      %dma_wait3A_125 = arith.constant 0 : i32
      %dma_wait3A_126 = tpu.memref_slice %arg4[%dma_wait3A_124, %dma_wait3A_125] : memref<1000000x64xf32, #tpu.memory_space<hbm>> -> memref<1x64xf32, #tpu.memory_space<hbm>>
      %dma_wait3A_127 = arith.constant 0 : i32
      %dma_wait3A_128 = arith.constant 0 : i32
      %dma_wait3A_129 = tpu.memref_slice %arg11[%dma_wait3A_127, %dma_wait3A_128] : memref<128x64xf32, #tpu.memory_space<vmem>> -> memref<1x64xf32, #tpu.memory_space<vmem>>
      %dma_wait3A_130 = arith.constant 0 : i32
      %dma_wait3A_131 = arith.constant 0 : i32
      %dma_wait3A_132 = tpu.memref_slice %arg4[%dma_wait3A_130, %dma_wait3A_131] : memref<1000000x64xf32, #tpu.memory_space<hbm>> -> memref<1x64xf32, #tpu.memory_space<hbm>>
      tpu.wait_dma2 semaphore(%arg14 : memref<!tpu.dma_semaphore, #tpu.memory_space<semaphore_mem>>) src(%dma_wait3A_132 : memref<1x64xf32, #tpu.memory_space<hbm>>) dst(%dma_wait3A_129 : memref<1x64xf32, #tpu.memory_space<vmem>>)
      %dma_wait3A_133 = arith.constant 0 : i32
      %dma_wait3A_134 = arith.constant 0 : i32
      %dma_wait3A_135 = tpu.memref_slice %arg13[%dma_wait3A_133, %dma_wait3A_134] : memref<128x64xf32, #tpu.memory_space<vmem>> -> memref<1x64xf32, #tpu.memory_space<vmem>>
      %dma_wait3A_136 = arith.constant 0 : i32
      %dma_wait3A_137 = arith.constant 0 : i32
      %dma_wait3A_138 = tpu.memref_slice %arg5[%dma_wait3A_136, %dma_wait3A_137] : memref<100000x64xf32, #tpu.memory_space<hbm>> -> memref<1x64xf32, #tpu.memory_space<hbm>>
      %dma_wait3A_139 = arith.constant 0 : i32
      %dma_wait3A_140 = arith.constant 0 : i32
      %dma_wait3A_141 = tpu.memref_slice %arg13[%dma_wait3A_139, %dma_wait3A_140] : memref<128x64xf32, #tpu.memory_space<vmem>> -> memref<1x64xf32, #tpu.memory_space<vmem>>
      %dma_wait3A_142 = arith.constant 0 : i32
      %dma_wait3A_143 = arith.constant 0 : i32
      %dma_wait3A_144 = tpu.memref_slice %arg5[%dma_wait3A_142, %dma_wait3A_143] : memref<100000x64xf32, #tpu.memory_space<hbm>> -> memref<1x64xf32, #tpu.memory_space<hbm>>
      tpu.wait_dma2 semaphore(%arg14 : memref<!tpu.dma_semaphore, #tpu.memory_space<semaphore_mem>>) src(%dma_wait3A_144 : memref<1x64xf32, #tpu.memory_space<hbm>>) dst(%dma_wait3A_141 : memref<1x64xf32, #tpu.memory_space<vmem>>)
    }
    %scan3A_34 = arith.constant 128 : i32
    %add3A_35 = arith.constant 128 : i32
    %add3A_36 = arith.addi %mul3A_2, %add3A_35 : i32
    %dma_start3A_37 = arith.constant 0 : i32
    %dma_start3A_38 = tpu.memref_slice %arg6[%add3A_36, %dma_start3A_37] : memref<16384x64xf32, #tpu.memory_space<hbm>> -> memref<128x64xf32, #tpu.memory_space<hbm>>
    %dma_start3A_39 = arith.constant 0 : i32
    %dma_start3A_40 = tpu.memref_slice %arg6[%add3A_36, %dma_start3A_39] : memref<16384x64xf32, #tpu.memory_space<hbm>> -> memref<128x64xf32, #tpu.memory_space<hbm>>
    tpu.enqueue_dma source(%arg11 : memref<128x64xf32, #tpu.memory_space<vmem>>) target(%dma_start3A_40 : memref<128x64xf32, #tpu.memory_space<hbm>>) target_semaphore(%arg15 : memref<!tpu.dma_semaphore, #tpu.memory_space<semaphore_mem>>)
    %dma_start3A_41 = arith.constant 0 : i32
    %dma_start3A_42 = tpu.memref_slice %arg7[%add3A_36, %dma_start3A_41] : memref<16384x64xf32, #tpu.memory_space<hbm>> -> memref<128x64xf32, #tpu.memory_space<hbm>>
    %dma_start3A_43 = arith.constant 0 : i32
    %dma_start3A_44 = tpu.memref_slice %arg7[%add3A_36, %dma_start3A_43] : memref<16384x64xf32, #tpu.memory_space<hbm>> -> memref<128x64xf32, #tpu.memory_space<hbm>>
    tpu.enqueue_dma source(%arg13 : memref<128x64xf32, #tpu.memory_space<vmem>>) target(%dma_start3A_44 : memref<128x64xf32, #tpu.memory_space<hbm>>) target_semaphore(%arg15 : memref<!tpu.dma_semaphore, #tpu.memory_space<semaphore_mem>>)
    %dma_wait3A = arith.constant 0 : i32
    %dma_wait3A_45 = tpu.memref_slice %arg6[%add3A_15, %dma_wait3A] : memref<16384x64xf32, #tpu.memory_space<hbm>> -> memref<128x64xf32, #tpu.memory_space<hbm>>
    %dma_wait3A_46 = arith.constant 0 : i32
    %dma_wait3A_47 = tpu.memref_slice %arg6[%add3A_15, %dma_wait3A_46] : memref<16384x64xf32, #tpu.memory_space<hbm>> -> memref<128x64xf32, #tpu.memory_space<hbm>>
    tpu.wait_dma2 semaphore(%arg15 : memref<!tpu.dma_semaphore, #tpu.memory_space<semaphore_mem>>) src(%arg10 : memref<128x64xf32, #tpu.memory_space<vmem>>) dst(%dma_wait3A_47 : memref<128x64xf32, #tpu.memory_space<hbm>>)
    %dma_wait3A_48 = arith.constant 0 : i32
    %dma_wait3A_49 = tpu.memref_slice %arg7[%add3A_15, %dma_wait3A_48] : memref<16384x64xf32, #tpu.memory_space<hbm>> -> memref<128x64xf32, #tpu.memory_space<hbm>>
    %dma_wait3A_50 = arith.constant 0 : i32
    %dma_wait3A_51 = tpu.memref_slice %arg7[%add3A_15, %dma_wait3A_50] : memref<16384x64xf32, #tpu.memory_space<hbm>> -> memref<128x64xf32, #tpu.memory_space<hbm>>
    tpu.wait_dma2 semaphore(%arg15 : memref<!tpu.dma_semaphore, #tpu.memory_space<semaphore_mem>>) src(%arg12 : memref<128x64xf32, #tpu.memory_space<vmem>>) dst(%dma_wait3A_51 : memref<128x64xf32, #tpu.memory_space<hbm>>)
    %scan3A_52 = arith.constant 0 : i32
    %scan3A_53 = arith.constant 0 : i32
    %scan3A_54 = arith.constant 8 : i32
    %scan3A_55 = arith.addi %scan3A_53, %scan3A_54 : i32
    %scan3A_56 = arith.constant 1 : i32
    scf.for %scan3A_120 = %scan3A_53 to %scan3A_55 step %scan3A_56  : i32 {
      %mul3A_121 = arith.constant 16 : i32
      %mul3A_122 = arith.muli %scan3A_120, %mul3A_121 : i32
      %add3A_123 = arith.constant 256 : i32
      %add3A_124 = arith.addi %add3A_123, %mul3A_122 : i32
      %get3A = arith.index_cast %add3A_124 : i32 to index
      %get3A_125 = tpu.vector_load %arg8[%get3A] {strides = array<i32>} : memref<512xi32, #tpu.memory_space<vmem>>, vector<16xi32>,
      %get3A_126 = vector.shape_cast %get3A_125 : vector<16xi32> to vector<16xi32>
      %mul3A_127 = arith.constant 16 : i32
      %mul3A_128 = arith.muli %scan3A_120, %mul3A_127 : i32
      %add3A_129 = arith.constant 256 : i32
      %add3A_130 = arith.addi %add3A_129, %mul3A_128 : i32
      %get3A_131 = arith.index_cast %add3A_130 : i32 to index
      %get3A_132 = tpu.vector_load %arg9[%get3A_131] {strides = array<i32>} : memref<512xi32, #tpu.memory_space<vmem>>, vector<16xi32>,
      %get3A_133 = vector.shape_cast %get3A_132 : vector<16xi32> to vector<16xi32>
      %slice3A = vector.extract_strided_slice %get3A_126 {offsets = [0], sizes = [1], strides = [1]} : vector<16xi32> to vector<1xi32>
      %squeeze3A = vector.extract %slice3A[0] : i32 from vector<1xi32>
      %mul3A_134 = arith.constant 16 : i32
      %mul3A_135 = arith.muli %scan3A_120, %mul3A_134 : i32
      %add3A_136 = arith.constant 0 : i32
      %add3A_137 = arith.addi %mul3A_135, %add3A_136 : i32
      %dma_start3A_138 = arith.constant 0 : i32
      %dma_start3A_139 = tpu.memref_slice %arg10[%add3A_137, %dma_start3A_138] : memref<128x64xf32, #tpu.memory_space<vmem>> -> memref<1x64xf32, #tpu.memory_space<vmem>>
      %dma_start3A_140 = arith.constant 0 : i32
      %dma_start3A_141 = tpu.memref_slice %arg4[%squeeze3A, %dma_start3A_140] : memref<1000000x64xf32, #tpu.memory_space<hbm>> -> memref<1x64xf32, #tpu.memory_space<hbm>>
      %dma_start3A_142 = arith.constant 0 : i32
      %dma_start3A_143 = tpu.memref_slice %arg10[%add3A_137, %dma_start3A_142] : memref<128x64xf32, #tpu.memory_space<vmem>> -> memref<1x64xf32, #tpu.memory_space<vmem>>
      %dma_start3A_144 = arith.constant 0 : i32
      %dma_start3A_145 = tpu.memref_slice %arg4[%squeeze3A, %dma_start3A_144] : memref<1000000x64xf32, #tpu.memory_space<hbm>> -> memref<1x64xf32, #tpu.memory_space<hbm>>
      tpu.enqueue_dma source(%dma_start3A_145 : memref<1x64xf32, #tpu.memory_space<hbm>>) target(%dma_start3A_143 : memref<1x64xf32, #tpu.memory_space<vmem>>) target_semaphore(%arg14 : memref<!tpu.dma_semaphore, #tpu.memory_space<semaphore_mem>>)
      %slice3A_146 = vector.extract_strided_slice %get3A_133 {offsets = [0], sizes = [1], strides = [1]} : vector<16xi32> to vector<1xi32>
      %squeeze3A_147 = vector.extract %slice3A_146[0] : i32 from vector<1xi32>
      %mul3A_148 = arith.constant 16 : i32
      %mul3A_149 = arith.muli %scan3A_120, %mul3A_148 : i32
      %add3A_150 = arith.constant 0 : i32
      %add3A_151 = arith.addi %mul3A_149, %add3A_150 : i32
      %dma_start3A_152 = arith.constant 0 : i32
      %dma_start3A_153 = tpu.memref_slice %arg12[%add3A_151, %dma_start3A_152] : memref<128x64xf32, #tpu.memory_space<vmem>> -> memref<1x64xf32, #tpu.memory_space<vmem>>
      %dma_start3A_154 = arith.constant 0 : i32
      %dma_start3A_155 = tpu.memref_slice %arg5[%squeeze3A_147, %dma_start3A_154] : memref<100000x64xf32, #tpu.memory_space<hbm>> -> memref<1x64xf32, #tpu.memory_space<hbm>>
      %dma_start3A_156 = arith.constant 0 : i32
      %dma_start3A_157 = tpu.memref_slice %arg12[%add3A_151, %dma_start3A_156] : memref<128x64xf32, #tpu.memory_space<vmem>> -> memref<1x64xf32, #tpu.memory_space<vmem>>
      %dma_start3A_158 = arith.constant 0 : i32
      %dma_start3A_159 = tpu.memref_slice %arg5[%squeeze3A_147, %dma_start3A_158] : memref<100000x64xf32, #tpu.memory_space<hbm>> -> memref<1x64xf32, #tpu.memory_space<hbm>>
      tpu.enqueue_dma source(%dma_start3A_159 : memref<1x64xf32, #tpu.memory_space<hbm>>) target(%dma_start3A_157 : memref<1x64xf32, #tpu.memory_space<vmem>>) target_semaphore(%arg14 : memref<!tpu.dma_semaphore, #tpu.memory_space<semaphore_mem>>)
      %slice3A_160 = vector.extract_strided_slice %get3A_126 {offsets = [1], sizes = [1], strides = [1]} : vector<16xi32> to vector<1xi32>
      %squeeze3A_161 = vector.extract %slice3A_160[0] : i32 from vector<1xi32>
      %mul3A_162 = arith.constant 16 : i32
      %mul3A_163 = arith.muli %scan3A_120, %mul3A_162 : i32
      %add3A_164 = arith.constant 1 : i32
      %add3A_165 = arith.addi %mul3A_163, %add3A_164 : i32
      %dma_start3A_166 = arith.constant 0 : i32
      %dma_start3A_167 = tpu.memref_slice %arg10[%add3A_165, %dma_start3A_166] : memref<128x64xf32, #tpu.memory_space<vmem>> -> memref<1x64xf32, #tpu.memory_space<vmem>>
      %dma_start3A_168 = arith.constant 0 : i32
      %dma_start3A_169 = tpu.memref_slice %arg4[%squeeze3A_161, %dma_start3A_168] : memref<1000000x64xf32, #tpu.memory_space<hbm>> -> memref<1x64xf32, #tpu.memory_space<hbm>>
      %dma_start3A_170 = arith.constant 0 : i32
      %dma_start3A_171 = tpu.memref_slice %arg10[%add3A_165, %dma_start3A_170] : memref<128x64xf32, #tpu.memory_space<vmem>> -> memref<1x64xf32, #tpu.memory_space<vmem>>
      %dma_start3A_172 = arith.constant 0 : i32
      %dma_start3A_173 = tpu.memref_slice %arg4[%squeeze3A_161, %dma_start3A_172] : memref<1000000x64xf32, #tpu.memory_space<hbm>> -> memref<1x64xf32, #tpu.memory_space<hbm>>
      tpu.enqueue_dma source(%dma_start3A_173 : memref<1x64xf32, #tpu.memory_space<hbm>>) target(%dma_start3A_171 : memref<1x64xf32, #tpu.memory_space<vmem>>) target_semaphore(%arg14 : memref<!tpu.dma_semaphore, #tpu.memory_space<semaphore_mem>>)
      %slice3A_174 = vector.extract_strided_slice %get3A_133 {offsets = [1], sizes = [1], strides = [1]} : vector<16xi32> to vector<1xi32>
      %squeeze3A_175 = vector.extract %slice3A_174[0] : i32 from vector<1xi32>
      %mul3A_176 = arith.constant 16 : i32
      %mul3A_177 = arith.muli %scan3A_120, %mul3A_176 : i32
      %add3A_178 = arith.constant 1 : i32
      %add3A_179 = arith.addi %mul3A_177, %add3A_178 : i32
      %dma_start3A_180 = arith.constant 0 : i32
      %dma_start3A_181 = tpu.memref_slice %arg12[%add3A_179, %dma_start3A_180] : memref<128x64xf32, #tpu.memory_space<vmem>> -> memref<1x64xf32, #tpu.memory_space<vmem>>
      %dma_start3A_182 = arith.constant 0 : i32
      %dma_start3A_183 = tpu.memref_slice %arg5[%squeeze3A_175, %dma_start3A_182] : memref<100000x64xf32, #tpu.memory_space<hbm>> -> memref<1x64xf32, #tpu.memory_space<hbm>>
      %dma_start3A_184 = arith.constant 0 : i32
      %dma_start3A_185 = tpu.memref_slice %arg12[%add3A_179, %dma_start3A_184] : memref<128x64xf32, #tpu.memory_space<vmem>> -> memref<1x64xf32, #tpu.memory_space<vmem>>
      %dma_start3A_186 = arith.constant 0 : i32
      %dma_start3A_187 = tpu.memref_slice %arg5[%squeeze3A_175, %dma_start3A_186] : memref<100000x64xf32, #tpu.memory_space<hbm>> -> memref<1x64xf32, #tpu.memory_space<hbm>>
      tpu.enqueue_dma source(%dma_start3A_187 : memref<1x64xf32, #tpu.memory_space<hbm>>) target(%dma_start3A_185 : memref<1x64xf32, #tpu.memory_space<vmem>>) target_semaphore(%arg14 : memref<!tpu.dma_semaphore, #tpu.memory_space<semaphore_mem>>)
      %slice3A_188 = vector.extract_strided_slice %get3A_126 {offsets = [2], sizes = [1], strides = [1]} : vector<16xi32> to vector<1xi32>
      %squeeze3A_189 = vector.extract %slice3A_188[0] : i32 from vector<1xi32>
      %mul3A_190 = arith.constant 16 : i32
      %mul3A_191 = arith.muli %scan3A_120, %mul3A_190 : i32
      %add3A_192 = arith.constant 2 : i32
      %add3A_193 = arith.addi %mul3A_191, %add3A_192 : i32
      %dma_start3A_194 = arith.constant 0 : i32
      %dma_start3A_195 = tpu.memref_slice %arg10[%add3A_193, %dma_start3A_194] : memref<128x64xf32, #tpu.memory_space<vmem>> -> memref<1x64xf32, #tpu.memory_space<vmem>>
      %dma_start3A_196 = arith.constant 0 : i32
      %dma_start3A_197 = tpu.memref_slice %arg4[%squeeze3A_189, %dma_start3A_196] : memref<1000000x64xf32, #tpu.memory_space<hbm>> -> memref<1x64xf32, #tpu.memory_space<hbm>>
      %dma_start3A_198 = arith.constant 0 : i32
      %dma_start3A_199 = tpu.memref_slice %arg10[%add3A_193, %dma_start3A_198] : memref<128x64xf32, #tpu.memory_space<vmem>> -> memref<1x64xf32, #tpu.memory_space<vmem>>
      %dma_start3A_200 = arith.constant 0 : i32
      %dma_start3A_201 = tpu.memref_slice %arg4[%squeeze3A_189, %dma_start3A_200] : memref<1000000x64xf32, #tpu.memory_space<hbm>> -> memref<1x64xf32, #tpu.memory_space<hbm>>
      tpu.enqueue_dma source(%dma_start3A_201 : memref<1x64xf32, #tpu.memory_space<hbm>>) target(%dma_start3A_199 : memref<1x64xf32, #tpu.memory_space<vmem>>) target_semaphore(%arg14 : memref<!tpu.dma_semaphore, #tpu.memory_space<semaphore_mem>>)
      %slice3A_202 = vector.extract_strided_slice %get3A_133 {offsets = [2], sizes = [1], strides = [1]} : vector<16xi32> to vector<1xi32>
      %squeeze3A_203 = vector.extract %slice3A_202[0] : i32 from vector<1xi32>
      %mul3A_204 = arith.constant 16 : i32
      %mul3A_205 = arith.muli %scan3A_120, %mul3A_204 : i32
      %add3A_206 = arith.constant 2 : i32
      %add3A_207 = arith.addi %mul3A_205, %add3A_206 : i32
      %dma_start3A_208 = arith.constant 0 : i32
      %dma_start3A_209 = tpu.memref_slice %arg12[%add3A_207, %dma_start3A_208] : memref<128x64xf32, #tpu.memory_space<vmem>> -> memref<1x64xf32, #tpu.memory_space<vmem>>
      %dma_start3A_210 = arith.constant 0 : i32
      %dma_start3A_211 = tpu.memref_slice %arg5[%squeeze3A_203, %dma_start3A_210] : memref<100000x64xf32, #tpu.memory_space<hbm>> -> memref<1x64xf32, #tpu.memory_space<hbm>>
      %dma_start3A_212 = arith.constant 0 : i32
      %dma_start3A_213 = tpu.memref_slice %arg12[%add3A_207, %dma_start3A_212] : memref<128x64xf32, #tpu.memory_space<vmem>> -> memref<1x64xf32, #tpu.memory_space<vmem>>
      %dma_start3A_214 = arith.constant 0 : i32
      %dma_start3A_215 = tpu.memref_slice %arg5[%squeeze3A_203, %dma_start3A_214] : memref<100000x64xf32, #tpu.memory_space<hbm>> -> memref<1x64xf32, #tpu.memory_space<hbm>>
      tpu.enqueue_dma source(%dma_start3A_215 : memref<1x64xf32, #tpu.memory_space<hbm>>) target(%dma_start3A_213 : memref<1x64xf32, #tpu.memory_space<vmem>>) target_semaphore(%arg14 : memref<!tpu.dma_semaphore, #tpu.memory_space<semaphore_mem>>)
      %slice3A_216 = vector.extract_strided_slice %get3A_126 {offsets = [3], sizes = [1], strides = [1]} : vector<16xi32> to vector<1xi32>
      %squeeze3A_217 = vector.extract %slice3A_216[0] : i32 from vector<1xi32>
      %mul3A_218 = arith.constant 16 : i32
      %mul3A_219 = arith.muli %scan3A_120, %mul3A_218 : i32
      %add3A_220 = arith.constant 3 : i32
      %add3A_221 = arith.addi %mul3A_219, %add3A_220 : i32
      %dma_start3A_222 = arith.constant 0 : i32
      %dma_start3A_223 = tpu.memref_slice %arg10[%add3A_221, %dma_start3A_222] : memref<128x64xf32, #tpu.memory_space<vmem>> -> memref<1x64xf32, #tpu.memory_space<vmem>>
      %dma_start3A_224 = arith.constant 0 : i32
      %dma_start3A_225 = tpu.memref_slice %arg4[%squeeze3A_217, %dma_start3A_224] : memref<1000000x64xf32, #tpu.memory_space<hbm>> -> memref<1x64xf32, #tpu.memory_space<hbm>>
      %dma_start3A_226 = arith.constant 0 : i32
      %dma_start3A_227 = tpu.memref_slice %arg10[%add3A_221, %dma_start3A_226] : memref<128x64xf32, #tpu.memory_space<vmem>> -> memref<1x64xf32, #tpu.memory_space<vmem>>
      %dma_start3A_228 = arith.constant 0 : i32
      %dma_start3A_229 = tpu.memref_slice %arg4[%squeeze3A_217, %dma_start3A_228] : memref<1000000x64xf32, #tpu.memory_space<hbm>> -> memref<1x64xf32, #tpu.memory_space<hbm>>
      tpu.enqueue_dma source(%dma_start3A_229 : memref<1x64xf32, #tpu.memory_space<hbm>>) target(%dma_start3A_227 : memref<1x64xf32, #tpu.memory_space<vmem>>) target_semaphore(%arg14 : memref<!tpu.dma_semaphore, #tpu.memory_space<semaphore_mem>>)
      %slice3A_230 = vector.extract_strided_slice %get3A_133 {offsets = [3], sizes = [1], strides = [1]} : vector<16xi32> to vector<1xi32>
      %squeeze3A_231 = vector.extract %slice3A_230[0] : i32 from vector<1xi32>
      %mul3A_232 = arith.constant 16 : i32
      %mul3A_233 = arith.muli %scan3A_120, %mul3A_232 : i32
      %add3A_234 = arith.constant 3 : i32
      %add3A_235 = arith.addi %mul3A_233, %add3A_234 : i32
      %dma_start3A_236 = arith.constant 0 : i32
      %dma_start3A_237 = tpu.memref_slice %arg12[%add3A_235, %dma_start3A_236] : memref<128x64xf32, #tpu.memory_space<vmem>> -> memref<1x64xf32, #tpu.memory_space<vmem>>
      %dma_start3A_238 = arith.constant 0 : i32
      %dma_start3A_239 = tpu.memref_slice %arg5[%squeeze3A_231, %dma_start3A_238] : memref<100000x64xf32, #tpu.memory_space<hbm>> -> memref<1x64xf32, #tpu.memory_space<hbm>>
      %dma_start3A_240 = arith.constant 0 : i32
      %dma_start3A_241 = tpu.memref_slice %arg12[%add3A_235, %dma_start3A_240] : memref<128x64xf32, #tpu.memory_space<vmem>> -> memref<1x64xf32, #tpu.memory_space<vmem>>
      %dma_start3A_242 = arith.constant 0 : i32
      %dma_start3A_243 = tpu.memref_slice %arg5[%squeeze3A_231, %dma_start3A_242] : memref<100000x64xf32, #tpu.memory_space<hbm>> -> memref<1x64xf32, #tpu.memory_space<hbm>>
      tpu.enqueue_dma source(%dma_start3A_243 : memref<1x64xf32, #tpu.memory_space<hbm>>) target(%dma_start3A_241 : memref<1x64xf32, #tpu.memory_space<vmem>>) target_semaphore(%arg14 : memref<!tpu.dma_semaphore, #tpu.memory_space<semaphore_mem>>)
      %slice3A_244 = vector.extract_strided_slice %get3A_126 {offsets = [4], sizes = [1], strides = [1]} : vector<16xi32> to vector<1xi32>
      %squeeze3A_245 = vector.extract %slice3A_244[0] : i32 from vector<1xi32>
      %mul3A_246 = arith.constant 16 : i32
      %mul3A_247 = arith.muli %scan3A_120, %mul3A_246 : i32
      %add3A_248 = arith.constant 4 : i32
      %add3A_249 = arith.addi %mul3A_247, %add3A_248 : i32
      %dma_start3A_250 = arith.constant 0 : i32
      %dma_start3A_251 = tpu.memref_slice %arg10[%add3A_249, %dma_start3A_250] : memref<128x64xf32, #tpu.memory_space<vmem>> -> memref<1x64xf32, #tpu.memory_space<vmem>>
      %dma_start3A_252 = arith.constant 0 : i32
      %dma_start3A_253 = tpu.memref_slice %arg4[%squeeze3A_245, %dma_start3A_252] : memref<1000000x64xf32, #tpu.memory_space<hbm>> -> memref<1x64xf32, #tpu.memory_space<hbm>>
      %dma_start3A_254 = arith.constant 0 : i32
      %dma_start3A_255 = tpu.memref_slice %arg10[%add3A_249, %dma_start3A_254] : memref<128x64xf32, #tpu.memory_space<vmem>> -> memref<1x64xf32, #tpu.memory_space<vmem>>
      %dma_start3A_256 = arith.constant 0 : i32
      %dma_start3A_257 = tpu.memref_slice %arg4[%squeeze3A_245, %dma_start3A_256] : memref<1000000x64xf32, #tpu.memory_space<hbm>> -> memref<1x64xf32, #tpu.memory_space<hbm>>
      tpu.enqueue_dma source(%dma_start3A_257 : memref<1x64xf32, #tpu.memory_space<hbm>>) target(%dma_start3A_255 : memref<1x64xf32, #tpu.memory_space<vmem>>) target_semaphore(%arg14 : memref<!tpu.dma_semaphore, #tpu.memory_space<semaphore_mem>>)
      %slice3A_258 = vector.extract_strided_slice %get3A_133 {offsets = [4], sizes = [1], strides = [1]} : vector<16xi32> to vector<1xi32>
      %squeeze3A_259 = vector.extract %slice3A_258[0] : i32 from vector<1xi32>
      %mul3A_260 = arith.constant 16 : i32
      %mul3A_261 = arith.muli %scan3A_120, %mul3A_260 : i32
      %add3A_262 = arith.constant 4 : i32
      %add3A_263 = arith.addi %mul3A_261, %add3A_262 : i32
      %dma_start3A_264 = arith.constant 0 : i32
      %dma_start3A_265 = tpu.memref_slice %arg12[%add3A_263, %dma_start3A_264] : memref<128x64xf32, #tpu.memory_space<vmem>> -> memref<1x64xf32, #tpu.memory_space<vmem>>
      %dma_start3A_266 = arith.constant 0 : i32
      %dma_start3A_267 = tpu.memref_slice %arg5[%squeeze3A_259, %dma_start3A_266] : memref<100000x64xf32, #tpu.memory_space<hbm>> -> memref<1x64xf32, #tpu.memory_space<hbm>>
      %dma_start3A_268 = arith.constant 0 : i32
      %dma_start3A_269 = tpu.memref_slice %arg12[%add3A_263, %dma_start3A_268] : memref<128x64xf32, #tpu.memory_space<vmem>> -> memref<1x64xf32, #tpu.memory_space<vmem>>
      %dma_start3A_270 = arith.constant 0 : i32
      %dma_start3A_271 = tpu.memref_slice %arg5[%squeeze3A_259, %dma_start3A_270] : memref<100000x64xf32, #tpu.memory_space<hbm>> -> memref<1x64xf32, #tpu.memory_space<hbm>>
      tpu.enqueue_dma source(%dma_start3A_271 : memref<1x64xf32, #tpu.memory_space<hbm>>) target(%dma_start3A_269 : memref<1x64xf32, #tpu.memory_space<vmem>>) target_semaphore(%arg14 : memref<!tpu.dma_semaphore, #tpu.memory_space<semaphore_mem>>)
      %slice3A_272 = vector.extract_strided_slice %get3A_126 {offsets = [5], sizes = [1], strides = [1]} : vector<16xi32> to vector<1xi32>
      %squeeze3A_273 = vector.extract %slice3A_272[0] : i32 from vector<1xi32>
      %mul3A_274 = arith.constant 16 : i32
      %mul3A_275 = arith.muli %scan3A_120, %mul3A_274 : i32
      %add3A_276 = arith.constant 5 : i32
      %add3A_277 = arith.addi %mul3A_275, %add3A_276 : i32
      %dma_start3A_278 = arith.constant 0 : i32
      %dma_start3A_279 = tpu.memref_slice %arg10[%add3A_277, %dma_start3A_278] : memref<128x64xf32, #tpu.memory_space<vmem>> -> memref<1x64xf32, #tpu.memory_space<vmem>>
      %dma_start3A_280 = arith.constant 0 : i32
      %dma_start3A_281 = tpu.memref_slice %arg4[%squeeze3A_273, %dma_start3A_280] : memref<1000000x64xf32, #tpu.memory_space<hbm>> -> memref<1x64xf32, #tpu.memory_space<hbm>>
      %dma_start3A_282 = arith.constant 0 : i32
      %dma_start3A_283 = tpu.memref_slice %arg10[%add3A_277, %dma_start3A_282] : memref<128x64xf32, #tpu.memory_space<vmem>> -> memref<1x64xf32, #tpu.memory_space<vmem>>
      %dma_start3A_284 = arith.constant 0 : i32
      %dma_start3A_285 = tpu.memref_slice %arg4[%squeeze3A_273, %dma_start3A_284] : memref<1000000x64xf32, #tpu.memory_space<hbm>> -> memref<1x64xf32, #tpu.memory_space<hbm>>
      tpu.enqueue_dma source(%dma_start3A_285 : memref<1x64xf32, #tpu.memory_space<hbm>>) target(%dma_start3A_283 : memref<1x64xf32, #tpu.memory_space<vmem>>) target_semaphore(%arg14 : memref<!tpu.dma_semaphore, #tpu.memory_space<semaphore_mem>>)
      %slice3A_286 = vector.extract_strided_slice %get3A_133 {offsets = [5], sizes = [1], strides = [1]} : vector<16xi32> to vector<1xi32>
      %squeeze3A_287 = vector.extract %slice3A_286[0] : i32 from vector<1xi32>
      %mul3A_288 = arith.constant 16 : i32
      %mul3A_289 = arith.muli %scan3A_120, %mul3A_288 : i32
      %add3A_290 = arith.constant 5 : i32
      %add3A_291 = arith.addi %mul3A_289, %add3A_290 : i32
      %dma_start3A_292 = arith.constant 0 : i32
      %dma_start3A_293 = tpu.memref_slice %arg12[%add3A_291, %dma_start3A_292] : memref<128x64xf32, #tpu.memory_space<vmem>> -> memref<1x64xf32, #tpu.memory_space<vmem>>
      %dma_start3A_294 = arith.constant 0 : i32
      %dma_start3A_295 = tpu.memref_slice %arg5[%squeeze3A_287, %dma_start3A_294] : memref<100000x64xf32, #tpu.memory_space<hbm>> -> memref<1x64xf32, #tpu.memory_space<hbm>>
      %dma_start3A_296 = arith.constant 0 : i32
      %dma_start3A_297 = tpu.memref_slice %arg12[%add3A_291, %dma_start3A_296] : memref<128x64xf32, #tpu.memory_space<vmem>> -> memref<1x64xf32, #tpu.memory_space<vmem>>
      %dma_start3A_298 = arith.constant 0 : i32
      %dma_start3A_299 = tpu.memref_slice %arg5[%squeeze3A_287, %dma_start3A_298] : memref<100000x64xf32, #tpu.memory_space<hbm>> -> memref<1x64xf32, #tpu.memory_space<hbm>>
      tpu.enqueue_dma source(%dma_start3A_299 : memref<1x64xf32, #tpu.memory_space<hbm>>) target(%dma_start3A_297 : memref<1x64xf32, #tpu.memory_space<vmem>>) target_semaphore(%arg14 : memref<!tpu.dma_semaphore, #tpu.memory_space<semaphore_mem>>)
      %slice3A_300 = vector.extract_strided_slice %get3A_126 {offsets = [6], sizes = [1], strides = [1]} : vector<16xi32> to vector<1xi32>
      %squeeze3A_301 = vector.extract %slice3A_300[0] : i32 from vector<1xi32>
      %mul3A_302 = arith.constant 16 : i32
      %mul3A_303 = arith.muli %scan3A_120, %mul3A_302 : i32
      %add3A_304 = arith.constant 6 : i32
      %add3A_305 = arith.addi %mul3A_303, %add3A_304 : i32
      %dma_start3A_306 = arith.constant 0 : i32
      %dma_start3A_307 = tpu.memref_slice %arg10[%add3A_305, %dma_start3A_306] : memref<128x64xf32, #tpu.memory_space<vmem>> -> memref<1x64xf32, #tpu.memory_space<vmem>>
      %dma_start3A_308 = arith.constant 0 : i32
      %dma_start3A_309 = tpu.memref_slice %arg4[%squeeze3A_301, %dma_start3A_308] : memref<1000000x64xf32, #tpu.memory_space<hbm>> -> memref<1x64xf32, #tpu.memory_space<hbm>>
      %dma_start3A_310 = arith.constant 0 : i32
      %dma_start3A_311 = tpu.memref_slice %arg10[%add3A_305, %dma_start3A_310] : memref<128x64xf32, #tpu.memory_space<vmem>> -> memref<1x64xf32, #tpu.memory_space<vmem>>
      %dma_start3A_312 = arith.constant 0 : i32
      %dma_start3A_313 = tpu.memref_slice %arg4[%squeeze3A_301, %dma_start3A_312] : memref<1000000x64xf32, #tpu.memory_space<hbm>> -> memref<1x64xf32, #tpu.memory_space<hbm>>
      tpu.enqueue_dma source(%dma_start3A_313 : memref<1x64xf32, #tpu.memory_space<hbm>>) target(%dma_start3A_311 : memref<1x64xf32, #tpu.memory_space<vmem>>) target_semaphore(%arg14 : memref<!tpu.dma_semaphore, #tpu.memory_space<semaphore_mem>>)
      %slice3A_314 = vector.extract_strided_slice %get3A_133 {offsets = [6], sizes = [1], strides = [1]} : vector<16xi32> to vector<1xi32>
      %squeeze3A_315 = vector.extract %slice3A_314[0] : i32 from vector<1xi32>
      %mul3A_316 = arith.constant 16 : i32
      %mul3A_317 = arith.muli %scan3A_120, %mul3A_316 : i32
      %add3A_318 = arith.constant 6 : i32
      %add3A_319 = arith.addi %mul3A_317, %add3A_318 : i32
      %dma_start3A_320 = arith.constant 0 : i32
      %dma_start3A_321 = tpu.memref_slice %arg12[%add3A_319, %dma_start3A_320] : memref<128x64xf32, #tpu.memory_space<vmem>> -> memref<1x64xf32, #tpu.memory_space<vmem>>
      %dma_start3A_322 = arith.constant 0 : i32
      %dma_start3A_323 = tpu.memref_slice %arg5[%squeeze3A_315, %dma_start3A_322] : memref<100000x64xf32, #tpu.memory_space<hbm>> -> memref<1x64xf32, #tpu.memory_space<hbm>>
      %dma_start3A_324 = arith.constant 0 : i32
      %dma_start3A_325 = tpu.memref_slice %arg12[%add3A_319, %dma_start3A_324] : memref<128x64xf32, #tpu.memory_space<vmem>> -> memref<1x64xf32, #tpu.memory_space<vmem>>
      %dma_start3A_326 = arith.constant 0 : i32
      %dma_start3A_327 = tpu.memref_slice %arg5[%squeeze3A_315, %dma_start3A_326] : memref<100000x64xf32, #tpu.memory_space<hbm>> -> memref<1x64xf32, #tpu.memory_space<hbm>>
      tpu.enqueue_dma source(%dma_start3A_327 : memref<1x64xf32, #tpu.memory_space<hbm>>) target(%dma_start3A_325 : memref<1x64xf32, #tpu.memory_space<vmem>>) target_semaphore(%arg14 : memref<!tpu.dma_semaphore, #tpu.memory_space<semaphore_mem>>)
      %slice3A_328 = vector.extract_strided_slice %get3A_126 {offsets = [7], sizes = [1], strides = [1]} : vector<16xi32> to vector<1xi32>
      %squeeze3A_329 = vector.extract %slice3A_328[0] : i32 from vector<1xi32>
      %mul3A_330 = arith.constant 16 : i32
      %mul3A_331 = arith.muli %scan3A_120, %mul3A_330 : i32
      %add3A_332 = arith.constant 7 : i32
      %add3A_333 = arith.addi %mul3A_331, %add3A_332 : i32
      %dma_start3A_334 = arith.constant 0 : i32
      %dma_start3A_335 = tpu.memref_slice %arg10[%add3A_333, %dma_start3A_334] : memref<128x64xf32, #tpu.memory_space<vmem>> -> memref<1x64xf32, #tpu.memory_space<vmem>>
      %dma_start3A_336 = arith.constant 0 : i32
      %dma_start3A_337 = tpu.memref_slice %arg4[%squeeze3A_329, %dma_start3A_336] : memref<1000000x64xf32, #tpu.memory_space<hbm>> -> memref<1x64xf32, #tpu.memory_space<hbm>>
      %dma_start3A_338 = arith.constant 0 : i32
      %dma_start3A_339 = tpu.memref_slice %arg10[%add3A_333, %dma_start3A_338] : memref<128x64xf32, #tpu.memory_space<vmem>> -> memref<1x64xf32, #tpu.memory_space<vmem>>
      %dma_start3A_340 = arith.constant 0 : i32
      %dma_start3A_341 = tpu.memref_slice %arg4[%squeeze3A_329, %dma_start3A_340] : memref<1000000x64xf32, #tpu.memory_space<hbm>> -> memref<1x64xf32, #tpu.memory_space<hbm>>
      tpu.enqueue_dma source(%dma_start3A_341 : memref<1x64xf32, #tpu.memory_space<hbm>>) target(%dma_start3A_339 : memref<1x64xf32, #tpu.memory_space<vmem>>) target_semaphore(%arg14 : memref<!tpu.dma_semaphore, #tpu.memory_space<semaphore_mem>>)
      %slice3A_342 = vector.extract_strided_slice %get3A_133 {offsets = [7], sizes = [1], strides = [1]} : vector<16xi32> to vector<1xi32>
      %squeeze3A_343 = vector.extract %slice3A_342[0] : i32 from vector<1xi32>
      %mul3A_344 = arith.constant 16 : i32
      %mul3A_345 = arith.muli %scan3A_120, %mul3A_344 : i32
      %add3A_346 = arith.constant 7 : i32
      %add3A_347 = arith.addi %mul3A_345, %add3A_346 : i32
      %dma_start3A_348 = arith.constant 0 : i32
      %dma_start3A_349 = tpu.memref_slice %arg12[%add3A_347, %dma_start3A_348] : memref<128x64xf32, #tpu.memory_space<vmem>> -> memref<1x64xf32, #tpu.memory_space<vmem>>
      %dma_start3A_350 = arith.constant 0 : i32
      %dma_start3A_351 = tpu.memref_slice %arg5[%squeeze3A_343, %dma_start3A_350] : memref<100000x64xf32, #tpu.memory_space<hbm>> -> memref<1x64xf32, #tpu.memory_space<hbm>>
      %dma_start3A_352 = arith.constant 0 : i32
      %dma_start3A_353 = tpu.memref_slice %arg12[%add3A_347, %dma_start3A_352] : memref<128x64xf32, #tpu.memory_space<vmem>> -> memref<1x64xf32, #tpu.memory_space<vmem>>
      %dma_start3A_354 = arith.constant 0 : i32
      %dma_start3A_355 = tpu.memref_slice %arg5[%squeeze3A_343, %dma_start3A_354] : memref<100000x64xf32, #tpu.memory_space<hbm>> -> memref<1x64xf32, #tpu.memory_space<hbm>>
      tpu.enqueue_dma source(%dma_start3A_355 : memref<1x64xf32, #tpu.memory_space<hbm>>) target(%dma_start3A_353 : memref<1x64xf32, #tpu.memory_space<vmem>>) target_semaphore(%arg14 : memref<!tpu.dma_semaphore, #tpu.memory_space<semaphore_mem>>)
      %slice3A_356 = vector.extract_strided_slice %get3A_126 {offsets = [8], sizes = [1], strides = [1]} : vector<16xi32> to vector<1xi32>
      %squeeze3A_357 = vector.extract %slice3A_356[0] : i32 from vector<1xi32>
      %mul3A_358 = arith.constant 16 : i32
      %mul3A_359 = arith.muli %scan3A_120, %mul3A_358 : i32
      %add3A_360 = arith.constant 8 : i32
      %add3A_361 = arith.addi %mul3A_359, %add3A_360 : i32
      %dma_start3A_362 = arith.constant 0 : i32
      %dma_start3A_363 = tpu.memref_slice %arg10[%add3A_361, %dma_start3A_362] : memref<128x64xf32, #tpu.memory_space<vmem>> -> memref<1x64xf32, #tpu.memory_space<vmem>>
      %dma_start3A_364 = arith.constant 0 : i32
      %dma_start3A_365 = tpu.memref_slice %arg4[%squeeze3A_357, %dma_start3A_364] : memref<1000000x64xf32, #tpu.memory_space<hbm>> -> memref<1x64xf32, #tpu.memory_space<hbm>>
      %dma_start3A_366 = arith.constant 0 : i32
      %dma_start3A_367 = tpu.memref_slice %arg10[%add3A_361, %dma_start3A_366] : memref<128x64xf32, #tpu.memory_space<vmem>> -> memref<1x64xf32, #tpu.memory_space<vmem>>
      %dma_start3A_368 = arith.constant 0 : i32
      %dma_start3A_369 = tpu.memref_slice %arg4[%squeeze3A_357, %dma_start3A_368] : memref<1000000x64xf32, #tpu.memory_space<hbm>> -> memref<1x64xf32, #tpu.memory_space<hbm>>
      tpu.enqueue_dma source(%dma_start3A_369 : memref<1x64xf32, #tpu.memory_space<hbm>>) target(%dma_start3A_367 : memref<1x64xf32, #tpu.memory_space<vmem>>) target_semaphore(%arg14 : memref<!tpu.dma_semaphore, #tpu.memory_space<semaphore_mem>>)
      %slice3A_370 = vector.extract_strided_slice %get3A_133 {offsets = [8], sizes = [1], strides = [1]} : vector<16xi32> to vector<1xi32>
      %squeeze3A_371 = vector.extract %slice3A_370[0] : i32 from vector<1xi32>
      %mul3A_372 = arith.constant 16 : i32
      %mul3A_373 = arith.muli %scan3A_120, %mul3A_372 : i32
      %add3A_374 = arith.constant 8 : i32
      %add3A_375 = arith.addi %mul3A_373, %add3A_374 : i32
      %dma_start3A_376 = arith.constant 0 : i32
      %dma_start3A_377 = tpu.memref_slice %arg12[%add3A_375, %dma_start3A_376] : memref<128x64xf32, #tpu.memory_space<vmem>> -> memref<1x64xf32, #tpu.memory_space<vmem>>
      %dma_start3A_378 = arith.constant 0 : i32
      %dma_start3A_379 = tpu.memref_slice %arg5[%squeeze3A_371, %dma_start3A_378] : memref<100000x64xf32, #tpu.memory_space<hbm>> -> memref<1x64xf32, #tpu.memory_space<hbm>>
      %dma_start3A_380 = arith.constant 0 : i32
      %dma_start3A_381 = tpu.memref_slice %arg12[%add3A_375, %dma_start3A_380] : memref<128x64xf32, #tpu.memory_space<vmem>> -> memref<1x64xf32, #tpu.memory_space<vmem>>
      %dma_start3A_382 = arith.constant 0 : i32
      %dma_start3A_383 = tpu.memref_slice %arg5[%squeeze3A_371, %dma_start3A_382] : memref<100000x64xf32, #tpu.memory_space<hbm>> -> memref<1x64xf32, #tpu.memory_space<hbm>>
      tpu.enqueue_dma source(%dma_start3A_383 : memref<1x64xf32, #tpu.memory_space<hbm>>) target(%dma_start3A_381 : memref<1x64xf32, #tpu.memory_space<vmem>>) target_semaphore(%arg14 : memref<!tpu.dma_semaphore, #tpu.memory_space<semaphore_mem>>)
      %slice3A_384 = vector.extract_strided_slice %get3A_126 {offsets = [9], sizes = [1], strides = [1]} : vector<16xi32> to vector<1xi32>
      %squeeze3A_385 = vector.extract %slice3A_384[0] : i32 from vector<1xi32>
      %mul3A_386 = arith.constant 16 : i32
      %mul3A_387 = arith.muli %scan3A_120, %mul3A_386 : i32
      %add3A_388 = arith.constant 9 : i32
      %add3A_389 = arith.addi %mul3A_387, %add3A_388 : i32
      %dma_start3A_390 = arith.constant 0 : i32
      %dma_start3A_391 = tpu.memref_slice %arg10[%add3A_389, %dma_start3A_390] : memref<128x64xf32, #tpu.memory_space<vmem>> -> memref<1x64xf32, #tpu.memory_space<vmem>>
      %dma_start3A_392 = arith.constant 0 : i32
      %dma_start3A_393 = tpu.memref_slice %arg4[%squeeze3A_385, %dma_start3A_392] : memref<1000000x64xf32, #tpu.memory_space<hbm>> -> memref<1x64xf32, #tpu.memory_space<hbm>>
      %dma_start3A_394 = arith.constant 0 : i32
      %dma_start3A_395 = tpu.memref_slice %arg10[%add3A_389, %dma_start3A_394] : memref<128x64xf32, #tpu.memory_space<vmem>> -> memref<1x64xf32, #tpu.memory_space<vmem>>
      %dma_start3A_396 = arith.constant 0 : i32
      %dma_start3A_397 = tpu.memref_slice %arg4[%squeeze3A_385, %dma_start3A_396] : memref<1000000x64xf32, #tpu.memory_space<hbm>> -> memref<1x64xf32, #tpu.memory_space<hbm>>
      tpu.enqueue_dma source(%dma_start3A_397 : memref<1x64xf32, #tpu.memory_space<hbm>>) target(%dma_start3A_395 : memref<1x64xf32, #tpu.memory_space<vmem>>) target_semaphore(%arg14 : memref<!tpu.dma_semaphore, #tpu.memory_space<semaphore_mem>>)
      %slice3A_398 = vector.extract_strided_slice %get3A_133 {offsets = [9], sizes = [1], strides = [1]} : vector<16xi32> to vector<1xi32>
      %squeeze3A_399 = vector.extract %slice3A_398[0] : i32 from vector<1xi32>
      %mul3A_400 = arith.constant 16 : i32
      %mul3A_401 = arith.muli %scan3A_120, %mul3A_400 : i32
      %add3A_402 = arith.constant 9 : i32
      %add3A_403 = arith.addi %mul3A_401, %add3A_402 : i32
      %dma_start3A_404 = arith.constant 0 : i32
      %dma_start3A_405 = tpu.memref_slice %arg12[%add3A_403, %dma_start3A_404] : memref<128x64xf32, #tpu.memory_space<vmem>> -> memref<1x64xf32, #tpu.memory_space<vmem>>
      %dma_start3A_406 = arith.constant 0 : i32
      %dma_start3A_407 = tpu.memref_slice %arg5[%squeeze3A_399, %dma_start3A_406] : memref<100000x64xf32, #tpu.memory_space<hbm>> -> memref<1x64xf32, #tpu.memory_space<hbm>>
      %dma_start3A_408 = arith.constant 0 : i32
      %dma_start3A_409 = tpu.memref_slice %arg12[%add3A_403, %dma_start3A_408] : memref<128x64xf32, #tpu.memory_space<vmem>> -> memref<1x64xf32, #tpu.memory_space<vmem>>
      %dma_start3A_410 = arith.constant 0 : i32
      %dma_start3A_411 = tpu.memref_slice %arg5[%squeeze3A_399, %dma_start3A_410] : memref<100000x64xf32, #tpu.memory_space<hbm>> -> memref<1x64xf32, #tpu.memory_space<hbm>>
      tpu.enqueue_dma source(%dma_start3A_411 : memref<1x64xf32, #tpu.memory_space<hbm>>) target(%dma_start3A_409 : memref<1x64xf32, #tpu.memory_space<vmem>>) target_semaphore(%arg14 : memref<!tpu.dma_semaphore, #tpu.memory_space<semaphore_mem>>)
      %slice3A_412 = vector.extract_strided_slice %get3A_126 {offsets = [10], sizes = [1], strides = [1]} : vector<16xi32> to vector<1xi32>
      %squeeze3A_413 = vector.extract %slice3A_412[0] : i32 from vector<1xi32>
      %mul3A_414 = arith.constant 16 : i32
      %mul3A_415 = arith.muli %scan3A_120, %mul3A_414 : i32
      %add3A_416 = arith.constant 10 : i32
      %add3A_417 = arith.addi %mul3A_415, %add3A_416 : i32
      %dma_start3A_418 = arith.constant 0 : i32
      %dma_start3A_419 = tpu.memref_slice %arg10[%add3A_417, %dma_start3A_418] : memref<128x64xf32, #tpu.memory_space<vmem>> -> memref<1x64xf32, #tpu.memory_space<vmem>>
      %dma_start3A_420 = arith.constant 0 : i32
      %dma_start3A_421 = tpu.memref_slice %arg4[%squeeze3A_413, %dma_start3A_420] : memref<1000000x64xf32, #tpu.memory_space<hbm>> -> memref<1x64xf32, #tpu.memory_space<hbm>>
      %dma_start3A_422 = arith.constant 0 : i32
      %dma_start3A_423 = tpu.memref_slice %arg10[%add3A_417, %dma_start3A_422] : memref<128x64xf32, #tpu.memory_space<vmem>> -> memref<1x64xf32, #tpu.memory_space<vmem>>
      %dma_start3A_424 = arith.constant 0 : i32
      %dma_start3A_425 = tpu.memref_slice %arg4[%squeeze3A_413, %dma_start3A_424] : memref<1000000x64xf32, #tpu.memory_space<hbm>> -> memref<1x64xf32, #tpu.memory_space<hbm>>
      tpu.enqueue_dma source(%dma_start3A_425 : memref<1x64xf32, #tpu.memory_space<hbm>>) target(%dma_start3A_423 : memref<1x64xf32, #tpu.memory_space<vmem>>) target_semaphore(%arg14 : memref<!tpu.dma_semaphore, #tpu.memory_space<semaphore_mem>>)
      %slice3A_426 = vector.extract_strided_slice %get3A_133 {offsets = [10], sizes = [1], strides = [1]} : vector<16xi32> to vector<1xi32>
      %squeeze3A_427 = vector.extract %slice3A_426[0] : i32 from vector<1xi32>
      %mul3A_428 = arith.constant 16 : i32
      %mul3A_429 = arith.muli %scan3A_120, %mul3A_428 : i32
      %add3A_430 = arith.constant 10 : i32
      %add3A_431 = arith.addi %mul3A_429, %add3A_430 : i32
      %dma_start3A_432 = arith.constant 0 : i32
      %dma_start3A_433 = tpu.memref_slice %arg12[%add3A_431, %dma_start3A_432] : memref<128x64xf32, #tpu.memory_space<vmem>> -> memref<1x64xf32, #tpu.memory_space<vmem>>
      %dma_start3A_434 = arith.constant 0 : i32
      %dma_start3A_435 = tpu.memref_slice %arg5[%squeeze3A_427, %dma_start3A_434] : memref<100000x64xf32, #tpu.memory_space<hbm>> -> memref<1x64xf32, #tpu.memory_space<hbm>>
      %dma_start3A_436 = arith.constant 0 : i32
      %dma_start3A_437 = tpu.memref_slice %arg12[%add3A_431, %dma_start3A_436] : memref<128x64xf32, #tpu.memory_space<vmem>> -> memref<1x64xf32, #tpu.memory_space<vmem>>
      %dma_start3A_438 = arith.constant 0 : i32
      %dma_start3A_439 = tpu.memref_slice %arg5[%squeeze3A_427, %dma_start3A_438] : memref<100000x64xf32, #tpu.memory_space<hbm>> -> memref<1x64xf32, #tpu.memory_space<hbm>>
      tpu.enqueue_dma source(%dma_start3A_439 : memref<1x64xf32, #tpu.memory_space<hbm>>) target(%dma_start3A_437 : memref<1x64xf32, #tpu.memory_space<vmem>>) target_semaphore(%arg14 : memref<!tpu.dma_semaphore, #tpu.memory_space<semaphore_mem>>)
      %slice3A_440 = vector.extract_strided_slice %get3A_126 {offsets = [11], sizes = [1], strides = [1]} : vector<16xi32> to vector<1xi32>
      %squeeze3A_441 = vector.extract %slice3A_440[0] : i32 from vector<1xi32>
      %mul3A_442 = arith.constant 16 : i32
      %mul3A_443 = arith.muli %scan3A_120, %mul3A_442 : i32
      %add3A_444 = arith.constant 11 : i32
      %add3A_445 = arith.addi %mul3A_443, %add3A_444 : i32
      %dma_start3A_446 = arith.constant 0 : i32
      %dma_start3A_447 = tpu.memref_slice %arg10[%add3A_445, %dma_start3A_446] : memref<128x64xf32, #tpu.memory_space<vmem>> -> memref<1x64xf32, #tpu.memory_space<vmem>>
      %dma_start3A_448 = arith.constant 0 : i32
      %dma_start3A_449 = tpu.memref_slice %arg4[%squeeze3A_441, %dma_start3A_448] : memref<1000000x64xf32, #tpu.memory_space<hbm>> -> memref<1x64xf32, #tpu.memory_space<hbm>>
      %dma_start3A_450 = arith.constant 0 : i32
      %dma_start3A_451 = tpu.memref_slice %arg10[%add3A_445, %dma_start3A_450] : memref<128x64xf32, #tpu.memory_space<vmem>> -> memref<1x64xf32, #tpu.memory_space<vmem>>
      %dma_start3A_452 = arith.constant 0 : i32
      %dma_start3A_453 = tpu.memref_slice %arg4[%squeeze3A_441, %dma_start3A_452] : memref<1000000x64xf32, #tpu.memory_space<hbm>> -> memref<1x64xf32, #tpu.memory_space<hbm>>
      tpu.enqueue_dma source(%dma_start3A_453 : memref<1x64xf32, #tpu.memory_space<hbm>>) target(%dma_start3A_451 : memref<1x64xf32, #tpu.memory_space<vmem>>) target_semaphore(%arg14 : memref<!tpu.dma_semaphore, #tpu.memory_space<semaphore_mem>>)
      %slice3A_454 = vector.extract_strided_slice %get3A_133 {offsets = [11], sizes = [1], strides = [1]} : vector<16xi32> to vector<1xi32>
      %squeeze3A_455 = vector.extract %slice3A_454[0] : i32 from vector<1xi32>
      %mul3A_456 = arith.constant 16 : i32
      %mul3A_457 = arith.muli %scan3A_120, %mul3A_456 : i32
      %add3A_458 = arith.constant 11 : i32
      %add3A_459 = arith.addi %mul3A_457, %add3A_458 : i32
      %dma_start3A_460 = arith.constant 0 : i32
      %dma_start3A_461 = tpu.memref_slice %arg12[%add3A_459, %dma_start3A_460] : memref<128x64xf32, #tpu.memory_space<vmem>> -> memref<1x64xf32, #tpu.memory_space<vmem>>
      %dma_start3A_462 = arith.constant 0 : i32
      %dma_start3A_463 = tpu.memref_slice %arg5[%squeeze3A_455, %dma_start3A_462] : memref<100000x64xf32, #tpu.memory_space<hbm>> -> memref<1x64xf32, #tpu.memory_space<hbm>>
      %dma_start3A_464 = arith.constant 0 : i32
      %dma_start3A_465 = tpu.memref_slice %arg12[%add3A_459, %dma_start3A_464] : memref<128x64xf32, #tpu.memory_space<vmem>> -> memref<1x64xf32, #tpu.memory_space<vmem>>
      %dma_start3A_466 = arith.constant 0 : i32
      %dma_start3A_467 = tpu.memref_slice %arg5[%squeeze3A_455, %dma_start3A_466] : memref<100000x64xf32, #tpu.memory_space<hbm>> -> memref<1x64xf32, #tpu.memory_space<hbm>>
      tpu.enqueue_dma source(%dma_start3A_467 : memref<1x64xf32, #tpu.memory_space<hbm>>) target(%dma_start3A_465 : memref<1x64xf32, #tpu.memory_space<vmem>>) target_semaphore(%arg14 : memref<!tpu.dma_semaphore, #tpu.memory_space<semaphore_mem>>)
      %slice3A_468 = vector.extract_strided_slice %get3A_126 {offsets = [12], sizes = [1], strides = [1]} : vector<16xi32> to vector<1xi32>
      %squeeze3A_469 = vector.extract %slice3A_468[0] : i32 from vector<1xi32>
      %mul3A_470 = arith.constant 16 : i32
      %mul3A_471 = arith.muli %scan3A_120, %mul3A_470 : i32
      %add3A_472 = arith.constant 12 : i32
      %add3A_473 = arith.addi %mul3A_471, %add3A_472 : i32
      %dma_start3A_474 = arith.constant 0 : i32
      %dma_start3A_475 = tpu.memref_slice %arg10[%add3A_473, %dma_start3A_474] : memref<128x64xf32, #tpu.memory_space<vmem>> -> memref<1x64xf32, #tpu.memory_space<vmem>>
      %dma_start3A_476 = arith.constant 0 : i32
      %dma_start3A_477 = tpu.memref_slice %arg4[%squeeze3A_469, %dma_start3A_476] : memref<1000000x64xf32, #tpu.memory_space<hbm>> -> memref<1x64xf32, #tpu.memory_space<hbm>>
      %dma_start3A_478 = arith.constant 0 : i32
      %dma_start3A_479 = tpu.memref_slice %arg10[%add3A_473, %dma_start3A_478] : memref<128x64xf32, #tpu.memory_space<vmem>> -> memref<1x64xf32, #tpu.memory_space<vmem>>
      %dma_start3A_480 = arith.constant 0 : i32
      %dma_start3A_481 = tpu.memref_slice %arg4[%squeeze3A_469, %dma_start3A_480] : memref<1000000x64xf32, #tpu.memory_space<hbm>> -> memref<1x64xf32, #tpu.memory_space<hbm>>
      tpu.enqueue_dma source(%dma_start3A_481 : memref<1x64xf32, #tpu.memory_space<hbm>>) target(%dma_start3A_479 : memref<1x64xf32, #tpu.memory_space<vmem>>) target_semaphore(%arg14 : memref<!tpu.dma_semaphore, #tpu.memory_space<semaphore_mem>>)
      %slice3A_482 = vector.extract_strided_slice %get3A_133 {offsets = [12], sizes = [1], strides = [1]} : vector<16xi32> to vector<1xi32>
      %squeeze3A_483 = vector.extract %slice3A_482[0] : i32 from vector<1xi32>
      %mul3A_484 = arith.constant 16 : i32
      %mul3A_485 = arith.muli %scan3A_120, %mul3A_484 : i32
      %add3A_486 = arith.constant 12 : i32
      %add3A_487 = arith.addi %mul3A_485, %add3A_486 : i32
      %dma_start3A_488 = arith.constant 0 : i32
      %dma_start3A_489 = tpu.memref_slice %arg12[%add3A_487, %dma_start3A_488] : memref<128x64xf32, #tpu.memory_space<vmem>> -> memref<1x64xf32, #tpu.memory_space<vmem>>
      %dma_start3A_490 = arith.constant 0 : i32
      %dma_start3A_491 = tpu.memref_slice %arg5[%squeeze3A_483, %dma_start3A_490] : memref<100000x64xf32, #tpu.memory_space<hbm>> -> memref<1x64xf32, #tpu.memory_space<hbm>>
      %dma_start3A_492 = arith.constant 0 : i32
      %dma_start3A_493 = tpu.memref_slice %arg12[%add3A_487, %dma_start3A_492] : memref<128x64xf32, #tpu.memory_space<vmem>> -> memref<1x64xf32, #tpu.memory_space<vmem>>
      %dma_start3A_494 = arith.constant 0 : i32
      %dma_start3A_495 = tpu.memref_slice %arg5[%squeeze3A_483, %dma_start3A_494] : memref<100000x64xf32, #tpu.memory_space<hbm>> -> memref<1x64xf32, #tpu.memory_space<hbm>>
      tpu.enqueue_dma source(%dma_start3A_495 : memref<1x64xf32, #tpu.memory_space<hbm>>) target(%dma_start3A_493 : memref<1x64xf32, #tpu.memory_space<vmem>>) target_semaphore(%arg14 : memref<!tpu.dma_semaphore, #tpu.memory_space<semaphore_mem>>)
      %slice3A_496 = vector.extract_strided_slice %get3A_126 {offsets = [13], sizes = [1], strides = [1]} : vector<16xi32> to vector<1xi32>
      %squeeze3A_497 = vector.extract %slice3A_496[0] : i32 from vector<1xi32>
      %mul3A_498 = arith.constant 16 : i32
      %mul3A_499 = arith.muli %scan3A_120, %mul3A_498 : i32
      %add3A_500 = arith.constant 13 : i32
      %add3A_501 = arith.addi %mul3A_499, %add3A_500 : i32
      %dma_start3A_502 = arith.constant 0 : i32
      %dma_start3A_503 = tpu.memref_slice %arg10[%add3A_501, %dma_start3A_502] : memref<128x64xf32, #tpu.memory_space<vmem>> -> memref<1x64xf32, #tpu.memory_space<vmem>>
      %dma_start3A_504 = arith.constant 0 : i32
      %dma_start3A_505 = tpu.memref_slice %arg4[%squeeze3A_497, %dma_start3A_504] : memref<1000000x64xf32, #tpu.memory_space<hbm>> -> memref<1x64xf32, #tpu.memory_space<hbm>>
      %dma_start3A_506 = arith.constant 0 : i32
      %dma_start3A_507 = tpu.memref_slice %arg10[%add3A_501, %dma_start3A_506] : memref<128x64xf32, #tpu.memory_space<vmem>> -> memref<1x64xf32, #tpu.memory_space<vmem>>
      %dma_start3A_508 = arith.constant 0 : i32
      %dma_start3A_509 = tpu.memref_slice %arg4[%squeeze3A_497, %dma_start3A_508] : memref<1000000x64xf32, #tpu.memory_space<hbm>> -> memref<1x64xf32, #tpu.memory_space<hbm>>
      tpu.enqueue_dma source(%dma_start3A_509 : memref<1x64xf32, #tpu.memory_space<hbm>>) target(%dma_start3A_507 : memref<1x64xf32, #tpu.memory_space<vmem>>) target_semaphore(%arg14 : memref<!tpu.dma_semaphore, #tpu.memory_space<semaphore_mem>>)
      %slice3A_510 = vector.extract_strided_slice %get3A_133 {offsets = [13], sizes = [1], strides = [1]} : vector<16xi32> to vector<1xi32>
      %squeeze3A_511 = vector.extract %slice3A_510[0] : i32 from vector<1xi32>
      %mul3A_512 = arith.constant 16 : i32
      %mul3A_513 = arith.muli %scan3A_120, %mul3A_512 : i32
      %add3A_514 = arith.constant 13 : i32
      %add3A_515 = arith.addi %mul3A_513, %add3A_514 : i32
      %dma_start3A_516 = arith.constant 0 : i32
      %dma_start3A_517 = tpu.memref_slice %arg12[%add3A_515, %dma_start3A_516] : memref<128x64xf32, #tpu.memory_space<vmem>> -> memref<1x64xf32, #tpu.memory_space<vmem>>
      %dma_start3A_518 = arith.constant 0 : i32
      %dma_start3A_519 = tpu.memref_slice %arg5[%squeeze3A_511, %dma_start3A_518] : memref<100000x64xf32, #tpu.memory_space<hbm>> -> memref<1x64xf32, #tpu.memory_space<hbm>>
      %dma_start3A_520 = arith.constant 0 : i32
      %dma_start3A_521 = tpu.memref_slice %arg12[%add3A_515, %dma_start3A_520] : memref<128x64xf32, #tpu.memory_space<vmem>> -> memref<1x64xf32, #tpu.memory_space<vmem>>
      %dma_start3A_522 = arith.constant 0 : i32
      %dma_start3A_523 = tpu.memref_slice %arg5[%squeeze3A_511, %dma_start3A_522] : memref<100000x64xf32, #tpu.memory_space<hbm>> -> memref<1x64xf32, #tpu.memory_space<hbm>>
      tpu.enqueue_dma source(%dma_start3A_523 : memref<1x64xf32, #tpu.memory_space<hbm>>) target(%dma_start3A_521 : memref<1x64xf32, #tpu.memory_space<vmem>>) target_semaphore(%arg14 : memref<!tpu.dma_semaphore, #tpu.memory_space<semaphore_mem>>)
      %slice3A_524 = vector.extract_strided_slice %get3A_126 {offsets = [14], sizes = [1], strides = [1]} : vector<16xi32> to vector<1xi32>
      %squeeze3A_525 = vector.extract %slice3A_524[0] : i32 from vector<1xi32>
      %mul3A_526 = arith.constant 16 : i32
      %mul3A_527 = arith.muli %scan3A_120, %mul3A_526 : i32
      %add3A_528 = arith.constant 14 : i32
      %add3A_529 = arith.addi %mul3A_527, %add3A_528 : i32
      %dma_start3A_530 = arith.constant 0 : i32
      %dma_start3A_531 = tpu.memref_slice %arg10[%add3A_529, %dma_start3A_530] : memref<128x64xf32, #tpu.memory_space<vmem>> -> memref<1x64xf32, #tpu.memory_space<vmem>>
      %dma_start3A_532 = arith.constant 0 : i32
      %dma_start3A_533 = tpu.memref_slice %arg4[%squeeze3A_525, %dma_start3A_532] : memref<1000000x64xf32, #tpu.memory_space<hbm>> -> memref<1x64xf32, #tpu.memory_space<hbm>>
      %dma_start3A_534 = arith.constant 0 : i32
      %dma_start3A_535 = tpu.memref_slice %arg10[%add3A_529, %dma_start3A_534] : memref<128x64xf32, #tpu.memory_space<vmem>> -> memref<1x64xf32, #tpu.memory_space<vmem>>
      %dma_start3A_536 = arith.constant 0 : i32
      %dma_start3A_537 = tpu.memref_slice %arg4[%squeeze3A_525, %dma_start3A_536] : memref<1000000x64xf32, #tpu.memory_space<hbm>> -> memref<1x64xf32, #tpu.memory_space<hbm>>
      tpu.enqueue_dma source(%dma_start3A_537 : memref<1x64xf32, #tpu.memory_space<hbm>>) target(%dma_start3A_535 : memref<1x64xf32, #tpu.memory_space<vmem>>) target_semaphore(%arg14 : memref<!tpu.dma_semaphore, #tpu.memory_space<semaphore_mem>>)
      %slice3A_538 = vector.extract_strided_slice %get3A_133 {offsets = [14], sizes = [1], strides = [1]} : vector<16xi32> to vector<1xi32>
      %squeeze3A_539 = vector.extract %slice3A_538[0] : i32 from vector<1xi32>
      %mul3A_540 = arith.constant 16 : i32
      %mul3A_541 = arith.muli %scan3A_120, %mul3A_540 : i32
      %add3A_542 = arith.constant 14 : i32
      %add3A_543 = arith.addi %mul3A_541, %add3A_542 : i32
      %dma_start3A_544 = arith.constant 0 : i32
      %dma_start3A_545 = tpu.memref_slice %arg12[%add3A_543, %dma_start3A_544] : memref<128x64xf32, #tpu.memory_space<vmem>> -> memref<1x64xf32, #tpu.memory_space<vmem>>
      %dma_start3A_546 = arith.constant 0 : i32
      %dma_start3A_547 = tpu.memref_slice %arg5[%squeeze3A_539, %dma_start3A_546] : memref<100000x64xf32, #tpu.memory_space<hbm>> -> memref<1x64xf32, #tpu.memory_space<hbm>>
      %dma_start3A_548 = arith.constant 0 : i32
      %dma_start3A_549 = tpu.memref_slice %arg12[%add3A_543, %dma_start3A_548] : memref<128x64xf32, #tpu.memory_space<vmem>> -> memref<1x64xf32, #tpu.memory_space<vmem>>
      %dma_start3A_550 = arith.constant 0 : i32
      %dma_start3A_551 = tpu.memref_slice %arg5[%squeeze3A_539, %dma_start3A_550] : memref<100000x64xf32, #tpu.memory_space<hbm>> -> memref<1x64xf32, #tpu.memory_space<hbm>>
      tpu.enqueue_dma source(%dma_start3A_551 : memref<1x64xf32, #tpu.memory_space<hbm>>) target(%dma_start3A_549 : memref<1x64xf32, #tpu.memory_space<vmem>>) target_semaphore(%arg14 : memref<!tpu.dma_semaphore, #tpu.memory_space<semaphore_mem>>)
      %slice3A_552 = vector.extract_strided_slice %get3A_126 {offsets = [15], sizes = [1], strides = [1]} : vector<16xi32> to vector<1xi32>
      %squeeze3A_553 = vector.extract %slice3A_552[0] : i32 from vector<1xi32>
      %mul3A_554 = arith.constant 16 : i32
      %mul3A_555 = arith.muli %scan3A_120, %mul3A_554 : i32
      %add3A_556 = arith.constant 15 : i32
      %add3A_557 = arith.addi %mul3A_555, %add3A_556 : i32
      %dma_start3A_558 = arith.constant 0 : i32
      %dma_start3A_559 = tpu.memref_slice %arg10[%add3A_557, %dma_start3A_558] : memref<128x64xf32, #tpu.memory_space<vmem>> -> memref<1x64xf32, #tpu.memory_space<vmem>>
      %dma_start3A_560 = arith.constant 0 : i32
      %dma_start3A_561 = tpu.memref_slice %arg4[%squeeze3A_553, %dma_start3A_560] : memref<1000000x64xf32, #tpu.memory_space<hbm>> -> memref<1x64xf32, #tpu.memory_space<hbm>>
      %dma_start3A_562 = arith.constant 0 : i32
      %dma_start3A_563 = tpu.memref_slice %arg10[%add3A_557, %dma_start3A_562] : memref<128x64xf32, #tpu.memory_space<vmem>> -> memref<1x64xf32, #tpu.memory_space<vmem>>
      %dma_start3A_564 = arith.constant 0 : i32
      %dma_start3A_565 = tpu.memref_slice %arg4[%squeeze3A_553, %dma_start3A_564] : memref<1000000x64xf32, #tpu.memory_space<hbm>> -> memref<1x64xf32, #tpu.memory_space<hbm>>
      tpu.enqueue_dma source(%dma_start3A_565 : memref<1x64xf32, #tpu.memory_space<hbm>>) target(%dma_start3A_563 : memref<1x64xf32, #tpu.memory_space<vmem>>) target_semaphore(%arg14 : memref<!tpu.dma_semaphore, #tpu.memory_space<semaphore_mem>>)
      %slice3A_566 = vector.extract_strided_slice %get3A_133 {offsets = [15], sizes = [1], strides = [1]} : vector<16xi32> to vector<1xi32>
      %squeeze3A_567 = vector.extract %slice3A_566[0] : i32 from vector<1xi32>
      %mul3A_568 = arith.constant 16 : i32
      %mul3A_569 = arith.muli %scan3A_120, %mul3A_568 : i32
      %add3A_570 = arith.constant 15 : i32
      %add3A_571 = arith.addi %mul3A_569, %add3A_570 : i32
      %dma_start3A_572 = arith.constant 0 : i32
      %dma_start3A_573 = tpu.memref_slice %arg12[%add3A_571, %dma_start3A_572] : memref<128x64xf32, #tpu.memory_space<vmem>> -> memref<1x64xf32, #tpu.memory_space<vmem>>
      %dma_start3A_574 = arith.constant 0 : i32
      %dma_start3A_575 = tpu.memref_slice %arg5[%squeeze3A_567, %dma_start3A_574] : memref<100000x64xf32, #tpu.memory_space<hbm>> -> memref<1x64xf32, #tpu.memory_space<hbm>>
      %dma_start3A_576 = arith.constant 0 : i32
      %dma_start3A_577 = tpu.memref_slice %arg12[%add3A_571, %dma_start3A_576] : memref<128x64xf32, #tpu.memory_space<vmem>> -> memref<1x64xf32, #tpu.memory_space<vmem>>
      %dma_start3A_578 = arith.constant 0 : i32
      %dma_start3A_579 = tpu.memref_slice %arg5[%squeeze3A_567, %dma_start3A_578] : memref<100000x64xf32, #tpu.memory_space<hbm>> -> memref<1x64xf32, #tpu.memory_space<hbm>>
      tpu.enqueue_dma source(%dma_start3A_579 : memref<1x64xf32, #tpu.memory_space<hbm>>) target(%dma_start3A_577 : memref<1x64xf32, #tpu.memory_space<vmem>>) target_semaphore(%arg14 : memref<!tpu.dma_semaphore, #tpu.memory_space<semaphore_mem>>)
    }
    %scan3A_57 = arith.constant 8 : i32
    %scan3A_58 = arith.constant 0 : i32
    %scan3A_59 = arith.constant 0 : i32
    %scan3A_60 = arith.constant 128 : i32
    %scan3A_61 = arith.addi %scan3A_59, %scan3A_60 : i32
    %scan3A_62 = arith.constant 1 : i32
    scf.for %scan3A_120 = %scan3A_59 to %scan3A_61 step %scan3A_62  : i32 {
      %dma_wait3A_121 = arith.constant 0 : i32
      %dma_wait3A_122 = arith.constant 0 : i32
      %dma_wait3A_123 = tpu.memref_slice %arg10[%dma_wait3A_121, %dma_wait3A_122] : memref<128x64xf32, #tpu.memory_space<vmem>> -> memref<1x64xf32, #tpu.memory_space<vmem>>
      %dma_wait3A_124 = arith.constant 0 : i32
      %dma_wait3A_125 = arith.constant 0 : i32
      %dma_wait3A_126 = tpu.memref_slice %arg4[%dma_wait3A_124, %dma_wait3A_125] : memref<1000000x64xf32, #tpu.memory_space<hbm>> -> memref<1x64xf32, #tpu.memory_space<hbm>>
      %dma_wait3A_127 = arith.constant 0 : i32
      %dma_wait3A_128 = arith.constant 0 : i32
      %dma_wait3A_129 = tpu.memref_slice %arg10[%dma_wait3A_127, %dma_wait3A_128] : memref<128x64xf32, #tpu.memory_space<vmem>> -> memref<1x64xf32, #tpu.memory_space<vmem>>
      %dma_wait3A_130 = arith.constant 0 : i32
      %dma_wait3A_131 = arith.constant 0 : i32
      %dma_wait3A_132 = tpu.memref_slice %arg4[%dma_wait3A_130, %dma_wait3A_131] : memref<1000000x64xf32, #tpu.memory_space<hbm>> -> memref<1x64xf32, #tpu.memory_space<hbm>>
      tpu.wait_dma2 semaphore(%arg14 : memref<!tpu.dma_semaphore, #tpu.memory_space<semaphore_mem>>) src(%dma_wait3A_132 : memref<1x64xf32, #tpu.memory_space<hbm>>) dst(%dma_wait3A_129 : memref<1x64xf32, #tpu.memory_space<vmem>>)
      %dma_wait3A_133 = arith.constant 0 : i32
      %dma_wait3A_134 = arith.constant 0 : i32
      %dma_wait3A_135 = tpu.memref_slice %arg12[%dma_wait3A_133, %dma_wait3A_134] : memref<128x64xf32, #tpu.memory_space<vmem>> -> memref<1x64xf32, #tpu.memory_space<vmem>>
      %dma_wait3A_136 = arith.constant 0 : i32
      %dma_wait3A_137 = arith.constant 0 : i32
      %dma_wait3A_138 = tpu.memref_slice %arg5[%dma_wait3A_136, %dma_wait3A_137] : memref<100000x64xf32, #tpu.memory_space<hbm>> -> memref<1x64xf32, #tpu.memory_space<hbm>>
      %dma_wait3A_139 = arith.constant 0 : i32
      %dma_wait3A_140 = arith.constant 0 : i32
      %dma_wait3A_141 = tpu.memref_slice %arg12[%dma_wait3A_139, %dma_wait3A_140] : memref<128x64xf32, #tpu.memory_space<vmem>> -> memref<1x64xf32, #tpu.memory_space<vmem>>
      %dma_wait3A_142 = arith.constant 0 : i32
      %dma_wait3A_143 = arith.constant 0 : i32
      %dma_wait3A_144 = tpu.memref_slice %arg5[%dma_wait3A_142, %dma_wait3A_143] : memref<100000x64xf32, #tpu.memory_space<hbm>> -> memref<1x64xf32, #tpu.memory_space<hbm>>
      tpu.wait_dma2 semaphore(%arg14 : memref<!tpu.dma_semaphore, #tpu.memory_space<semaphore_mem>>) src(%dma_wait3A_144 : memref<1x64xf32, #tpu.memory_space<hbm>>) dst(%dma_wait3A_141 : memref<1x64xf32, #tpu.memory_space<vmem>>)
    }
    %scan3A_63 = arith.constant 128 : i32
    %add3A_64 = arith.constant 256 : i32
    %add3A_65 = arith.addi %mul3A_2, %add3A_64 : i32
    %dma_start3A_66 = arith.constant 0 : i32
    %dma_start3A_67 = tpu.memref_slice %arg6[%add3A_65, %dma_start3A_66] : memref<16384x64xf32, #tpu.memory_space<hbm>> -> memref<128x64xf32, #tpu.memory_space<hbm>>
    %dma_start3A_68 = arith.constant 0 : i32
    %dma_start3A_69 = tpu.memref_slice %arg6[%add3A_65, %dma_start3A_68] : memref<16384x64xf32, #tpu.memory_space<hbm>> -> memref<128x64xf32, #tpu.memory_space<hbm>>
    tpu.enqueue_dma source(%arg10 : memref<128x64xf32, #tpu.memory_space<vmem>>) target(%dma_start3A_69 : memref<128x64xf32, #tpu.memory_space<hbm>>) target_semaphore(%arg15 : memref<!tpu.dma_semaphore, #tpu.memory_space<semaphore_mem>>)
    %dma_start3A_70 = arith.constant 0 : i32
    %dma_start3A_71 = tpu.memref_slice %arg7[%add3A_65, %dma_start3A_70] : memref<16384x64xf32, #tpu.memory_space<hbm>> -> memref<128x64xf32, #tpu.memory_space<hbm>>
    %dma_start3A_72 = arith.constant 0 : i32
    %dma_start3A_73 = tpu.memref_slice %arg7[%add3A_65, %dma_start3A_72] : memref<16384x64xf32, #tpu.memory_space<hbm>> -> memref<128x64xf32, #tpu.memory_space<hbm>>
    tpu.enqueue_dma source(%arg12 : memref<128x64xf32, #tpu.memory_space<vmem>>) target(%dma_start3A_73 : memref<128x64xf32, #tpu.memory_space<hbm>>) target_semaphore(%arg15 : memref<!tpu.dma_semaphore, #tpu.memory_space<semaphore_mem>>)
    %dma_wait3A_74 = arith.constant 0 : i32
    %dma_wait3A_75 = tpu.memref_slice %arg6[%add3A_36, %dma_wait3A_74] : memref<16384x64xf32, #tpu.memory_space<hbm>> -> memref<128x64xf32, #tpu.memory_space<hbm>>
    %dma_wait3A_76 = arith.constant 0 : i32
    %dma_wait3A_77 = tpu.memref_slice %arg6[%add3A_36, %dma_wait3A_76] : memref<16384x64xf32, #tpu.memory_space<hbm>> -> memref<128x64xf32, #tpu.memory_space<hbm>>
    tpu.wait_dma2 semaphore(%arg15 : memref<!tpu.dma_semaphore, #tpu.memory_space<semaphore_mem>>) src(%arg11 : memref<128x64xf32, #tpu.memory_space<vmem>>) dst(%dma_wait3A_77 : memref<128x64xf32, #tpu.memory_space<hbm>>)
    %dma_wait3A_78 = arith.constant 0 : i32
    %dma_wait3A_79 = tpu.memref_slice %arg7[%add3A_36, %dma_wait3A_78] : memref<16384x64xf32, #tpu.memory_space<hbm>> -> memref<128x64xf32, #tpu.memory_space<hbm>>
    %dma_wait3A_80 = arith.constant 0 : i32
    %dma_wait3A_81 = tpu.memref_slice %arg7[%add3A_36, %dma_wait3A_80] : memref<16384x64xf32, #tpu.memory_space<hbm>> -> memref<128x64xf32, #tpu.memory_space<hbm>>
    tpu.wait_dma2 semaphore(%arg15 : memref<!tpu.dma_semaphore, #tpu.memory_space<semaphore_mem>>) src(%arg13 : memref<128x64xf32, #tpu.memory_space<vmem>>) dst(%dma_wait3A_81 : memref<128x64xf32, #tpu.memory_space<hbm>>)
    %scan3A_82 = arith.constant 0 : i32
    %scan3A_83 = arith.constant 0 : i32
    %scan3A_84 = arith.constant 8 : i32
    %scan3A_85 = arith.addi %scan3A_83, %scan3A_84 : i32
    %scan3A_86 = arith.constant 1 : i32
    scf.for %scan3A_120 = %scan3A_83 to %scan3A_85 step %scan3A_86  : i32 {
      %mul3A_121 = arith.constant 16 : i32
      %mul3A_122 = arith.muli %scan3A_120, %mul3A_121 : i32
      %add3A_123 = arith.constant 384 : i32
      %add3A_124 = arith.addi %add3A_123, %mul3A_122 : i32
      %get3A = arith.index_cast %add3A_124 : i32 to index
      %get3A_125 = tpu.vector_load %arg8[%get3A] {strides = array<i32>} : memref<512xi32, #tpu.memory_space<vmem>>, vector<16xi32>,
      %get3A_126 = vector.shape_cast %get3A_125 : vector<16xi32> to vector<16xi32>
      %mul3A_127 = arith.constant 16 : i32
      %mul3A_128 = arith.muli %scan3A_120, %mul3A_127 : i32
      %add3A_129 = arith.constant 384 : i32
      %add3A_130 = arith.addi %add3A_129, %mul3A_128 : i32
      %get3A_131 = arith.index_cast %add3A_130 : i32 to index
      %get3A_132 = tpu.vector_load %arg9[%get3A_131] {strides = array<i32>} : memref<512xi32, #tpu.memory_space<vmem>>, vector<16xi32>,
      %get3A_133 = vector.shape_cast %get3A_132 : vector<16xi32> to vector<16xi32>
      %slice3A = vector.extract_strided_slice %get3A_126 {offsets = [0], sizes = [1], strides = [1]} : vector<16xi32> to vector<1xi32>
      %squeeze3A = vector.extract %slice3A[0] : i32 from vector<1xi32>
      %mul3A_134 = arith.constant 16 : i32
      %mul3A_135 = arith.muli %scan3A_120, %mul3A_134 : i32
      %add3A_136 = arith.constant 0 : i32
      %add3A_137 = arith.addi %mul3A_135, %add3A_136 : i32
      %dma_start3A_138 = arith.constant 0 : i32
      %dma_start3A_139 = tpu.memref_slice %arg11[%add3A_137, %dma_start3A_138] : memref<128x64xf32, #tpu.memory_space<vmem>> -> memref<1x64xf32, #tpu.memory_space<vmem>>
      %dma_start3A_140 = arith.constant 0 : i32
      %dma_start3A_141 = tpu.memref_slice %arg4[%squeeze3A, %dma_start3A_140] : memref<1000000x64xf32, #tpu.memory_space<hbm>> -> memref<1x64xf32, #tpu.memory_space<hbm>>
      %dma_start3A_142 = arith.constant 0 : i32
      %dma_start3A_143 = tpu.memref_slice %arg11[%add3A_137, %dma_start3A_142] : memref<128x64xf32, #tpu.memory_space<vmem>> -> memref<1x64xf32, #tpu.memory_space<vmem>>
      %dma_start3A_144 = arith.constant 0 : i32
      %dma_start3A_145 = tpu.memref_slice %arg4[%squeeze3A, %dma_start3A_144] : memref<1000000x64xf32, #tpu.memory_space<hbm>> -> memref<1x64xf32, #tpu.memory_space<hbm>>
      tpu.enqueue_dma source(%dma_start3A_145 : memref<1x64xf32, #tpu.memory_space<hbm>>) target(%dma_start3A_143 : memref<1x64xf32, #tpu.memory_space<vmem>>) target_semaphore(%arg14 : memref<!tpu.dma_semaphore, #tpu.memory_space<semaphore_mem>>)
      %slice3A_146 = vector.extract_strided_slice %get3A_133 {offsets = [0], sizes = [1], strides = [1]} : vector<16xi32> to vector<1xi32>
      %squeeze3A_147 = vector.extract %slice3A_146[0] : i32 from vector<1xi32>
      %mul3A_148 = arith.constant 16 : i32
      %mul3A_149 = arith.muli %scan3A_120, %mul3A_148 : i32
      %add3A_150 = arith.constant 0 : i32
      %add3A_151 = arith.addi %mul3A_149, %add3A_150 : i32
      %dma_start3A_152 = arith.constant 0 : i32
      %dma_start3A_153 = tpu.memref_slice %arg13[%add3A_151, %dma_start3A_152] : memref<128x64xf32, #tpu.memory_space<vmem>> -> memref<1x64xf32, #tpu.memory_space<vmem>>
      %dma_start3A_154 = arith.constant 0 : i32
      %dma_start3A_155 = tpu.memref_slice %arg5[%squeeze3A_147, %dma_start3A_154] : memref<100000x64xf32, #tpu.memory_space<hbm>> -> memref<1x64xf32, #tpu.memory_space<hbm>>
      %dma_start3A_156 = arith.constant 0 : i32
      %dma_start3A_157 = tpu.memref_slice %arg13[%add3A_151, %dma_start3A_156] : memref<128x64xf32, #tpu.memory_space<vmem>> -> memref<1x64xf32, #tpu.memory_space<vmem>>
      %dma_start3A_158 = arith.constant 0 : i32
      %dma_start3A_159 = tpu.memref_slice %arg5[%squeeze3A_147, %dma_start3A_158] : memref<100000x64xf32, #tpu.memory_space<hbm>> -> memref<1x64xf32, #tpu.memory_space<hbm>>
      tpu.enqueue_dma source(%dma_start3A_159 : memref<1x64xf32, #tpu.memory_space<hbm>>) target(%dma_start3A_157 : memref<1x64xf32, #tpu.memory_space<vmem>>) target_semaphore(%arg14 : memref<!tpu.dma_semaphore, #tpu.memory_space<semaphore_mem>>)
      %slice3A_160 = vector.extract_strided_slice %get3A_126 {offsets = [1], sizes = [1], strides = [1]} : vector<16xi32> to vector<1xi32>
      %squeeze3A_161 = vector.extract %slice3A_160[0] : i32 from vector<1xi32>
      %mul3A_162 = arith.constant 16 : i32
      %mul3A_163 = arith.muli %scan3A_120, %mul3A_162 : i32
      %add3A_164 = arith.constant 1 : i32
      %add3A_165 = arith.addi %mul3A_163, %add3A_164 : i32
      %dma_start3A_166 = arith.constant 0 : i32
      %dma_start3A_167 = tpu.memref_slice %arg11[%add3A_165, %dma_start3A_166] : memref<128x64xf32, #tpu.memory_space<vmem>> -> memref<1x64xf32, #tpu.memory_space<vmem>>
      %dma_start3A_168 = arith.constant 0 : i32
      %dma_start3A_169 = tpu.memref_slice %arg4[%squeeze3A_161, %dma_start3A_168] : memref<1000000x64xf32, #tpu.memory_space<hbm>> -> memref<1x64xf32, #tpu.memory_space<hbm>>
      %dma_start3A_170 = arith.constant 0 : i32
      %dma_start3A_171 = tpu.memref_slice %arg11[%add3A_165, %dma_start3A_170] : memref<128x64xf32, #tpu.memory_space<vmem>> -> memref<1x64xf32, #tpu.memory_space<vmem>>
      %dma_start3A_172 = arith.constant 0 : i32
      %dma_start3A_173 = tpu.memref_slice %arg4[%squeeze3A_161, %dma_start3A_172] : memref<1000000x64xf32, #tpu.memory_space<hbm>> -> memref<1x64xf32, #tpu.memory_space<hbm>>
      tpu.enqueue_dma source(%dma_start3A_173 : memref<1x64xf32, #tpu.memory_space<hbm>>) target(%dma_start3A_171 : memref<1x64xf32, #tpu.memory_space<vmem>>) target_semaphore(%arg14 : memref<!tpu.dma_semaphore, #tpu.memory_space<semaphore_mem>>)
      %slice3A_174 = vector.extract_strided_slice %get3A_133 {offsets = [1], sizes = [1], strides = [1]} : vector<16xi32> to vector<1xi32>
      %squeeze3A_175 = vector.extract %slice3A_174[0] : i32 from vector<1xi32>
      %mul3A_176 = arith.constant 16 : i32
      %mul3A_177 = arith.muli %scan3A_120, %mul3A_176 : i32
      %add3A_178 = arith.constant 1 : i32
      %add3A_179 = arith.addi %mul3A_177, %add3A_178 : i32
      %dma_start3A_180 = arith.constant 0 : i32
      %dma_start3A_181 = tpu.memref_slice %arg13[%add3A_179, %dma_start3A_180] : memref<128x64xf32, #tpu.memory_space<vmem>> -> memref<1x64xf32, #tpu.memory_space<vmem>>
      %dma_start3A_182 = arith.constant 0 : i32
      %dma_start3A_183 = tpu.memref_slice %arg5[%squeeze3A_175, %dma_start3A_182] : memref<100000x64xf32, #tpu.memory_space<hbm>> -> memref<1x64xf32, #tpu.memory_space<hbm>>
      %dma_start3A_184 = arith.constant 0 : i32
      %dma_start3A_185 = tpu.memref_slice %arg13[%add3A_179, %dma_start3A_184] : memref<128x64xf32, #tpu.memory_space<vmem>> -> memref<1x64xf32, #tpu.memory_space<vmem>>
      %dma_start3A_186 = arith.constant 0 : i32
      %dma_start3A_187 = tpu.memref_slice %arg5[%squeeze3A_175, %dma_start3A_186] : memref<100000x64xf32, #tpu.memory_space<hbm>> -> memref<1x64xf32, #tpu.memory_space<hbm>>
      tpu.enqueue_dma source(%dma_start3A_187 : memref<1x64xf32, #tpu.memory_space<hbm>>) target(%dma_start3A_185 : memref<1x64xf32, #tpu.memory_space<vmem>>) target_semaphore(%arg14 : memref<!tpu.dma_semaphore, #tpu.memory_space<semaphore_mem>>)
      %slice3A_188 = vector.extract_strided_slice %get3A_126 {offsets = [2], sizes = [1], strides = [1]} : vector<16xi32> to vector<1xi32>
      %squeeze3A_189 = vector.extract %slice3A_188[0] : i32 from vector<1xi32>
      %mul3A_190 = arith.constant 16 : i32
      %mul3A_191 = arith.muli %scan3A_120, %mul3A_190 : i32
      %add3A_192 = arith.constant 2 : i32
      %add3A_193 = arith.addi %mul3A_191, %add3A_192 : i32
      %dma_start3A_194 = arith.constant 0 : i32
      %dma_start3A_195 = tpu.memref_slice %arg11[%add3A_193, %dma_start3A_194] : memref<128x64xf32, #tpu.memory_space<vmem>> -> memref<1x64xf32, #tpu.memory_space<vmem>>
      %dma_start3A_196 = arith.constant 0 : i32
      %dma_start3A_197 = tpu.memref_slice %arg4[%squeeze3A_189, %dma_start3A_196] : memref<1000000x64xf32, #tpu.memory_space<hbm>> -> memref<1x64xf32, #tpu.memory_space<hbm>>
      %dma_start3A_198 = arith.constant 0 : i32
      %dma_start3A_199 = tpu.memref_slice %arg11[%add3A_193, %dma_start3A_198] : memref<128x64xf32, #tpu.memory_space<vmem>> -> memref<1x64xf32, #tpu.memory_space<vmem>>
      %dma_start3A_200 = arith.constant 0 : i32
      %dma_start3A_201 = tpu.memref_slice %arg4[%squeeze3A_189, %dma_start3A_200] : memref<1000000x64xf32, #tpu.memory_space<hbm>> -> memref<1x64xf32, #tpu.memory_space<hbm>>
      tpu.enqueue_dma source(%dma_start3A_201 : memref<1x64xf32, #tpu.memory_space<hbm>>) target(%dma_start3A_199 : memref<1x64xf32, #tpu.memory_space<vmem>>) target_semaphore(%arg14 : memref<!tpu.dma_semaphore, #tpu.memory_space<semaphore_mem>>)
      %slice3A_202 = vector.extract_strided_slice %get3A_133 {offsets = [2], sizes = [1], strides = [1]} : vector<16xi32> to vector<1xi32>
      %squeeze3A_203 = vector.extract %slice3A_202[0] : i32 from vector<1xi32>
      %mul3A_204 = arith.constant 16 : i32
      %mul3A_205 = arith.muli %scan3A_120, %mul3A_204 : i32
      %add3A_206 = arith.constant 2 : i32
      %add3A_207 = arith.addi %mul3A_205, %add3A_206 : i32
      %dma_start3A_208 = arith.constant 0 : i32
      %dma_start3A_209 = tpu.memref_slice %arg13[%add3A_207, %dma_start3A_208] : memref<128x64xf32, #tpu.memory_space<vmem>> -> memref<1x64xf32, #tpu.memory_space<vmem>>
      %dma_start3A_210 = arith.constant 0 : i32
      %dma_start3A_211 = tpu.memref_slice %arg5[%squeeze3A_203, %dma_start3A_210] : memref<100000x64xf32, #tpu.memory_space<hbm>> -> memref<1x64xf32, #tpu.memory_space<hbm>>
      %dma_start3A_212 = arith.constant 0 : i32
      %dma_start3A_213 = tpu.memref_slice %arg13[%add3A_207, %dma_start3A_212] : memref<128x64xf32, #tpu.memory_space<vmem>> -> memref<1x64xf32, #tpu.memory_space<vmem>>
      %dma_start3A_214 = arith.constant 0 : i32
      %dma_start3A_215 = tpu.memref_slice %arg5[%squeeze3A_203, %dma_start3A_214] : memref<100000x64xf32, #tpu.memory_space<hbm>> -> memref<1x64xf32, #tpu.memory_space<hbm>>
      tpu.enqueue_dma source(%dma_start3A_215 : memref<1x64xf32, #tpu.memory_space<hbm>>) target(%dma_start3A_213 : memref<1x64xf32, #tpu.memory_space<vmem>>) target_semaphore(%arg14 : memref<!tpu.dma_semaphore, #tpu.memory_space<semaphore_mem>>)
      %slice3A_216 = vector.extract_strided_slice %get3A_126 {offsets = [3], sizes = [1], strides = [1]} : vector<16xi32> to vector<1xi32>
      %squeeze3A_217 = vector.extract %slice3A_216[0] : i32 from vector<1xi32>
      %mul3A_218 = arith.constant 16 : i32
      %mul3A_219 = arith.muli %scan3A_120, %mul3A_218 : i32
      %add3A_220 = arith.constant 3 : i32
      %add3A_221 = arith.addi %mul3A_219, %add3A_220 : i32
      %dma_start3A_222 = arith.constant 0 : i32
      %dma_start3A_223 = tpu.memref_slice %arg11[%add3A_221, %dma_start3A_222] : memref<128x64xf32, #tpu.memory_space<vmem>> -> memref<1x64xf32, #tpu.memory_space<vmem>>
      %dma_start3A_224 = arith.constant 0 : i32
      %dma_start3A_225 = tpu.memref_slice %arg4[%squeeze3A_217, %dma_start3A_224] : memref<1000000x64xf32, #tpu.memory_space<hbm>> -> memref<1x64xf32, #tpu.memory_space<hbm>>
      %dma_start3A_226 = arith.constant 0 : i32
      %dma_start3A_227 = tpu.memref_slice %arg11[%add3A_221, %dma_start3A_226] : memref<128x64xf32, #tpu.memory_space<vmem>> -> memref<1x64xf32, #tpu.memory_space<vmem>>
      %dma_start3A_228 = arith.constant 0 : i32
      %dma_start3A_229 = tpu.memref_slice %arg4[%squeeze3A_217, %dma_start3A_228] : memref<1000000x64xf32, #tpu.memory_space<hbm>> -> memref<1x64xf32, #tpu.memory_space<hbm>>
      tpu.enqueue_dma source(%dma_start3A_229 : memref<1x64xf32, #tpu.memory_space<hbm>>) target(%dma_start3A_227 : memref<1x64xf32, #tpu.memory_space<vmem>>) target_semaphore(%arg14 : memref<!tpu.dma_semaphore, #tpu.memory_space<semaphore_mem>>)
      %slice3A_230 = vector.extract_strided_slice %get3A_133 {offsets = [3], sizes = [1], strides = [1]} : vector<16xi32> to vector<1xi32>
      %squeeze3A_231 = vector.extract %slice3A_230[0] : i32 from vector<1xi32>
      %mul3A_232 = arith.constant 16 : i32
      %mul3A_233 = arith.muli %scan3A_120, %mul3A_232 : i32
      %add3A_234 = arith.constant 3 : i32
      %add3A_235 = arith.addi %mul3A_233, %add3A_234 : i32
      %dma_start3A_236 = arith.constant 0 : i32
      %dma_start3A_237 = tpu.memref_slice %arg13[%add3A_235, %dma_start3A_236] : memref<128x64xf32, #tpu.memory_space<vmem>> -> memref<1x64xf32, #tpu.memory_space<vmem>>
      %dma_start3A_238 = arith.constant 0 : i32
      %dma_start3A_239 = tpu.memref_slice %arg5[%squeeze3A_231, %dma_start3A_238] : memref<100000x64xf32, #tpu.memory_space<hbm>> -> memref<1x64xf32, #tpu.memory_space<hbm>>
      %dma_start3A_240 = arith.constant 0 : i32
      %dma_start3A_241 = tpu.memref_slice %arg13[%add3A_235, %dma_start3A_240] : memref<128x64xf32, #tpu.memory_space<vmem>> -> memref<1x64xf32, #tpu.memory_space<vmem>>
      %dma_start3A_242 = arith.constant 0 : i32
      %dma_start3A_243 = tpu.memref_slice %arg5[%squeeze3A_231, %dma_start3A_242] : memref<100000x64xf32, #tpu.memory_space<hbm>> -> memref<1x64xf32, #tpu.memory_space<hbm>>
      tpu.enqueue_dma source(%dma_start3A_243 : memref<1x64xf32, #tpu.memory_space<hbm>>) target(%dma_start3A_241 : memref<1x64xf32, #tpu.memory_space<vmem>>) target_semaphore(%arg14 : memref<!tpu.dma_semaphore, #tpu.memory_space<semaphore_mem>>)
      %slice3A_244 = vector.extract_strided_slice %get3A_126 {offsets = [4], sizes = [1], strides = [1]} : vector<16xi32> to vector<1xi32>
      %squeeze3A_245 = vector.extract %slice3A_244[0] : i32 from vector<1xi32>
      %mul3A_246 = arith.constant 16 : i32
      %mul3A_247 = arith.muli %scan3A_120, %mul3A_246 : i32
      %add3A_248 = arith.constant 4 : i32
      %add3A_249 = arith.addi %mul3A_247, %add3A_248 : i32
      %dma_start3A_250 = arith.constant 0 : i32
      %dma_start3A_251 = tpu.memref_slice %arg11[%add3A_249, %dma_start3A_250] : memref<128x64xf32, #tpu.memory_space<vmem>> -> memref<1x64xf32, #tpu.memory_space<vmem>>
      %dma_start3A_252 = arith.constant 0 : i32
      %dma_start3A_253 = tpu.memref_slice %arg4[%squeeze3A_245, %dma_start3A_252] : memref<1000000x64xf32, #tpu.memory_space<hbm>> -> memref<1x64xf32, #tpu.memory_space<hbm>>
      %dma_start3A_254 = arith.constant 0 : i32
      %dma_start3A_255 = tpu.memref_slice %arg11[%add3A_249, %dma_start3A_254] : memref<128x64xf32, #tpu.memory_space<vmem>> -> memref<1x64xf32, #tpu.memory_space<vmem>>
      %dma_start3A_256 = arith.constant 0 : i32
      %dma_start3A_257 = tpu.memref_slice %arg4[%squeeze3A_245, %dma_start3A_256] : memref<1000000x64xf32, #tpu.memory_space<hbm>> -> memref<1x64xf32, #tpu.memory_space<hbm>>
      tpu.enqueue_dma source(%dma_start3A_257 : memref<1x64xf32, #tpu.memory_space<hbm>>) target(%dma_start3A_255 : memref<1x64xf32, #tpu.memory_space<vmem>>) target_semaphore(%arg14 : memref<!tpu.dma_semaphore, #tpu.memory_space<semaphore_mem>>)
      %slice3A_258 = vector.extract_strided_slice %get3A_133 {offsets = [4], sizes = [1], strides = [1]} : vector<16xi32> to vector<1xi32>
      %squeeze3A_259 = vector.extract %slice3A_258[0] : i32 from vector<1xi32>
      %mul3A_260 = arith.constant 16 : i32
      %mul3A_261 = arith.muli %scan3A_120, %mul3A_260 : i32
      %add3A_262 = arith.constant 4 : i32
      %add3A_263 = arith.addi %mul3A_261, %add3A_262 : i32
      %dma_start3A_264 = arith.constant 0 : i32
      %dma_start3A_265 = tpu.memref_slice %arg13[%add3A_263, %dma_start3A_264] : memref<128x64xf32, #tpu.memory_space<vmem>> -> memref<1x64xf32, #tpu.memory_space<vmem>>
      %dma_start3A_266 = arith.constant 0 : i32
      %dma_start3A_267 = tpu.memref_slice %arg5[%squeeze3A_259, %dma_start3A_266] : memref<100000x64xf32, #tpu.memory_space<hbm>> -> memref<1x64xf32, #tpu.memory_space<hbm>>
      %dma_start3A_268 = arith.constant 0 : i32
      %dma_start3A_269 = tpu.memref_slice %arg13[%add3A_263, %dma_start3A_268] : memref<128x64xf32, #tpu.memory_space<vmem>> -> memref<1x64xf32, #tpu.memory_space<vmem>>
      %dma_start3A_270 = arith.constant 0 : i32
      %dma_start3A_271 = tpu.memref_slice %arg5[%squeeze3A_259, %dma_start3A_270] : memref<100000x64xf32, #tpu.memory_space<hbm>> -> memref<1x64xf32, #tpu.memory_space<hbm>>
      tpu.enqueue_dma source(%dma_start3A_271 : memref<1x64xf32, #tpu.memory_space<hbm>>) target(%dma_start3A_269 : memref<1x64xf32, #tpu.memory_space<vmem>>) target_semaphore(%arg14 : memref<!tpu.dma_semaphore, #tpu.memory_space<semaphore_mem>>)
      %slice3A_272 = vector.extract_strided_slice %get3A_126 {offsets = [5], sizes = [1], strides = [1]} : vector<16xi32> to vector<1xi32>
      %squeeze3A_273 = vector.extract %slice3A_272[0] : i32 from vector<1xi32>
      %mul3A_274 = arith.constant 16 : i32
      %mul3A_275 = arith.muli %scan3A_120, %mul3A_274 : i32
      %add3A_276 = arith.constant 5 : i32
      %add3A_277 = arith.addi %mul3A_275, %add3A_276 : i32
      %dma_start3A_278 = arith.constant 0 : i32
      %dma_start3A_279 = tpu.memref_slice %arg11[%add3A_277, %dma_start3A_278] : memref<128x64xf32, #tpu.memory_space<vmem>> -> memref<1x64xf32, #tpu.memory_space<vmem>>
      %dma_start3A_280 = arith.constant 0 : i32
      %dma_start3A_281 = tpu.memref_slice %arg4[%squeeze3A_273, %dma_start3A_280] : memref<1000000x64xf32, #tpu.memory_space<hbm>> -> memref<1x64xf32, #tpu.memory_space<hbm>>
      %dma_start3A_282 = arith.constant 0 : i32
      %dma_start3A_283 = tpu.memref_slice %arg11[%add3A_277, %dma_start3A_282] : memref<128x64xf32, #tpu.memory_space<vmem>> -> memref<1x64xf32, #tpu.memory_space<vmem>>
      %dma_start3A_284 = arith.constant 0 : i32
      %dma_start3A_285 = tpu.memref_slice %arg4[%squeeze3A_273, %dma_start3A_284] : memref<1000000x64xf32, #tpu.memory_space<hbm>> -> memref<1x64xf32, #tpu.memory_space<hbm>>
      tpu.enqueue_dma source(%dma_start3A_285 : memref<1x64xf32, #tpu.memory_space<hbm>>) target(%dma_start3A_283 : memref<1x64xf32, #tpu.memory_space<vmem>>) target_semaphore(%arg14 : memref<!tpu.dma_semaphore, #tpu.memory_space<semaphore_mem>>)
      %slice3A_286 = vector.extract_strided_slice %get3A_133 {offsets = [5], sizes = [1], strides = [1]} : vector<16xi32> to vector<1xi32>
      %squeeze3A_287 = vector.extract %slice3A_286[0] : i32 from vector<1xi32>
      %mul3A_288 = arith.constant 16 : i32
      %mul3A_289 = arith.muli %scan3A_120, %mul3A_288 : i32
      %add3A_290 = arith.constant 5 : i32
      %add3A_291 = arith.addi %mul3A_289, %add3A_290 : i32
      %dma_start3A_292 = arith.constant 0 : i32
      %dma_start3A_293 = tpu.memref_slice %arg13[%add3A_291, %dma_start3A_292] : memref<128x64xf32, #tpu.memory_space<vmem>> -> memref<1x64xf32, #tpu.memory_space<vmem>>
      %dma_start3A_294 = arith.constant 0 : i32
      %dma_start3A_295 = tpu.memref_slice %arg5[%squeeze3A_287, %dma_start3A_294] : memref<100000x64xf32, #tpu.memory_space<hbm>> -> memref<1x64xf32, #tpu.memory_space<hbm>>
      %dma_start3A_296 = arith.constant 0 : i32
      %dma_start3A_297 = tpu.memref_slice %arg13[%add3A_291, %dma_start3A_296] : memref<128x64xf32, #tpu.memory_space<vmem>> -> memref<1x64xf32, #tpu.memory_space<vmem>>
      %dma_start3A_298 = arith.constant 0 : i32
      %dma_start3A_299 = tpu.memref_slice %arg5[%squeeze3A_287, %dma_start3A_298] : memref<100000x64xf32, #tpu.memory_space<hbm>> -> memref<1x64xf32, #tpu.memory_space<hbm>>
      tpu.enqueue_dma source(%dma_start3A_299 : memref<1x64xf32, #tpu.memory_space<hbm>>) target(%dma_start3A_297 : memref<1x64xf32, #tpu.memory_space<vmem>>) target_semaphore(%arg14 : memref<!tpu.dma_semaphore, #tpu.memory_space<semaphore_mem>>)
      %slice3A_300 = vector.extract_strided_slice %get3A_126 {offsets = [6], sizes = [1], strides = [1]} : vector<16xi32> to vector<1xi32>
      %squeeze3A_301 = vector.extract %slice3A_300[0] : i32 from vector<1xi32>
      %mul3A_302 = arith.constant 16 : i32
      %mul3A_303 = arith.muli %scan3A_120, %mul3A_302 : i32
      %add3A_304 = arith.constant 6 : i32
      %add3A_305 = arith.addi %mul3A_303, %add3A_304 : i32
      %dma_start3A_306 = arith.constant 0 : i32
      %dma_start3A_307 = tpu.memref_slice %arg11[%add3A_305, %dma_start3A_306] : memref<128x64xf32, #tpu.memory_space<vmem>> -> memref<1x64xf32, #tpu.memory_space<vmem>>
      %dma_start3A_308 = arith.constant 0 : i32
      %dma_start3A_309 = tpu.memref_slice %arg4[%squeeze3A_301, %dma_start3A_308] : memref<1000000x64xf32, #tpu.memory_space<hbm>> -> memref<1x64xf32, #tpu.memory_space<hbm>>
      %dma_start3A_310 = arith.constant 0 : i32
      %dma_start3A_311 = tpu.memref_slice %arg11[%add3A_305, %dma_start3A_310] : memref<128x64xf32, #tpu.memory_space<vmem>> -> memref<1x64xf32, #tpu.memory_space<vmem>>
      %dma_start3A_312 = arith.constant 0 : i32
      %dma_start3A_313 = tpu.memref_slice %arg4[%squeeze3A_301, %dma_start3A_312] : memref<1000000x64xf32, #tpu.memory_space<hbm>> -> memref<1x64xf32, #tpu.memory_space<hbm>>
      tpu.enqueue_dma source(%dma_start3A_313 : memref<1x64xf32, #tpu.memory_space<hbm>>) target(%dma_start3A_311 : memref<1x64xf32, #tpu.memory_space<vmem>>) target_semaphore(%arg14 : memref<!tpu.dma_semaphore, #tpu.memory_space<semaphore_mem>>)
      %slice3A_314 = vector.extract_strided_slice %get3A_133 {offsets = [6], sizes = [1], strides = [1]} : vector<16xi32> to vector<1xi32>
      %squeeze3A_315 = vector.extract %slice3A_314[0] : i32 from vector<1xi32>
      %mul3A_316 = arith.constant 16 : i32
      %mul3A_317 = arith.muli %scan3A_120, %mul3A_316 : i32
      %add3A_318 = arith.constant 6 : i32
      %add3A_319 = arith.addi %mul3A_317, %add3A_318 : i32
      %dma_start3A_320 = arith.constant 0 : i32
      %dma_start3A_321 = tpu.memref_slice %arg13[%add3A_319, %dma_start3A_320] : memref<128x64xf32, #tpu.memory_space<vmem>> -> memref<1x64xf32, #tpu.memory_space<vmem>>
      %dma_start3A_322 = arith.constant 0 : i32
      %dma_start3A_323 = tpu.memref_slice %arg5[%squeeze3A_315, %dma_start3A_322] : memref<100000x64xf32, #tpu.memory_space<hbm>> -> memref<1x64xf32, #tpu.memory_space<hbm>>
      %dma_start3A_324 = arith.constant 0 : i32
      %dma_start3A_325 = tpu.memref_slice %arg13[%add3A_319, %dma_start3A_324] : memref<128x64xf32, #tpu.memory_space<vmem>> -> memref<1x64xf32, #tpu.memory_space<vmem>>
      %dma_start3A_326 = arith.constant 0 : i32
      %dma_start3A_327 = tpu.memref_slice %arg5[%squeeze3A_315, %dma_start3A_326] : memref<100000x64xf32, #tpu.memory_space<hbm>> -> memref<1x64xf32, #tpu.memory_space<hbm>>
      tpu.enqueue_dma source(%dma_start3A_327 : memref<1x64xf32, #tpu.memory_space<hbm>>) target(%dma_start3A_325 : memref<1x64xf32, #tpu.memory_space<vmem>>) target_semaphore(%arg14 : memref<!tpu.dma_semaphore, #tpu.memory_space<semaphore_mem>>)
      %slice3A_328 = vector.extract_strided_slice %get3A_126 {offsets = [7], sizes = [1], strides = [1]} : vector<16xi32> to vector<1xi32>
      %squeeze3A_329 = vector.extract %slice3A_328[0] : i32 from vector<1xi32>
      %mul3A_330 = arith.constant 16 : i32
      %mul3A_331 = arith.muli %scan3A_120, %mul3A_330 : i32
      %add3A_332 = arith.constant 7 : i32
      %add3A_333 = arith.addi %mul3A_331, %add3A_332 : i32
      %dma_start3A_334 = arith.constant 0 : i32
      %dma_start3A_335 = tpu.memref_slice %arg11[%add3A_333, %dma_start3A_334] : memref<128x64xf32, #tpu.memory_space<vmem>> -> memref<1x64xf32, #tpu.memory_space<vmem>>
      %dma_start3A_336 = arith.constant 0 : i32
      %dma_start3A_337 = tpu.memref_slice %arg4[%squeeze3A_329, %dma_start3A_336] : memref<1000000x64xf32, #tpu.memory_space<hbm>> -> memref<1x64xf32, #tpu.memory_space<hbm>>
      %dma_start3A_338 = arith.constant 0 : i32
      %dma_start3A_339 = tpu.memref_slice %arg11[%add3A_333, %dma_start3A_338] : memref<128x64xf32, #tpu.memory_space<vmem>> -> memref<1x64xf32, #tpu.memory_space<vmem>>
      %dma_start3A_340 = arith.constant 0 : i32
      %dma_start3A_341 = tpu.memref_slice %arg4[%squeeze3A_329, %dma_start3A_340] : memref<1000000x64xf32, #tpu.memory_space<hbm>> -> memref<1x64xf32, #tpu.memory_space<hbm>>
      tpu.enqueue_dma source(%dma_start3A_341 : memref<1x64xf32, #tpu.memory_space<hbm>>) target(%dma_start3A_339 : memref<1x64xf32, #tpu.memory_space<vmem>>) target_semaphore(%arg14 : memref<!tpu.dma_semaphore, #tpu.memory_space<semaphore_mem>>)
      %slice3A_342 = vector.extract_strided_slice %get3A_133 {offsets = [7], sizes = [1], strides = [1]} : vector<16xi32> to vector<1xi32>
      %squeeze3A_343 = vector.extract %slice3A_342[0] : i32 from vector<1xi32>
      %mul3A_344 = arith.constant 16 : i32
      %mul3A_345 = arith.muli %scan3A_120, %mul3A_344 : i32
      %add3A_346 = arith.constant 7 : i32
      %add3A_347 = arith.addi %mul3A_345, %add3A_346 : i32
      %dma_start3A_348 = arith.constant 0 : i32
      %dma_start3A_349 = tpu.memref_slice %arg13[%add3A_347, %dma_start3A_348] : memref<128x64xf32, #tpu.memory_space<vmem>> -> memref<1x64xf32, #tpu.memory_space<vmem>>
      %dma_start3A_350 = arith.constant 0 : i32
      %dma_start3A_351 = tpu.memref_slice %arg5[%squeeze3A_343, %dma_start3A_350] : memref<100000x64xf32, #tpu.memory_space<hbm>> -> memref<1x64xf32, #tpu.memory_space<hbm>>
      %dma_start3A_352 = arith.constant 0 : i32
      %dma_start3A_353 = tpu.memref_slice %arg13[%add3A_347, %dma_start3A_352] : memref<128x64xf32, #tpu.memory_space<vmem>> -> memref<1x64xf32, #tpu.memory_space<vmem>>
      %dma_start3A_354 = arith.constant 0 : i32
      %dma_start3A_355 = tpu.memref_slice %arg5[%squeeze3A_343, %dma_start3A_354] : memref<100000x64xf32, #tpu.memory_space<hbm>> -> memref<1x64xf32, #tpu.memory_space<hbm>>
      tpu.enqueue_dma source(%dma_start3A_355 : memref<1x64xf32, #tpu.memory_space<hbm>>) target(%dma_start3A_353 : memref<1x64xf32, #tpu.memory_space<vmem>>) target_semaphore(%arg14 : memref<!tpu.dma_semaphore, #tpu.memory_space<semaphore_mem>>)
      %slice3A_356 = vector.extract_strided_slice %get3A_126 {offsets = [8], sizes = [1], strides = [1]} : vector<16xi32> to vector<1xi32>
      %squeeze3A_357 = vector.extract %slice3A_356[0] : i32 from vector<1xi32>
      %mul3A_358 = arith.constant 16 : i32
      %mul3A_359 = arith.muli %scan3A_120, %mul3A_358 : i32
      %add3A_360 = arith.constant 8 : i32
      %add3A_361 = arith.addi %mul3A_359, %add3A_360 : i32
      %dma_start3A_362 = arith.constant 0 : i32
      %dma_start3A_363 = tpu.memref_slice %arg11[%add3A_361, %dma_start3A_362] : memref<128x64xf32, #tpu.memory_space<vmem>> -> memref<1x64xf32, #tpu.memory_space<vmem>>
      %dma_start3A_364 = arith.constant 0 : i32
      %dma_start3A_365 = tpu.memref_slice %arg4[%squeeze3A_357, %dma_start3A_364] : memref<1000000x64xf32, #tpu.memory_space<hbm>> -> memref<1x64xf32, #tpu.memory_space<hbm>>
      %dma_start3A_366 = arith.constant 0 : i32
      %dma_start3A_367 = tpu.memref_slice %arg11[%add3A_361, %dma_start3A_366] : memref<128x64xf32, #tpu.memory_space<vmem>> -> memref<1x64xf32, #tpu.memory_space<vmem>>
      %dma_start3A_368 = arith.constant 0 : i32
      %dma_start3A_369 = tpu.memref_slice %arg4[%squeeze3A_357, %dma_start3A_368] : memref<1000000x64xf32, #tpu.memory_space<hbm>> -> memref<1x64xf32, #tpu.memory_space<hbm>>
      tpu.enqueue_dma source(%dma_start3A_369 : memref<1x64xf32, #tpu.memory_space<hbm>>) target(%dma_start3A_367 : memref<1x64xf32, #tpu.memory_space<vmem>>) target_semaphore(%arg14 : memref<!tpu.dma_semaphore, #tpu.memory_space<semaphore_mem>>)
      %slice3A_370 = vector.extract_strided_slice %get3A_133 {offsets = [8], sizes = [1], strides = [1]} : vector<16xi32> to vector<1xi32>
      %squeeze3A_371 = vector.extract %slice3A_370[0] : i32 from vector<1xi32>
      %mul3A_372 = arith.constant 16 : i32
      %mul3A_373 = arith.muli %scan3A_120, %mul3A_372 : i32
      %add3A_374 = arith.constant 8 : i32
      %add3A_375 = arith.addi %mul3A_373, %add3A_374 : i32
      %dma_start3A_376 = arith.constant 0 : i32
      %dma_start3A_377 = tpu.memref_slice %arg13[%add3A_375, %dma_start3A_376] : memref<128x64xf32, #tpu.memory_space<vmem>> -> memref<1x64xf32, #tpu.memory_space<vmem>>
      %dma_start3A_378 = arith.constant 0 : i32
      %dma_start3A_379 = tpu.memref_slice %arg5[%squeeze3A_371, %dma_start3A_378] : memref<100000x64xf32, #tpu.memory_space<hbm>> -> memref<1x64xf32, #tpu.memory_space<hbm>>
      %dma_start3A_380 = arith.constant 0 : i32
      %dma_start3A_381 = tpu.memref_slice %arg13[%add3A_375, %dma_start3A_380] : memref<128x64xf32, #tpu.memory_space<vmem>> -> memref<1x64xf32, #tpu.memory_space<vmem>>
      %dma_start3A_382 = arith.constant 0 : i32
      %dma_start3A_383 = tpu.memref_slice %arg5[%squeeze3A_371, %dma_start3A_382] : memref<100000x64xf32, #tpu.memory_space<hbm>> -> memref<1x64xf32, #tpu.memory_space<hbm>>
      tpu.enqueue_dma source(%dma_start3A_383 : memref<1x64xf32, #tpu.memory_space<hbm>>) target(%dma_start3A_381 : memref<1x64xf32, #tpu.memory_space<vmem>>) target_semaphore(%arg14 : memref<!tpu.dma_semaphore, #tpu.memory_space<semaphore_mem>>)
      %slice3A_384 = vector.extract_strided_slice %get3A_126 {offsets = [9], sizes = [1], strides = [1]} : vector<16xi32> to vector<1xi32>
      %squeeze3A_385 = vector.extract %slice3A_384[0] : i32 from vector<1xi32>
      %mul3A_386 = arith.constant 16 : i32
      %mul3A_387 = arith.muli %scan3A_120, %mul3A_386 : i32
      %add3A_388 = arith.constant 9 : i32
      %add3A_389 = arith.addi %mul3A_387, %add3A_388 : i32
      %dma_start3A_390 = arith.constant 0 : i32
      %dma_start3A_391 = tpu.memref_slice %arg11[%add3A_389, %dma_start3A_390] : memref<128x64xf32, #tpu.memory_space<vmem>> -> memref<1x64xf32, #tpu.memory_space<vmem>>
      %dma_start3A_392 = arith.constant 0 : i32
      %dma_start3A_393 = tpu.memref_slice %arg4[%squeeze3A_385, %dma_start3A_392] : memref<1000000x64xf32, #tpu.memory_space<hbm>> -> memref<1x64xf32, #tpu.memory_space<hbm>>
      %dma_start3A_394 = arith.constant 0 : i32
      %dma_start3A_395 = tpu.memref_slice %arg11[%add3A_389, %dma_start3A_394] : memref<128x64xf32, #tpu.memory_space<vmem>> -> memref<1x64xf32, #tpu.memory_space<vmem>>
      %dma_start3A_396 = arith.constant 0 : i32
      %dma_start3A_397 = tpu.memref_slice %arg4[%squeeze3A_385, %dma_start3A_396] : memref<1000000x64xf32, #tpu.memory_space<hbm>> -> memref<1x64xf32, #tpu.memory_space<hbm>>
      tpu.enqueue_dma source(%dma_start3A_397 : memref<1x64xf32, #tpu.memory_space<hbm>>) target(%dma_start3A_395 : memref<1x64xf32, #tpu.memory_space<vmem>>) target_semaphore(%arg14 : memref<!tpu.dma_semaphore, #tpu.memory_space<semaphore_mem>>)
      %slice3A_398 = vector.extract_strided_slice %get3A_133 {offsets = [9], sizes = [1], strides = [1]} : vector<16xi32> to vector<1xi32>
      %squeeze3A_399 = vector.extract %slice3A_398[0] : i32 from vector<1xi32>
      %mul3A_400 = arith.constant 16 : i32
      %mul3A_401 = arith.muli %scan3A_120, %mul3A_400 : i32
      %add3A_402 = arith.constant 9 : i32
      %add3A_403 = arith.addi %mul3A_401, %add3A_402 : i32
      %dma_start3A_404 = arith.constant 0 : i32
      %dma_start3A_405 = tpu.memref_slice %arg13[%add3A_403, %dma_start3A_404] : memref<128x64xf32, #tpu.memory_space<vmem>> -> memref<1x64xf32, #tpu.memory_space<vmem>>
      %dma_start3A_406 = arith.constant 0 : i32
      %dma_start3A_407 = tpu.memref_slice %arg5[%squeeze3A_399, %dma_start3A_406] : memref<100000x64xf32, #tpu.memory_space<hbm>> -> memref<1x64xf32, #tpu.memory_space<hbm>>
      %dma_start3A_408 = arith.constant 0 : i32
      %dma_start3A_409 = tpu.memref_slice %arg13[%add3A_403, %dma_start3A_408] : memref<128x64xf32, #tpu.memory_space<vmem>> -> memref<1x64xf32, #tpu.memory_space<vmem>>
      %dma_start3A_410 = arith.constant 0 : i32
      %dma_start3A_411 = tpu.memref_slice %arg5[%squeeze3A_399, %dma_start3A_410] : memref<100000x64xf32, #tpu.memory_space<hbm>> -> memref<1x64xf32, #tpu.memory_space<hbm>>
      tpu.enqueue_dma source(%dma_start3A_411 : memref<1x64xf32, #tpu.memory_space<hbm>>) target(%dma_start3A_409 : memref<1x64xf32, #tpu.memory_space<vmem>>) target_semaphore(%arg14 : memref<!tpu.dma_semaphore, #tpu.memory_space<semaphore_mem>>)
      %slice3A_412 = vector.extract_strided_slice %get3A_126 {offsets = [10], sizes = [1], strides = [1]} : vector<16xi32> to vector<1xi32>
      %squeeze3A_413 = vector.extract %slice3A_412[0] : i32 from vector<1xi32>
      %mul3A_414 = arith.constant 16 : i32
      %mul3A_415 = arith.muli %scan3A_120, %mul3A_414 : i32
      %add3A_416 = arith.constant 10 : i32
      %add3A_417 = arith.addi %mul3A_415, %add3A_416 : i32
      %dma_start3A_418 = arith.constant 0 : i32
      %dma_start3A_419 = tpu.memref_slice %arg11[%add3A_417, %dma_start3A_418] : memref<128x64xf32, #tpu.memory_space<vmem>> -> memref<1x64xf32, #tpu.memory_space<vmem>>
      %dma_start3A_420 = arith.constant 0 : i32
      %dma_start3A_421 = tpu.memref_slice %arg4[%squeeze3A_413, %dma_start3A_420] : memref<1000000x64xf32, #tpu.memory_space<hbm>> -> memref<1x64xf32, #tpu.memory_space<hbm>>
      %dma_start3A_422 = arith.constant 0 : i32
      %dma_start3A_423 = tpu.memref_slice %arg11[%add3A_417, %dma_start3A_422] : memref<128x64xf32, #tpu.memory_space<vmem>> -> memref<1x64xf32, #tpu.memory_space<vmem>>
      %dma_start3A_424 = arith.constant 0 : i32
      %dma_start3A_425 = tpu.memref_slice %arg4[%squeeze3A_413, %dma_start3A_424] : memref<1000000x64xf32, #tpu.memory_space<hbm>> -> memref<1x64xf32, #tpu.memory_space<hbm>>
      tpu.enqueue_dma source(%dma_start3A_425 : memref<1x64xf32, #tpu.memory_space<hbm>>) target(%dma_start3A_423 : memref<1x64xf32, #tpu.memory_space<vmem>>) target_semaphore(%arg14 : memref<!tpu.dma_semaphore, #tpu.memory_space<semaphore_mem>>)
      %slice3A_426 = vector.extract_strided_slice %get3A_133 {offsets = [10], sizes = [1], strides = [1]} : vector<16xi32> to vector<1xi32>
      %squeeze3A_427 = vector.extract %slice3A_426[0] : i32 from vector<1xi32>
      %mul3A_428 = arith.constant 16 : i32
      %mul3A_429 = arith.muli %scan3A_120, %mul3A_428 : i32
      %add3A_430 = arith.constant 10 : i32
      %add3A_431 = arith.addi %mul3A_429, %add3A_430 : i32
      %dma_start3A_432 = arith.constant 0 : i32
      %dma_start3A_433 = tpu.memref_slice %arg13[%add3A_431, %dma_start3A_432] : memref<128x64xf32, #tpu.memory_space<vmem>> -> memref<1x64xf32, #tpu.memory_space<vmem>>
      %dma_start3A_434 = arith.constant 0 : i32
      %dma_start3A_435 = tpu.memref_slice %arg5[%squeeze3A_427, %dma_start3A_434] : memref<100000x64xf32, #tpu.memory_space<hbm>> -> memref<1x64xf32, #tpu.memory_space<hbm>>
      %dma_start3A_436 = arith.constant 0 : i32
      %dma_start3A_437 = tpu.memref_slice %arg13[%add3A_431, %dma_start3A_436] : memref<128x64xf32, #tpu.memory_space<vmem>> -> memref<1x64xf32, #tpu.memory_space<vmem>>
      %dma_start3A_438 = arith.constant 0 : i32
      %dma_start3A_439 = tpu.memref_slice %arg5[%squeeze3A_427, %dma_start3A_438] : memref<100000x64xf32, #tpu.memory_space<hbm>> -> memref<1x64xf32, #tpu.memory_space<hbm>>
      tpu.enqueue_dma source(%dma_start3A_439 : memref<1x64xf32, #tpu.memory_space<hbm>>) target(%dma_start3A_437 : memref<1x64xf32, #tpu.memory_space<vmem>>) target_semaphore(%arg14 : memref<!tpu.dma_semaphore, #tpu.memory_space<semaphore_mem>>)
      %slice3A_440 = vector.extract_strided_slice %get3A_126 {offsets = [11], sizes = [1], strides = [1]} : vector<16xi32> to vector<1xi32>
      %squeeze3A_441 = vector.extract %slice3A_440[0] : i32 from vector<1xi32>
      %mul3A_442 = arith.constant 16 : i32
      %mul3A_443 = arith.muli %scan3A_120, %mul3A_442 : i32
      %add3A_444 = arith.constant 11 : i32
      %add3A_445 = arith.addi %mul3A_443, %add3A_444 : i32
      %dma_start3A_446 = arith.constant 0 : i32
      %dma_start3A_447 = tpu.memref_slice %arg11[%add3A_445, %dma_start3A_446] : memref<128x64xf32, #tpu.memory_space<vmem>> -> memref<1x64xf32, #tpu.memory_space<vmem>>
      %dma_start3A_448 = arith.constant 0 : i32
      %dma_start3A_449 = tpu.memref_slice %arg4[%squeeze3A_441, %dma_start3A_448] : memref<1000000x64xf32, #tpu.memory_space<hbm>> -> memref<1x64xf32, #tpu.memory_space<hbm>>
      %dma_start3A_450 = arith.constant 0 : i32
      %dma_start3A_451 = tpu.memref_slice %arg11[%add3A_445, %dma_start3A_450] : memref<128x64xf32, #tpu.memory_space<vmem>> -> memref<1x64xf32, #tpu.memory_space<vmem>>
      %dma_start3A_452 = arith.constant 0 : i32
      %dma_start3A_453 = tpu.memref_slice %arg4[%squeeze3A_441, %dma_start3A_452] : memref<1000000x64xf32, #tpu.memory_space<hbm>> -> memref<1x64xf32, #tpu.memory_space<hbm>>
      tpu.enqueue_dma source(%dma_start3A_453 : memref<1x64xf32, #tpu.memory_space<hbm>>) target(%dma_start3A_451 : memref<1x64xf32, #tpu.memory_space<vmem>>) target_semaphore(%arg14 : memref<!tpu.dma_semaphore, #tpu.memory_space<semaphore_mem>>)
      %slice3A_454 = vector.extract_strided_slice %get3A_133 {offsets = [11], sizes = [1], strides = [1]} : vector<16xi32> to vector<1xi32>
      %squeeze3A_455 = vector.extract %slice3A_454[0] : i32 from vector<1xi32>
      %mul3A_456 = arith.constant 16 : i32
      %mul3A_457 = arith.muli %scan3A_120, %mul3A_456 : i32
      %add3A_458 = arith.constant 11 : i32
      %add3A_459 = arith.addi %mul3A_457, %add3A_458 : i32
      %dma_start3A_460 = arith.constant 0 : i32
      %dma_start3A_461 = tpu.memref_slice %arg13[%add3A_459, %dma_start3A_460] : memref<128x64xf32, #tpu.memory_space<vmem>> -> memref<1x64xf32, #tpu.memory_space<vmem>>
      %dma_start3A_462 = arith.constant 0 : i32
      %dma_start3A_463 = tpu.memref_slice %arg5[%squeeze3A_455, %dma_start3A_462] : memref<100000x64xf32, #tpu.memory_space<hbm>> -> memref<1x64xf32, #tpu.memory_space<hbm>>
      %dma_start3A_464 = arith.constant 0 : i32
      %dma_start3A_465 = tpu.memref_slice %arg13[%add3A_459, %dma_start3A_464] : memref<128x64xf32, #tpu.memory_space<vmem>> -> memref<1x64xf32, #tpu.memory_space<vmem>>
      %dma_start3A_466 = arith.constant 0 : i32
      %dma_start3A_467 = tpu.memref_slice %arg5[%squeeze3A_455, %dma_start3A_466] : memref<100000x64xf32, #tpu.memory_space<hbm>> -> memref<1x64xf32, #tpu.memory_space<hbm>>
      tpu.enqueue_dma source(%dma_start3A_467 : memref<1x64xf32, #tpu.memory_space<hbm>>) target(%dma_start3A_465 : memref<1x64xf32, #tpu.memory_space<vmem>>) target_semaphore(%arg14 : memref<!tpu.dma_semaphore, #tpu.memory_space<semaphore_mem>>)
      %slice3A_468 = vector.extract_strided_slice %get3A_126 {offsets = [12], sizes = [1], strides = [1]} : vector<16xi32> to vector<1xi32>
      %squeeze3A_469 = vector.extract %slice3A_468[0] : i32 from vector<1xi32>
      %mul3A_470 = arith.constant 16 : i32
      %mul3A_471 = arith.muli %scan3A_120, %mul3A_470 : i32
      %add3A_472 = arith.constant 12 : i32
      %add3A_473 = arith.addi %mul3A_471, %add3A_472 : i32
      %dma_start3A_474 = arith.constant 0 : i32
      %dma_start3A_475 = tpu.memref_slice %arg11[%add3A_473, %dma_start3A_474] : memref<128x64xf32, #tpu.memory_space<vmem>> -> memref<1x64xf32, #tpu.memory_space<vmem>>
      %dma_start3A_476 = arith.constant 0 : i32
      %dma_start3A_477 = tpu.memref_slice %arg4[%squeeze3A_469, %dma_start3A_476] : memref<1000000x64xf32, #tpu.memory_space<hbm>> -> memref<1x64xf32, #tpu.memory_space<hbm>>
      %dma_start3A_478 = arith.constant 0 : i32
      %dma_start3A_479 = tpu.memref_slice %arg11[%add3A_473, %dma_start3A_478] : memref<128x64xf32, #tpu.memory_space<vmem>> -> memref<1x64xf32, #tpu.memory_space<vmem>>
      %dma_start3A_480 = arith.constant 0 : i32
      %dma_start3A_481 = tpu.memref_slice %arg4[%squeeze3A_469, %dma_start3A_480] : memref<1000000x64xf32, #tpu.memory_space<hbm>> -> memref<1x64xf32, #tpu.memory_space<hbm>>
      tpu.enqueue_dma source(%dma_start3A_481 : memref<1x64xf32, #tpu.memory_space<hbm>>) target(%dma_start3A_479 : memref<1x64xf32, #tpu.memory_space<vmem>>) target_semaphore(%arg14 : memref<!tpu.dma_semaphore, #tpu.memory_space<semaphore_mem>>)
      %slice3A_482 = vector.extract_strided_slice %get3A_133 {offsets = [12], sizes = [1], strides = [1]} : vector<16xi32> to vector<1xi32>
      %squeeze3A_483 = vector.extract %slice3A_482[0] : i32 from vector<1xi32>
      %mul3A_484 = arith.constant 16 : i32
      %mul3A_485 = arith.muli %scan3A_120, %mul3A_484 : i32
      %add3A_486 = arith.constant 12 : i32
      %add3A_487 = arith.addi %mul3A_485, %add3A_486 : i32
      %dma_start3A_488 = arith.constant 0 : i32
      %dma_start3A_489 = tpu.memref_slice %arg13[%add3A_487, %dma_start3A_488] : memref<128x64xf32, #tpu.memory_space<vmem>> -> memref<1x64xf32, #tpu.memory_space<vmem>>
      %dma_start3A_490 = arith.constant 0 : i32
      %dma_start3A_491 = tpu.memref_slice %arg5[%squeeze3A_483, %dma_start3A_490] : memref<100000x64xf32, #tpu.memory_space<hbm>> -> memref<1x64xf32, #tpu.memory_space<hbm>>
      %dma_start3A_492 = arith.constant 0 : i32
      %dma_start3A_493 = tpu.memref_slice %arg13[%add3A_487, %dma_start3A_492] : memref<128x64xf32, #tpu.memory_space<vmem>> -> memref<1x64xf32, #tpu.memory_space<vmem>>
      %dma_start3A_494 = arith.constant 0 : i32
      %dma_start3A_495 = tpu.memref_slice %arg5[%squeeze3A_483, %dma_start3A_494] : memref<100000x64xf32, #tpu.memory_space<hbm>> -> memref<1x64xf32, #tpu.memory_space<hbm>>
      tpu.enqueue_dma source(%dma_start3A_495 : memref<1x64xf32, #tpu.memory_space<hbm>>) target(%dma_start3A_493 : memref<1x64xf32, #tpu.memory_space<vmem>>) target_semaphore(%arg14 : memref<!tpu.dma_semaphore, #tpu.memory_space<semaphore_mem>>)
      %slice3A_496 = vector.extract_strided_slice %get3A_126 {offsets = [13], sizes = [1], strides = [1]} : vector<16xi32> to vector<1xi32>
      %squeeze3A_497 = vector.extract %slice3A_496[0] : i32 from vector<1xi32>
      %mul3A_498 = arith.constant 16 : i32
      %mul3A_499 = arith.muli %scan3A_120, %mul3A_498 : i32
      %add3A_500 = arith.constant 13 : i32
      %add3A_501 = arith.addi %mul3A_499, %add3A_500 : i32
      %dma_start3A_502 = arith.constant 0 : i32
      %dma_start3A_503 = tpu.memref_slice %arg11[%add3A_501, %dma_start3A_502] : memref<128x64xf32, #tpu.memory_space<vmem>> -> memref<1x64xf32, #tpu.memory_space<vmem>>
      %dma_start3A_504 = arith.constant 0 : i32
      %dma_start3A_505 = tpu.memref_slice %arg4[%squeeze3A_497, %dma_start3A_504] : memref<1000000x64xf32, #tpu.memory_space<hbm>> -> memref<1x64xf32, #tpu.memory_space<hbm>>
      %dma_start3A_506 = arith.constant 0 : i32
      %dma_start3A_507 = tpu.memref_slice %arg11[%add3A_501, %dma_start3A_506] : memref<128x64xf32, #tpu.memory_space<vmem>> -> memref<1x64xf32, #tpu.memory_space<vmem>>
      %dma_start3A_508 = arith.constant 0 : i32
      %dma_start3A_509 = tpu.memref_slice %arg4[%squeeze3A_497, %dma_start3A_508] : memref<1000000x64xf32, #tpu.memory_space<hbm>> -> memref<1x64xf32, #tpu.memory_space<hbm>>
      tpu.enqueue_dma source(%dma_start3A_509 : memref<1x64xf32, #tpu.memory_space<hbm>>) target(%dma_start3A_507 : memref<1x64xf32, #tpu.memory_space<vmem>>) target_semaphore(%arg14 : memref<!tpu.dma_semaphore, #tpu.memory_space<semaphore_mem>>)
      %slice3A_510 = vector.extract_strided_slice %get3A_133 {offsets = [13], sizes = [1], strides = [1]} : vector<16xi32> to vector<1xi32>
      %squeeze3A_511 = vector.extract %slice3A_510[0] : i32 from vector<1xi32>
      %mul3A_512 = arith.constant 16 : i32
      %mul3A_513 = arith.muli %scan3A_120, %mul3A_512 : i32
      %add3A_514 = arith.constant 13 : i32
      %add3A_515 = arith.addi %mul3A_513, %add3A_514 : i32
      %dma_start3A_516 = arith.constant 0 : i32
      %dma_start3A_517 = tpu.memref_slice %arg13[%add3A_515, %dma_start3A_516] : memref<128x64xf32, #tpu.memory_space<vmem>> -> memref<1x64xf32, #tpu.memory_space<vmem>>
      %dma_start3A_518 = arith.constant 0 : i32
      %dma_start3A_519 = tpu.memref_slice %arg5[%squeeze3A_511, %dma_start3A_518] : memref<100000x64xf32, #tpu.memory_space<hbm>> -> memref<1x64xf32, #tpu.memory_space<hbm>>
      %dma_start3A_520 = arith.constant 0 : i32
      %dma_start3A_521 = tpu.memref_slice %arg13[%add3A_515, %dma_start3A_520] : memref<128x64xf32, #tpu.memory_space<vmem>> -> memref<1x64xf32, #tpu.memory_space<vmem>>
      %dma_start3A_522 = arith.constant 0 : i32
      %dma_start3A_523 = tpu.memref_slice %arg5[%squeeze3A_511, %dma_start3A_522] : memref<100000x64xf32, #tpu.memory_space<hbm>> -> memref<1x64xf32, #tpu.memory_space<hbm>>
      tpu.enqueue_dma source(%dma_start3A_523 : memref<1x64xf32, #tpu.memory_space<hbm>>) target(%dma_start3A_521 : memref<1x64xf32, #tpu.memory_space<vmem>>) target_semaphore(%arg14 : memref<!tpu.dma_semaphore, #tpu.memory_space<semaphore_mem>>)
      %slice3A_524 = vector.extract_strided_slice %get3A_126 {offsets = [14], sizes = [1], strides = [1]} : vector<16xi32> to vector<1xi32>
      %squeeze3A_525 = vector.extract %slice3A_524[0] : i32 from vector<1xi32>
      %mul3A_526 = arith.constant 16 : i32
      %mul3A_527 = arith.muli %scan3A_120, %mul3A_526 : i32
      %add3A_528 = arith.constant 14 : i32
      %add3A_529 = arith.addi %mul3A_527, %add3A_528 : i32
      %dma_start3A_530 = arith.constant 0 : i32
      %dma_start3A_531 = tpu.memref_slice %arg11[%add3A_529, %dma_start3A_530] : memref<128x64xf32, #tpu.memory_space<vmem>> -> memref<1x64xf32, #tpu.memory_space<vmem>>
      %dma_start3A_532 = arith.constant 0 : i32
      %dma_start3A_533 = tpu.memref_slice %arg4[%squeeze3A_525, %dma_start3A_532] : memref<1000000x64xf32, #tpu.memory_space<hbm>> -> memref<1x64xf32, #tpu.memory_space<hbm>>
      %dma_start3A_534 = arith.constant 0 : i32
      %dma_start3A_535 = tpu.memref_slice %arg11[%add3A_529, %dma_start3A_534] : memref<128x64xf32, #tpu.memory_space<vmem>> -> memref<1x64xf32, #tpu.memory_space<vmem>>
      %dma_start3A_536 = arith.constant 0 : i32
      %dma_start3A_537 = tpu.memref_slice %arg4[%squeeze3A_525, %dma_start3A_536] : memref<1000000x64xf32, #tpu.memory_space<hbm>> -> memref<1x64xf32, #tpu.memory_space<hbm>>
      tpu.enqueue_dma source(%dma_start3A_537 : memref<1x64xf32, #tpu.memory_space<hbm>>) target(%dma_start3A_535 : memref<1x64xf32, #tpu.memory_space<vmem>>) target_semaphore(%arg14 : memref<!tpu.dma_semaphore, #tpu.memory_space<semaphore_mem>>)
      %slice3A_538 = vector.extract_strided_slice %get3A_133 {offsets = [14], sizes = [1], strides = [1]} : vector<16xi32> to vector<1xi32>
      %squeeze3A_539 = vector.extract %slice3A_538[0] : i32 from vector<1xi32>
      %mul3A_540 = arith.constant 16 : i32
      %mul3A_541 = arith.muli %scan3A_120, %mul3A_540 : i32
      %add3A_542 = arith.constant 14 : i32
      %add3A_543 = arith.addi %mul3A_541, %add3A_542 : i32
      %dma_start3A_544 = arith.constant 0 : i32
      %dma_start3A_545 = tpu.memref_slice %arg13[%add3A_543, %dma_start3A_544] : memref<128x64xf32, #tpu.memory_space<vmem>> -> memref<1x64xf32, #tpu.memory_space<vmem>>
      %dma_start3A_546 = arith.constant 0 : i32
      %dma_start3A_547 = tpu.memref_slice %arg5[%squeeze3A_539, %dma_start3A_546] : memref<100000x64xf32, #tpu.memory_space<hbm>> -> memref<1x64xf32, #tpu.memory_space<hbm>>
      %dma_start3A_548 = arith.constant 0 : i32
      %dma_start3A_549 = tpu.memref_slice %arg13[%add3A_543, %dma_start3A_548] : memref<128x64xf32, #tpu.memory_space<vmem>> -> memref<1x64xf32, #tpu.memory_space<vmem>>
      %dma_start3A_550 = arith.constant 0 : i32
      %dma_start3A_551 = tpu.memref_slice %arg5[%squeeze3A_539, %dma_start3A_550] : memref<100000x64xf32, #tpu.memory_space<hbm>> -> memref<1x64xf32, #tpu.memory_space<hbm>>
      tpu.enqueue_dma source(%dma_start3A_551 : memref<1x64xf32, #tpu.memory_space<hbm>>) target(%dma_start3A_549 : memref<1x64xf32, #tpu.memory_space<vmem>>) target_semaphore(%arg14 : memref<!tpu.dma_semaphore, #tpu.memory_space<semaphore_mem>>)
      %slice3A_552 = vector.extract_strided_slice %get3A_126 {offsets = [15], sizes = [1], strides = [1]} : vector<16xi32> to vector<1xi32>
      %squeeze3A_553 = vector.extract %slice3A_552[0] : i32 from vector<1xi32>
      %mul3A_554 = arith.constant 16 : i32
      %mul3A_555 = arith.muli %scan3A_120, %mul3A_554 : i32
      %add3A_556 = arith.constant 15 : i32
      %add3A_557 = arith.addi %mul3A_555, %add3A_556 : i32
      %dma_start3A_558 = arith.constant 0 : i32
      %dma_start3A_559 = tpu.memref_slice %arg11[%add3A_557, %dma_start3A_558] : memref<128x64xf32, #tpu.memory_space<vmem>> -> memref<1x64xf32, #tpu.memory_space<vmem>>
      %dma_start3A_560 = arith.constant 0 : i32
      %dma_start3A_561 = tpu.memref_slice %arg4[%squeeze3A_553, %dma_start3A_560] : memref<1000000x64xf32, #tpu.memory_space<hbm>> -> memref<1x64xf32, #tpu.memory_space<hbm>>
      %dma_start3A_562 = arith.constant 0 : i32
      %dma_start3A_563 = tpu.memref_slice %arg11[%add3A_557, %dma_start3A_562] : memref<128x64xf32, #tpu.memory_space<vmem>> -> memref<1x64xf32, #tpu.memory_space<vmem>>
      %dma_start3A_564 = arith.constant 0 : i32
      %dma_start3A_565 = tpu.memref_slice %arg4[%squeeze3A_553, %dma_start3A_564] : memref<1000000x64xf32, #tpu.memory_space<hbm>> -> memref<1x64xf32, #tpu.memory_space<hbm>>
      tpu.enqueue_dma source(%dma_start3A_565 : memref<1x64xf32, #tpu.memory_space<hbm>>) target(%dma_start3A_563 : memref<1x64xf32, #tpu.memory_space<vmem>>) target_semaphore(%arg14 : memref<!tpu.dma_semaphore, #tpu.memory_space<semaphore_mem>>)
      %slice3A_566 = vector.extract_strided_slice %get3A_133 {offsets = [15], sizes = [1], strides = [1]} : vector<16xi32> to vector<1xi32>
      %squeeze3A_567 = vector.extract %slice3A_566[0] : i32 from vector<1xi32>
      %mul3A_568 = arith.constant 16 : i32
      %mul3A_569 = arith.muli %scan3A_120, %mul3A_568 : i32
      %add3A_570 = arith.constant 15 : i32
      %add3A_571 = arith.addi %mul3A_569, %add3A_570 : i32
      %dma_start3A_572 = arith.constant 0 : i32
      %dma_start3A_573 = tpu.memref_slice %arg13[%add3A_571, %dma_start3A_572] : memref<128x64xf32, #tpu.memory_space<vmem>> -> memref<1x64xf32, #tpu.memory_space<vmem>>
      %dma_start3A_574 = arith.constant 0 : i32
      %dma_start3A_575 = tpu.memref_slice %arg5[%squeeze3A_567, %dma_start3A_574] : memref<100000x64xf32, #tpu.memory_space<hbm>> -> memref<1x64xf32, #tpu.memory_space<hbm>>
      %dma_start3A_576 = arith.constant 0 : i32
      %dma_start3A_577 = tpu.memref_slice %arg13[%add3A_571, %dma_start3A_576] : memref<128x64xf32, #tpu.memory_space<vmem>> -> memref<1x64xf32, #tpu.memory_space<vmem>>
      %dma_start3A_578 = arith.constant 0 : i32
      %dma_start3A_579 = tpu.memref_slice %arg5[%squeeze3A_567, %dma_start3A_578] : memref<100000x64xf32, #tpu.memory_space<hbm>> -> memref<1x64xf32, #tpu.memory_space<hbm>>
      tpu.enqueue_dma source(%dma_start3A_579 : memref<1x64xf32, #tpu.memory_space<hbm>>) target(%dma_start3A_577 : memref<1x64xf32, #tpu.memory_space<vmem>>) target_semaphore(%arg14 : memref<!tpu.dma_semaphore, #tpu.memory_space<semaphore_mem>>)
    }
    %scan3A_87 = arith.constant 8 : i32
    %scan3A_88 = arith.constant 0 : i32
    %scan3A_89 = arith.constant 0 : i32
    %scan3A_90 = arith.constant 128 : i32
    %scan3A_91 = arith.addi %scan3A_89, %scan3A_90 : i32
    %scan3A_92 = arith.constant 1 : i32
    scf.for %scan3A_120 = %scan3A_89 to %scan3A_91 step %scan3A_92  : i32 {
      %dma_wait3A_121 = arith.constant 0 : i32
      %dma_wait3A_122 = arith.constant 0 : i32
      %dma_wait3A_123 = tpu.memref_slice %arg11[%dma_wait3A_121, %dma_wait3A_122] : memref<128x64xf32, #tpu.memory_space<vmem>> -> memref<1x64xf32, #tpu.memory_space<vmem>>
      %dma_wait3A_124 = arith.constant 0 : i32
      %dma_wait3A_125 = arith.constant 0 : i32
      %dma_wait3A_126 = tpu.memref_slice %arg4[%dma_wait3A_124, %dma_wait3A_125] : memref<1000000x64xf32, #tpu.memory_space<hbm>> -> memref<1x64xf32, #tpu.memory_space<hbm>>
      %dma_wait3A_127 = arith.constant 0 : i32
      %dma_wait3A_128 = arith.constant 0 : i32
      %dma_wait3A_129 = tpu.memref_slice %arg11[%dma_wait3A_127, %dma_wait3A_128] : memref<128x64xf32, #tpu.memory_space<vmem>> -> memref<1x64xf32, #tpu.memory_space<vmem>>
      %dma_wait3A_130 = arith.constant 0 : i32
      %dma_wait3A_131 = arith.constant 0 : i32
      %dma_wait3A_132 = tpu.memref_slice %arg4[%dma_wait3A_130, %dma_wait3A_131] : memref<1000000x64xf32, #tpu.memory_space<hbm>> -> memref<1x64xf32, #tpu.memory_space<hbm>>
      tpu.wait_dma2 semaphore(%arg14 : memref<!tpu.dma_semaphore, #tpu.memory_space<semaphore_mem>>) src(%dma_wait3A_132 : memref<1x64xf32, #tpu.memory_space<hbm>>) dst(%dma_wait3A_129 : memref<1x64xf32, #tpu.memory_space<vmem>>)
      %dma_wait3A_133 = arith.constant 0 : i32
      %dma_wait3A_134 = arith.constant 0 : i32
      %dma_wait3A_135 = tpu.memref_slice %arg13[%dma_wait3A_133, %dma_wait3A_134] : memref<128x64xf32, #tpu.memory_space<vmem>> -> memref<1x64xf32, #tpu.memory_space<vmem>>
      %dma_wait3A_136 = arith.constant 0 : i32
      %dma_wait3A_137 = arith.constant 0 : i32
      %dma_wait3A_138 = tpu.memref_slice %arg5[%dma_wait3A_136, %dma_wait3A_137] : memref<100000x64xf32, #tpu.memory_space<hbm>> -> memref<1x64xf32, #tpu.memory_space<hbm>>
      %dma_wait3A_139 = arith.constant 0 : i32
      %dma_wait3A_140 = arith.constant 0 : i32
      %dma_wait3A_141 = tpu.memref_slice %arg13[%dma_wait3A_139, %dma_wait3A_140] : memref<128x64xf32, #tpu.memory_space<vmem>> -> memref<1x64xf32, #tpu.memory_space<vmem>>
      %dma_wait3A_142 = arith.constant 0 : i32
      %dma_wait3A_143 = arith.constant 0 : i32
      %dma_wait3A_144 = tpu.memref_slice %arg5[%dma_wait3A_142, %dma_wait3A_143] : memref<100000x64xf32, #tpu.memory_space<hbm>> -> memref<1x64xf32, #tpu.memory_space<hbm>>
      tpu.wait_dma2 semaphore(%arg14 : memref<!tpu.dma_semaphore, #tpu.memory_space<semaphore_mem>>) src(%dma_wait3A_144 : memref<1x64xf32, #tpu.memory_space<hbm>>) dst(%dma_wait3A_141 : memref<1x64xf32, #tpu.memory_space<vmem>>)
    }
    %scan3A_93 = arith.constant 128 : i32
    %add3A_94 = arith.constant 384 : i32
    %add3A_95 = arith.addi %mul3A_2, %add3A_94 : i32
    %dma_start3A_96 = arith.constant 0 : i32
    %dma_start3A_97 = tpu.memref_slice %arg6[%add3A_95, %dma_start3A_96] : memref<16384x64xf32, #tpu.memory_space<hbm>> -> memref<128x64xf32, #tpu.memory_space<hbm>>
    %dma_start3A_98 = arith.constant 0 : i32
    %dma_start3A_99 = tpu.memref_slice %arg6[%add3A_95, %dma_start3A_98] : memref<16384x64xf32, #tpu.memory_space<hbm>> -> memref<128x64xf32, #tpu.memory_space<hbm>>
    tpu.enqueue_dma source(%arg11 : memref<128x64xf32, #tpu.memory_space<vmem>>) target(%dma_start3A_99 : memref<128x64xf32, #tpu.memory_space<hbm>>) target_semaphore(%arg15 : memref<!tpu.dma_semaphore, #tpu.memory_space<semaphore_mem>>)
    %dma_start3A_100 = arith.constant 0 : i32
    %dma_start3A_101 = tpu.memref_slice %arg7[%add3A_95, %dma_start3A_100] : memref<16384x64xf32, #tpu.memory_space<hbm>> -> memref<128x64xf32, #tpu.memory_space<hbm>>
    %dma_start3A_102 = arith.constant 0 : i32
    %dma_start3A_103 = tpu.memref_slice %arg7[%add3A_95, %dma_start3A_102] : memref<16384x64xf32, #tpu.memory_space<hbm>> -> memref<128x64xf32, #tpu.memory_space<hbm>>
    tpu.enqueue_dma source(%arg13 : memref<128x64xf32, #tpu.memory_space<vmem>>) target(%dma_start3A_103 : memref<128x64xf32, #tpu.memory_space<hbm>>) target_semaphore(%arg15 : memref<!tpu.dma_semaphore, #tpu.memory_space<semaphore_mem>>)
    %dma_wait3A_104 = arith.constant 0 : i32
    %dma_wait3A_105 = tpu.memref_slice %arg6[%add3A_65, %dma_wait3A_104] : memref<16384x64xf32, #tpu.memory_space<hbm>> -> memref<128x64xf32, #tpu.memory_space<hbm>>
    %dma_wait3A_106 = arith.constant 0 : i32
    %dma_wait3A_107 = tpu.memref_slice %arg6[%add3A_65, %dma_wait3A_106] : memref<16384x64xf32, #tpu.memory_space<hbm>> -> memref<128x64xf32, #tpu.memory_space<hbm>>
    tpu.wait_dma2 semaphore(%arg15 : memref<!tpu.dma_semaphore, #tpu.memory_space<semaphore_mem>>) src(%arg10 : memref<128x64xf32, #tpu.memory_space<vmem>>) dst(%dma_wait3A_107 : memref<128x64xf32, #tpu.memory_space<hbm>>)
    %dma_wait3A_108 = arith.constant 0 : i32
    %dma_wait3A_109 = tpu.memref_slice %arg7[%add3A_65, %dma_wait3A_108] : memref<16384x64xf32, #tpu.memory_space<hbm>> -> memref<128x64xf32, #tpu.memory_space<hbm>>
    %dma_wait3A_110 = arith.constant 0 : i32
    %dma_wait3A_111 = tpu.memref_slice %arg7[%add3A_65, %dma_wait3A_110] : memref<16384x64xf32, #tpu.memory_space<hbm>> -> memref<128x64xf32, #tpu.memory_space<hbm>>
    tpu.wait_dma2 semaphore(%arg15 : memref<!tpu.dma_semaphore, #tpu.memory_space<semaphore_mem>>) src(%arg12 : memref<128x64xf32, #tpu.memory_space<vmem>>) dst(%dma_wait3A_111 : memref<128x64xf32, #tpu.memory_space<hbm>>)
    %dma_wait3A_112 = arith.constant 0 : i32
    %dma_wait3A_113 = tpu.memref_slice %arg6[%add3A_95, %dma_wait3A_112] : memref<16384x64xf32, #tpu.memory_space<hbm>> -> memref<128x64xf32, #tpu.memory_space<hbm>>
    %dma_wait3A_114 = arith.constant 0 : i32
    %dma_wait3A_115 = tpu.memref_slice %arg6[%add3A_95, %dma_wait3A_114] : memref<16384x64xf32, #tpu.memory_space<hbm>> -> memref<128x64xf32, #tpu.memory_space<hbm>>
    tpu.wait_dma2 semaphore(%arg15 : memref<!tpu.dma_semaphore, #tpu.memory_space<semaphore_mem>>) src(%arg11 : memref<128x64xf32, #tpu.memory_space<vmem>>) dst(%dma_wait3A_115 : memref<128x64xf32, #tpu.memory_space<hbm>>)
    %dma_wait3A_116 = arith.constant 0 : i32
    %dma_wait3A_117 = tpu.memref_slice %arg7[%add3A_95, %dma_wait3A_116] : memref<16384x64xf32, #tpu.memory_space<hbm>> -> memref<128x64xf32, #tpu.memory_space<hbm>>
    %dma_wait3A_118 = arith.constant 0 : i32
    %dma_wait3A_119 = tpu.memref_slice %arg7[%add3A_95, %dma_wait3A_118] : memref<16384x64xf32, #tpu.memory_space<hbm>> -> memref<128x64xf32, #tpu.memory_space<hbm>>
    tpu.wait_dma2 semaphore(%arg15 : memref<!tpu.dma_semaphore, #tpu.memory_space<semaphore_mem>>) src(%arg13 : memref<128x64xf32, #tpu.memory_space<vmem>>) dst(%dma_wait3A_119 : memref<128x64xf32, #tpu.memory_space<hbm>>)
    return
  }
}

module attributes {stable_mosaic.version = 14 : i64} {
  func.func @_mlp_body(%arg0: i32, %arg1: memref<1024x64xf32, #tpu.memory_space<vmem>>, %arg2: memref<1024x64xf32, #tpu.memory_space<vmem>>, %arg3: memref<1024x1xi32, #tpu.memory_space<vmem>>, %arg4: memref<64x128xf32, #tpu.memory_space<vmem>>, %arg5: memref<64x128xf32, #tpu.memory_space<vmem>>, %arg6: memref<2x32xf32, #tpu.memory_space<vmem>>, %arg7: memref<32x128xf32, #tpu.memory_space<vmem>>, %arg8: memref<1x128xf32, #tpu.memory_space<vmem>>, %arg9: memref<128x64xf32, #tpu.memory_space<vmem>>, %arg10: memref<1x64xf32, #tpu.memory_space<vmem>>, %arg11: memref<64x32xf32, #tpu.memory_space<vmem>>, %arg12: memref<1x32xf32, #tpu.memory_space<vmem>>, %arg13: memref<1x32xf32, #tpu.memory_space<vmem>>, %arg14: memref<1x1xf32, #tpu.memory_space<vmem>>, %arg15: memref<1024xf32, #tpu.memory_space<vmem>>) attributes {dimension_semantics = [#tpu.dimension_semantics<arbitrary>], iteration_bounds = array<i64: 16>, scalar_prefetch = 0 : i64, scratch_operands = 0 : i64, tpu.core_type = #tpu.core_type<tc>, window_params = [{transform_indices = @transform_0, window_bounds = array<i64: 1024, 64>}, {transform_indices = @transform_1, window_bounds = array<i64: 1024, 64>}, {transform_indices = @transform_2, window_bounds = array<i64: 1024, 1>}, {pipeline_mode = #tpu.pipeline_mode<synchronous>, transform_indices = @transform_3, window_bounds = array<i64: 64, 128>}, {pipeline_mode = #tpu.pipeline_mode<synchronous>, transform_indices = @transform_4, window_bounds = array<i64: 64, 128>}, {pipeline_mode = #tpu.pipeline_mode<synchronous>, transform_indices = @transform_5, window_bounds = array<i64: 2, 32>}, {pipeline_mode = #tpu.pipeline_mode<synchronous>, transform_indices = @transform_6, window_bounds = array<i64: 32, 128>}, {pipeline_mode = #tpu.pipeline_mode<synchronous>, transform_indices = @transform_7, window_bounds = array<i64: 1, 128>}, {pipeline_mode = #tpu.pipeline_mode<synchronous>, transform_indices = @transform_8, window_bounds = array<i64: 128, 64>}, {pipeline_mode = #tpu.pipeline_mode<synchronous>, transform_indices = @transform_9, window_bounds = array<i64: 1, 64>}, {pipeline_mode = #tpu.pipeline_mode<synchronous>, transform_indices = @transform_10, window_bounds = array<i64: 64, 32>}, {pipeline_mode = #tpu.pipeline_mode<synchronous>, transform_indices = @transform_11, window_bounds = array<i64: 1, 32>}, {pipeline_mode = #tpu.pipeline_mode<synchronous>, transform_indices = @transform_12, window_bounds = array<i64: 1, 32>}, {pipeline_mode = #tpu.pipeline_mode<synchronous>, transform_indices = @transform_13, window_bounds = array<i64: 1, 1>}, {transform_indices = @transform_14, window_bounds = array<i64: 1024>}]} {
    %get3A = arith.constant 0 : index
    %get3A_0 = arith.constant 0 : index
    %get3A_1 = vector.load %arg6[%get3A, %get3A_0] : memref<2x32xf32, #tpu.memory_space<vmem>>, vector<2x32xf32>
    %get3A_2 = arith.constant 0 : index
    %get3A_3 = arith.constant 0 : index
    %get3A_4 = vector.load %arg7[%get3A_2, %get3A_3] : memref<32x128xf32, #tpu.memory_space<vmem>>, vector<32x128xf32>
    %dot_general3A = arith.constant dense<0.000000e+00> : vector<2x128xf32>
    %dot_general3A_5 = tpu.matmul %get3A_1, %get3A_4, %dot_general3A {dimension_numbers = #tpu.dot_dimension_numbers<[1], [0], [0], [1], [0, 0, 1, 1], [], []>, transpose_lhs_hint = false} : vector<2x32xf32>, vector<32x128xf32>, vector<2x128xf32> -> vector<2x128xf32>
    %get3A_6 = arith.constant 0 : index
    %get3A_7 = arith.constant 0 : index
    %get3A_8 = vector.load %arg8[%get3A_6, %get3A_7] : memref<1x128xf32, #tpu.memory_space<vmem>>, vector<1x128xf32>
    %add3A = vector.broadcast %get3A_8 : vector<1x128xf32> to vector<2x128xf32>
    %add3A_9 = arith.addf %dot_general3A_5, %add3A : vector<2x128xf32>
    %get3A_10 = arith.constant 0 : index
    %get3A_11 = arith.constant 0 : index
    %get3A_12 = vector.load %arg3[%get3A_10, %get3A_11] : memref<1024x1xi32, #tpu.memory_space<vmem>>, vector<1024x1xi32>
    %eq3A = arith.constant 0 : i32
    %eq3A_13 = vector.broadcast %eq3A : i32 to vector<1024x1xi32>
    %eq3A_14 = arith.cmpi eq, %get3A_12, %eq3A_13 : vector<1024x1xi32>
    %slice3A = vector.extract_strided_slice %add3A_9 {offsets = [0, 0], sizes = [1, 128], strides = [1, 1]} : vector<2x128xf32> to vector<1x128xf32>
    %slice3A_15 = vector.extract_strided_slice %add3A_9 {offsets = [1, 0], sizes = [1, 128], strides = [1, 1]} : vector<2x128xf32> to vector<1x128xf32>
    %broadcast_in_dim3A = vector.shape_cast %eq3A_14 : vector<1024x1xi1> to vector<1024x1xi1>
    %broadcast_in_dim3A_16 = vector.broadcast %broadcast_in_dim3A : vector<1024x1xi1> to vector<1024x128xi1>
    %broadcast_in_dim3A_17 = vector.shape_cast %slice3A : vector<1x128xf32> to vector<1x128xf32>
    %broadcast_in_dim3A_18 = vector.broadcast %broadcast_in_dim3A_17 : vector<1x128xf32> to vector<1024x128xf32>
    %broadcast_in_dim3A_19 = vector.shape_cast %slice3A_15 : vector<1x128xf32> to vector<1x128xf32>
    %broadcast_in_dim3A_20 = vector.broadcast %broadcast_in_dim3A_19 : vector<1x128xf32> to vector<1024x128xf32>
    %select_n3A = arith.select %broadcast_in_dim3A_16, %broadcast_in_dim3A_18, %broadcast_in_dim3A_20 : vector<1024x128xi1>, vector<1024x128xf32>
    %get3A_21 = arith.constant 0 : index
    %get3A_22 = arith.constant 0 : index
    %get3A_23 = vector.load %arg1[%get3A_21, %get3A_22] : memref<1024x64xf32, #tpu.memory_space<vmem>>, vector<1024x64xf32>
    %get3A_24 = arith.constant 0 : index
    %get3A_25 = arith.constant 0 : index
    %get3A_26 = vector.load %arg4[%get3A_24, %get3A_25] : memref<64x128xf32, #tpu.memory_space<vmem>>, vector<64x128xf32>
    %dot_general3A_27 = arith.constant dense<0.000000e+00> : vector<1024x128xf32>
    %dot_general3A_28 = tpu.matmul %get3A_23, %get3A_26, %dot_general3A_27 {dimension_numbers = #tpu.dot_dimension_numbers<[1], [0], [0], [1], [0, 0, 1, 1], [], []>, transpose_lhs_hint = false} : vector<1024x64xf32>, vector<64x128xf32>, vector<1024x128xf32> -> vector<1024x128xf32>
    %get3A_29 = arith.constant 0 : index
    %get3A_30 = arith.constant 0 : index
    %get3A_31 = vector.load %arg2[%get3A_29, %get3A_30] : memref<1024x64xf32, #tpu.memory_space<vmem>>, vector<1024x64xf32>
    %get3A_32 = arith.constant 0 : index
    %get3A_33 = arith.constant 0 : index
    %get3A_34 = vector.load %arg5[%get3A_32, %get3A_33] : memref<64x128xf32, #tpu.memory_space<vmem>>, vector<64x128xf32>
    %dot_general3A_35 = arith.constant dense<0.000000e+00> : vector<1024x128xf32>
    %dot_general3A_36 = tpu.matmul %get3A_31, %get3A_34, %dot_general3A_35 {dimension_numbers = #tpu.dot_dimension_numbers<[1], [0], [0], [1], [0, 0, 1, 1], [], []>, transpose_lhs_hint = false} : vector<1024x64xf32>, vector<64x128xf32>, vector<1024x128xf32> -> vector<1024x128xf32>
    %add3A_37 = arith.addf %dot_general3A_28, %dot_general3A_36 : vector<1024x128xf32>
    %add3A_38 = arith.addf %add3A_37, %select_n3A : vector<1024x128xf32>
    %max3A = arith.constant 0.000000e+00 : f32
    %max3A_39 = vector.broadcast %max3A : f32 to vector<1024x128xf32>
    %max3A_40 = arith.maximumf %add3A_38, %max3A_39 : vector<1024x128xf32>
    %get3A_41 = arith.constant 0 : index
    %get3A_42 = arith.constant 0 : index
    %get3A_43 = vector.load %arg9[%get3A_41, %get3A_42] : memref<128x64xf32, #tpu.memory_space<vmem>>, vector<128x64xf32>
    %dot_general3A_44 = arith.constant dense<0.000000e+00> : vector<1024x64xf32>
    %dot_general3A_45 = tpu.matmul %max3A_40, %get3A_43, %dot_general3A_44 {dimension_numbers = #tpu.dot_dimension_numbers<[1], [0], [0], [1], [0, 0, 1, 1], [], []>, transpose_lhs_hint = false} : vector<1024x128xf32>, vector<128x64xf32>, vector<1024x64xf32> -> vector<1024x64xf32>
    %get3A_46 = arith.constant 0 : index
    %get3A_47 = arith.constant 0 : index
    %get3A_48 = vector.load %arg10[%get3A_46, %get3A_47] : memref<1x64xf32, #tpu.memory_space<vmem>>, vector<1x64xf32>
    %add3A_49 = vector.broadcast %get3A_48 : vector<1x64xf32> to vector<1024x64xf32>
    %add3A_50 = arith.addf %dot_general3A_45, %add3A_49 : vector<1024x64xf32>
    %max3A_51 = arith.constant 0.000000e+00 : f32
    %max3A_52 = vector.broadcast %max3A_51 : f32 to vector<1024x64xf32>
    %max3A_53 = arith.maximumf %add3A_50, %max3A_52 : vector<1024x64xf32>
    %get3A_54 = arith.constant 0 : index
    %get3A_55 = arith.constant 0 : index
    %get3A_56 = vector.load %arg11[%get3A_54, %get3A_55] : memref<64x32xf32, #tpu.memory_space<vmem>>, vector<64x32xf32>
    %dot_general3A_57 = arith.constant dense<0.000000e+00> : vector<1024x32xf32>
    %dot_general3A_58 = tpu.matmul %max3A_53, %get3A_56, %dot_general3A_57 {dimension_numbers = #tpu.dot_dimension_numbers<[1], [0], [0], [1], [0, 0, 1, 1], [], []>, transpose_lhs_hint = false} : vector<1024x64xf32>, vector<64x32xf32>, vector<1024x32xf32> -> vector<1024x32xf32>
    %get3A_59 = arith.constant 0 : index
    %get3A_60 = arith.constant 0 : index
    %get3A_61 = vector.load %arg12[%get3A_59, %get3A_60] : memref<1x32xf32, #tpu.memory_space<vmem>>, vector<1x32xf32>
    %add3A_62 = vector.broadcast %get3A_61 : vector<1x32xf32> to vector<1024x32xf32>
    %add3A_63 = arith.addf %dot_general3A_58, %add3A_62 : vector<1024x32xf32>
    %max3A_64 = arith.constant 0.000000e+00 : f32
    %max3A_65 = vector.broadcast %max3A_64 : f32 to vector<1024x32xf32>
    %max3A_66 = arith.maximumf %add3A_63, %max3A_65 : vector<1024x32xf32>
    %get3A_67 = arith.constant 0 : index
    %get3A_68 = arith.constant 0 : index
    %get3A_69 = vector.load %arg13[%get3A_67, %get3A_68] : memref<1x32xf32, #tpu.memory_space<vmem>>, vector<1x32xf32>
    %mul3A = vector.broadcast %get3A_69 : vector<1x32xf32> to vector<1024x32xf32>
    %mul3A_70 = arith.mulf %max3A_66, %mul3A : vector<1024x32xf32>
    %reduce_sum3A = arith.constant dense<0.000000e+00> : vector<1024xf32>
    %reduce_sum3A_71 = vector.multi_reduction <add>, %mul3A_70, %reduce_sum3A [1] : vector<1024x32xf32> to vector<1024xf32>
    %get3A_72 = arith.constant 0 : index
    %get3A_73 = arith.constant 0 : index
    %get3A_74 = vector.load %arg14[%get3A_72, %get3A_73] : memref<1x1xf32, #tpu.memory_space<vmem>>, vector<1x1xf32>
    %get3A_75 = vector.extract %get3A_74[0, 0] : f32 from vector<1x1xf32>
    %add3A_76 = vector.broadcast %get3A_75 : f32 to vector<1024xf32>
    %add3A_77 = arith.addf %reduce_sum3A_71, %add3A_76 : vector<1024xf32>
    %swap3A = arith.constant 0 : index
    %swap3A_78 = vector.load %arg15[%swap3A] : memref<1024xf32, #tpu.memory_space<vmem>>, vector<1024xf32>
    tpu.vector_store %arg15[%swap3A], %add3A_77 {strides = array<i32>} : memref<1024xf32, #tpu.memory_space<vmem>>, vector<1024xf32>,
    return
  }
  func.func @transform_0(%arg0: i32) -> (i32, i32) {
    %c0_i32 = arith.constant 0 : i32
    %c0_i32_0 = arith.constant 0 : i32
    return %arg0, %c0_i32 : i32, i32
  }
  func.func @transform_1(%arg0: i32) -> (i32, i32) {
    %c0_i32 = arith.constant 0 : i32
    %c0_i32_0 = arith.constant 0 : i32
    return %arg0, %c0_i32 : i32, i32
  }
  func.func @transform_2(%arg0: i32) -> (i32, i32) {
    %c0_i32 = arith.constant 0 : i32
    %c0_i32_0 = arith.constant 0 : i32
    return %arg0, %c0_i32 : i32, i32
  }
  func.func @transform_3(%arg0: i32) -> (i32, i32) {
    %c0_i32 = arith.constant 0 : i32
    %c0_i32_0 = arith.constant 0 : i32
    %c0_i32_1 = arith.constant 0 : i32
    return %c0_i32, %c0_i32_0 : i32, i32
  }
  func.func @transform_4(%arg0: i32) -> (i32, i32) {
    %c0_i32 = arith.constant 0 : i32
    %c0_i32_0 = arith.constant 0 : i32
    %c0_i32_1 = arith.constant 0 : i32
    return %c0_i32, %c0_i32_0 : i32, i32
  }
  func.func @transform_5(%arg0: i32) -> (i32, i32) {
    %c0_i32 = arith.constant 0 : i32
    %c0_i32_0 = arith.constant 0 : i32
    %c0_i32_1 = arith.constant 0 : i32
    return %c0_i32, %c0_i32_0 : i32, i32
  }
  func.func @transform_6(%arg0: i32) -> (i32, i32) {
    %c0_i32 = arith.constant 0 : i32
    %c0_i32_0 = arith.constant 0 : i32
    %c0_i32_1 = arith.constant 0 : i32
    return %c0_i32, %c0_i32_0 : i32, i32
  }
  func.func @transform_7(%arg0: i32) -> (i32, i32) {
    %c0_i32 = arith.constant 0 : i32
    %c0_i32_0 = arith.constant 0 : i32
    %c0_i32_1 = arith.constant 0 : i32
    return %c0_i32, %c0_i32_0 : i32, i32
  }
  func.func @transform_8(%arg0: i32) -> (i32, i32) {
    %c0_i32 = arith.constant 0 : i32
    %c0_i32_0 = arith.constant 0 : i32
    %c0_i32_1 = arith.constant 0 : i32
    return %c0_i32, %c0_i32_0 : i32, i32
  }
  func.func @transform_9(%arg0: i32) -> (i32, i32) {
    %c0_i32 = arith.constant 0 : i32
    %c0_i32_0 = arith.constant 0 : i32
    %c0_i32_1 = arith.constant 0 : i32
    return %c0_i32, %c0_i32_0 : i32, i32
  }
  func.func @transform_10(%arg0: i32) -> (i32, i32) {
    %c0_i32 = arith.constant 0 : i32
    %c0_i32_0 = arith.constant 0 : i32
    %c0_i32_1 = arith.constant 0 : i32
    return %c0_i32, %c0_i32_0 : i32, i32
  }
  func.func @transform_11(%arg0: i32) -> (i32, i32) {
    %c0_i32 = arith.constant 0 : i32
    %c0_i32_0 = arith.constant 0 : i32
    %c0_i32_1 = arith.constant 0 : i32
    return %c0_i32, %c0_i32_0 : i32, i32
  }
  func.func @transform_12(%arg0: i32) -> (i32, i32) {
    %c0_i32 = arith.constant 0 : i32
    %c0_i32_0 = arith.constant 0 : i32
    %c0_i32_1 = arith.constant 0 : i32
    return %c0_i32, %c0_i32_0 : i32, i32
  }
  func.func @transform_13(%arg0: i32) -> (i32, i32) {
    %c0_i32 = arith.constant 0 : i32
    %c0_i32_0 = arith.constant 0 : i32
    %c0_i32_1 = arith.constant 0 : i32
    return %c0_i32, %c0_i32_0 : i32, i32
  }
  func.func @transform_14(%arg0: i32) -> i32 {
    %c0_i32 = arith.constant 0 : i32
    return %arg0 : i32
  }
}

</mosaic_0001>

<sc_bundles>
// kernel: kernel.4.cloned.1.call-start
scs
__scs_entry_jumppad:
0x0: {  	(pc) =	sbr.rel $0x88, $3  }
0x1: {  	(tag) =	ssettag $0x0;
	lr =	simm.s32 $0x1  }
0x2: {  	[smem:$0x3F93] =	sst lr;
	_ =	strace $0xD0000000  }
0x3: {  	_ = 	snop  }
0x4: {  	_ = 	snop  }
0x5: {  	_ = 	snop  }
0x6: {  	_ = 	snop  }
0x7: {  	_ = 	snop  }
__scs_overlays_trampoline_lowered:
0x8: {  	[smem:$0x3FA2] =	sst s0  }
0x9: {  	[smem:$0x3FA3] =	sst s1  }
0xa: {  	[smem:$0x3FA4] =	sst s2  }
0xb: {  	[smem:$0x3FA5] =	sst s3  }
0xc: {  	[smem:$0x3FA6] =	sst s4  }
0xd: {  	[smem:$0x3FA7] =	sst s5  }
0xe: {  	[smem:$0x3FA8] =	sst s6  }
0xf: {  	[smem:$0x3FA9] =	sst s7  }
0x10: {  	[smem:$0x3FAA] =	sst s8  }
0x11: {  	[smem:$0x3FAB] =	sst s9;
	s0 =	simm.s32 @!p0 $0x0  }
0x12: {  	s1 =	sld [smem:$0x3F91];
	s0 =	simm.s32 @p0 $0x1  }
0x13: {  	[smem:$0x3FAC] =	sst s0;
	s0 =	simm.s32 @!p1 $0x0  }
0x14: {  	s2 =	sld [smem:$0x3F90];
	s0 =	simm.s32 @p1 $0x1  }
0x15: {  	[smem:$0x3FAD] =	sst s0;
	s0 =	simm.s32 @!p2 $0x0  }
0x16: {  	s3 =	sld [smem:$0x3FDB];
	s0 =	simm.s32 @p2 $0x1  }
0x17: {  	s4 =	simm.s32 $0x1BF5;
	[smem:$0x3FAF] =	sst s0  }
0x18: {  	s0 =	sld [smem:$0x3F92];
	_ =	swait.ge [sflag:s4], $0x0  }
0x19: {  	s7 =	sld [smem:$0x3F93]  }
0x1a: {  	s8 =	sadd.s32 $0xFFFFE003, lr  }
0x1b: {  	s9 =	sadd.s32 $0xFFFFFEF7, lr;
	s5 =	simm.s32 $0xFFFFFFFF;
	p2 =	slt.u32 s8, $0xFFFFF086  }
0x1c: {  	p1 =	slt.u32 s9, $0xF7A;
	s5 =	simm.s32 @!p2 $0x0  }
0x1d: {  	s5 =	simm.s32 @p1 $0x1;
	p0 =	seq.s32 s7, s2  }
0x1e: {  	s7 =	smul.u32 @!p0 $0xF7A, s2;
	p2 =	seq.s32 @!p0 s5, $0x0  }
0x1f: {  	s9 =	smul.u32 $0xF7A, s1;
	s8 =	simm.s32 @!p0 $0x1BF5;
	p2 =	por !p2, p0  }
0x20: {  	[sflag:s8] =	ssyncset.s32 @!p0 $0xFFFFF086;
	s6 =	sadd.s32 @!p0 s3, s7;
	s7 =	simm.s32 @!p0 $0x108  }
0x21: {  	s3 =	sadd.s32 s3, s9;
	s6 =	sadd.s32 @!p0 $0x88, s6;
	s7 =	simm.s32 @p2 $0x1082  }
0x22: {  	[simem:s7], [sflag:s8] =	dma.local @!p0 [hbm:s6], $0xF7A  }
0x23: {  	s9 =	sor.u32 $0xD0000000, s2;
	s6 =	simm.s32 $0x108;
	_ =	swait.ge @!p0 [sflag:s8], $0x0  }
0x24: {  	s3 =	sadd.s32 $0x88, s3;
	s6 =	simm.s32 @!p1 $0x1082;
	[sflag:s4] =	ssyncset.s32 $0xFFFFF086  }
0x25: {  	[simem:s6], [sflag:s4] =	dma.local [hbm:s3], $0xF7A  }
0x26: {  	[smem:$0x3F93] =	sst s1;
	(tag) =	ssettag s2;
	_ =	strace s9  }
0x27: {  	s1 =	sld [smem:$0x3FA3]  }
0x28: {  	s2 =	sld [smem:$0x3FA4]  }
0x29: {  	s4 =	sld [smem:$0x3FA6]  }
0x2a: {  	p0 =	seq.s32 s5, $0x0;
	s5 =	sld [smem:$0x3FA7]  }
0x2b: {  	s6 =	sld [smem:$0x3FA8]  }
0x2c: {  	s7 =	sld [smem:$0x3FA9]  }
0x2d: {  	s3 =	simm.s32 $0x108;
	s8 =	sld [smem:$0x3FAA]  }
0x2e: {  	s3 =	simm.s32 @!p0 $0x1082;
	s9 =	sld [smem:$0x3FAB]  }
0x2f: {  	lr =	sadd.s32 s0, s3;
	s0 =	sld [smem:$0x3FA2]  }
0x30: {  	s3 =	sld [smem:$0x3FA5]  }
0x31: {  	[smem:$0x3FAE] =	sst s10  }
0x32: {  	s10 =	sld [smem:$0x3FAC];
	_ =	sdelay $0x3  }
0x33: {  	p0 =	seq.s32 s10, $0x1;
	s10 =	sld [smem:$0x3FAE];
	_ =	sdelay $0x3  }
0x34: {  	[smem:$0x3FAE] =	sst s10  }
0x35: {  	s10 =	sld [smem:$0x3FAD];
	_ =	sdelay $0x3  }
0x36: {  	p1 =	seq.s32 s10, $0x1;
	s10 =	sld [smem:$0x3FAE];
	_ =	sdelay $0x3  }
0x37: {  	[smem:$0x3FAE] =	sst s10  }
0x38: {  	s10 =	sld [smem:$0x3FAF]  }
0x39: {  	_ = 	snop;
	(pc) =	sbr.ind lr, $3  }
0x3a: {  	_ = 	snop  }
0x3b: {  	_ = 	snop  }
0x3c: {  	p2 =	seq.s32 s10, $0x1;
	s10 =	sld [smem:$0x3FAE]  }
0x3d: {  	_ =	shalt  }
0x3e: {  	_ =	shalt  }
0x3f: {  	_ =	shalt  }
0x40: {  	_ =	shalt  }
0x41: {  	_ =	shalt  }
0x42: {  	_ =	shalt  }
0x43: {  	_ =	shalt  }
0x44: {  	_ =	shalt  }
0x45: {  	_ =	shalt  }
0x46: {  	_ =	shalt  }
0x47: {  	_ =	shalt  }
0x48: {  	_ =	shalt  }
0x49: {  	_ =	shalt  }
0x4a: {  	_ =	shalt  }
0x4b: {  	_ =	shalt  }
0x4c: {  	_ =	shalt  }
0x4d: {  	_ =	shalt  }
0x4e: {  	_ =	shalt  }
0x4f: {  	_ =	shalt  }
0x50: {  	_ =	shalt  }
0x51: {  	_ =	shalt  }
0x52: {  	_ =	shalt  }
0x53: {  	_ =	shalt  }
0x54: {  	_ =	shalt  }
0x55: {  	_ =	shalt  }
0x56: {  	_ =	shalt  }
0x57: {  	_ =	shalt  }
0x58: {  	_ =	shalt  }
0x59: {  	_ =	shalt  }
0x5a: {  	_ =	shalt  }
0x5b: {  	_ =	shalt  }
0x5c: {  	_ =	shalt  }
0x5d: {  	_ =	shalt  }
0x5e: {  	_ =	shalt  }
0x5f: {  	_ =	shalt  }
0x60: {  	_ =	shalt  }
0x61: {  	_ =	shalt  }
0x62: {  	_ =	shalt  }
0x63: {  	_ =	shalt  }
0x64: {  	_ =	shalt  }
0x65: {  	_ =	shalt  }
0x66: {  	_ =	shalt  }
0x67: {  	_ =	shalt  }
0x68: {  	_ =	shalt  }
0x69: {  	_ =	shalt  }
0x6a: {  	_ =	shalt  }
0x6b: {  	_ =	shalt  }
0x6c: {  	_ =	shalt  }
0x6d: {  	_ =	shalt  }
0x6e: {  	_ =	shalt  }
0x6f: {  	_ =	shalt  }
0x70: {  	_ =	shalt  }
0x71: {  	_ =	shalt  }
0x72: {  	_ =	shalt  }
0x73: {  	_ =	shalt  }
0x74: {  	_ =	shalt  }
0x75: {  	_ =	shalt  }
0x76: {  	_ =	shalt  }
0x77: {  	_ =	shalt  }
0x78: {  	_ =	shalt  }
0x79: {  	_ =	shalt  }
0x7a: {  	_ =	shalt  }
0x7b: {  	_ =	shalt  }
0x7c: {  	_ =	shalt  }
0x7d: {  	_ =	shalt  }
0x7e: {  	_ =	shalt  }
0x7f: {  	_ =	shalt  }
0x80: {  	_ =	shalt  }
0x81: {  	_ =	shalt  }
0x82: {  	_ =	shalt  }
0x83: {  	_ =	shalt  }
0x84: {  	_ =	shalt  }
0x85: {  	_ =	shalt  }
0x86: {  	_ =	shalt  }
0x87: {  	_ =	shalt  }
.Lfunc_end0:
.L_simem_size_0:
called_computation_lowered:
.L_overlay_start_0:
0x88: {  	s2 =	sld [smem:$0x3FD9]  }
0x89: {  	s3 =	sld [smem:$0x3FFE];
	_ =	sdelay $0x1  }
0x8a: {  	s1 =	srdreg.scid  }
0x8b: {  	s0 =	sand.u32 $0x1, s1  }
0x8c: {  	s17 =	sshll.u32 s0, $0xA;
	s2 =	sadd.s32 s3, s2  }
0x8d: {  	s2 =	sadd.s32 s2, s17  }
0x8e: {  	[smem:$0x3FBA] =	sst s2  }
0x8f: {  	_ = 	snop  }
0x90: {  	s2 =	sld [smem:$0x3FC9]  }
0x91: {  	s18 =	sld [smem:$0x3FC8];
	(tm) =	ssettm $0x1  }
0x92: {  	s4 =	sld [smem:$0x3FFB];
	_ =	sdelay $0x3  }
0x93: {  	_ =	strace s4  }
0x94: {  	s4 =	sld [smem:$0x3FFC];
	_ =	sdelay $0x3  }
0x95: {  	_ =	strace s4  }
0x96: {  	s4 =	sld [smem:$0x3FFD];
	_ =	sdelay $0x3  }
0x97: {  	_ =	strace s4  }
0x98: {  	_ =	strace $0x8FFFFFFF  }
0x99: {  	s19 =	sld [smem:$0x3FDB];
	_ =	sdelay $0x1  }
0x9a: {  	s5 =	simm.s32 $_scs_section_size  }
0x9b: {  	s6 =	simm.s32 $_size__tile_overlayer_lowered;
	s7 =	simm.s32 $_tile_overlayer_lowered  }
0x9c: {  	s22 =	simm.s32 $0x1BFF;
	s21 =	sshll.u32 s7, $0x1;
	s4 =	sadd.s32 s5, s19  }
0x9d: {  	s8 =	simm.s32 $0x0;
	s20 =	sshll.u32 s6, $0x1;
	s6 =	sadd.s32 s21, s4  }
0x9e: {  	[timem:s8], [sflag:s22] =	dma.local [hbm:s6], s20  }
0x9f: {  	_ =	swait.ge [sflag:s22], s20  }
0xa0: {  	s5 =	ssub.s32 $0x0, s20;
	[sflag:s22] =	ssyncset.done $0x0  }
0xa1: {  	[sflag:s22] =	ssyncadd.s32 s5;
	_ =	sdelay $0x1  }
0xa2: {  	s23 =	simm.s32 $0x1B8B  }
0xa3: {  	_ =	swait.ge [sflag:s23], $0x1  }
0xa4: {  	[sflag:s23] =	ssyncset.done $0x0  }
0xa5: {  	s25 =	simm.s32 $0x1B8E;
	s24 =	sld [smem:$0x3FFE];
	[sflag:s23] =	ssyncadd.s32 $0xFFFFFFFF  }
0xa6: {  	s26 =	simm.s32 $execute0_lowered;
	[smem:$0x3FD2] =	sst s25  }
0xa7: {  	s6 =	sshll.u32 s26, $0x1;
	_ =	strace $0x80000046;
	[dreg:$0x1] =	wrdreg $0xFFFFFFFF  }
0xa8: {  	s28 =	simm.s32 $_size_execute0_lowered;
	s4 =	sadd.s32 s4, s6;
	[dreg:$0x0] =	wrdreg $0x0  }
0xa9: {  	s6 =	sshll.u32 s28, $0x1;
	[dreg:$0x2] =	wrdreg s4  }
0xaa: {  	[dreg:$0x3] =	wrdreg s6  }
0xab: {  	[dreg:$0x4] =	wrdreg $0xC0  }
0xac: {  	_ =	task [dreg:s8], $0x5FFFF  }
0xad: {  	[dreg:$0x1] =	wrdreg $0xFFFFFFFF  }
0xae: {  	[dreg:$0x0] =	wrdreg $0x60  }
0xaf: {  	[dreg:$0x2] =	wrdreg s2  }
0xb0: {  	[dreg:$0x3] =	wrdreg s18  }
0xb1: {  	[dreg:$0x4] =	wrdreg s24  }
0xb2: {  	[dreg:$0x5] =	wrdreg $0x9  }
0xb3: {  	_ =	task.clear_ibuf [dreg:s8], $0x6FFFF;
	_ =	strace $0x90000046  }
0xb4: {  	s29 =	simm.s32 $0x9;
	_ =	strace $0x80000048  }
0xb5: {  	_ =	swait.ge [sflag:s29], $0x1  }
0xb6: {  	[sflag:s29] =	ssyncadd.s32 $0xFFFFFFFF  }
0xb7: {  	_ =	strace $0x90000048  }
0xb8: {  	_ =	sfence  }
0xb9: {  	s30 =	sld [smem:$0x0];
	_ =	sdelay $0x2  }
0xba: {  	s31 =	sshll.u32 s1, $0xD;
	s1 =	sshrl.u32 s1, $0x2  }
0xbb: {  	s3 =	sand.u32 $0x4000, s31;
	s1 =	sadd.s32 s1, s30  }
0xbc: {  	s0 =	sor.u32 s3, s0;
	s1 =	sshll.u32 s1, $0x11  }
0xbd: {  	s0 =	sor.u32 s1, s0  }
0xbe: {  	s0 =	sadd.s32 $0x8F2B, s0  }
0xbf: {  	[sflag:s0] =	ssyncadd.remote.s32 $0x1  }
0xc0: {  	_ =	sfence.sel $0xFFFF  }
0xc1: {  	[dreg:$0x0] =	wrdreg $0xFFFFFFFF;
	(pc) =	sbr.abs _section_cstart, $3  }
0xc2: {  	[dreg:$0x1] =	wrdreg $0xFFFFFFFF  }
0xc3: {  	_ =	task.clear_ibuf [dreg:s8], $0x2FFFF;
	_ =	strace $0x9FFFFFFF  }
0xc4: {  	(tm) =	ssettm $0x7FFFFFFF  }
0xc5: {  	_ =	shalt  }
tec
execute0_lowered:
.L_overlay_start_1:
0x0: {  	(tag) =	ssettag $0x1  }
0x1: {  	s0 =	rddreg [dreg:$0x0]  }
0x2: {  	s2 =	rddreg [dreg:$0x1]  }
0x3: {  	s5 =	rddreg [dreg:$0x2];
	s4 =	srdreg.scid  }
0x4: {  	s1 =	simm.s32 $0x0;
	s7 =	stileid.u32;
	s6 =	sand.u32 $0x1, s4  }
0x5: {  	[smem:$0x7FF] =	sst s1;
	s7 =	sshll.u32 s7, $0xA;
	s8 =	sshll.u32 s6, $0x9  }
0x6: {  	s3 =	sadd.s32 $0x2200, s5;
	s4 =	sadd.s32 $0xF44600, s5;
	s7 =	sor.u32 s8, s7  }
0x7: {  	s9 =	sadd.s32 $0x10CB000, s5;
	s5 =	sadd.s32 $0x110B000, s5;
	s10 =	sshrl.u32 s7, $0x3  }
0x8: {  	_ =	strace $0x80000047;
	s6 =	ssub.s32 $0x2, s6;
	s0 =	sadd.s32 s0, s10  }
0x9: {  	s22 =	sshll.u32 s7, $0x4;
	s2 =	sadd.s32 s2, s10;
	[smem:$0x7F3] =	sst s0  }
0xa: {  	s21 =	sshrl.u32 s6, $0x1;
	s23 =	sadd.s32 s9, s22;
	[smem:$0x7F4] =	sst s2  }
0xb: {  	s6 =	ssub.s32 s6, s21;
	s7 =	sadd.s32 s5, s22;
	[smem:$0x7F5] =	sst s23  }
0xc: {  	s24 =	sor.u32 $0x800, s22;
	s31 =	smax.u32 s6, $0x1;
	[smem:$0x7F6] =	sst s7  }
0xd: {  	s25 =	sadd.s32 s9, s24;
	[smem:$0x7FD] =	sst s31  }
0xe: {  	s26 =	sor.u32 $0x1000, s22;
	s2 =	sadd.s32 s5, s24;
	[smem:$0x7F7] =	sst s25  }
0xf: {  	s28 =	sadd.s32 s9, s26;
	[smem:$0x7F8] =	sst s2  }
0x10: {  	s0 =	sor.u32 $0x1800, s22;
	s29 =	sadd.s32 s5, s26;
	[smem:$0x7F9] =	sst s28  }
0x11: {  	[smem:$0x7FA] =	sst s29;
	s30 =	sadd.s32 s9, s0  }
0x12: {  	s0 =	sadd.s32 s5, s0;
	[smem:$0x7FB] =	sst s30  }
0x13: {  	s5 =	simm.s32 $0x0;
	[smem:$0x7FC] =	sst s0  }
.LBB2_1:
0x14: {  	s0 =	sld [smem:$0x7F3];
	_ =	sdelay $0x1  }
0x15: {  	[smem:$0x7F2] =	sst s5;
	s26 =	simm.s32 $0x3  }
0x16: {  	[tilespmem:s1], [sflag:$0x3] =	stream.linear.gather [hbm4b:s0+s1], $0x200, $0x38;
	[tilespmem:$0x10400] =	vst v63  }
0x17: {  	_ =	swait.ge [sflag:s26], $0x200  }
0x18: {  	s2 =	sld [smem:$0x7F4]  }
0x19: {  	[sflag:s26] =	ssyncset.done $0x0  }
0x1a: {  	s28 =	simm.s32 $0x200;
	[sflag:s26] =	ssyncadd.s32 $0xFFFFFE00  }
0x1b: {  	[tilespmem:s28], [sflag:$0x3] =	stream.linear.gather [hbm4b:s2+s1], $0x200, $0x38;
	[tilespmem:$0x10400] =	vst v63  }
0x1c: {  	_ =	swait.ge [sflag:s26], $0x200  }
0x1d: {  	[sflag:s26] =	ssyncset.done $0x0  }
0x1e: {  	[sflag:s26] =	ssyncadd.s32 $0xFFFFFE00  }
0x1f: {  	v0 =	vld [tilespmem:s1+$0x0]  }
0x20: {  	v2 =	vld [tilespmem:s28+$0x0];
	_ =	sdelay $0x3  }
0x21: {  	v1 =	vshll.u32 v0, $0x4  }
0x22: {  	v63 =	vshll.u32 v2, $0x4;
	(v2sf) =	vpush v1, $0x0  }
0x23: {  	(v2sf) =	vpush v63, $0x0  }
0x24: {  	(v2sf) =	vpush v1, $0x1;
	_ =	sdelay $0x1  }
0x25: {  	(v2sf) =	vpush v63, $0x1  }
0x26: {  	(v2sf) =	vpush v1, $0x2;
	_ =	sdelay $0x1  }
0x27: {  	(v2sf) =	vpush v63, $0x2;
	_ =	sdelay $0x1  }
0x28: {  	(v2sf) =	vpush v1, $0x3  }
0x29: {  	s25 =	simm.s32 $0x2000  }
0x2a: {  	s24 =	simm.s32 $0x0;
	s29 =	simm.s32 $0x8400;
	s6 =	simm.s32 $0x680  }
0x2b: {  	s7 =	simm.s32 $0x400;
	s9 =	simm.s32 $0x600;
	s10 =	simm.s32 $0x580  }
0x2c: {  	s13 =	simm.s32 $0x480;
	s16 =	simm.s32 $0x8480;
	s18 =	simm.s32 $0x500  }
0x2d: {  	s21 =	simm.s32 $0x8500;
	s30 =	simm.s32 $0x10;
	s31 =	simm.s32 $0x210  }
0x2e: {  	s0 =	simm.s32 $0x8900;
	s2 =	simm.s32 $0x880;
	s8 =	spop (v2sf);
	(v2sf) =	vpush v63, $0x3  }
0x2f: {  	s28 =	simm.s32 $0x8600;
	s8 =	sand.u32 $0x1FFFFFF0, s8;
	s11 =	spop (v2sf)  }
0x30: {  	(v2sf) =	vpush v1, $0x4;
	s8 =	sadd.s32 s3, s8;
	s11 =	sand.u32 $0x1FFFFFF0, s11;
	s12 =	spop (v2sf)  }
0x31: {  	(v2sf) =	vpush v63, $0x4;
	[tilespmem:s7], [sflag:$0x1] =	stream.linear.gather [hbm4b:s8+s1], $0x80, $0x38;
	[tilespmem:$0x10400] =	vst v63  }
0x32: {  	s8 =	sadd.s32 s4, s11;
	s11 =	sand.u32 $0x1FFFFFF0, s12;
	s12 =	spop (v2sf)  }
0x33: {  	s7 =	simm.s32 $0x8580;
	(v2sf) =	vpush v1, $0x5;
	s14 =	sadd.s32 s3, s11;
	s17 =	spop (v2sf)  }
0x34: {  	[tilespmem:s29], [sflag:$0x1] =	stream.linear.gather [hbm4b:s8+s1], $0x80, $0x38;
	[tilespmem:$0x10400] =	vst v63  }
0x35: {  	s15 =	sand.u32 $0x1FFFFFF0, s12;
	(v2sf) =	vpush v63, $0x5;
	s12 =	simm.s32 $0x780;
	s19 =	spop (v2sf)  }
0x36: {  	(v2sf) =	vpush v1, $0x6;
	[tilespmem:s13], [sflag:$0x1] =	stream.linear.gather [hbm4b:s14+s1], $0x80, $0x38;
	[tilespmem:$0x10400] =	vst v63  }
0x37: {  	s11 =	sadd.s32 s4, s15;
	s8 =	sand.u32 $0x1FFFFFF0, s17;
	s20 =	spop (v2sf)  }
0x38: {  	[tilespmem:s16], [sflag:$0x1] =	stream.linear.gather [hbm4b:s11+s1], $0x80, $0x38;
	[tilespmem:$0x10400] =	vst v63  }
0x39: {  	s8 =	sadd.s32 s3, s8;
	s23 =	sand.u32 $0x1FFFFFF0, s20;
	s11 =	sand.u32 $0x1FFFFFF0, s19  }
0x3a: {  	(v2sf) =	vpush v63, $0x6;
	[tilespmem:s18], [sflag:$0x1] =	stream.linear.gather [hbm4b:s8+s1], $0x80, $0x38;
	[tilespmem:$0x10400] =	vst v63  }
0x3b: {  	s13 =	simm.s32 $0x8A00;
	s14 =	simm.s32 $0xA80;
	s22 =	sadd.s32 s4, s11  }
0x3c: {  	[tilespmem:s21], [sflag:$0x1] =	stream.linear.gather [hbm4b:s22+s1], $0x80, $0x38;
	[tilespmem:$0x10400] =	vst v63  }
0x3d: {  	s16 =	simm.s32 $0x8680;
	s11 =	sadd.s32 s3, s23;
	s26 =	spop (v2sf)  }
0x3e: {  	(v2sf) =	vpush v1, $0x7;
	[tilespmem:s10], [sflag:$0x1] =	stream.linear.gather [hbm4b:s11+s1], $0x80, $0x38;
	[tilespmem:$0x10400] =	vst v63  }
0x3f: {  	s18 =	simm.s32 $0x700;
	s8 =	sand.u32 $0x1FFFFFF0, s26;
	s29 =	spop (v2sf)  }
0x40: {  	s8 =	sadd.s32 s4, s8;
	s11 =	sand.u32 $0x1FFFFFF0, s29;
	s5 =	spop (v2sf)  }
0x41: {  	(v2sf) =	vpush v63, $0x7;
	[tilespmem:s7], [sflag:$0x1] =	stream.linear.gather [hbm4b:s8+s1], $0x80, $0x38;
	[tilespmem:$0x10400] =	vst v63  }
0x42: {  	(v2sf) =	vpush v1, $0x8;
	s11 =	sadd.s32 s3, s11;
	s15 =	sand.u32 $0x1FFFFFF0, s5;
	s17 =	spop (v2sf)  }
0x43: {  	[tilespmem:s9], [sflag:$0x1] =	stream.linear.gather [hbm4b:s11+s1], $0x80, $0x38;
	[tilespmem:$0x10400] =	vst v63  }
0x44: {  	(v2sf) =	vpush v63, $0x8;
	s8 =	sadd.s32 s4, s15;
	s19 =	spop (v2sf);
	s9 =	sand.u32 $0x1FFFFFF0, s17  }
0x45: {  	s10 =	sand.u32 $0x1FFFFFF0, s19;
	s20 =	spop (v2sf);
	s11 =	simm.s32 $0x8A80  }
0x46: {  	(v2sf) =	vpush v1, $0x9;
	[tilespmem:s28], [sflag:$0x1] =	stream.linear.gather [hbm4b:s8+s1], $0x80, $0x38;
	[tilespmem:$0x10400] =	vst v63  }
0x47: {  	s17 =	simm.s32 $0x8780;
	s19 =	simm.s32 $0x800;
	s9 =	sadd.s32 s3, s9  }
0x48: {  	(v2sf) =	vpush v63, $0x9;
	[tilespmem:s6], [sflag:$0x1] =	stream.linear.gather [hbm4b:s9+s1], $0x80, $0x38;
	[tilespmem:$0x10400] =	vst v63  }
0x49: {  	s21 =	sadd.s32 s4, s10;
	s22 =	sand.u32 $0x1FFFFFF0, s20;
	s23 =	spop (v2sf)  }
0x4a: {  	(v2sf) =	vpush v1, $0xA;
	[tilespmem:s16], [sflag:$0x1] =	stream.linear.gather [hbm4b:s21+s1], $0x80, $0x38;
	[tilespmem:$0x10400] =	vst v63  }
0x4b: {  	s10 =	simm.s32 $0x8B00;
	s26 =	sadd.s32 s3, s22;
	s7 =	sand.u32 $0x1FFFFFF0, s23  }
0x4c: {  	(v2sf) =	vpush v63, $0xA;
	[tilespmem:s18], [sflag:$0x1] =	stream.linear.gather [hbm4b:s26+s1], $0x80, $0x38;
	[tilespmem:$0x10400] =	vst v63  }
0x4d: {  	s28 =	simm.s32 $0x8700;
	s7 =	sadd.s32 s4, s7;
	s29 =	spop (v2sf)  }
0x4e: {  	(v2sf) =	vpush v1, $0xB;
	[tilespmem:s28], [sflag:$0x1] =	stream.linear.gather [hbm4b:s7+s1], $0x80, $0x38;
	[tilespmem:$0x10400] =	vst v63  }
0x4f: {  	s22 =	simm.s32 $0x8800;
	s6 =	simm.s32 $0x8980;
	s9 =	sand.u32 $0x1FFFFFF0, s29  }
0x50: {  	s28 =	simm.s32 $0x8880;
	s5 =	spop (v2sf);
	(v2sf) =	vpush v63, $0xB;
	s15 =	sadd.s32 s3, s9  }
0x51: {  	s16 =	sand.u32 $0x1FFFFFF0, s5;
	s18 =	spop (v2sf);
	s5 =	simm.s32 $0x900  }
0x52: {  	[tilespmem:s12], [sflag:$0x1] =	stream.linear.gather [hbm4b:s15+s1], $0x80, $0x38;
	[tilespmem:$0x10400] =	vst v63  }
0x53: {  	s9 =	sadd.s32 s4, s16;
	s8 =	sand.u32 $0x1FFFFFF0, s18;
	s20 =	spop (v2sf)  }
0x54: {  	(v2sf) =	vpush v1, $0xC;
	[tilespmem:s17], [sflag:$0x1] =	stream.linear.gather [hbm4b:s9+s1], $0x80, $0x38;
	[tilespmem:$0x10400] =	vst v63  }
0x55: {  	s8 =	sadd.s32 s3, s8;
	s21 =	spop (v2sf);
	s9 =	sand.u32 $0x1FFFFFF0, s20  }
0x56: {  	(v2sf) =	vpush v63, $0xC;
	[tilespmem:s19], [sflag:$0x1] =	stream.linear.gather [hbm4b:s8+s1], $0x80, $0x38;
	[tilespmem:$0x10400] =	vst v63  }
0x57: {  	s26 =	sand.u32 $0x1FFFFFF0, s21;
	s29 =	spop (v2sf);
	s23 =	sadd.s32 s4, s9  }
0x58: {  	[tilespmem:s22], [sflag:$0x1] =	stream.linear.gather [hbm4b:s23+s1], $0x80, $0x38;
	[tilespmem:$0x10400] =	vst v63  }
0x59: {  	s9 =	sadd.s32 s3, s26;
	s12 =	spop (v2sf);
	s8 =	sand.u32 $0x1FFFFFF0, s29  }
0x5a: {  	[tilespmem:s2], [sflag:$0x1] =	stream.linear.gather [hbm4b:s9+s1], $0x80, $0x38;
	[tilespmem:$0x10400] =	vst v63  }
0x5b: {  	s15 =	spop (v2sf);
	s8 =	sadd.s32 s4, s8;
	s9 =	sand.u32 $0x1FFFFFF0, s12  }
0x5c: {  	[tilespmem:s28], [sflag:$0x1] =	stream.linear.gather [hbm4b:s8+s1], $0x80, $0x38;
	[tilespmem:$0x10400] =	vst v63  }
0x5d: {  	s17 =	sand.u32 $0x1FFFFFF0, s15;
	s16 =	sadd.s32 s3, s9;
	s18 =	spop (v2sf)  }
0x5e: {  	[tilespmem:s5], [sflag:$0x1] =	stream.linear.gather [hbm4b:s16+s1], $0x80, $0x38;
	[tilespmem:$0x10400] =	vst v63  }
0x5f: {  	s19 =	sadd.s32 s4, s17;
	s20 =	sand.u32 $0x1FFFFFF0, s18;
	s21 =	spop (v2sf)  }
0x60: {  	(v2sf) =	vpush v1, $0xD;
	[tilespmem:s0], [sflag:$0x1] =	stream.linear.gather [hbm4b:s19+s1], $0x80, $0x38;
	[tilespmem:$0x10400] =	vst v63  }
0x61: {  	s22 =	simm.s32 $0x980;
	(v2sf) =	vpush v63, $0xD;
	s23 =	sadd.s32 s3, s20;
	s26 =	sand.u32 $0x1FFFFFF0, s21  }
0x62: {  	(v2sf) =	vpush v1, $0xE;
	[tilespmem:s22], [sflag:$0x1] =	stream.linear.gather [hbm4b:s23+s1], $0x80, $0x38;
	[tilespmem:$0x10400] =	vst v63  }
0x63: {  	s2 =	simm.s32 $0xB00;
	s28 =	sadd.s32 s4, s26;
	(v2sf) =	vpush v63, $0xE;
	s29 =	spop (v2sf)  }
0x64: {  	(v2sf) =	vpush v1, $0xF;
	[tilespmem:s6], [sflag:$0x1] =	stream.linear.gather [hbm4b:s28+s1], $0x80, $0x38;
	[tilespmem:$0x10400] =	vst v63  }
0x65: {  	s18 =	simm.s32 $0xA00;
	s7 =	spop (v2sf);
	(v2sf) =	vpush v63, $0xF;
	s6 =	sand.u32 $0x1FFFFFF0, s29  }
.LBB2_2:
0x66: {  	_ =	sdelay $0x4  }
0x67: {  	s6 =	sadd.s32 s3, s6;
	s7 =	sand.u32 $0x1FFFFFF0, s7  }
0x68: {  	[tilespmem:s18], [sflag:$0x1] =	stream.linear.gather [hbm4b:s6+s1], $0x80, $0x38;
	[tilespmem:$0x10400] =	vst v63  }
0x69: {  	s7 =	sadd.s32 s4, s7  }
0x6a: {  	[tilespmem:s13], [sflag:$0x1] =	stream.linear.gather [hbm4b:s7+s1], $0x80, $0x38;
	[tilespmem:$0x10400] =	vst v63  }
0x6b: {  	s8 =	spop (v2sf)  }
0x6c: {  	s9 =	sand.u32 $0x1FFFFFF0, s8;
	s12 =	spop (v2sf)  }
0x6d: {  	s5 =	sadd.s32 s3, s9;
	s13 =	sand.u32 $0x1FFFFFF0, s12;
	s15 =	spop (v2sf)  }
0x6e: {  	[tilespmem:s14], [sflag:$0x1] =	stream.linear.gather [hbm4b:s5+s1], $0x80, $0x38;
	[tilespmem:$0x10400] =	vst v63  }
0x6f: {  	s16 =	sadd.s32 s4, s13;
	s17 =	sand.u32 $0x1FFFFFF0, s15;
	s18 =	spop (v2sf)  }
0x70: {  	[tilespmem:s11], [sflag:$0x1] =	stream.linear.gather [hbm4b:s16+s1], $0x80, $0x38;
	[tilespmem:$0x10400] =	vst v63  }
0x71: {  	s19 =	sadd.s32 s3, s17;
	s20 =	sand.u32 $0x1FFFFFF0, s18;
	s21 =	spop (v2sf)  }
0x72: {  	[tilespmem:s2], [sflag:$0x1] =	stream.linear.gather [hbm4b:s19+s1], $0x80, $0x38;
	[tilespmem:$0x10400] =	vst v63  }
0x73: {  	s22 =	sadd.s32 s4, s20;
	s23 =	sand.u32 $0x1FFFFFF0, s21;
	s26 =	spop (v2sf)  }
0x74: {  	[tilespmem:s10], [sflag:$0x1] =	stream.linear.gather [hbm4b:s22+s1], $0x80, $0x38;
	[tilespmem:$0x10400] =	vst v63  }
0x75: {  	s0 =	sadd.s32 $0xB80, s24;
	s28 =	sadd.s32 s3, s23;
	s29 =	sand.u32 $0x1FFFFFF0, s26  }
0x76: {  	[tilespmem:s0], [sflag:$0x1] =	stream.linear.gather [hbm4b:s28+s1], $0x80, $0x38;
	[tilespmem:$0x10400] =	vst v63  }
0x77: {  	s2 =	sadd.s32 $0x8B80, s24;
	s6 =	sadd.s32 s4, s29  }
0x78: {  	[tilespmem:s2], [sflag:$0x1] =	stream.linear.gather [hbm4b:s6+s1], $0x80, $0x38;
	[tilespmem:$0x10400] =	vst v63  }
0x79: {  	v0 =	vld [tilespmem:s30+$0x0]  }
0x7a: {  	v2 =	vld [tilespmem:s31+$0x0];
	_ =	sdelay $0x3  }
0x7b: {  	v1 =	vshll.u32 v0, $0x4  }
0x7c: {  	s7 =	smov.u32 s25;
	v63 =	vshll.u32 v2, $0x4;
	(v2sf) =	vpush v1, $0x0  }
0x7d: {  	s24 =	sshra.s32 s7, $0x2;
	(v2sf) =	vpush v63, $0x0  }
0x7e: {  	p0 =	sne.s32 s25, $0xE000;
	s25 =	sadd.s32 $0x2000, s25;
	s20 =	sadd.s32 $0x8400, s24;
	(v2sf) =	vpush v1, $0x1  }
0x7f: {  	s5 =	sadd.s32 $0x400, s24;
	s16 =	sadd.s32 $0x600, s24;
	s8 =	sadd.s32 $0x8900, s24  }
0x80: {  	s17 =	sadd.s32 $0x580, s24;
	s9 =	sadd.s32 $0x8A00, s24;
	s19 =	sadd.s32 $0x500, s24;
	(v2sf) =	vpush v63, $0x1  }
0x81: {  	s23 =	sadd.s32 $0x8600, s24;
	s21 =	sadd.s32 $0x8480, s24;
	s26 =	sadd.s32 $0x8500, s24  }
0x82: {  	s15 =	sadd.s32 $0x8680, s24;
	s14 =	sadd.s32 $0x700, s24;
	[dreg:$0x4] =	wrdreg s8;
	(v2sf) =	vpush v1, $0x2  }
0x83: {  	s11 =	sadd.s32 $0x8A80, s24;
	s13 =	sadd.s32 $0x8700, s24;
	[dreg:$0x1d] =	wrdreg s9  }
0x84: {  	s12 =	sadd.s32 $0x8880, s24;
	s18 =	sadd.s32 $0x900, s24;
	[smem:$0x7F0] =	sst s11;
	(v2sf) =	vpush v63, $0x2  }
0x85: {  	s29 =	sadd.s32 $0x800, s24;
	s7 =	sadd.s32 $0x980, s24;
	[dreg:$0x14] =	wrdreg s12  }
0x86: {  	s22 =	sadd.s32 $0x8580, s24;
	s8 =	sadd.s32 $0xA80, s24;
	[dreg:$0x10] =	wrdreg s18;
	(v2sf) =	vpush v1, $0x3  }
0x87: {  	s10 =	sadd.s32 $0x8980, s24;
	s12 =	sadd.s32 $0x780, s24;
	[smem:$0x7F1] =	sst s29  }
0x88: {  	s18 =	sadd.s32 $0xA00, s24;
	[dreg:$0x8] =	wrdreg s10;
	s0 =	sadd.s32 $0x880, s24;
	(v2sf) =	vpush v63, $0x3  }
0x89: {  	s11 =	sadd.s32 $0x8780, s24;
	s28 =	sadd.s32 $0x8800, s24;
	[dreg:$0xc] =	wrdreg s0  }
0x8a: {  	s10 =	sadd.s32 $0x8B00, s24;
	[dreg:$0x18] =	wrdreg s28;
	s28 =	sadd.s32 $0x480, s24;
	(v2sf) =	vpush v1, $0x4  }
0x8b: {  	s6 =	sadd.s32 $0x680, s24;
	s2 =	sadd.s32 $0xB00, s24;
	s0 =	spop (v2sf)  }
0x8c: {  	s30 =	sadd.s32 $0x10, s30;
	s29 =	sand.u32 $0x1FFFFFF0, s0;
	s9 =	spop (v2sf);
	(v2sf) =	vpush v63, $0x4  }
0x8d: {  	s29 =	sadd.s32 s3, s29;
	s0 =	sand.u32 $0x1FFFFFF0, s9;
	s9 =	spop (v2sf)  }
0x8e: {  	(v2sf) =	vpush v1, $0x5;
	[tilespmem:s5], [sflag:$0x1] =	stream.linear.gather [hbm4b:s29+s1], $0x80, $0x38;
	[tilespmem:$0x10400] =	vst v63  }
0x8f: {  	s0 =	sadd.s32 s4, s0;
	s9 =	sand.u32 $0x1FFFFFF0, s9;
	s29 =	spop (v2sf)  }
0x90: {  	(v2sf) =	vpush v63, $0x5;
	[tilespmem:s20], [sflag:$0x1] =	stream.linear.gather [hbm4b:s0+s1], $0x80, $0x38;
	[tilespmem:$0x10400] =	vst v63  }
0x91: {  	s5 =	sadd.s32 s3, s9;
	s20 =	sand.u32 $0x1FFFFFF0, s29;
	s29 =	spop (v2sf);
	(v2sf) =	vpush v1, $0x6  }
0x92: {  	[tilespmem:s28], [sflag:$0x1] =	stream.linear.gather [hbm4b:s5+s1], $0x80, $0x38;
	[tilespmem:$0x10400] =	vst v63  }
0x93: {  	s9 =	sand.u32 $0x1FFFFFF0, s29;
	s5 =	sadd.s32 s4, s20;
	s20 =	spop (v2sf);
	(v2sf) =	vpush v63, $0x6  }
0x94: {  	[tilespmem:s21], [sflag:$0x1] =	stream.linear.gather [hbm4b:s5+s1], $0x80, $0x38;
	[tilespmem:$0x10400] =	vst v63  }
0x95: {  	s28 =	sand.u32 $0x1FFFFFF0, s20;
	s29 =	spop (v2sf);
	(v2sf) =	vpush v1, $0x7;
	s21 =	sadd.s32 s3, s9  }
0x96: {  	[tilespmem:s19], [sflag:$0x1] =	stream.linear.gather [hbm4b:s21+s1], $0x80, $0x38;
	[tilespmem:$0x10400] =	vst v63  }
0x97: {  	s20 =	sand.u32 $0x1FFFFFF0, s29;
	s19 =	sadd.s32 s4, s28;
	s21 =	spop (v2sf)  }
0x98: {  	[tilespmem:s26], [sflag:$0x1] =	stream.linear.gather [hbm4b:s19+s1], $0x80, $0x38;
	[tilespmem:$0x10400] =	vst v63  }
0x99: {  	(v2sf) =	vpush v63, $0x7;
	s28 =	sand.u32 $0x1FFFFFF0, s21;
	s29 =	spop (v2sf);
	s26 =	sadd.s32 s3, s20  }
0x9a: {  	[tilespmem:s17], [sflag:$0x1] =	stream.linear.gather [hbm4b:s26+s1], $0x80, $0x38;
	[tilespmem:$0x10400] =	vst v63  }
0x9b: {  	(v2sf) =	vpush v1, $0x8;
	s19 =	sadd.s32 s4, s28;
	s20 =	sand.u32 $0x1FFFFFF0, s29;
	s21 =	spop (v2sf)  }
0x9c: {  	[tilespmem:s22], [sflag:$0x1] =	stream.linear.gather [hbm4b:s19+s1], $0x80, $0x38;
	[tilespmem:$0x10400] =	vst v63  }
0x9d: {  	s26 =	sadd.s32 s3, s20;
	s28 =	sand.u32 $0x1FFFFFF0, s21;
	s29 =	spop (v2sf)  }
0x9e: {  	(v2sf) =	vpush v63, $0x8;
	[tilespmem:s16], [sflag:$0x1] =	stream.linear.gather [hbm4b:s26+s1], $0x80, $0x38;
	[tilespmem:$0x10400] =	vst v63  }
0x9f: {  	s31 =	sadd.s32 $0x10, s31;
	(v2sf) =	vpush v1, $0x9;
	s5 =	sadd.s32 s4, s28;
	s16 =	spop (v2sf)  }
0xa0: {  	s9 =	sand.u32 $0x1FFFFFF0, s29;
	s19 =	sand.u32 $0x1FFFFFF0, s16;
	s20 =	spop (v2sf)  }
0xa1: {  	[tilespmem:s23], [sflag:$0x1] =	stream.linear.gather [hbm4b:s5+s1], $0x80, $0x38;
	[tilespmem:$0x10400] =	vst v63  }
0xa2: {  	s17 =	sadd.s32 s3, s9;
	s21 =	sadd.s32 s4, s19;
	s23 =	spop (v2sf)  }
0xa3: {  	(v2sf) =	vpush v63, $0x9;
	[tilespmem:s6], [sflag:$0x1] =	stream.linear.gather [hbm4b:s17+s1], $0x80, $0x38;
	[tilespmem:$0x10400] =	vst v63  }
0xa4: {  	s22 =	sand.u32 $0x1FFFFFF0, s20;
	s28 =	sand.u32 $0x1FFFFFF0, s23;
	s29 =	spop (v2sf)  }
0xa5: {  	(v2sf) =	vpush v1, $0xA;
	[tilespmem:s15], [sflag:$0x1] =	stream.linear.gather [hbm4b:s21+s1], $0x80, $0x38;
	[tilespmem:$0x10400] =	vst v63  }
0xa6: {  	s26 =	sadd.s32 s3, s22;
	s9 =	sadd.s32 s4, s28;
	s15 =	sand.u32 $0x1FFFFFF0, s29  }
0xa7: {  	(v2sf) =	vpush v63, $0xA;
	[tilespmem:s14], [sflag:$0x1] =	stream.linear.gather [hbm4b:s26+s1], $0x80, $0x38;
	[tilespmem:$0x10400] =	vst v63  }
0xa8: {  	s16 =	spop (v2sf);
	s17 =	sadd.s32 s3, s15;
	s14 =	smov.u32 s8  }
0xa9: {  	(v2sf) =	vpush v1, $0xB;
	[tilespmem:s13], [sflag:$0x1] =	stream.linear.gather [hbm4b:s9+s1], $0x80, $0x38;
	[tilespmem:$0x10400] =	vst v63  }
0xaa: {  	s19 =	sand.u32 $0x1FFFFFF0, s16;
	s20 =	spop (v2sf);
	s13 =	rddreg [dreg:$0x1d]  }
0xab: {  	s21 =	sadd.s32 s4, s19;
	s22 =	sand.u32 $0x1FFFFFF0, s20;
	s9 =	sld [smem:$0x7F1]  }
0xac: {  	[tilespmem:s12], [sflag:$0x1] =	stream.linear.gather [hbm4b:s17+s1], $0x80, $0x38;
	[tilespmem:$0x10400] =	vst v63  }
0xad: {  	(v2sf) =	vpush v63, $0xB;
	s26 =	sadd.s32 s3, s22;
	s22 =	rddreg [dreg:$0xc];
	s23 =	spop (v2sf)  }
0xae: {  	(v2sf) =	vpush v1, $0xC;
	s17 =	rddreg [dreg:$0x18];
	s28 =	sand.u32 $0x1FFFFFF0, s23;
	s29 =	spop (v2sf)  }
0xaf: {  	[tilespmem:s11], [sflag:$0x1] =	stream.linear.gather [hbm4b:s21+s1], $0x80, $0x38;
	[tilespmem:$0x10400] =	vst v63  }
0xb0: {  	(v2sf) =	vpush v63, $0xC;
	s11 =	sld [smem:$0x7F0];
	s12 =	sadd.s32 s4, s28;
	s15 =	sand.u32 $0x1FFFFFF0, s29  }
0xb1: {  	[tilespmem:s9], [sflag:$0x1] =	stream.linear.gather [hbm4b:s26+s1], $0x80, $0x38;
	[tilespmem:$0x10400] =	vst v63  }
0xb2: {  	s29 =	rddreg [dreg:$0x14];
	s16 =	spop (v2sf);
	s19 =	sadd.s32 s3, s15  }
0xb3: {  	[tilespmem:s17], [sflag:$0x1] =	stream.linear.gather [hbm4b:s12+s1], $0x80, $0x38;
	[tilespmem:$0x10400] =	vst v63  }
0xb4: {  	s20 =	sand.u32 $0x1FFFFFF0, s16;
	s21 =	spop (v2sf);
	s16 =	rddreg [dreg:$0x10]  }
0xb5: {  	[tilespmem:s22], [sflag:$0x1] =	stream.linear.gather [hbm4b:s19+s1], $0x80, $0x38;
	[tilespmem:$0x10400] =	vst v63  }
0xb6: {  	s23 =	sadd.s32 s4, s20;
	s26 =	sand.u32 $0x1FFFFFF0, s21;
	s28 =	spop (v2sf)  }
0xb7: {  	[tilespmem:s29], [sflag:$0x1] =	stream.linear.gather [hbm4b:s23+s1], $0x80, $0x38;
	[tilespmem:$0x10400] =	vst v63  }
0xb8: {  	s9 =	sadd.s32 s3, s26;
	s12 =	sand.u32 $0x1FFFFFF0, s28;
	s15 =	spop (v2sf)  }
0xb9: {  	[tilespmem:s16], [sflag:$0x1] =	stream.linear.gather [hbm4b:s9+s1], $0x80, $0x38;
	[tilespmem:$0x10400] =	vst v63  }
0xba: {  	s21 =	rddreg [dreg:$0x4];
	s17 =	sadd.s32 s4, s12;
	s19 =	sand.u32 $0x1FFFFFF0, s15  }
0xbb: {  	(v2sf) =	vpush v1, $0xD;
	[tilespmem:s21], [sflag:$0x1] =	stream.linear.gather [hbm4b:s17+s1], $0x80, $0x38;
	[tilespmem:$0x10400] =	vst v63  }
.Ltmp0:
0xbc: {  	(v2sf) =	vpush v63, $0xD;
	s22 =	sadd.s32 s3, s19;
	s20 =	spop (v2sf);
	(pc) =	sbr.rel @p0 .LBB2_2-.Ltmp0, $4  }
0xbd: {  	(v2sf) =	vpush v1, $0xE;
	s29 =	rddreg [dreg:$0x8];
	s23 =	sand.u32 $0x1FFFFFF0, s20;
	s26 =	spop (v2sf)  }
0xbe: {  	(v2sf) =	vpush v63, $0xE;
	[tilespmem:s7], [sflag:$0x1] =	stream.linear.gather [hbm4b:s22+s1], $0x80, $0x38;
	[tilespmem:$0x10400] =	vst v63  }
0xbf: {  	(v2sf) =	vpush v1, $0xF;
	s28 =	sadd.s32 s4, s23;
	s6 =	sand.u32 $0x1FFFFFF0, s26;
	s7 =	spop (v2sf)  }
0xc0: {  	(v2sf) =	vpush v63, $0xF;
	[tilespmem:s29], [sflag:$0x1] =	stream.linear.gather [hbm4b:s28+s1], $0x80, $0x38;
	[tilespmem:$0x10400] =	vst v63  }
0xc1: {  	_ =	sdelay $0x4  }
0xc2: {  	s0 =	sadd.s32 s3, s6;
	s5 =	sand.u32 $0x1FFFFFF0, s7  }
0xc3: {  	[tilespmem:s18], [sflag:$0x1] =	stream.linear.gather [hbm4b:s0+s1], $0x80, $0x38;
	[tilespmem:$0x10400] =	vst v63  }
0xc4: {  	s8 =	sadd.s32 s4, s5  }
0xc5: {  	[tilespmem:s13], [sflag:$0x1] =	stream.linear.gather [hbm4b:s8+s1], $0x80, $0x38;
	[tilespmem:$0x10400] =	vst v63  }
0xc6: {  	s7 =	spop (v2sf)  }
0xc7: {  	s9 =	sand.u32 $0x1FFFFFF0, s7;
	s12 =	spop (v2sf)  }
0xc8: {  	s15 =	sadd.s32 s3, s9;
	s16 =	sand.u32 $0x1FFFFFF0, s12;
	s17 =	spop (v2sf)  }
0xc9: {  	[tilespmem:s14], [sflag:$0x1] =	stream.linear.gather [hbm4b:s15+s1], $0x80, $0x38;
	[tilespmem:$0x10400] =	vst v63  }
0xca: {  	s18 =	sadd.s32 s4, s16;
	s19 =	sand.u32 $0x1FFFFFF0, s17;
	s20 =	spop (v2sf)  }
0xcb: {  	[tilespmem:s11], [sflag:$0x1] =	stream.linear.gather [hbm4b:s18+s1], $0x80, $0x38;
	[tilespmem:$0x10400] =	vst v63  }
0xcc: {  	s21 =	sadd.s32 s3, s19;
	s22 =	sand.u32 $0x1FFFFFF0, s20;
	s23 =	spop (v2sf)  }
0xcd: {  	[tilespmem:s2], [sflag:$0x1] =	stream.linear.gather [hbm4b:s21+s1], $0x80, $0x38;
	[tilespmem:$0x10400] =	vst v63  }
0xce: {  	s25 =	sadd.s32 s4, s22;
	s26 =	sand.u32 $0x1FFFFFF0, s23;
	s28 =	spop (v2sf)  }
0xcf: {  	[tilespmem:s10], [sflag:$0x1] =	stream.linear.gather [hbm4b:s25+s1], $0x80, $0x38;
	[tilespmem:$0x10400] =	vst v63  }
0xd0: {  	s29 =	sadd.s32 $0xB80, s24;
	s5 =	sand.u32 $0x1FFFFFF0, s28;
	s2 =	sadd.s32 s3, s26  }
0xd1: {  	[tilespmem:s29], [sflag:$0x1] =	stream.linear.gather [hbm4b:s2+s1], $0x80, $0x38;
	[tilespmem:$0x10400] =	vst v63  }
0xd2: {  	s30 =	sadd.s32 $0x8B80, s24;
	s31 =	sadd.s32 s4, s5;
	s2 =	simm.s32 $0x1  }
0xd3: {  	[tilespmem:s30], [sflag:$0x1] =	stream.linear.gather [hbm4b:s31+s1], $0x80, $0x38;
	[tilespmem:$0x10400] =	vst v63  }
0xd4: {  	_ =	swait.ge [sflag:s2], $0x80  }
0xd5: {  	[sflag:s2] =	ssyncset.done $0x0  }
0xd6: {  	[sflag:s2] =	ssyncadd.s32 $0xFFFFFF80  }
0xd7: {  	_ =	swait.ge [sflag:s2], $0x80  }
0xd8: {  	s0 =	simm.s32 $0x7F;
	[sflag:s2] =	ssyncset.done $0x0  }
.LBB2_4:
0xd9: {  	p0 =	sne.s32 s0, $0x1;
	s0 =	sadd.s32 $0xFFFFFFFF, s0;
	[sflag:s2] =	ssyncadd.s32 $0xFFFFFF80  }
.Ltmp1:
0xda: {  	_ =	swait.ge [sflag:s2], $0x80;
	(pc) =	sbr.rel @p0 .LBB2_4-.Ltmp1, $4  }
0xdb: {  	[sflag:s2] =	ssyncset.done $0x0  }
0xdc: {  	[sflag:s2] =	ssyncadd.s32 $0xFFFFFF80  }
0xdd: {  	_ =	swait.ge [sflag:s2], $0x80  }
0xde: {  	[sflag:s2] =	ssyncset.done $0x0  }
0xdf: {  	s23 =	sld [smem:$0x7F5]  }
0xe0: {  	[sflag:s2] =	ssyncadd.s32 $0xFFFFFF80  }
0xe1: {  	s0 =	simm.s32 $0x0;
	s5 =	simm.s32 $0x400;
	s24 =	sld [smem:$0x7F6]  }
0xe2: {  	[hbm4b:s23+s0] =	stream.linear.scatter [tilespmem:s5], [sflag:$0x2], $0x4000, $0x38;
	[tilespmem:$0x10400] =	vst v63  }
0xe3: {  	s25 =	simm.s32 $0x8400;
	s26 =	simm.s32 $0x80  }
0xe4: {  	[hbm4b:s24+s0] =	stream.linear.scatter [tilespmem:s25], [sflag:$0x2], $0x4000, $0x38;
	[tilespmem:$0x10400] =	vst v63  }
0xe5: {  	s28 =	simm.s32 $0x280;
	v0 =	vld [tilespmem:s26+$0x0]  }
0xe6: {  	v2 =	vld [tilespmem:s28+$0x0];
	_ =	sdelay $0x3  }
0xe7: {  	v1 =	vshll.u32 v0, $0x4  }
0xe8: {  	v63 =	vshll.u32 v2, $0x4;
	(v2sf) =	vpush v1, $0x0  }
0xe9: {  	(v2sf) =	vpush v63, $0x0  }
0xea: {  	(v2sf) =	vpush v1, $0x1;
	_ =	sdelay $0x1  }
0xeb: {  	(v2sf) =	vpush v63, $0x1  }
0xec: {  	(v2sf) =	vpush v1, $0x2;
	_ =	sdelay $0x1  }
0xed: {  	(v2sf) =	vpush v63, $0x2;
	_ =	sdelay $0x1  }
0xee: {  	(v2sf) =	vpush v1, $0x3  }
0xef: {  	s29 =	simm.s32 $0xC400  }
0xf0: {  	s6 =	simm.s32 $0x4680;
	s2 =	simm.s32 $0x4880;
	s7 =	simm.s32 $0x4400  }
0xf1: {  	s9 =	simm.s32 $0x4600;
	s10 =	simm.s32 $0x4580;
	s13 =	simm.s32 $0x4480  }
0xf2: {  	s16 =	simm.s32 $0xC480;
	s18 =	simm.s32 $0x4500;
	s21 =	simm.s32 $0xC500  }
0xf3: {  	s30 =	simm.s32 $0x290;
	s31 =	simm.s32 $0x90;
	s25 =	simm.s32 $0x2000  }
0xf4: {  	s24 =	simm.s32 $0x0;
	s0 =	simm.s32 $0xC900;
	s8 =	spop (v2sf);
	(v2sf) =	vpush v63, $0x3  }
0xf5: {  	s28 =	simm.s32 $0xC600;
	s8 =	sand.u32 $0x1FFFFFF0, s8;
	s11 =	spop (v2sf)  }
0xf6: {  	(v2sf) =	vpush v1, $0x4;
	s8 =	sadd.s32 s3, s8;
	s11 =	sand.u32 $0x1FFFFFF0, s11;
	s12 =	spop (v2sf)  }
0xf7: {  	(v2sf) =	vpush v63, $0x4;
	[tilespmem:s7], [sflag:$0x1] =	stream.linear.gather [hbm4b:s8+s1], $0x80, $0x38;
	[tilespmem:$0x10400] =	vst v63  }
0xf8: {  	s8 =	sadd.s32 s4, s11;
	s11 =	sand.u32 $0x1FFFFFF0, s12;
	s12 =	spop (v2sf)  }
0xf9: {  	s7 =	simm.s32 $0xC580;
	(v2sf) =	vpush v1, $0x5;
	s14 =	sadd.s32 s3, s11;
	s17 =	spop (v2sf)  }
0xfa: {  	[tilespmem:s29], [sflag:$0x1] =	stream.linear.gather [hbm4b:s8+s1], $0x80, $0x38;
	[tilespmem:$0x10400] =	vst v63  }
0xfb: {  	s15 =	sand.u32 $0x1FFFFFF0, s12;
	(v2sf) =	vpush v63, $0x5;
	s12 =	simm.s32 $0x4780;
	s19 =	spop (v2sf)  }
0xfc: {  	(v2sf) =	vpush v1, $0x6;
	[tilespmem:s13], [sflag:$0x1] =	stream.linear.gather [hbm4b:s14+s1], $0x80, $0x38;
	[tilespmem:$0x10400] =	vst v63  }
0xfd: {  	s11 =	sadd.s32 s4, s15;
	s8 =	sand.u32 $0x1FFFFFF0, s17;
	s20 =	spop (v2sf)  }
0xfe: {  	[tilespmem:s16], [sflag:$0x1] =	stream.linear.gather [hbm4b:s11+s1], $0x80, $0x38;
	[tilespmem:$0x10400] =	vst v63  }
0xff: {  	s8 =	sadd.s32 s3, s8;
	s23 =	sand.u32 $0x1FFFFFF0, s20;
	s11 =	sand.u32 $0x1FFFFFF0, s19  }
0x100: {  	(v2sf) =	vpush v63, $0x6;
	[tilespmem:s18], [sflag:$0x1] =	stream.linear.gather [hbm4b:s8+s1], $0x80, $0x38;
	[tilespmem:$0x10400] =	vst v63  }
0x101: {  	s13 =	simm.s32 $0xCA00;
	s14 =	simm.s32 $0x4A80;
	s22 =	sadd.s32 s4, s11  }
0x102: {  	[tilespmem:s21], [sflag:$0x1] =	stream.linear.gather [hbm4b:s22+s1], $0x80, $0x38;
	[tilespmem:$0x10400] =	vst v63  }
0x103: {  	s16 =	simm.s32 $0xC680;
	s11 =	sadd.s32 s3, s23;
	s26 =	spop (v2sf)  }
0x104: {  	(v2sf) =	vpush v1, $0x7;
	[tilespmem:s10], [sflag:$0x1] =	stream.linear.gather [hbm4b:s11+s1], $0x80, $0x38;
	[tilespmem:$0x10400] =	vst v63  }
0x105: {  	s18 =	simm.s32 $0x4700;
	s8 =	sand.u32 $0x1FFFFFF0, s26;
	s29 =	spop (v2sf)  }
0x106: {  	s8 =	sadd.s32 s4, s8;
	s11 =	sand.u32 $0x1FFFFFF0, s29;
	s5 =	spop (v2sf)  }
0x107: {  	(v2sf) =	vpush v63, $0x7;
	[tilespmem:s7], [sflag:$0x1] =	stream.linear.gather [hbm4b:s8+s1], $0x80, $0x38;
	[tilespmem:$0x10400] =	vst v63  }
0x108: {  	(v2sf) =	vpush v1, $0x8;
	s11 =	sadd.s32 s3, s11;
	s15 =	sand.u32 $0x1FFFFFF0, s5;
	s17 =	spop (v2sf)  }
0x109: {  	[tilespmem:s9], [sflag:$0x1] =	stream.linear.gather [hbm4b:s11+s1], $0x80, $0x38;
	[tilespmem:$0x10400] =	vst v63  }
0x10a: {  	(v2sf) =	vpush v63, $0x8;
	s8 =	sadd.s32 s4, s15;
	s19 =	spop (v2sf);
	s9 =	sand.u32 $0x1FFFFFF0, s17  }
0x10b: {  	s10 =	sand.u32 $0x1FFFFFF0, s19;
	s20 =	spop (v2sf);
	s11 =	simm.s32 $0xCA80  }
0x10c: {  	(v2sf) =	vpush v1, $0x9;
	[tilespmem:s28], [sflag:$0x1] =	stream.linear.gather [hbm4b:s8+s1], $0x80, $0x38;
	[tilespmem:$0x10400] =	vst v63  }
0x10d: {  	s17 =	simm.s32 $0xC780;
	s19 =	simm.s32 $0x4800;
	s9 =	sadd.s32 s3, s9  }
0x10e: {  	(v2sf) =	vpush v63, $0x9;
	[tilespmem:s6], [sflag:$0x1] =	stream.linear.gather [hbm4b:s9+s1], $0x80, $0x38;
	[tilespmem:$0x10400] =	vst v63  }
0x10f: {  	s21 =	sadd.s32 s4, s10;
	s22 =	sand.u32 $0x1FFFFFF0, s20;
	s23 =	spop (v2sf)  }
0x110: {  	(v2sf) =	vpush v1, $0xA;
	[tilespmem:s16], [sflag:$0x1] =	stream.linear.gather [hbm4b:s21+s1], $0x80, $0x38;
	[tilespmem:$0x10400] =	vst v63  }
0x111: {  	s10 =	simm.s32 $0xCB00;
	s26 =	sadd.s32 s3, s22;
	s7 =	sand.u32 $0x1FFFFFF0, s23  }
0x112: {  	(v2sf) =	vpush v63, $0xA;
	[tilespmem:s18], [sflag:$0x1] =	stream.linear.gather [hbm4b:s26+s1], $0x80, $0x38;
	[tilespmem:$0x10400] =	vst v63  }
0x113: {  	s28 =	simm.s32 $0xC700;
	s7 =	sadd.s32 s4, s7;
	s29 =	spop (v2sf)  }
0x114: {  	(v2sf) =	vpush v1, $0xB;
	[tilespmem:s28], [sflag:$0x1] =	stream.linear.gather [hbm4b:s7+s1], $0x80, $0x38;
	[tilespmem:$0x10400] =	vst v63  }
0x115: {  	s22 =	simm.s32 $0xC800;
	s6 =	simm.s32 $0xC980;
	s9 =	sand.u32 $0x1FFFFFF0, s29  }
0x116: {  	s28 =	simm.s32 $0xC880;
	s5 =	spop (v2sf);
	(v2sf) =	vpush v63, $0xB;
	s15 =	sadd.s32 s3, s9  }
0x117: {  	s16 =	sand.u32 $0x1FFFFFF0, s5;
	s18 =	spop (v2sf);
	s5 =	simm.s32 $0x4900  }
0x118: {  	[tilespmem:s12], [sflag:$0x1] =	stream.linear.gather [hbm4b:s15+s1], $0x80, $0x38;
	[tilespmem:$0x10400] =	vst v63  }
0x119: {  	s9 =	sadd.s32 s4, s16;
	s8 =	sand.u32 $0x1FFFFFF0, s18;
	s20 =	spop (v2sf)  }
0x11a: {  	(v2sf) =	vpush v1, $0xC;
	[tilespmem:s17], [sflag:$0x1] =	stream.linear.gather [hbm4b:s9+s1], $0x80, $0x38;
	[tilespmem:$0x10400] =	vst v63  }
0x11b: {  	s8 =	sadd.s32 s3, s8;
	s21 =	spop (v2sf);
	s9 =	sand.u32 $0x1FFFFFF0, s20  }
0x11c: {  	(v2sf) =	vpush v63, $0xC;
	[tilespmem:s19], [sflag:$0x1] =	stream.linear.gather [hbm4b:s8+s1], $0x80, $0x38;
	[tilespmem:$0x10400] =	vst v63  }
0x11d: {  	s26 =	sand.u32 $0x1FFFFFF0, s21;
	s29 =	spop (v2sf);
	s23 =	sadd.s32 s4, s9  }
0x11e: {  	[tilespmem:s22], [sflag:$0x1] =	stream.linear.gather [hbm4b:s23+s1], $0x80, $0x38;
	[tilespmem:$0x10400] =	vst v63  }
0x11f: {  	s9 =	sadd.s32 s3, s26;
	s12 =	spop (v2sf);
	s8 =	sand.u32 $0x1FFFFFF0, s29  }
0x120: {  	[tilespmem:s2], [sflag:$0x1] =	stream.linear.gather [hbm4b:s9+s1], $0x80, $0x38;
	[tilespmem:$0x10400] =	vst v63  }
0x121: {  	s15 =	spop (v2sf);
	s8 =	sadd.s32 s4, s8;
	s9 =	sand.u32 $0x1FFFFFF0, s12  }
0x122: {  	[tilespmem:s28], [sflag:$0x1] =	stream.linear.gather [hbm4b:s8+s1], $0x80, $0x38;
	[tilespmem:$0x10400] =	vst v63  }
0x123: {  	s17 =	sand.u32 $0x1FFFFFF0, s15;
	s16 =	sadd.s32 s3, s9;
	s18 =	spop (v2sf)  }
0x124: {  	[tilespmem:s5], [sflag:$0x1] =	stream.linear.gather [hbm4b:s16+s1], $0x80, $0x38;
	[tilespmem:$0x10400] =	vst v63  }
0x125: {  	s19 =	sadd.s32 s4, s17;
	s20 =	sand.u32 $0x1FFFFFF0, s18;
	s21 =	spop (v2sf)  }
0x126: {  	(v2sf) =	vpush v1, $0xD;
	[tilespmem:s0], [sflag:$0x1] =	stream.linear.gather [hbm4b:s19+s1], $0x80, $0x38;
	[tilespmem:$0x10400] =	vst v63  }
0x127: {  	s22 =	simm.s32 $0x4980;
	(v2sf) =	vpush v63, $0xD;
	s23 =	sadd.s32 s3, s20;
	s26 =	sand.u32 $0x1FFFFFF0, s21  }
0x128: {  	(v2sf) =	vpush v1, $0xE;
	[tilespmem:s22], [sflag:$0x1] =	stream.linear.gather [hbm4b:s23+s1], $0x80, $0x38;
	[tilespmem:$0x10400] =	vst v63  }
0x129: {  	s2 =	simm.s32 $0x4B00;
	s28 =	sadd.s32 s4, s26;
	(v2sf) =	vpush v63, $0xE;
	s29 =	spop (v2sf)  }
0x12a: {  	(v2sf) =	vpush v1, $0xF;
	[tilespmem:s6], [sflag:$0x1] =	stream.linear.gather [hbm4b:s28+s1], $0x80, $0x38;
	[tilespmem:$0x10400] =	vst v63  }
0x12b: {  	s18 =	simm.s32 $0x4A00;
	s7 =	spop (v2sf);
	(v2sf) =	vpush v63, $0xF;
	s6 =	sand.u32 $0x1FFFFFF0, s29  }
.LBB2_6:
0x12c: {  	_ =	sdelay $0x4  }
0x12d: {  	s6 =	sadd.s32 s3, s6;
	s7 =	sand.u32 $0x1FFFFFF0, s7  }
0x12e: {  	[tilespmem:s18], [sflag:$0x1] =	stream.linear.gather [hbm4b:s6+s1], $0x80, $0x38;
	[tilespmem:$0x10400] =	vst v63  }
0x12f: {  	s7 =	sadd.s32 s4, s7  }
0x130: {  	[tilespmem:s13], [sflag:$0x1] =	stream.linear.gather [hbm4b:s7+s1], $0x80, $0x38;
	[tilespmem:$0x10400] =	vst v63  }
0x131: {  	s8 =	spop (v2sf)  }
0x132: {  	s9 =	sand.u32 $0x1FFFFFF0, s8;
	s12 =	spop (v2sf)  }
0x133: {  	s5 =	sadd.s32 s3, s9;
	s13 =	sand.u32 $0x1FFFFFF0, s12;
	s15 =	spop (v2sf)  }
0x134: {  	[tilespmem:s14], [sflag:$0x1] =	stream.linear.gather [hbm4b:s5+s1], $0x80, $0x38;
	[tilespmem:$0x10400] =	vst v63  }
0x135: {  	s16 =	sadd.s32 s4, s13;
	s17 =	sand.u32 $0x1FFFFFF0, s15;
	s18 =	spop (v2sf)  }
0x136: {  	[tilespmem:s11], [sflag:$0x1] =	stream.linear.gather [hbm4b:s16+s1], $0x80, $0x38;
	[tilespmem:$0x10400] =	vst v63  }
0x137: {  	s19 =	sadd.s32 s3, s17;
	s20 =	sand.u32 $0x1FFFFFF0, s18;
	s21 =	spop (v2sf)  }
0x138: {  	[tilespmem:s2], [sflag:$0x1] =	stream.linear.gather [hbm4b:s19+s1], $0x80, $0x38;
	[tilespmem:$0x10400] =	vst v63  }
0x139: {  	s22 =	sadd.s32 s4, s20;
	s23 =	sand.u32 $0x1FFFFFF0, s21;
	s26 =	spop (v2sf)  }
0x13a: {  	[tilespmem:s10], [sflag:$0x1] =	stream.linear.gather [hbm4b:s22+s1], $0x80, $0x38;
	[tilespmem:$0x10400] =	vst v63  }
0x13b: {  	s0 =	sadd.s32 $0x4B80, s24;
	s28 =	sadd.s32 s3, s23;
	s29 =	sand.u32 $0x1FFFFFF0, s26  }
0x13c: {  	[tilespmem:s0], [sflag:$0x1] =	stream.linear.gather [hbm4b:s28+s1], $0x80, $0x38;
	[tilespmem:$0x10400] =	vst v63  }
0x13d: {  	s2 =	sadd.s32 $0xCB80, s24;
	s6 =	sadd.s32 s4, s29  }
0x13e: {  	[tilespmem:s2], [sflag:$0x1] =	stream.linear.gather [hbm4b:s6+s1], $0x80, $0x38;
	[tilespmem:$0x10400] =	vst v63  }
0x13f: {  	v0 =	vld [tilespmem:s31+$0x0]  }
0x140: {  	v2 =	vld [tilespmem:s30+$0x0];
	_ =	sdelay $0x3  }
0x141: {  	v1 =	vshll.u32 v0, $0x4  }
0x142: {  	s7 =	smov.u32 s25;
	v63 =	vshll.u32 v2, $0x4;
	(v2sf) =	vpush v1, $0x0  }
0x143: {  	s24 =	sshra.s32 s7, $0x2;
	(v2sf) =	vpush v63, $0x0  }
0x144: {  	p0 =	sne.s32 s25, $0xE000;
	s25 =	sadd.s32 $0x2000, s25;
	s20 =	sadd.s32 $0xC400, s24;
	(v2sf) =	vpush v1, $0x1  }
0x145: {  	s5 =	sadd.s32 $0x4400, s24;
	s16 =	sadd.s32 $0x4600, s24;
	s8 =	sadd.s32 $0xC900, s24  }
0x146: {  	s17 =	sadd.s32 $0x4580, s24;
	s9 =	sadd.s32 $0xCA00, s24;
	s19 =	sadd.s32 $0x4500, s24;
	(v2sf) =	vpush v63, $0x1  }
0x147: {  	s23 =	sadd.s32 $0xC600, s24;
	s21 =	sadd.s32 $0xC480, s24;
	s26 =	sadd.s32 $0xC500, s24  }
0x148: {  	s15 =	sadd.s32 $0xC680, s24;
	s14 =	sadd.s32 $0x4700, s24;
	[dreg:$0x5] =	wrdreg s8;
	(v2sf) =	vpush v1, $0x2  }
0x149: {  	s11 =	sadd.s32 $0xCA80, s24;
	s13 =	sadd.s32 $0xC700, s24;
	[dreg:$0x1c] =	wrdreg s9  }
0x14a: {  	s12 =	sadd.s32 $0xC880, s24;
	s18 =	sadd.s32 $0x4900, s24;
	[smem:$0x7EE] =	sst s11;
	(v2sf) =	vpush v63, $0x2  }
0x14b: {  	s29 =	sadd.s32 $0x4800, s24;
	s7 =	sadd.s32 $0x4980, s24;
	[dreg:$0x15] =	wrdreg s12  }
0x14c: {  	s22 =	sadd.s32 $0xC580, s24;
	s8 =	sadd.s32 $0x4A80, s24;
	[dreg:$0x11] =	wrdreg s18;
	(v2sf) =	vpush v1, $0x3  }
0x14d: {  	s10 =	sadd.s32 $0xC980, s24;
	s12 =	sadd.s32 $0x4780, s24;
	[smem:$0x7EF] =	sst s29  }
0x14e: {  	s18 =	sadd.s32 $0x4A00, s24;
	[dreg:$0x9] =	wrdreg s10;
	s0 =	sadd.s32 $0x4880, s24;
	(v2sf) =	vpush v63, $0x3  }
0x14f: {  	s11 =	sadd.s32 $0xC780, s24;
	s28 =	sadd.s32 $0xC800, s24;
	[dreg:$0xd] =	wrdreg s0  }
0x150: {  	s10 =	sadd.s32 $0xCB00, s24;
	[dreg:$0x19] =	wrdreg s28;
	s28 =	sadd.s32 $0x4480, s24;
	(v2sf) =	vpush v1, $0x4  }
0x151: {  	s6 =	sadd.s32 $0x4680, s24;
	s2 =	sadd.s32 $0x4B00, s24;
	s0 =	spop (v2sf)  }
0x152: {  	s30 =	sadd.s32 $0x10, s30;
	s29 =	sand.u32 $0x1FFFFFF0, s0;
	s9 =	spop (v2sf);
	(v2sf) =	vpush v63, $0x4  }
0x153: {  	s29 =	sadd.s32 s3, s29;
	s0 =	sand.u32 $0x1FFFFFF0, s9;
	s9 =	spop (v2sf)  }
0x154: {  	(v2sf) =	vpush v1, $0x5;
	[tilespmem:s5], [sflag:$0x1] =	stream.linear.gather [hbm4b:s29+s1], $0x80, $0x38;
	[tilespmem:$0x10400] =	vst v63  }
0x155: {  	s0 =	sadd.s32 s4, s0;
	s9 =	sand.u32 $0x1FFFFFF0, s9;
	s29 =	spop (v2sf)  }
0x156: {  	(v2sf) =	vpush v63, $0x5;
	[tilespmem:s20], [sflag:$0x1] =	stream.linear.gather [hbm4b:s0+s1], $0x80, $0x38;
	[tilespmem:$0x10400] =	vst v63  }
0x157: {  	s5 =	sadd.s32 s3, s9;
	s20 =	sand.u32 $0x1FFFFFF0, s29;
	s29 =	spop (v2sf);
	(v2sf) =	vpush v1, $0x6  }
0x158: {  	[tilespmem:s28], [sflag:$0x1] =	stream.linear.gather [hbm4b:s5+s1], $0x80, $0x38;
	[tilespmem:$0x10400] =	vst v63  }
0x159: {  	s9 =	sand.u32 $0x1FFFFFF0, s29;
	s5 =	sadd.s32 s4, s20;
	s20 =	spop (v2sf);
	(v2sf) =	vpush v63, $0x6  }
0x15a: {  	[tilespmem:s21], [sflag:$0x1] =	stream.linear.gather [hbm4b:s5+s1], $0x80, $0x38;
	[tilespmem:$0x10400] =	vst v63  }
0x15b: {  	s28 =	sand.u32 $0x1FFFFFF0, s20;
	s29 =	spop (v2sf);
	(v2sf) =	vpush v1, $0x7;
	s21 =	sadd.s32 s3, s9  }
0x15c: {  	[tilespmem:s19], [sflag:$0x1] =	stream.linear.gather [hbm4b:s21+s1], $0x80, $0x38;
	[tilespmem:$0x10400] =	vst v63  }
0x15d: {  	s20 =	sand.u32 $0x1FFFFFF0, s29;
	s19 =	sadd.s32 s4, s28;
	s21 =	spop (v2sf)  }
0x15e: {  	[tilespmem:s26], [sflag:$0x1] =	stream.linear.gather [hbm4b:s19+s1], $0x80, $0x38;
	[tilespmem:$0x10400] =	vst v63  }
0x15f: {  	(v2sf) =	vpush v63, $0x7;
	s28 =	sand.u32 $0x1FFFFFF0, s21;
	s29 =	spop (v2sf);
	s26 =	sadd.s32 s3, s20  }
0x160: {  	[tilespmem:s17], [sflag:$0x1] =	stream.linear.gather [hbm4b:s26+s1], $0x80, $0x38;
	[tilespmem:$0x10400] =	vst v63  }
0x161: {  	(v2sf) =	vpush v1, $0x8;
	s19 =	sadd.s32 s4, s28;
	s20 =	sand.u32 $0x1FFFFFF0, s29;
	s21 =	spop (v2sf)  }
0x162: {  	[tilespmem:s22], [sflag:$0x1] =	stream.linear.gather [hbm4b:s19+s1], $0x80, $0x38;
	[tilespmem:$0x10400] =	vst v63  }
0x163: {  	s26 =	sadd.s32 s3, s20;
	s28 =	sand.u32 $0x1FFFFFF0, s21;
	s29 =	spop (v2sf)  }
0x164: {  	(v2sf) =	vpush v63, $0x8;
	[tilespmem:s16], [sflag:$0x1] =	stream.linear.gather [hbm4b:s26+s1], $0x80, $0x38;
	[tilespmem:$0x10400] =	vst v63  }
0x165: {  	s31 =	sadd.s32 $0x10, s31;
	(v2sf) =	vpush v1, $0x9;
	s5 =	sadd.s32 s4, s28;
	s16 =	spop (v2sf)  }
0x166: {  	s9 =	sand.u32 $0x1FFFFFF0, s29;
	s19 =	sand.u32 $0x1FFFFFF0, s16;
	s20 =	spop (v2sf)  }
0x167: {  	[tilespmem:s23], [sflag:$0x1] =	stream.linear.gather [hbm4b:s5+s1], $0x80, $0x38;
	[tilespmem:$0x10400] =	vst v63  }
0x168: {  	s17 =	sadd.s32 s3, s9;
	s21 =	sadd.s32 s4, s19;
	s23 =	spop (v2sf)  }
0x169: {  	(v2sf) =	vpush v63, $0x9;
	[tilespmem:s6], [sflag:$0x1] =	stream.linear.gather [hbm4b:s17+s1], $0x80, $0x38;
	[tilespmem:$0x10400] =	vst v63  }
0x16a: {  	s22 =	sand.u32 $0x1FFFFFF0, s20;
	s28 =	sand.u32 $0x1FFFFFF0, s23;
	s29 =	spop (v2sf)  }
0x16b: {  	(v2sf) =	vpush v1, $0xA;
	[tilespmem:s15], [sflag:$0x1] =	stream.linear.gather [hbm4b:s21+s1], $0x80, $0x38;
	[tilespmem:$0x10400] =	vst v63  }
0x16c: {  	s26 =	sadd.s32 s3, s22;
	s9 =	sadd.s32 s4, s28;
	s15 =	sand.u32 $0x1FFFFFF0, s29  }
0x16d: {  	(v2sf) =	vpush v63, $0xA;
	[tilespmem:s14], [sflag:$0x1] =	stream.linear.gather [hbm4b:s26+s1], $0x80, $0x38;
	[tilespmem:$0x10400] =	vst v63  }
0x16e: {  	s16 =	spop (v2sf);
	s17 =	sadd.s32 s3, s15;
	s14 =	smov.u32 s8  }
0x16f: {  	(v2sf) =	vpush v1, $0xB;
	[tilespmem:s13], [sflag:$0x1] =	stream.linear.gather [hbm4b:s9+s1], $0x80, $0x38;
	[tilespmem:$0x10400] =	vst v63  }
0x170: {  	s19 =	sand.u32 $0x1FFFFFF0, s16;
	s20 =	spop (v2sf);
	s13 =	rddreg [dreg:$0x1c]  }
0x171: {  	s21 =	sadd.s32 s4, s19;
	s22 =	sand.u32 $0x1FFFFFF0, s20;
	s9 =	sld [smem:$0x7EF]  }
0x172: {  	[tilespmem:s12], [sflag:$0x1] =	stream.linear.gather [hbm4b:s17+s1], $0x80, $0x38;
	[tilespmem:$0x10400] =	vst v63  }
0x173: {  	(v2sf) =	vpush v63, $0xB;
	s26 =	sadd.s32 s3, s22;
	s22 =	rddreg [dreg:$0xd];
	s23 =	spop (v2sf)  }
0x174: {  	(v2sf) =	vpush v1, $0xC;
	s17 =	rddreg [dreg:$0x19];
	s28 =	sand.u32 $0x1FFFFFF0, s23;
	s29 =	spop (v2sf)  }
0x175: {  	[tilespmem:s11], [sflag:$0x1] =	stream.linear.gather [hbm4b:s21+s1], $0x80, $0x38;
	[tilespmem:$0x10400] =	vst v63  }
0x176: {  	(v2sf) =	vpush v63, $0xC;
	s11 =	sld [smem:$0x7EE];
	s12 =	sadd.s32 s4, s28;
	s15 =	sand.u32 $0x1FFFFFF0, s29  }
0x177: {  	[tilespmem:s9], [sflag:$0x1] =	stream.linear.gather [hbm4b:s26+s1], $0x80, $0x38;
	[tilespmem:$0x10400] =	vst v63  }
0x178: {  	s29 =	rddreg [dreg:$0x15];
	s16 =	spop (v2sf);
	s19 =	sadd.s32 s3, s15  }
0x179: {  	[tilespmem:s17], [sflag:$0x1] =	stream.linear.gather [hbm4b:s12+s1], $0x80, $0x38;
	[tilespmem:$0x10400] =	vst v63  }
0x17a: {  	s20 =	sand.u32 $0x1FFFFFF0, s16;
	s21 =	spop (v2sf);
	s16 =	rddreg [dreg:$0x11]  }
0x17b: {  	[tilespmem:s22], [sflag:$0x1] =	stream.linear.gather [hbm4b:s19+s1], $0x80, $0x38;
	[tilespmem:$0x10400] =	vst v63  }
0x17c: {  	s23 =	sadd.s32 s4, s20;
	s26 =	sand.u32 $0x1FFFFFF0, s21;
	s28 =	spop (v2sf)  }
0x17d: {  	[tilespmem:s29], [sflag:$0x1] =	stream.linear.gather [hbm4b:s23+s1], $0x80, $0x38;
	[tilespmem:$0x10400] =	vst v63  }
0x17e: {  	s9 =	sadd.s32 s3, s26;
	s12 =	sand.u32 $0x1FFFFFF0, s28;
	s15 =	spop (v2sf)  }
0x17f: {  	[tilespmem:s16], [sflag:$0x1] =	stream.linear.gather [hbm4b:s9+s1], $0x80, $0x38;
	[tilespmem:$0x10400] =	vst v63  }
0x180: {  	s21 =	rddreg [dreg:$0x5];
	s17 =	sadd.s32 s4, s12;
	s19 =	sand.u32 $0x1FFFFFF0, s15  }
0x181: {  	(v2sf) =	vpush v1, $0xD;
	[tilespmem:s21], [sflag:$0x1] =	stream.linear.gather [hbm4b:s17+s1], $0x80, $0x38;
	[tilespmem:$0x10400] =	vst v63  }
.Ltmp2:
0x182: {  	(v2sf) =	vpush v63, $0xD;
	s22 =	sadd.s32 s3, s19;
	s20 =	spop (v2sf);
	(pc) =	sbr.rel @p0 .LBB2_6-.Ltmp2, $4  }
0x183: {  	(v2sf) =	vpush v1, $0xE;
	s29 =	rddreg [dreg:$0x9];
	s23 =	sand.u32 $0x1FFFFFF0, s20;
	s26 =	spop (v2sf)  }
0x184: {  	(v2sf) =	vpush v63, $0xE;
	[tilespmem:s7], [sflag:$0x1] =	stream.linear.gather [hbm4b:s22+s1], $0x80, $0x38;
	[tilespmem:$0x10400] =	vst v63  }
0x185: {  	(v2sf) =	vpush v1, $0xF;
	s28 =	sadd.s32 s4, s23;
	s6 =	sand.u32 $0x1FFFFFF0, s26;
	s7 =	spop (v2sf)  }
0x186: {  	(v2sf) =	vpush v63, $0xF;
	[tilespmem:s29], [sflag:$0x1] =	stream.linear.gather [hbm4b:s28+s1], $0x80, $0x38;
	[tilespmem:$0x10400] =	vst v63  }
0x187: {  	_ =	sdelay $0x4  }
0x188: {  	s0 =	sadd.s32 s3, s6;
	s5 =	sand.u32 $0x1FFFFFF0, s7  }
0x189: {  	[tilespmem:s18], [sflag:$0x1] =	stream.linear.gather [hbm4b:s0+s1], $0x80, $0x38;
	[tilespmem:$0x10400] =	vst v63  }
0x18a: {  	s8 =	sadd.s32 s4, s5  }
0x18b: {  	[tilespmem:s13], [sflag:$0x1] =	stream.linear.gather [hbm4b:s8+s1], $0x80, $0x38;
	[tilespmem:$0x10400] =	vst v63  }
0x18c: {  	s7 =	spop (v2sf)  }
0x18d: {  	s9 =	sand.u32 $0x1FFFFFF0, s7;
	s12 =	spop (v2sf)  }
0x18e: {  	s15 =	sadd.s32 s3, s9;
	s16 =	sand.u32 $0x1FFFFFF0, s12;
	s17 =	spop (v2sf)  }
0x18f: {  	[tilespmem:s14], [sflag:$0x1] =	stream.linear.gather [hbm4b:s15+s1], $0x80, $0x38;
	[tilespmem:$0x10400] =	vst v63  }
0x190: {  	s18 =	sadd.s32 s4, s16;
	s19 =	sand.u32 $0x1FFFFFF0, s17;
	s20 =	spop (v2sf)  }
0x191: {  	[tilespmem:s11], [sflag:$0x1] =	stream.linear.gather [hbm4b:s18+s1], $0x80, $0x38;
	[tilespmem:$0x10400] =	vst v63  }
0x192: {  	s21 =	sadd.s32 s3, s19;
	s22 =	sand.u32 $0x1FFFFFF0, s20;
	s23 =	spop (v2sf)  }
0x193: {  	[tilespmem:s2], [sflag:$0x1] =	stream.linear.gather [hbm4b:s21+s1], $0x80, $0x38;
	[tilespmem:$0x10400] =	vst v63  }
0x194: {  	s25 =	sadd.s32 s4, s22;
	s26 =	sand.u32 $0x1FFFFFF0, s23;
	s28 =	spop (v2sf)  }
0x195: {  	[tilespmem:s10], [sflag:$0x1] =	stream.linear.gather [hbm4b:s25+s1], $0x80, $0x38;
	[tilespmem:$0x10400] =	vst v63  }
0x196: {  	s29 =	sadd.s32 $0x4B80, s24;
	s5 =	sand.u32 $0x1FFFFFF0, s28;
	s2 =	sadd.s32 s3, s26  }
0x197: {  	[tilespmem:s29], [sflag:$0x1] =	stream.linear.gather [hbm4b:s2+s1], $0x80, $0x38;
	[tilespmem:$0x10400] =	vst v63  }
0x198: {  	s30 =	sadd.s32 $0xCB80, s24;
	s31 =	sadd.s32 s4, s5;
	s2 =	simm.s32 $0x1  }
0x199: {  	[tilespmem:s30], [sflag:$0x1] =	stream.linear.gather [hbm4b:s31+s1], $0x80, $0x38;
	[tilespmem:$0x10400] =	vst v63  }
0x19a: {  	_ =	swait.ge [sflag:s2], $0x80  }
0x19b: {  	[sflag:s2] =	ssyncset.done $0x0  }
0x19c: {  	[sflag:s2] =	ssyncadd.s32 $0xFFFFFF80  }
0x19d: {  	_ =	swait.ge [sflag:s2], $0x80  }
0x19e: {  	s0 =	simm.s32 $0x7F;
	[sflag:s2] =	ssyncset.done $0x0  }
.LBB2_8:
0x19f: {  	p0 =	sne.s32 s0, $0x1;
	s0 =	sadd.s32 $0xFFFFFFFF, s0;
	[sflag:s2] =	ssyncadd.s32 $0xFFFFFF80  }
.Ltmp3:
0x1a0: {  	_ =	swait.ge [sflag:s2], $0x80;
	(pc) =	sbr.rel @p0 .LBB2_8-.Ltmp3, $4  }
0x1a1: {  	[sflag:s2] =	ssyncset.done $0x0  }
0x1a2: {  	[sflag:s2] =	ssyncadd.s32 $0xFFFFFF80  }
0x1a3: {  	_ =	swait.ge [sflag:s2], $0x80  }
0x1a4: {  	[sflag:s2] =	ssyncset.done $0x0  }
0x1a5: {  	s22 =	sld [smem:$0x7F7]  }
0x1a6: {  	[sflag:s2] =	ssyncadd.s32 $0xFFFFFF80  }
0x1a7: {  	s0 =	simm.s32 $0x0;
	s5 =	simm.s32 $0x4400;
	s23 =	sld [smem:$0x7F8]  }
0x1a8: {  	[hbm4b:s22+s0] =	stream.linear.scatter [tilespmem:s5], [sflag:$0x2], $0x4000, $0x38;
	[tilespmem:$0x10400] =	vst v63  }
0x1a9: {  	s24 =	simm.s32 $0xC400;
	s25 =	simm.s32 $0x2  }
0x1aa: {  	[hbm4b:s23+s0] =	stream.linear.scatter [tilespmem:s24], [sflag:$0x2], $0x4000, $0x38;
	[tilespmem:$0x10400] =	vst v63  }
0x1ab: {  	_ =	swait.ge [sflag:s25], $0x4000  }
0x1ac: {  	[sflag:s25] =	ssyncset.done $0x0  }
0x1ad: {  	[sflag:s25] =	ssyncadd.s32 $0xFFFFC000  }
0x1ae: {  	_ =	swait.ge [sflag:s25], $0x4000  }
0x1af: {  	[sflag:s25] =	ssyncset.done $0x0  }
0x1b0: {  	s26 =	simm.s32 $0x100;
	[sflag:s25] =	ssyncadd.s32 $0xFFFFC000  }
0x1b1: {  	s28 =	simm.s32 $0x300;
	v0 =	vld [tilespmem:s26+$0x0]  }
0x1b2: {  	v2 =	vld [tilespmem:s28+$0x0];
	_ =	sdelay $0x3  }
0x1b3: {  	v1 =	vshll.u32 v0, $0x4  }
0x1b4: {  	v63 =	vshll.u32 v2, $0x4;
	(v2sf) =	vpush v1, $0x0  }
0x1b5: {  	(v2sf) =	vpush v63, $0x0  }
0x1b6: {  	(v2sf) =	vpush v1, $0x1;
	_ =	sdelay $0x1  }
0x1b7: {  	(v2sf) =	vpush v63, $0x1  }
0x1b8: {  	(v2sf) =	vpush v1, $0x2;
	_ =	sdelay $0x1  }
0x1b9: {  	(v2sf) =	vpush v63, $0x2;
	_ =	sdelay $0x1  }
0x1ba: {  	(v2sf) =	vpush v1, $0x3  }
0x1bb: {  	s29 =	simm.s32 $0x8400  }
0x1bc: {  	s6 =	simm.s32 $0x680;
	s2 =	simm.s32 $0x880;
	s7 =	simm.s32 $0x400  }
0x1bd: {  	s9 =	simm.s32 $0x600;
	s10 =	simm.s32 $0x580;
	s13 =	simm.s32 $0x480  }
0x1be: {  	s16 =	simm.s32 $0x8480;
	s18 =	simm.s32 $0x500;
	s21 =	simm.s32 $0x8500  }
0x1bf: {  	s30 =	simm.s32 $0x310;
	s31 =	simm.s32 $0x110;
	s24 =	simm.s32 $0x0  }
0x1c0: {  	s0 =	simm.s32 $0x8900;
	s25 =	simm.s32 $0x2000;
	s8 =	spop (v2sf);
	(v2sf) =	vpush v63, $0x3  }
0x1c1: {  	s28 =	simm.s32 $0x8600;
	s8 =	sand.u32 $0x1FFFFFF0, s8;
	s11 =	spop (v2sf)  }
0x1c2: {  	(v2sf) =	vpush v1, $0x4;
	s8 =	sadd.s32 s3, s8;
	s11 =	sand.u32 $0x1FFFFFF0, s11;
	s12 =	spop (v2sf)  }
0x1c3: {  	(v2sf) =	vpush v63, $0x4;
	[tilespmem:s7], [sflag:$0x1] =	stream.linear.gather [hbm4b:s8+s1], $0x80, $0x38;
	[tilespmem:$0x10400] =	vst v63  }
0x1c4: {  	s8 =	sadd.s32 s4, s11;
	s11 =	sand.u32 $0x1FFFFFF0, s12;
	s12 =	spop (v2sf)  }
0x1c5: {  	s7 =	simm.s32 $0x8580;
	(v2sf) =	vpush v1, $0x5;
	s14 =	sadd.s32 s3, s11;
	s17 =	spop (v2sf)  }
0x1c6: {  	[tilespmem:s29], [sflag:$0x1] =	stream.linear.gather [hbm4b:s8+s1], $0x80, $0x38;
	[tilespmem:$0x10400] =	vst v63  }
0x1c7: {  	s15 =	sand.u32 $0x1FFFFFF0, s12;
	(v2sf) =	vpush v63, $0x5;
	s12 =	simm.s32 $0x780;
	s19 =	spop (v2sf)  }
0x1c8: {  	(v2sf) =	vpush v1, $0x6;
	[tilespmem:s13], [sflag:$0x1] =	stream.linear.gather [hbm4b:s14+s1], $0x80, $0x38;
	[tilespmem:$0x10400] =	vst v63  }
0x1c9: {  	s11 =	sadd.s32 s4, s15;
	s8 =	sand.u32 $0x1FFFFFF0, s17;
	s20 =	spop (v2sf)  }
0x1ca: {  	[tilespmem:s16], [sflag:$0x1] =	stream.linear.gather [hbm4b:s11+s1], $0x80, $0x38;
	[tilespmem:$0x10400] =	vst v63  }
0x1cb: {  	s8 =	sadd.s32 s3, s8;
	s23 =	sand.u32 $0x1FFFFFF0, s20;
	s11 =	sand.u32 $0x1FFFFFF0, s19  }
0x1cc: {  	(v2sf) =	vpush v63, $0x6;
	[tilespmem:s18], [sflag:$0x1] =	stream.linear.gather [hbm4b:s8+s1], $0x80, $0x38;
	[tilespmem:$0x10400] =	vst v63  }
0x1cd: {  	s13 =	simm.s32 $0x8A00;
	s14 =	simm.s32 $0xA80;
	s22 =	sadd.s32 s4, s11  }
0x1ce: {  	[tilespmem:s21], [sflag:$0x1] =	stream.linear.gather [hbm4b:s22+s1], $0x80, $0x38;
	[tilespmem:$0x10400] =	vst v63  }
0x1cf: {  	s16 =	simm.s32 $0x8680;
	s11 =	sadd.s32 s3, s23;
	s26 =	spop (v2sf)  }
0x1d0: {  	(v2sf) =	vpush v1, $0x7;
	[tilespmem:s10], [sflag:$0x1] =	stream.linear.gather [hbm4b:s11+s1], $0x80, $0x38;
	[tilespmem:$0x10400] =	vst v63  }
0x1d1: {  	s18 =	simm.s32 $0x700;
	s8 =	sand.u32 $0x1FFFFFF0, s26;
	s29 =	spop (v2sf)  }
0x1d2: {  	s8 =	sadd.s32 s4, s8;
	s11 =	sand.u32 $0x1FFFFFF0, s29;
	s5 =	spop (v2sf)  }
0x1d3: {  	(v2sf) =	vpush v63, $0x7;
	[tilespmem:s7], [sflag:$0x1] =	stream.linear.gather [hbm4b:s8+s1], $0x80, $0x38;
	[tilespmem:$0x10400] =	vst v63  }
0x1d4: {  	(v2sf) =	vpush v1, $0x8;
	s11 =	sadd.s32 s3, s11;
	s15 =	sand.u32 $0x1FFFFFF0, s5;
	s17 =	spop (v2sf)  }
0x1d5: {  	[tilespmem:s9], [sflag:$0x1] =	stream.linear.gather [hbm4b:s11+s1], $0x80, $0x38;
	[tilespmem:$0x10400] =	vst v63  }
0x1d6: {  	(v2sf) =	vpush v63, $0x8;
	s8 =	sadd.s32 s4, s15;
	s19 =	spop (v2sf);
	s9 =	sand.u32 $0x1FFFFFF0, s17  }
0x1d7: {  	s10 =	sand.u32 $0x1FFFFFF0, s19;
	s20 =	spop (v2sf);
	s11 =	simm.s32 $0x8A80  }
0x1d8: {  	(v2sf) =	vpush v1, $0x9;
	[tilespmem:s28], [sflag:$0x1] =	stream.linear.gather [hbm4b:s8+s1], $0x80, $0x38;
	[tilespmem:$0x10400] =	vst v63  }
0x1d9: {  	s17 =	simm.s32 $0x8780;
	s19 =	simm.s32 $0x800;
	s9 =	sadd.s32 s3, s9  }
0x1da: {  	(v2sf) =	vpush v63, $0x9;
	[tilespmem:s6], [sflag:$0x1] =	stream.linear.gather [hbm4b:s9+s1], $0x80, $0x38;
	[tilespmem:$0x10400] =	vst v63  }
0x1db: {  	s21 =	sadd.s32 s4, s10;
	s22 =	sand.u32 $0x1FFFFFF0, s20;
	s23 =	spop (v2sf)  }
0x1dc: {  	(v2sf) =	vpush v1, $0xA;
	[tilespmem:s16], [sflag:$0x1] =	stream.linear.gather [hbm4b:s21+s1], $0x80, $0x38;
	[tilespmem:$0x10400] =	vst v63  }
0x1dd: {  	s10 =	simm.s32 $0x8B00;
	s26 =	sadd.s32 s3, s22;
	s7 =	sand.u32 $0x1FFFFFF0, s23  }
0x1de: {  	(v2sf) =	vpush v63, $0xA;
	[tilespmem:s18], [sflag:$0x1] =	stream.linear.gather [hbm4b:s26+s1], $0x80, $0x38;
	[tilespmem:$0x10400] =	vst v63  }
0x1df: {  	s28 =	simm.s32 $0x8700;
	s7 =	sadd.s32 s4, s7;
	s29 =	spop (v2sf)  }
0x1e0: {  	(v2sf) =	vpush v1, $0xB;
	[tilespmem:s28], [sflag:$0x1] =	stream.linear.gather [hbm4b:s7+s1], $0x80, $0x38;
	[tilespmem:$0x10400] =	vst v63  }
0x1e1: {  	s22 =	simm.s32 $0x8800;
	s6 =	simm.s32 $0x8980;
	s9 =	sand.u32 $0x1FFFFFF0, s29  }
0x1e2: {  	s28 =	simm.s32 $0x8880;
	s5 =	spop (v2sf);
	(v2sf) =	vpush v63, $0xB;
	s15 =	sadd.s32 s3, s9  }
0x1e3: {  	s16 =	sand.u32 $0x1FFFFFF0, s5;
	s18 =	spop (v2sf);
	s5 =	simm.s32 $0x900  }
0x1e4: {  	[tilespmem:s12], [sflag:$0x1] =	stream.linear.gather [hbm4b:s15+s1], $0x80, $0x38;
	[tilespmem:$0x10400] =	vst v63  }
0x1e5: {  	s9 =	sadd.s32 s4, s16;
	s8 =	sand.u32 $0x1FFFFFF0, s18;
	s20 =	spop (v2sf)  }
0x1e6: {  	(v2sf) =	vpush v1, $0xC;
	[tilespmem:s17], [sflag:$0x1] =	stream.linear.gather [hbm4b:s9+s1], $0x80, $0x38;
	[tilespmem:$0x10400] =	vst v63  }
0x1e7: {  	s8 =	sadd.s32 s3, s8;
	s21 =	spop (v2sf);
	s9 =	sand.u32 $0x1FFFFFF0, s20  }
0x1e8: {  	(v2sf) =	vpush v63, $0xC;
	[tilespmem:s19], [sflag:$0x1] =	stream.linear.gather [hbm4b:s8+s1], $0x80, $0x38;
	[tilespmem:$0x10400] =	vst v63  }
0x1e9: {  	s26 =	sand.u32 $0x1FFFFFF0, s21;
	s29 =	spop (v2sf);
	s23 =	sadd.s32 s4, s9  }
0x1ea: {  	[tilespmem:s22], [sflag:$0x1] =	stream.linear.gather [hbm4b:s23+s1], $0x80, $0x38;
	[tilespmem:$0x10400] =	vst v63  }
0x1eb: {  	s9 =	sadd.s32 s3, s26;
	s12 =	spop (v2sf);
	s8 =	sand.u32 $0x1FFFFFF0, s29  }
0x1ec: {  	[tilespmem:s2], [sflag:$0x1] =	stream.linear.gather [hbm4b:s9+s1], $0x80, $0x38;
	[tilespmem:$0x10400] =	vst v63  }
0x1ed: {  	s15 =	spop (v2sf);
	s8 =	sadd.s32 s4, s8;
	s9 =	sand.u32 $0x1FFFFFF0, s12  }
0x1ee: {  	[tilespmem:s28], [sflag:$0x1] =	stream.linear.gather [hbm4b:s8+s1], $0x80, $0x38;
	[tilespmem:$0x10400] =	vst v63  }
0x1ef: {  	s17 =	sand.u32 $0x1FFFFFF0, s15;
	s16 =	sadd.s32 s3, s9;
	s18 =	spop (v2sf)  }
0x1f0: {  	[tilespmem:s5], [sflag:$0x1] =	stream.linear.gather [hbm4b:s16+s1], $0x80, $0x38;
	[tilespmem:$0x10400] =	vst v63  }
0x1f1: {  	s19 =	sadd.s32 s4, s17;
	s20 =	sand.u32 $0x1FFFFFF0, s18;
	s21 =	spop (v2sf)  }
0x1f2: {  	(v2sf) =	vpush v1, $0xD;
	[tilespmem:s0], [sflag:$0x1] =	stream.linear.gather [hbm4b:s19+s1], $0x80, $0x38;
	[tilespmem:$0x10400] =	vst v63  }
0x1f3: {  	s22 =	simm.s32 $0x980;
	(v2sf) =	vpush v63, $0xD;
	s23 =	sadd.s32 s3, s20;
	s26 =	sand.u32 $0x1FFFFFF0, s21  }
0x1f4: {  	(v2sf) =	vpush v1, $0xE;
	[tilespmem:s22], [sflag:$0x1] =	stream.linear.gather [hbm4b:s23+s1], $0x80, $0x38;
	[tilespmem:$0x10400] =	vst v63  }
0x1f5: {  	s2 =	simm.s32 $0xB00;
	s28 =	sadd.s32 s4, s26;
	(v2sf) =	vpush v63, $0xE;
	s29 =	spop (v2sf)  }
0x1f6: {  	(v2sf) =	vpush v1, $0xF;
	[tilespmem:s6], [sflag:$0x1] =	stream.linear.gather [hbm4b:s28+s1], $0x80, $0x38;
	[tilespmem:$0x10400] =	vst v63  }
0x1f7: {  	s18 =	simm.s32 $0xA00;
	s7 =	spop (v2sf);
	(v2sf) =	vpush v63, $0xF;
	s6 =	sand.u32 $0x1FFFFFF0, s29  }
.LBB2_10:
0x1f8: {  	_ =	sdelay $0x4  }
0x1f9: {  	s6 =	sadd.s32 s3, s6;
	s7 =	sand.u32 $0x1FFFFFF0, s7  }
0x1fa: {  	[tilespmem:s18], [sflag:$0x1] =	stream.linear.gather [hbm4b:s6+s1], $0x80, $0x38;
	[tilespmem:$0x10400] =	vst v63  }
0x1fb: {  	s7 =	sadd.s32 s4, s7  }
0x1fc: {  	[tilespmem:s13], [sflag:$0x1] =	stream.linear.gather [hbm4b:s7+s1], $0x80, $0x38;
	[tilespmem:$0x10400] =	vst v63  }
0x1fd: {  	s8 =	spop (v2sf)  }
0x1fe: {  	s9 =	sand.u32 $0x1FFFFFF0, s8;
	s12 =	spop (v2sf)  }
0x1ff: {  	s5 =	sadd.s32 s3, s9;
	s13 =	sand.u32 $0x1FFFFFF0, s12;
	s15 =	spop (v2sf)  }
0x200: {  	[tilespmem:s14], [sflag:$0x1] =	stream.linear.gather [hbm4b:s5+s1], $0x80, $0x38;
	[tilespmem:$0x10400] =	vst v63  }
0x201: {  	s16 =	sadd.s32 s4, s13;
	s17 =	sand.u32 $0x1FFFFFF0, s15;
	s18 =	spop (v2sf)  }
0x202: {  	[tilespmem:s11], [sflag:$0x1] =	stream.linear.gather [hbm4b:s16+s1], $0x80, $0x38;
	[tilespmem:$0x10400] =	vst v63  }
0x203: {  	s19 =	sadd.s32 s3, s17;
	s20 =	sand.u32 $0x1FFFFFF0, s18;
	s21 =	spop (v2sf)  }
0x204: {  	[tilespmem:s2], [sflag:$0x1] =	stream.linear.gather [hbm4b:s19+s1], $0x80, $0x38;
	[tilespmem:$0x10400] =	vst v63  }
0x205: {  	s22 =	sadd.s32 s4, s20;
	s23 =	sand.u32 $0x1FFFFFF0, s21;
	s26 =	spop (v2sf)  }
0x206: {  	[tilespmem:s10], [sflag:$0x1] =	stream.linear.gather [hbm4b:s22+s1], $0x80, $0x38;
	[tilespmem:$0x10400] =	vst v63  }
0x207: {  	s0 =	sadd.s32 $0xB80, s24;
	s28 =	sadd.s32 s3, s23;
	s29 =	sand.u32 $0x1FFFFFF0, s26  }
0x208: {  	[tilespmem:s0], [sflag:$0x1] =	stream.linear.gather [hbm4b:s28+s1], $0x80, $0x38;
	[tilespmem:$0x10400] =	vst v63  }
0x209: {  	s2 =	sadd.s32 $0x8B80, s24;
	s6 =	sadd.s32 s4, s29  }
0x20a: {  	[tilespmem:s2], [sflag:$0x1] =	stream.linear.gather [hbm4b:s6+s1], $0x80, $0x38;
	[tilespmem:$0x10400] =	vst v63  }
0x20b: {  	v0 =	vld [tilespmem:s31+$0x0]  }
0x20c: {  	v2 =	vld [tilespmem:s30+$0x0];
	_ =	sdelay $0x3  }
0x20d: {  	v1 =	vshll.u32 v0, $0x4  }
0x20e: {  	s7 =	smov.u32 s25;
	v63 =	vshll.u32 v2, $0x4;
	(v2sf) =	vpush v1, $0x0  }
0x20f: {  	s24 =	sshra.s32 s7, $0x2;
	(v2sf) =	vpush v63, $0x0  }
0x210: {  	p0 =	sne.s32 s25, $0xE000;
	s25 =	sadd.s32 $0x2000, s25;
	s20 =	sadd.s32 $0x8400, s24;
	(v2sf) =	vpush v1, $0x1  }
0x211: {  	s5 =	sadd.s32 $0x400, s24;
	s16 =	sadd.s32 $0x600, s24;
	s8 =	sadd.s32 $0x8900, s24  }
0x212: {  	s17 =	sadd.s32 $0x580, s24;
	s9 =	sadd.s32 $0x8A00, s24;
	s19 =	sadd.s32 $0x500, s24;
	(v2sf) =	vpush v63, $0x1  }
0x213: {  	s23 =	sadd.s32 $0x8600, s24;
	s21 =	sadd.s32 $0x8480, s24;
	s26 =	sadd.s32 $0x8500, s24  }
0x214: {  	s15 =	sadd.s32 $0x8680, s24;
	s14 =	sadd.s32 $0x700, s24;
	[dreg:$0x6] =	wrdreg s8;
	(v2sf) =	vpush v1, $0x2  }
0x215: {  	s11 =	sadd.s32 $0x8A80, s24;
	s13 =	sadd.s32 $0x8700, s24;
	[dreg:$0x1e] =	wrdreg s9  }
0x216: {  	s12 =	sadd.s32 $0x8880, s24;
	s18 =	sadd.s32 $0x900, s24;
	[smem:$0x7EC] =	sst s11;
	(v2sf) =	vpush v63, $0x2  }
0x217: {  	s29 =	sadd.s32 $0x800, s24;
	s7 =	sadd.s32 $0x980, s24;
	[dreg:$0x16] =	wrdreg s12  }
0x218: {  	s22 =	sadd.s32 $0x8580, s24;
	s8 =	sadd.s32 $0xA80, s24;
	[dreg:$0x12] =	wrdreg s18;
	(v2sf) =	vpush v1, $0x3  }
0x219: {  	s10 =	sadd.s32 $0x8980, s24;
	s12 =	sadd.s32 $0x780, s24;
	[smem:$0x7ED] =	sst s29  }
0x21a: {  	s18 =	sadd.s32 $0xA00, s24;
	[dreg:$0xa] =	wrdreg s10;
	s0 =	sadd.s32 $0x880, s24;
	(v2sf) =	vpush v63, $0x3  }
0x21b: {  	s11 =	sadd.s32 $0x8780, s24;
	s28 =	sadd.s32 $0x8800, s24;
	[dreg:$0xe] =	wrdreg s0  }
0x21c: {  	s10 =	sadd.s32 $0x8B00, s24;
	[dreg:$0x1a] =	wrdreg s28;
	s28 =	sadd.s32 $0x480, s24;
	(v2sf) =	vpush v1, $0x4  }
0x21d: {  	s6 =	sadd.s32 $0x680, s24;
	s2 =	sadd.s32 $0xB00, s24;
	s0 =	spop (v2sf)  }
0x21e: {  	s30 =	sadd.s32 $0x10, s30;
	s29 =	sand.u32 $0x1FFFFFF0, s0;
	s9 =	spop (v2sf);
	(v2sf) =	vpush v63, $0x4  }
0x21f: {  	s29 =	sadd.s32 s3, s29;
	s0 =	sand.u32 $0x1FFFFFF0, s9;
	s9 =	spop (v2sf)  }
0x220: {  	(v2sf) =	vpush v1, $0x5;
	[tilespmem:s5], [sflag:$0x1] =	stream.linear.gather [hbm4b:s29+s1], $0x80, $0x38;
	[tilespmem:$0x10400] =	vst v63  }
0x221: {  	s0 =	sadd.s32 s4, s0;
	s9 =	sand.u32 $0x1FFFFFF0, s9;
	s29 =	spop (v2sf)  }
0x222: {  	(v2sf) =	vpush v63, $0x5;
	[tilespmem:s20], [sflag:$0x1] =	stream.linear.gather [hbm4b:s0+s1], $0x80, $0x38;
	[tilespmem:$0x10400] =	vst v63  }
0x223: {  	s5 =	sadd.s32 s3, s9;
	s20 =	sand.u32 $0x1FFFFFF0, s29;
	s29 =	spop (v2sf);
	(v2sf) =	vpush v1, $0x6  }
0x224: {  	[tilespmem:s28], [sflag:$0x1] =	stream.linear.gather [hbm4b:s5+s1], $0x80, $0x38;
	[tilespmem:$0x10400] =	vst v63  }
0x225: {  	s9 =	sand.u32 $0x1FFFFFF0, s29;
	s5 =	sadd.s32 s4, s20;
	s20 =	spop (v2sf);
	(v2sf) =	vpush v63, $0x6  }
0x226: {  	[tilespmem:s21], [sflag:$0x1] =	stream.linear.gather [hbm4b:s5+s1], $0x80, $0x38;
	[tilespmem:$0x10400] =	vst v63  }
0x227: {  	s28 =	sand.u32 $0x1FFFFFF0, s20;
	s29 =	spop (v2sf);
	(v2sf) =	vpush v1, $0x7;
	s21 =	sadd.s32 s3, s9  }
0x228: {  	[tilespmem:s19], [sflag:$0x1] =	stream.linear.gather [hbm4b:s21+s1], $0x80, $0x38;
	[tilespmem:$0x10400] =	vst v63  }
0x229: {  	s20 =	sand.u32 $0x1FFFFFF0, s29;
	s19 =	sadd.s32 s4, s28;
	s21 =	spop (v2sf)  }
0x22a: {  	[tilespmem:s26], [sflag:$0x1] =	stream.linear.gather [hbm4b:s19+s1], $0x80, $0x38;
	[tilespmem:$0x10400] =	vst v63  }
0x22b: {  	(v2sf) =	vpush v63, $0x7;
	s28 =	sand.u32 $0x1FFFFFF0, s21;
	s29 =	spop (v2sf);
	s26 =	sadd.s32 s3, s20  }
0x22c: {  	[tilespmem:s17], [sflag:$0x1] =	stream.linear.gather [hbm4b:s26+s1], $0x80, $0x38;
	[tilespmem:$0x10400] =	vst v63  }
0x22d: {  	(v2sf) =	vpush v1, $0x8;
	s19 =	sadd.s32 s4, s28;
	s20 =	sand.u32 $0x1FFFFFF0, s29;
	s21 =	spop (v2sf)  }
0x22e: {  	[tilespmem:s22], [sflag:$0x1] =	stream.linear.gather [hbm4b:s19+s1], $0x80, $0x38;
	[tilespmem:$0x10400] =	vst v63  }
0x22f: {  	s26 =	sadd.s32 s3, s20;
	s28 =	sand.u32 $0x1FFFFFF0, s21;
	s29 =	spop (v2sf)  }
0x230: {  	(v2sf) =	vpush v63, $0x8;
	[tilespmem:s16], [sflag:$0x1] =	stream.linear.gather [hbm4b:s26+s1], $0x80, $0x38;
	[tilespmem:$0x10400] =	vst v63  }
0x231: {  	s31 =	sadd.s32 $0x10, s31;
	(v2sf) =	vpush v1, $0x9;
	s5 =	sadd.s32 s4, s28;
	s16 =	spop (v2sf)  }
0x232: {  	s9 =	sand.u32 $0x1FFFFFF0, s29;
	s19 =	sand.u32 $0x1FFFFFF0, s16;
	s20 =	spop (v2sf)  }
0x233: {  	[tilespmem:s23], [sflag:$0x1] =	stream.linear.gather [hbm4b:s5+s1], $0x80, $0x38;
	[tilespmem:$0x10400] =	vst v63  }
0x234: {  	s17 =	sadd.s32 s3, s9;
	s21 =	sadd.s32 s4, s19;
	s23 =	spop (v2sf)  }
0x235: {  	(v2sf) =	vpush v63, $0x9;
	[tilespmem:s6], [sflag:$0x1] =	stream.linear.gather [hbm4b:s17+s1], $0x80, $0x38;
	[tilespmem:$0x10400] =	vst v63  }
0x236: {  	s22 =	sand.u32 $0x1FFFFFF0, s20;
	s28 =	sand.u32 $0x1FFFFFF0, s23;
	s29 =	spop (v2sf)  }
0x237: {  	(v2sf) =	vpush v1, $0xA;
	[tilespmem:s15], [sflag:$0x1] =	stream.linear.gather [hbm4b:s21+s1], $0x80, $0x38;
	[tilespmem:$0x10400] =	vst v63  }
0x238: {  	s26 =	sadd.s32 s3, s22;
	s9 =	sadd.s32 s4, s28;
	s15 =	sand.u32 $0x1FFFFFF0, s29  }
0x239: {  	(v2sf) =	vpush v63, $0xA;
	[tilespmem:s14], [sflag:$0x1] =	stream.linear.gather [hbm4b:s26+s1], $0x80, $0x38;
	[tilespmem:$0x10400] =	vst v63  }
0x23a: {  	s16 =	spop (v2sf);
	s17 =	sadd.s32 s3, s15;
	s14 =	smov.u32 s8  }
0x23b: {  	(v2sf) =	vpush v1, $0xB;
	[tilespmem:s13], [sflag:$0x1] =	stream.linear.gather [hbm4b:s9+s1], $0x80, $0x38;
	[tilespmem:$0x10400] =	vst v63  }
0x23c: {  	s19 =	sand.u32 $0x1FFFFFF0, s16;
	s20 =	spop (v2sf);
	s13 =	rddreg [dreg:$0x1e]  }
0x23d: {  	s21 =	sadd.s32 s4, s19;
	s22 =	sand.u32 $0x1FFFFFF0, s20;
	s9 =	sld [smem:$0x7ED]  }
0x23e: {  	[tilespmem:s12], [sflag:$0x1] =	stream.linear.gather [hbm4b:s17+s1], $0x80, $0x38;
	[tilespmem:$0x10400] =	vst v63  }
0x23f: {  	(v2sf) =	vpush v63, $0xB;
	s26 =	sadd.s32 s3, s22;
	s22 =	rddreg [dreg:$0xe];
	s23 =	spop (v2sf)  }
0x240: {  	(v2sf) =	vpush v1, $0xC;
	s17 =	rddreg [dreg:$0x1a];
	s28 =	sand.u32 $0x1FFFFFF0, s23;
	s29 =	spop (v2sf)  }
0x241: {  	[tilespmem:s11], [sflag:$0x1] =	stream.linear.gather [hbm4b:s21+s1], $0x80, $0x38;
	[tilespmem:$0x10400] =	vst v63  }
0x242: {  	(v2sf) =	vpush v63, $0xC;
	s11 =	sld [smem:$0x7EC];
	s12 =	sadd.s32 s4, s28;
	s15 =	sand.u32 $0x1FFFFFF0, s29  }
0x243: {  	[tilespmem:s9], [sflag:$0x1] =	stream.linear.gather [hbm4b:s26+s1], $0x80, $0x38;
	[tilespmem:$0x10400] =	vst v63  }
0x244: {  	s29 =	rddreg [dreg:$0x16];
	s16 =	spop (v2sf);
	s19 =	sadd.s32 s3, s15  }
0x245: {  	[tilespmem:s17], [sflag:$0x1] =	stream.linear.gather [hbm4b:s12+s1], $0x80, $0x38;
	[tilespmem:$0x10400] =	vst v63  }
0x246: {  	s20 =	sand.u32 $0x1FFFFFF0, s16;
	s21 =	spop (v2sf);
	s16 =	rddreg [dreg:$0x12]  }
0x247: {  	[tilespmem:s22], [sflag:$0x1] =	stream.linear.gather [hbm4b:s19+s1], $0x80, $0x38;
	[tilespmem:$0x10400] =	vst v63  }
0x248: {  	s23 =	sadd.s32 s4, s20;
	s26 =	sand.u32 $0x1FFFFFF0, s21;
	s28 =	spop (v2sf)  }
0x249: {  	[tilespmem:s29], [sflag:$0x1] =	stream.linear.gather [hbm4b:s23+s1], $0x80, $0x38;
	[tilespmem:$0x10400] =	vst v63  }
0x24a: {  	s9 =	sadd.s32 s3, s26;
	s12 =	sand.u32 $0x1FFFFFF0, s28;
	s15 =	spop (v2sf)  }
0x24b: {  	[tilespmem:s16], [sflag:$0x1] =	stream.linear.gather [hbm4b:s9+s1], $0x80, $0x38;
	[tilespmem:$0x10400] =	vst v63  }
0x24c: {  	s21 =	rddreg [dreg:$0x6];
	s17 =	sadd.s32 s4, s12;
	s19 =	sand.u32 $0x1FFFFFF0, s15  }
0x24d: {  	(v2sf) =	vpush v1, $0xD;
	[tilespmem:s21], [sflag:$0x1] =	stream.linear.gather [hbm4b:s17+s1], $0x80, $0x38;
	[tilespmem:$0x10400] =	vst v63  }
.Ltmp4:
0x24e: {  	(v2sf) =	vpush v63, $0xD;
	s22 =	sadd.s32 s3, s19;
	s20 =	spop (v2sf);
	(pc) =	sbr.rel @p0 .LBB2_10-.Ltmp4, $4  }
0x24f: {  	(v2sf) =	vpush v1, $0xE;
	s29 =	rddreg [dreg:$0xa];
	s23 =	sand.u32 $0x1FFFFFF0, s20;
	s26 =	spop (v2sf)  }
0x250: {  	(v2sf) =	vpush v63, $0xE;
	[tilespmem:s7], [sflag:$0x1] =	stream.linear.gather [hbm4b:s22+s1], $0x80, $0x38;
	[tilespmem:$0x10400] =	vst v63  }
0x251: {  	(v2sf) =	vpush v1, $0xF;
	s28 =	sadd.s32 s4, s23;
	s6 =	sand.u32 $0x1FFFFFF0, s26;
	s7 =	spop (v2sf)  }
0x252: {  	(v2sf) =	vpush v63, $0xF;
	[tilespmem:s29], [sflag:$0x1] =	stream.linear.gather [hbm4b:s28+s1], $0x80, $0x38;
	[tilespmem:$0x10400] =	vst v63  }
0x253: {  	_ =	sdelay $0x4  }
0x254: {  	s0 =	sadd.s32 s3, s6;
	s5 =	sand.u32 $0x1FFFFFF0, s7  }
0x255: {  	[tilespmem:s18], [sflag:$0x1] =	stream.linear.gather [hbm4b:s0+s1], $0x80, $0x38;
	[tilespmem:$0x10400] =	vst v63  }
0x256: {  	s8 =	sadd.s32 s4, s5  }
0x257: {  	[tilespmem:s13], [sflag:$0x1] =	stream.linear.gather [hbm4b:s8+s1], $0x80, $0x38;
	[tilespmem:$0x10400] =	vst v63  }
0x258: {  	s7 =	spop (v2sf)  }
0x259: {  	s9 =	sand.u32 $0x1FFFFFF0, s7;
	s12 =	spop (v2sf)  }
0x25a: {  	s15 =	sadd.s32 s3, s9;
	s16 =	sand.u32 $0x1FFFFFF0, s12;
	s17 =	spop (v2sf)  }
0x25b: {  	[tilespmem:s14], [sflag:$0x1] =	stream.linear.gather [hbm4b:s15+s1], $0x80, $0x38;
	[tilespmem:$0x10400] =	vst v63  }
0x25c: {  	s18 =	sadd.s32 s4, s16;
	s19 =	sand.u32 $0x1FFFFFF0, s17;
	s20 =	spop (v2sf)  }
0x25d: {  	[tilespmem:s11], [sflag:$0x1] =	stream.linear.gather [hbm4b:s18+s1], $0x80, $0x38;
	[tilespmem:$0x10400] =	vst v63  }
0x25e: {  	s21 =	sadd.s32 s3, s19;
	s22 =	sand.u32 $0x1FFFFFF0, s20;
	s23 =	spop (v2sf)  }
0x25f: {  	[tilespmem:s2], [sflag:$0x1] =	stream.linear.gather [hbm4b:s21+s1], $0x80, $0x38;
	[tilespmem:$0x10400] =	vst v63  }
0x260: {  	s25 =	sadd.s32 s4, s22;
	s26 =	sand.u32 $0x1FFFFFF0, s23;
	s28 =	spop (v2sf)  }
0x261: {  	[tilespmem:s10], [sflag:$0x1] =	stream.linear.gather [hbm4b:s25+s1], $0x80, $0x38;
	[tilespmem:$0x10400] =	vst v63  }
0x262: {  	s29 =	sadd.s32 $0xB80, s24;
	s5 =	sand.u32 $0x1FFFFFF0, s28;
	s2 =	sadd.s32 s3, s26  }
0x263: {  	[tilespmem:s29], [sflag:$0x1] =	stream.linear.gather [hbm4b:s2+s1], $0x80, $0x38;
	[tilespmem:$0x10400] =	vst v63  }
0x264: {  	s30 =	sadd.s32 $0x8B80, s24;
	s31 =	sadd.s32 s4, s5;
	s2 =	simm.s32 $0x1  }
0x265: {  	[tilespmem:s30], [sflag:$0x1] =	stream.linear.gather [hbm4b:s31+s1], $0x80, $0x38;
	[tilespmem:$0x10400] =	vst v63  }
0x266: {  	_ =	swait.ge [sflag:s2], $0x80  }
0x267: {  	[sflag:s2] =	ssyncset.done $0x0  }
0x268: {  	[sflag:s2] =	ssyncadd.s32 $0xFFFFFF80  }
0x269: {  	_ =	swait.ge [sflag:s2], $0x80  }
0x26a: {  	s0 =	simm.s32 $0x7F;
	[sflag:s2] =	ssyncset.done $0x0  }
.LBB2_12:
0x26b: {  	p0 =	sne.s32 s0, $0x1;
	s0 =	sadd.s32 $0xFFFFFFFF, s0;
	[sflag:s2] =	ssyncadd.s32 $0xFFFFFF80  }
.Ltmp5:
0x26c: {  	_ =	swait.ge [sflag:s2], $0x80;
	(pc) =	sbr.rel @p0 .LBB2_12-.Ltmp5, $4  }
0x26d: {  	[sflag:s2] =	ssyncset.done $0x0  }
0x26e: {  	[sflag:s2] =	ssyncadd.s32 $0xFFFFFF80  }
0x26f: {  	_ =	swait.ge [sflag:s2], $0x80  }
0x270: {  	[sflag:s2] =	ssyncset.done $0x0  }
0x271: {  	s22 =	sld [smem:$0x7F9]  }
0x272: {  	[sflag:s2] =	ssyncadd.s32 $0xFFFFFF80  }
0x273: {  	s0 =	simm.s32 $0x0;
	s5 =	simm.s32 $0x400;
	s23 =	sld [smem:$0x7FA]  }
0x274: {  	[hbm4b:s22+s0] =	stream.linear.scatter [tilespmem:s5], [sflag:$0x2], $0x4000, $0x38;
	[tilespmem:$0x10400] =	vst v63  }
0x275: {  	s24 =	simm.s32 $0x8400;
	s25 =	simm.s32 $0x2  }
0x276: {  	[hbm4b:s23+s0] =	stream.linear.scatter [tilespmem:s24], [sflag:$0x2], $0x4000, $0x38;
	[tilespmem:$0x10400] =	vst v63  }
0x277: {  	_ =	swait.ge [sflag:s25], $0x4000  }
0x278: {  	[sflag:s25] =	ssyncset.done $0x0  }
0x279: {  	[sflag:s25] =	ssyncadd.s32 $0xFFFFC000  }
0x27a: {  	_ =	swait.ge [sflag:s25], $0x4000  }
0x27b: {  	[sflag:s25] =	ssyncset.done $0x0  }
0x27c: {  	s26 =	simm.s32 $0x180;
	[sflag:s25] =	ssyncadd.s32 $0xFFFFC000  }
0x27d: {  	s28 =	simm.s32 $0x380;
	v0 =	vld [tilespmem:s26+$0x0]  }
0x27e: {  	v2 =	vld [tilespmem:s28+$0x0];
	_ =	sdelay $0x3  }
0x27f: {  	v1 =	vshll.u32 v0, $0x4  }
0x280: {  	v63 =	vshll.u32 v2, $0x4;
	(v2sf) =	vpush v1, $0x0  }
0x281: {  	(v2sf) =	vpush v63, $0x0  }
0x282: {  	(v2sf) =	vpush v1, $0x1;
	_ =	sdelay $0x1  }
0x283: {  	(v2sf) =	vpush v63, $0x1  }
0x284: {  	(v2sf) =	vpush v1, $0x2;
	_ =	sdelay $0x1  }
0x285: {  	(v2sf) =	vpush v63, $0x2;
	_ =	sdelay $0x1  }
0x286: {  	(v2sf) =	vpush v1, $0x3  }
0x287: {  	s29 =	simm.s32 $0xC400  }
0x288: {  	s6 =	simm.s32 $0x4680;
	s2 =	simm.s32 $0x4880;
	s7 =	simm.s32 $0x4400  }
0x289: {  	s9 =	simm.s32 $0x4600;
	s10 =	simm.s32 $0x4580;
	s13 =	simm.s32 $0x4480  }
0x28a: {  	s16 =	simm.s32 $0xC480;
	s18 =	simm.s32 $0x4500;
	s21 =	simm.s32 $0xC500  }
0x28b: {  	s30 =	simm.s32 $0x390;
	s31 =	simm.s32 $0x190;
	s24 =	simm.s32 $0x0  }
0x28c: {  	s0 =	simm.s32 $0xC900;
	s25 =	simm.s32 $0x2000;
	s8 =	spop (v2sf);
	(v2sf) =	vpush v63, $0x3  }
0x28d: {  	s28 =	simm.s32 $0xC600;
	s8 =	sand.u32 $0x1FFFFFF0, s8;
	s11 =	spop (v2sf)  }
0x28e: {  	(v2sf) =	vpush v1, $0x4;
	s8 =	sadd.s32 s3, s8;
	s11 =	sand.u32 $0x1FFFFFF0, s11;
	s12 =	spop (v2sf)  }
0x28f: {  	(v2sf) =	vpush v63, $0x4;
	[tilespmem:s7], [sflag:$0x1] =	stream.linear.gather [hbm4b:s8+s1], $0x80, $0x38;
	[tilespmem:$0x10400] =	vst v63  }
0x290: {  	s8 =	sadd.s32 s4, s11;
	s11 =	sand.u32 $0x1FFFFFF0, s12;
	s12 =	spop (v2sf)  }
0x291: {  	s7 =	simm.s32 $0xC580;
	(v2sf) =	vpush v1, $0x5;
	s14 =	sadd.s32 s3, s11;
	s17 =	spop (v2sf)  }
0x292: {  	[tilespmem:s29], [sflag:$0x1] =	stream.linear.gather [hbm4b:s8+s1], $0x80, $0x38;
	[tilespmem:$0x10400] =	vst v63  }
0x293: {  	s15 =	sand.u32 $0x1FFFFFF0, s12;
	(v2sf) =	vpush v63, $0x5;
	s12 =	simm.s32 $0x4780;
	s19 =	spop (v2sf)  }
0x294: {  	(v2sf) =	vpush v1, $0x6;
	[tilespmem:s13], [sflag:$0x1] =	stream.linear.gather [hbm4b:s14+s1], $0x80, $0x38;
	[tilespmem:$0x10400] =	vst v63  }
0x295: {  	s11 =	sadd.s32 s4, s15;
	s8 =	sand.u32 $0x1FFFFFF0, s17;
	s20 =	spop (v2sf)  }
0x296: {  	[tilespmem:s16], [sflag:$0x1] =	stream.linear.gather [hbm4b:s11+s1], $0x80, $0x38;
	[tilespmem:$0x10400] =	vst v63  }
0x297: {  	s8 =	sadd.s32 s3, s8;
	s23 =	sand.u32 $0x1FFFFFF0, s20;
	s11 =	sand.u32 $0x1FFFFFF0, s19  }
0x298: {  	(v2sf) =	vpush v63, $0x6;
	[tilespmem:s18], [sflag:$0x1] =	stream.linear.gather [hbm4b:s8+s1], $0x80, $0x38;
	[tilespmem:$0x10400] =	vst v63  }
0x299: {  	s13 =	simm.s32 $0xCA00;
	s14 =	simm.s32 $0x4A80;
	s22 =	sadd.s32 s4, s11  }
0x29a: {  	[tilespmem:s21], [sflag:$0x1] =	stream.linear.gather [hbm4b:s22+s1], $0x80, $0x38;
	[tilespmem:$0x10400] =	vst v63  }
0x29b: {  	s16 =	simm.s32 $0xC680;
	s11 =	sadd.s32 s3, s23;
	s26 =	spop (v2sf)  }
0x29c: {  	(v2sf) =	vpush v1, $0x7;
	[tilespmem:s10], [sflag:$0x1] =	stream.linear.gather [hbm4b:s11+s1], $0x80, $0x38;
	[tilespmem:$0x10400] =	vst v63  }
0x29d: {  	s18 =	simm.s32 $0x4700;
	s8 =	sand.u32 $0x1FFFFFF0, s26;
	s29 =	spop (v2sf)  }
0x29e: {  	s8 =	sadd.s32 s4, s8;
	s11 =	sand.u32 $0x1FFFFFF0, s29;
	s5 =	spop (v2sf)  }
0x29f: {  	(v2sf) =	vpush v63, $0x7;
	[tilespmem:s7], [sflag:$0x1] =	stream.linear.gather [hbm4b:s8+s1], $0x80, $0x38;
	[tilespmem:$0x10400] =	vst v63  }
0x2a0: {  	(v2sf) =	vpush v1, $0x8;
	s11 =	sadd.s32 s3, s11;
	s15 =	sand.u32 $0x1FFFFFF0, s5;
	s17 =	spop (v2sf)  }
0x2a1: {  	[tilespmem:s9], [sflag:$0x1] =	stream.linear.gather [hbm4b:s11+s1], $0x80, $0x38;
	[tilespmem:$0x10400] =	vst v63  }
0x2a2: {  	(v2sf) =	vpush v63, $0x8;
	s8 =	sadd.s32 s4, s15;
	s19 =	spop (v2sf);
	s9 =	sand.u32 $0x1FFFFFF0, s17  }
0x2a3: {  	s10 =	sand.u32 $0x1FFFFFF0, s19;
	s20 =	spop (v2sf);
	s11 =	simm.s32 $0xCA80  }
0x2a4: {  	(v2sf) =	vpush v1, $0x9;
	[tilespmem:s28], [sflag:$0x1] =	stream.linear.gather [hbm4b:s8+s1], $0x80, $0x38;
	[tilespmem:$0x10400] =	vst v63  }
0x2a5: {  	s17 =	simm.s32 $0xC780;
	s19 =	simm.s32 $0x4800;
	s9 =	sadd.s32 s3, s9  }
0x2a6: {  	(v2sf) =	vpush v63, $0x9;
	[tilespmem:s6], [sflag:$0x1] =	stream.linear.gather [hbm4b:s9+s1], $0x80, $0x38;
	[tilespmem:$0x10400] =	vst v63  }
0x2a7: {  	s21 =	sadd.s32 s4, s10;
	s22 =	sand.u32 $0x1FFFFFF0, s20;
	s23 =	spop (v2sf)  }
0x2a8: {  	(v2sf) =	vpush v1, $0xA;
	[tilespmem:s16], [sflag:$0x1] =	stream.linear.gather [hbm4b:s21+s1], $0x80, $0x38;
	[tilespmem:$0x10400] =	vst v63  }
0x2a9: {  	s10 =	simm.s32 $0xCB00;
	s26 =	sadd.s32 s3, s22;
	s7 =	sand.u32 $0x1FFFFFF0, s23  }
0x2aa: {  	(v2sf) =	vpush v63, $0xA;
	[tilespmem:s18], [sflag:$0x1] =	stream.linear.gather [hbm4b:s26+s1], $0x80, $0x38;
	[tilespmem:$0x10400] =	vst v63  }
0x2ab: {  	s28 =	simm.s32 $0xC700;
	s7 =	sadd.s32 s4, s7;
	s29 =	spop (v2sf)  }
0x2ac: {  	(v2sf) =	vpush v1, $0xB;
	[tilespmem:s28], [sflag:$0x1] =	stream.linear.gather [hbm4b:s7+s1], $0x80, $0x38;
	[tilespmem:$0x10400] =	vst v63  }
0x2ad: {  	s22 =	simm.s32 $0xC800;
	s6 =	simm.s32 $0xC980;
	s9 =	sand.u32 $0x1FFFFFF0, s29  }
0x2ae: {  	s28 =	simm.s32 $0xC880;
	s5 =	spop (v2sf);
	(v2sf) =	vpush v63, $0xB;
	s15 =	sadd.s32 s3, s9  }
0x2af: {  	s16 =	sand.u32 $0x1FFFFFF0, s5;
	s18 =	spop (v2sf);
	s5 =	simm.s32 $0x4900  }
0x2b0: {  	[tilespmem:s12], [sflag:$0x1] =	stream.linear.gather [hbm4b:s15+s1], $0x80, $0x38;
	[tilespmem:$0x10400] =	vst v63  }
0x2b1: {  	s9 =	sadd.s32 s4, s16;
	s8 =	sand.u32 $0x1FFFFFF0, s18;
	s20 =	spop (v2sf)  }
0x2b2: {  	(v2sf) =	vpush v1, $0xC;
	[tilespmem:s17], [sflag:$0x1] =	stream.linear.gather [hbm4b:s9+s1], $0x80, $0x38;
	[tilespmem:$0x10400] =	vst v63  }
0x2b3: {  	s8 =	sadd.s32 s3, s8;
	s21 =	spop (v2sf);
	s9 =	sand.u32 $0x1FFFFFF0, s20  }
0x2b4: {  	(v2sf) =	vpush v63, $0xC;
	[tilespmem:s19], [sflag:$0x1] =	stream.linear.gather [hbm4b:s8+s1], $0x80, $0x38;
	[tilespmem:$0x10400] =	vst v63  }
0x2b5: {  	s26 =	sand.u32 $0x1FFFFFF0, s21;
	s29 =	spop (v2sf);
	s23 =	sadd.s32 s4, s9  }
0x2b6: {  	[tilespmem:s22], [sflag:$0x1] =	stream.linear.gather [hbm4b:s23+s1], $0x80, $0x38;
	[tilespmem:$0x10400] =	vst v63  }
0x2b7: {  	s9 =	sadd.s32 s3, s26;
	s12 =	spop (v2sf);
	s8 =	sand.u32 $0x1FFFFFF0, s29  }
0x2b8: {  	[tilespmem:s2], [sflag:$0x1] =	stream.linear.gather [hbm4b:s9+s1], $0x80, $0x38;
	[tilespmem:$0x10400] =	vst v63  }
0x2b9: {  	s15 =	spop (v2sf);
	s8 =	sadd.s32 s4, s8;
	s9 =	sand.u32 $0x1FFFFFF0, s12  }
0x2ba: {  	[tilespmem:s28], [sflag:$0x1] =	stream.linear.gather [hbm4b:s8+s1], $0x80, $0x38;
	[tilespmem:$0x10400] =	vst v63  }
0x2bb: {  	s17 =	sand.u32 $0x1FFFFFF0, s15;
	s16 =	sadd.s32 s3, s9;
	s18 =	spop (v2sf)  }
0x2bc: {  	[tilespmem:s5], [sflag:$0x1] =	stream.linear.gather [hbm4b:s16+s1], $0x80, $0x38;
	[tilespmem:$0x10400] =	vst v63  }
0x2bd: {  	s19 =	sadd.s32 s4, s17;
	s20 =	sand.u32 $0x1FFFFFF0, s18;
	s21 =	spop (v2sf)  }
0x2be: {  	(v2sf) =	vpush v1, $0xD;
	[tilespmem:s0], [sflag:$0x1] =	stream.linear.gather [hbm4b:s19+s1], $0x80, $0x38;
	[tilespmem:$0x10400] =	vst v63  }
0x2bf: {  	s22 =	simm.s32 $0x4980;
	(v2sf) =	vpush v63, $0xD;
	s23 =	sadd.s32 s3, s20;
	s26 =	sand.u32 $0x1FFFFFF0, s21  }
0x2c0: {  	(v2sf) =	vpush v1, $0xE;
	[tilespmem:s22], [sflag:$0x1] =	stream.linear.gather [hbm4b:s23+s1], $0x80, $0x38;
	[tilespmem:$0x10400] =	vst v63  }
0x2c1: {  	s2 =	simm.s32 $0x4B00;
	s28 =	sadd.s32 s4, s26;
	(v2sf) =	vpush v63, $0xE;
	s29 =	spop (v2sf)  }
0x2c2: {  	(v2sf) =	vpush v1, $0xF;
	[tilespmem:s6], [sflag:$0x1] =	stream.linear.gather [hbm4b:s28+s1], $0x80, $0x38;
	[tilespmem:$0x10400] =	vst v63  }
0x2c3: {  	s18 =	simm.s32 $0x4A00;
	s7 =	spop (v2sf);
	(v2sf) =	vpush v63, $0xF;
	s6 =	sand.u32 $0x1FFFFFF0, s29  }
.LBB2_14:
0x2c4: {  	_ =	sdelay $0x4  }
0x2c5: {  	s6 =	sadd.s32 s3, s6;
	s7 =	sand.u32 $0x1FFFFFF0, s7  }
0x2c6: {  	[tilespmem:s18], [sflag:$0x1] =	stream.linear.gather [hbm4b:s6+s1], $0x80, $0x38;
	[tilespmem:$0x10400] =	vst v63  }
0x2c7: {  	s7 =	sadd.s32 s4, s7  }
0x2c8: {  	[tilespmem:s13], [sflag:$0x1] =	stream.linear.gather [hbm4b:s7+s1], $0x80, $0x38;
	[tilespmem:$0x10400] =	vst v63  }
0x2c9: {  	s8 =	spop (v2sf)  }
0x2ca: {  	s9 =	sand.u32 $0x1FFFFFF0, s8;
	s12 =	spop (v2sf)  }
0x2cb: {  	s5 =	sadd.s32 s3, s9;
	s13 =	sand.u32 $0x1FFFFFF0, s12;
	s15 =	spop (v2sf)  }
0x2cc: {  	[tilespmem:s14], [sflag:$0x1] =	stream.linear.gather [hbm4b:s5+s1], $0x80, $0x38;
	[tilespmem:$0x10400] =	vst v63  }
0x2cd: {  	s16 =	sadd.s32 s4, s13;
	s17 =	sand.u32 $0x1FFFFFF0, s15;
	s18 =	spop (v2sf)  }
0x2ce: {  	[tilespmem:s11], [sflag:$0x1] =	stream.linear.gather [hbm4b:s16+s1], $0x80, $0x38;
	[tilespmem:$0x10400] =	vst v63  }
0x2cf: {  	s19 =	sadd.s32 s3, s17;
	s20 =	sand.u32 $0x1FFFFFF0, s18;
	s21 =	spop (v2sf)  }
0x2d0: {  	[tilespmem:s2], [sflag:$0x1] =	stream.linear.gather [hbm4b:s19+s1], $0x80, $0x38;
	[tilespmem:$0x10400] =	vst v63  }
0x2d1: {  	s22 =	sadd.s32 s4, s20;
	s23 =	sand.u32 $0x1FFFFFF0, s21;
	s26 =	spop (v2sf)  }
0x2d2: {  	[tilespmem:s10], [sflag:$0x1] =	stream.linear.gather [hbm4b:s22+s1], $0x80, $0x38;
	[tilespmem:$0x10400] =	vst v63  }
0x2d3: {  	s0 =	sadd.s32 $0x4B80, s24;
	s28 =	sadd.s32 s3, s23;
	s29 =	sand.u32 $0x1FFFFFF0, s26  }
0x2d4: {  	[tilespmem:s0], [sflag:$0x1] =	stream.linear.gather [hbm4b:s28+s1], $0x80, $0x38;
	[tilespmem:$0x10400] =	vst v63  }
0x2d5: {  	s2 =	sadd.s32 $0xCB80, s24;
	s6 =	sadd.s32 s4, s29  }
0x2d6: {  	[tilespmem:s2], [sflag:$0x1] =	stream.linear.gather [hbm4b:s6+s1], $0x80, $0x38;
	[tilespmem:$0x10400] =	vst v63  }
0x2d7: {  	v0 =	vld [tilespmem:s31+$0x0]  }
0x2d8: {  	v2 =	vld [tilespmem:s30+$0x0];
	_ =	sdelay $0x3  }
0x2d9: {  	v1 =	vshll.u32 v0, $0x4  }
0x2da: {  	s7 =	smov.u32 s25;
	v63 =	vshll.u32 v2, $0x4;
	(v2sf) =	vpush v1, $0x0  }
0x2db: {  	s24 =	sshra.s32 s7, $0x2;
	(v2sf) =	vpush v63, $0x0  }
0x2dc: {  	p0 =	sne.s32 s25, $0xE000;
	s25 =	sadd.s32 $0x2000, s25;
	s20 =	sadd.s32 $0xC400, s24;
	(v2sf) =	vpush v1, $0x1  }
0x2dd: {  	s5 =	sadd.s32 $0x4400, s24;
	s16 =	sadd.s32 $0x4600, s24;
	s8 =	sadd.s32 $0xC900, s24  }
0x2de: {  	s17 =	sadd.s32 $0x4580, s24;
	s9 =	sadd.s32 $0xCA00, s24;
	s19 =	sadd.s32 $0x4500, s24;
	(v2sf) =	vpush v63, $0x1  }
0x2df: {  	s23 =	sadd.s32 $0xC600, s24;
	s21 =	sadd.s32 $0xC480, s24;
	s26 =	sadd.s32 $0xC500, s24  }
0x2e0: {  	s15 =	sadd.s32 $0xC680, s24;
	s14 =	sadd.s32 $0x4700, s24;
	[dreg:$0x7] =	wrdreg s8;
	(v2sf) =	vpush v1, $0x2  }
0x2e1: {  	s11 =	sadd.s32 $0xCA80, s24;
	s13 =	sadd.s32 $0xC700, s24;
	[dreg:$0x1f] =	wrdreg s9  }
0x2e2: {  	s12 =	sadd.s32 $0xC880, s24;
	s18 =	sadd.s32 $0x4900, s24;
	[smem:$0x7EA] =	sst s11;
	(v2sf) =	vpush v63, $0x2  }
0x2e3: {  	s29 =	sadd.s32 $0x4800, s24;
	s7 =	sadd.s32 $0x4980, s24;
	[dreg:$0x17] =	wrdreg s12  }
0x2e4: {  	s22 =	sadd.s32 $0xC580, s24;
	s8 =	sadd.s32 $0x4A80, s24;
	[dreg:$0x13] =	wrdreg s18;
	(v2sf) =	vpush v1, $0x3  }
0x2e5: {  	s10 =	sadd.s32 $0xC980, s24;
	s12 =	sadd.s32 $0x4780, s24;
	[smem:$0x7EB] =	sst s29  }
0x2e6: {  	s18 =	sadd.s32 $0x4A00, s24;
	[dreg:$0xb] =	wrdreg s10;
	s0 =	sadd.s32 $0x4880, s24;
	(v2sf) =	vpush v63, $0x3  }
0x2e7: {  	s11 =	sadd.s32 $0xC780, s24;
	s28 =	sadd.s32 $0xC800, s24;
	[dreg:$0xf] =	wrdreg s0  }
0x2e8: {  	s10 =	sadd.s32 $0xCB00, s24;
	[dreg:$0x1b] =	wrdreg s28;
	s28 =	sadd.s32 $0x4480, s24;
	(v2sf) =	vpush v1, $0x4  }
0x2e9: {  	s6 =	sadd.s32 $0x4680, s24;
	s2 =	sadd.s32 $0x4B00, s24;
	s0 =	spop (v2sf)  }
0x2ea: {  	s30 =	sadd.s32 $0x10, s30;
	s29 =	sand.u32 $0x1FFFFFF0, s0;
	s9 =	spop (v2sf);
	(v2sf) =	vpush v63, $0x4  }
0x2eb: {  	s29 =	sadd.s32 s3, s29;
	s0 =	sand.u32 $0x1FFFFFF0, s9;
	s9 =	spop (v2sf)  }
0x2ec: {  	(v2sf) =	vpush v1, $0x5;
	[tilespmem:s5], [sflag:$0x1] =	stream.linear.gather [hbm4b:s29+s1], $0x80, $0x38;
	[tilespmem:$0x10400] =	vst v63  }
0x2ed: {  	s0 =	sadd.s32 s4, s0;
	s9 =	sand.u32 $0x1FFFFFF0, s9;
	s29 =	spop (v2sf)  }
0x2ee: {  	(v2sf) =	vpush v63, $0x5;
	[tilespmem:s20], [sflag:$0x1] =	stream.linear.gather [hbm4b:s0+s1], $0x80, $0x38;
	[tilespmem:$0x10400] =	vst v63  }
0x2ef: {  	s5 =	sadd.s32 s3, s9;
	s20 =	sand.u32 $0x1FFFFFF0, s29;
	s29 =	spop (v2sf);
	(v2sf) =	vpush v1, $0x6  }
0x2f0: {  	[tilespmem:s28], [sflag:$0x1] =	stream.linear.gather [hbm4b:s5+s1], $0x80, $0x38;
	[tilespmem:$0x10400] =	vst v63  }
0x2f1: {  	s9 =	sand.u32 $0x1FFFFFF0, s29;
	s5 =	sadd.s32 s4, s20;
	s20 =	spop (v2sf);
	(v2sf) =	vpush v63, $0x6  }
0x2f2: {  	[tilespmem:s21], [sflag:$0x1] =	stream.linear.gather [hbm4b:s5+s1], $0x80, $0x38;
	[tilespmem:$0x10400] =	vst v63  }
0x2f3: {  	s28 =	sand.u32 $0x1FFFFFF0, s20;
	s29 =	spop (v2sf);
	(v2sf) =	vpush v1, $0x7;
	s21 =	sadd.s32 s3, s9  }
0x2f4: {  	[tilespmem:s19], [sflag:$0x1] =	stream.linear.gather [hbm4b:s21+s1], $0x80, $0x38;
	[tilespmem:$0x10400] =	vst v63  }
0x2f5: {  	s20 =	sand.u32 $0x1FFFFFF0, s29;
	s19 =	sadd.s32 s4, s28;
	s21 =	spop (v2sf)  }
0x2f6: {  	[tilespmem:s26], [sflag:$0x1] =	stream.linear.gather [hbm4b:s19+s1], $0x80, $0x38;
	[tilespmem:$0x10400] =	vst v63  }
0x2f7: {  	(v2sf) =	vpush v63, $0x7;
	s28 =	sand.u32 $0x1FFFFFF0, s21;
	s29 =	spop (v2sf);
	s26 =	sadd.s32 s3, s20  }
0x2f8: {  	[tilespmem:s17], [sflag:$0x1] =	stream.linear.gather [hbm4b:s26+s1], $0x80, $0x38;
	[tilespmem:$0x10400] =	vst v63  }
0x2f9: {  	(v2sf) =	vpush v1, $0x8;
	s19 =	sadd.s32 s4, s28;
	s20 =	sand.u32 $0x1FFFFFF0, s29;
	s21 =	spop (v2sf)  }
0x2fa: {  	[tilespmem:s22], [sflag:$0x1] =	stream.linear.gather [hbm4b:s19+s1], $0x80, $0x38;
	[tilespmem:$0x10400] =	vst v63  }
0x2fb: {  	s26 =	sadd.s32 s3, s20;
	s28 =	sand.u32 $0x1FFFFFF0, s21;
	s29 =	spop (v2sf)  }
0x2fc: {  	(v2sf) =	vpush v63, $0x8;
	[tilespmem:s16], [sflag:$0x1] =	stream.linear.gather [hbm4b:s26+s1], $0x80, $0x38;
	[tilespmem:$0x10400] =	vst v63  }
0x2fd: {  	s31 =	sadd.s32 $0x10, s31;
	(v2sf) =	vpush v1, $0x9;
	s5 =	sadd.s32 s4, s28;
	s16 =	spop (v2sf)  }
0x2fe: {  	s9 =	sand.u32 $0x1FFFFFF0, s29;
	s19 =	sand.u32 $0x1FFFFFF0, s16;
	s20 =	spop (v2sf)  }
0x2ff: {  	[tilespmem:s23], [sflag:$0x1] =	stream.linear.gather [hbm4b:s5+s1], $0x80, $0x38;
	[tilespmem:$0x10400] =	vst v63  }
0x300: {  	s17 =	sadd.s32 s3, s9;
	s21 =	sadd.s32 s4, s19;
	s23 =	spop (v2sf)  }
0x301: {  	(v2sf) =	vpush v63, $0x9;
	[tilespmem:s6], [sflag:$0x1] =	stream.linear.gather [hbm4b:s17+s1], $0x80, $0x38;
	[tilespmem:$0x10400] =	vst v63  }
0x302: {  	s22 =	sand.u32 $0x1FFFFFF0, s20;
	s28 =	sand.u32 $0x1FFFFFF0, s23;
	s29 =	spop (v2sf)  }
0x303: {  	(v2sf) =	vpush v1, $0xA;
	[tilespmem:s15], [sflag:$0x1] =	stream.linear.gather [hbm4b:s21+s1], $0x80, $0x38;
	[tilespmem:$0x10400] =	vst v63  }
0x304: {  	s26 =	sadd.s32 s3, s22;
	s9 =	sadd.s32 s4, s28;
	s15 =	sand.u32 $0x1FFFFFF0, s29  }
0x305: {  	(v2sf) =	vpush v63, $0xA;
	[tilespmem:s14], [sflag:$0x1] =	stream.linear.gather [hbm4b:s26+s1], $0x80, $0x38;
	[tilespmem:$0x10400] =	vst v63  }
0x306: {  	s16 =	spop (v2sf);
	s17 =	sadd.s32 s3, s15;
	s14 =	smov.u32 s8  }
0x307: {  	(v2sf) =	vpush v1, $0xB;
	[tilespmem:s13], [sflag:$0x1] =	stream.linear.gather [hbm4b:s9+s1], $0x80, $0x38;
	[tilespmem:$0x10400] =	vst v63  }
0x308: {  	s19 =	sand.u32 $0x1FFFFFF0, s16;
	s20 =	spop (v2sf);
	s13 =	rddreg [dreg:$0x1f]  }
0x309: {  	s21 =	sadd.s32 s4, s19;
	s22 =	sand.u32 $0x1FFFFFF0, s20;
	s9 =	sld [smem:$0x7EB]  }
0x30a: {  	[tilespmem:s12], [sflag:$0x1] =	stream.linear.gather [hbm4b:s17+s1], $0x80, $0x38;
	[tilespmem:$0x10400] =	vst v63  }
0x30b: {  	(v2sf) =	vpush v63, $0xB;
	s26 =	sadd.s32 s3, s22;
	s22 =	rddreg [dreg:$0xf];
	s23 =	spop (v2sf)  }
0x30c: {  	(v2sf) =	vpush v1, $0xC;
	s17 =	rddreg [dreg:$0x1b];
	s28 =	sand.u32 $0x1FFFFFF0, s23;
	s29 =	spop (v2sf)  }
0x30d: {  	[tilespmem:s11], [sflag:$0x1] =	stream.linear.gather [hbm4b:s21+s1], $0x80, $0x38;
	[tilespmem:$0x10400] =	vst v63  }
0x30e: {  	(v2sf) =	vpush v63, $0xC;
	s11 =	sld [smem:$0x7EA];
	s12 =	sadd.s32 s4, s28;
	s15 =	sand.u32 $0x1FFFFFF0, s29  }
0x30f: {  	[tilespmem:s9], [sflag:$0x1] =	stream.linear.gather [hbm4b:s26+s1], $0x80, $0x38;
	[tilespmem:$0x10400] =	vst v63  }
0x310: {  	s29 =	rddreg [dreg:$0x17];
	s16 =	spop (v2sf);
	s19 =	sadd.s32 s3, s15  }
0x311: {  	[tilespmem:s17], [sflag:$0x1] =	stream.linear.gather [hbm4b:s12+s1], $0x80, $0x38;
	[tilespmem:$0x10400] =	vst v63  }
0x312: {  	s20 =	sand.u32 $0x1FFFFFF0, s16;
	s21 =	spop (v2sf);
	s16 =	rddreg [dreg:$0x13]  }
0x313: {  	[tilespmem:s22], [sflag:$0x1] =	stream.linear.gather [hbm4b:s19+s1], $0x80, $0x38;
	[tilespmem:$0x10400] =	vst v63  }
0x314: {  	s23 =	sadd.s32 s4, s20;
	s26 =	sand.u32 $0x1FFFFFF0, s21;
	s28 =	spop (v2sf)  }
0x315: {  	[tilespmem:s29], [sflag:$0x1] =	stream.linear.gather [hbm4b:s23+s1], $0x80, $0x38;
	[tilespmem:$0x10400] =	vst v63  }
0x316: {  	s9 =	sadd.s32 s3, s26;
	s12 =	sand.u32 $0x1FFFFFF0, s28;
	s15 =	spop (v2sf)  }
0x317: {  	[tilespmem:s16], [sflag:$0x1] =	stream.linear.gather [hbm4b:s9+s1], $0x80, $0x38;
	[tilespmem:$0x10400] =	vst v63  }
0x318: {  	s21 =	rddreg [dreg:$0x7];
	s17 =	sadd.s32 s4, s12;
	s19 =	sand.u32 $0x1FFFFFF0, s15  }
0x319: {  	(v2sf) =	vpush v1, $0xD;
	[tilespmem:s21], [sflag:$0x1] =	stream.linear.gather [hbm4b:s17+s1], $0x80, $0x38;
	[tilespmem:$0x10400] =	vst v63  }
.Ltmp6:
0x31a: {  	(v2sf) =	vpush v63, $0xD;
	s22 =	sadd.s32 s3, s19;
	s20 =	spop (v2sf);
	(pc) =	sbr.rel @p0 .LBB2_14-.Ltmp6, $4  }
0x31b: {  	(v2sf) =	vpush v1, $0xE;
	s29 =	rddreg [dreg:$0xb];
	s23 =	sand.u32 $0x1FFFFFF0, s20;
	s26 =	spop (v2sf)  }
0x31c: {  	(v2sf) =	vpush v63, $0xE;
	[tilespmem:s7], [sflag:$0x1] =	stream.linear.gather [hbm4b:s22+s1], $0x80, $0x38;
	[tilespmem:$0x10400] =	vst v63  }
0x31d: {  	(v2sf) =	vpush v1, $0xF;
	s28 =	sadd.s32 s4, s23;
	s6 =	sand.u32 $0x1FFFFFF0, s26;
	s7 =	spop (v2sf)  }
0x31e: {  	(v2sf) =	vpush v63, $0xF;
	[tilespmem:s29], [sflag:$0x1] =	stream.linear.gather [hbm4b:s28+s1], $0x80, $0x38;
	[tilespmem:$0x10400] =	vst v63  }
0x31f: {  	_ =	sdelay $0x4  }
0x320: {  	s0 =	sadd.s32 s3, s6;
	s5 =	sand.u32 $0x1FFFFFF0, s7  }
0x321: {  	[tilespmem:s18], [sflag:$0x1] =	stream.linear.gather [hbm4b:s0+s1], $0x80, $0x38;
	[tilespmem:$0x10400] =	vst v63  }
0x322: {  	s8 =	sadd.s32 s4, s5  }
0x323: {  	[tilespmem:s13], [sflag:$0x1] =	stream.linear.gather [hbm4b:s8+s1], $0x80, $0x38;
	[tilespmem:$0x10400] =	vst v63  }
0x324: {  	s7 =	spop (v2sf)  }
0x325: {  	s9 =	sand.u32 $0x1FFFFFF0, s7;
	s12 =	spop (v2sf)  }
0x326: {  	s15 =	sadd.s32 s3, s9;
	s16 =	sand.u32 $0x1FFFFFF0, s12;
	s17 =	spop (v2sf)  }
0x327: {  	[tilespmem:s14], [sflag:$0x1] =	stream.linear.gather [hbm4b:s15+s1], $0x80, $0x38;
	[tilespmem:$0x10400] =	vst v63  }
0x328: {  	s18 =	sadd.s32 s4, s16;
	s19 =	sand.u32 $0x1FFFFFF0, s17;
	s20 =	spop (v2sf)  }
0x329: {  	[tilespmem:s11], [sflag:$0x1] =	stream.linear.gather [hbm4b:s18+s1], $0x80, $0x38;
	[tilespmem:$0x10400] =	vst v63  }
0x32a: {  	s21 =	sadd.s32 s3, s19;
	s22 =	sand.u32 $0x1FFFFFF0, s20;
	s23 =	spop (v2sf)  }
0x32b: {  	[tilespmem:s2], [sflag:$0x1] =	stream.linear.gather [hbm4b:s21+s1], $0x80, $0x38;
	[tilespmem:$0x10400] =	vst v63  }
0x32c: {  	s25 =	sadd.s32 s4, s22;
	s26 =	sand.u32 $0x1FFFFFF0, s23;
	s28 =	spop (v2sf)  }
0x32d: {  	[tilespmem:s10], [sflag:$0x1] =	stream.linear.gather [hbm4b:s25+s1], $0x80, $0x38;
	[tilespmem:$0x10400] =	vst v63  }
0x32e: {  	s29 =	sadd.s32 $0x4B80, s24;
	s5 =	sand.u32 $0x1FFFFFF0, s28;
	s2 =	sadd.s32 s3, s26  }
0x32f: {  	[tilespmem:s29], [sflag:$0x1] =	stream.linear.gather [hbm4b:s2+s1], $0x80, $0x38;
	[tilespmem:$0x10400] =	vst v63  }
0x330: {  	s30 =	sadd.s32 $0xCB80, s24;
	s31 =	sadd.s32 s4, s5;
	s2 =	simm.s32 $0x1  }
0x331: {  	[tilespmem:s30], [sflag:$0x1] =	stream.linear.gather [hbm4b:s31+s1], $0x80, $0x38;
	[tilespmem:$0x10400] =	vst v63  }
0x332: {  	_ =	swait.ge [sflag:s2], $0x80  }
0x333: {  	[sflag:s2] =	ssyncset.done $0x0  }
0x334: {  	[sflag:s2] =	ssyncadd.s32 $0xFFFFFF80  }
0x335: {  	_ =	swait.ge [sflag:s2], $0x80  }
0x336: {  	s0 =	simm.s32 $0x7F;
	[sflag:s2] =	ssyncset.done $0x0  }
.LBB2_16:
0x337: {  	p0 =	sne.s32 s0, $0x1;
	s0 =	sadd.s32 $0xFFFFFFFF, s0;
	[sflag:s2] =	ssyncadd.s32 $0xFFFFFF80  }
.Ltmp7:
0x338: {  	_ =	swait.ge [sflag:s2], $0x80;
	(pc) =	sbr.rel @p0 .LBB2_16-.Ltmp7, $4  }
0x339: {  	[sflag:s2] =	ssyncset.done $0x0  }
0x33a: {  	[sflag:s2] =	ssyncadd.s32 $0xFFFFFF80  }
0x33b: {  	_ =	swait.ge [sflag:s2], $0x80  }
0x33c: {  	[sflag:s2] =	ssyncset.done $0x0  }
0x33d: {  	s0 =	sld [smem:$0x7FB];
	_ =	sdelay $0x1  }
0x33e: {  	[sflag:s2] =	ssyncadd.s32 $0xFFFFFF80;
	s26 =	simm.s32 $0x4400;
	s28 =	sld [smem:$0x7FC]  }
0x33f: {  	[hbm4b:s0+s1] =	stream.linear.scatter [tilespmem:s26], [sflag:$0x2], $0x4000, $0x38;
	[tilespmem:$0x10400] =	vst v63  }
0x340: {  	s29 =	simm.s32 $0xC400;
	s30 =	simm.s32 $0x2  }
0x341: {  	[hbm4b:s28+s1] =	stream.linear.scatter [tilespmem:s29], [sflag:$0x2], $0x4000, $0x38;
	[tilespmem:$0x10400] =	vst v63  }
0x342: {  	_ =	swait.ge [sflag:s30], $0x4000  }
0x343: {  	[sflag:s30] =	ssyncset.done $0x0  }
0x344: {  	[sflag:s30] =	ssyncadd.s32 $0xFFFFC000  }
0x345: {  	_ =	swait.ge [sflag:s30], $0x4000  }
0x346: {  	[sflag:s30] =	ssyncset.done $0x0  }
0x347: {  	[sflag:s30] =	ssyncadd.s32 $0xFFFFC000  }
0x348: {  	_ =	swait.ge [sflag:s30], $0x4000  }
0x349: {  	[sflag:s30] =	ssyncset.done $0x0  }
0x34a: {  	[sflag:s30] =	ssyncadd.s32 $0xFFFFC000  }
0x34b: {  	_ =	swait.ge [sflag:s30], $0x4000  }
0x34c: {  	s5 =	sld [smem:$0x7F2]  }
0x34d: {  	s31 =	sld [smem:$0x7FD];
	_ =	sdelay $0x1  }
0x34e: {  	s5 =	sadd.s32 $0x1, s5  }
0x34f: {  	p0 =	sne.s32 s5, s31  }
.Ltmp8:
0x350: {  	_ = 	snop;
	(pc) =	sbr.rel @p0 .LBB2_1-.Ltmp8, $3  }
0x351: {  	_ =	sdelay $0x1  }
0x352: {  	[sflag:s30] =	ssyncset.done $0x0  }
0x353: {  	[sflag:s30] =	ssyncadd.s32 $0xFFFFC000  }
0x354: {  	_ =	sfence.sel $0x180000  }
0x355: {  	[bflag:$0x0] =	sbarrier.arrive $0xFFFF  }
0x356: {  	_ =	strace $0x90000047  }
0x357: {  	s0 =	stileid.u32;
	[bflag:$0x2] =	sbarrier.arrive $0xFFFF  }
0x358: {  	p0 =	sne.s32 s0, $0x0;
	s0 =	rddreg [dreg:$0x3]  }
0x359: {  	s0 =	sadd.s32 @!p0 $0x100000, s0  }
0x35a: {  	[sflag:s0] =	ssyncadd.tile.s32 @!p0 $0x1;
	_ =	shalt  }
.Lfunc_end2:
_tile_overlayer_lowered:
.L_overlay_start_2:
0x35b: {  	(tag) =	ssettag $0x2  }
0x35c: {  	s0 =	rddreg [dreg:$0x0];
	s2 =	stileid.u32  }
0x35d: {  	s1 =	rddreg [dreg:$0x1];
	p0 =	sne.s32 s2, $0x0  }
0x35e: {  	s3 =	rddreg [dreg:$0x2];
	[bflag:$0x3] =	sbarrier.arrive $0xFFFF;
	s2 =	simm.s32 @!p0 $0x1C03  }
0x35f: {  	[timem:s3], [sflag:s2] =	dma.local @!p0 [hbm:s0], s1  }
0x360: {  	s0 =	simm.s32 @!p0 $0x3  }
0x361: {  	_ =	swait.ge @!p0 [sflag:s0], s1  }
0x362: {  	s1 =	ssub.s32 @!p0 $0x0, s1;
	[sflag:s0] =	ssyncset.done @!p0 $0x0  }
0x363: {  	[sflag:s0] =	ssyncadd.s32 @!p0 s1  }
0x364: {  	[bflag:$0x3] =	sbarrier.arrive $0xFFFF  }
0x365: {  	_ =	shalt  }

</sc_bundles>
